<compile_context>
chip_gen: v7x
topology: tpu7x:2x2x1
jax: 0.10.2.dev20260603
libtpu: 0.0.44.dev20260713+nightly
codegen_flags: <defaults>
</compile_context>

<pallas_src>
import functools

import jax
import jax.numpy as jnp
from jax.experimental import pallas as pl
from jax.experimental.pallas import tpu as pltpu
from jax.experimental.pallas import tpu_sc as plsc

N = 10000
E = 320000
DIM = 128
HDIM = 64
LANES = 16

NC = 2
NS = 16
EPW = E // NS
C = 80
KCH = EPW // C
NBUF = 4
ZR = 80
NZCH = N // ZR

_mesh = plsc.VectorSubcoreMesh(
    core_axis_name="c", subcore_axis_name="s", num_cores=NC, num_subcores=NS
)


def _make_spmm(interleaved):

    @functools.partial(
        pl.kernel,
        out_type=jax.ShapeDtypeStruct((N, DIM), jnp.float32),
        mesh=_mesh,
        scratch_types=[
            pltpu.VMEM((KCH, C), jnp.int32),
            pltpu.VMEM((KCH, C), jnp.int32),
            pltpu.VMEM((KCH, C), jnp.float32),
            pltpu.VMEM((C, HDIM), jnp.float32),
            pltpu.VMEM((C, HDIM), jnp.float32),
            pltpu.VMEM((C, HDIM), jnp.float32),
            pltpu.VMEM((C, HDIM), jnp.float32),
            pltpu.VMEM((ZR, HDIM), jnp.float32),
            pltpu.VMEM_SHARED((N, HDIM), jnp.float32),
            pltpu.SemaphoreType.DMA,
            pltpu.SemaphoreType.DMA,
            pltpu.SemaphoreType.DMA,
            pltpu.SemaphoreType.DMA,
            pltpu.SemaphoreType.DMA,
            pltpu.SemaphoreType.DMA,
            pltpu.SemaphoreType.DMA,
            pltpu.SemaphoreType.DMA,
        ],
        compiler_params=pltpu.CompilerParams(use_tc_tiling_on_sc=False),
    )
    def _spmm_sc(table, gidx, sidx, vals, out,
                 gidx_v, sidx_v, vals_v, buf0, buf1, buf2, buf3, zbuf, acc,
                 gsem0, gsem1, gsem2, gsem3, ssem0, ssem1, ssem2, ssem3):
        _spmm_body(interleaved, table, gidx, sidx, vals, out,
                   gidx_v, sidx_v, vals_v, buf0, buf1, buf2, buf3, zbuf, acc,
                   gsem0, gsem1, gsem2, gsem3, ssem0, ssem1, ssem2, ssem3)

    return _spmm_sc


def _spmm_body(interleaved, table, gidx, sidx, vals, out,
               gidx_v, sidx_v, vals_v, buf0, buf1, buf2, buf3, zbuf, acc,
               gsem0, gsem1, gsem2, gsem3, ssem0, ssem1, ssem2, ssem3):
    core = jax.lax.axis_index("c")
    sub = jax.lax.axis_index("s")

    @pl.loop(0, ZR)
    def _zrow(r):
        for d in range(HDIM // LANES):
            zbuf[r, pl.ds(d * LANES, LANES)] = jnp.zeros((LANES,), jnp.float32)

    @pl.loop(0, (NZCH + NS - 1) // NS)
    def _zacc(j):
        cid = sub + j * NS

        @pl.when(cid < NZCH)
        def _():
            pltpu.sync_copy(zbuf, acc.at[pl.ds(cid * ZR, ZR)])

    pltpu.sync_copy(gidx.at[sub], gidx_v)
    pltpu.sync_copy(sidx.at[sub], sidx_v)
    pltpu.sync_copy(vals.at[sub], vals_v)

    @pl.loop(0, KCH)
    def _tidx(k):
        for g in range(C // LANES):
            sl = pl.ds(g * LANES, LANES)
            if interleaved:
                gidx_v[k, sl] = gidx_v[k, sl] * 2 + core
            else:
                gidx_v[k, sl] = gidx_v[k, sl] + core * N

    plsc.subcore_barrier()

    bufs = (buf0, buf1, buf2, buf3)
    gsems = (gsem0, gsem1, gsem2, gsem3)
    ssems = (ssem0, ssem1, ssem2, ssem3)

    def start_gather(k, b):
        pltpu.async_copy(table.at[gidx_v.at[k]], bufs[b], gsems[b])

    def wait_gather(k, b):
        pltpu.make_async_copy(table.at[gidx_v.at[k]], bufs[b], gsems[b]).wait()

    def start_scatter(k, b):
        pltpu.async_copy(bufs[b], acc.at[sidx_v.at[k]], ssems[b], add=True)

    def wait_scatter(k, b):
        pltpu.make_async_copy(bufs[b], acc.at[sidx_v.at[k]], ssems[b]).wait()

    def scale_chunk(kc, b):
        buf = bufs[b]

        @pl.loop(0, C // LANES)
        def _grp(g):
            vals16 = vals_v[kc, pl.ds(g * LANES, LANES)]
            e0 = g * LANES

            @pl.loop(0, LANES, unroll=4)
            def _edge(e2):
                v16 = jnp.take_along_axis(
                    vals16, jnp.full((LANES,), e2, jnp.int32), axis=0,
                    mode="promise_in_bounds")
                e = e0 + e2
                for d in range(HDIM // LANES):
                    sl = pl.ds(d * LANES, LANES)
                    buf[e, sl] = buf[e, sl] * v16

    def step(kc, b):
        nxt = kc + 1
        nb = (b + 1) % NBUF

        @pl.when(nxt < KCH)
        def _():
            @pl.when(nxt >= NBUF)
            def _():
                wait_scatter(nxt - NBUF, nb)

            start_gather(nxt, nb)

        wait_gather(kc, b)
        scale_chunk(kc, b)
        start_scatter(kc, b)

    start_gather(0, 0)
    KMAIN = (KCH - 2) // NBUF * NBUF

    @pl.loop(0, KMAIN, step=NBUF)
    def _chunks(k):
        for i in range(NBUF):
            step(k + i, i)

    for kc in range(KMAIN, KCH):
        step(kc, kc % NBUF)
    for c in range(KCH - NBUF, KCH):
        wait_scatter(c, c % NBUF)

    plsc.subcore_barrier()

    @pl.loop(0, (NZCH + NS - 1) // NS)
    def _dump(j):
        cid = sub + j * NS

        @pl.when(cid < NZCH)
        def _():
            base = cid * ZR
            pltpu.sync_copy(
                acc.at[pl.ds(base, ZR)],
                out.at[pl.ds(base, ZR), pl.ds(core * HDIM, HDIM)])



_BLK = 1000


def _mix_body(nm_ref, u_ref, w_ref, b_ref, o_ref, oh_ref):
    nm = nm_ref[...]
    w1 = w_ref[0:DIM, :]
    w2 = w_ref[DIM:2 * DIM, :]
    m = (jnp.dot(nm, w1, preferred_element_type=jnp.float32)
         + jnp.dot(nm * u_ref[...], w2, preferred_element_type=jnp.float32)
         + b_ref[...])
    o_ref[...] = m
    oh_ref[0] = m[:, :HDIM]
    oh_ref[1] = m[:, HDIM:]


def _mix_tc(nm, user_emb, W, b2):
    grid = N // _BLK
    return pl.pallas_call(
        _mix_body,
        out_shape=(jax.ShapeDtypeStruct((N, DIM), jnp.float32),
                   jax.ShapeDtypeStruct((NC, N, HDIM), jnp.float32)),
        grid=(grid,),
        in_specs=[
            pl.BlockSpec((_BLK, DIM), lambda i: (i, 0)),
            pl.BlockSpec((_BLK, DIM), lambda i: (i, 0)),
            pl.BlockSpec((2 * DIM, DIM), lambda i: (0, 0)),
            pl.BlockSpec((1, DIM), lambda i: (0, 0)),
        ],
        out_specs=(pl.BlockSpec((_BLK, DIM), lambda i: (i, 0)),
                   pl.BlockSpec((NC, _BLK, HDIM), lambda i: (0, i, 0))),
    )(nm, user_emb, W, b2)


_spmm_interleaved = _make_spmm(True)
_spmm_stacked = _make_spmm(False)


def kernel(user_emb, item_emb, hg_rows, hg_cols, hg_vals, W, b):
    rows3 = hg_rows.reshape(NS, KCH, C)
    cols3 = hg_cols.reshape(NS, KCH, C)
    vals3 = hg_vals.reshape(NS, KCH, C)

    nm = _spmm_interleaved(item_emb.reshape(2 * N, HDIM), cols3, rows3, vals3)
    msg, msgh = _mix_tc(nm, user_emb, W, b.reshape(1, DIM))
    norm_emb = _spmm_stacked(msgh.reshape(2 * N, HDIM), rows3, cols3, vals3)
    return (norm_emb, msg)

# --- scband reference (transcript-rebuilt; emitter-appended) ---
"""Pipeline reference for scband-hclgr-19146964205957 (READ-ONLY COPY).

The authoritative reference and input builder live on the scoring server;
editing this copy changes nothing except your own understanding.
"""

import jax, jax.numpy as jnp
import numpy as np

N_USERS = 10000
N_ITEMS = 10000
E = 320000
DIM = 128


def setup_inputs(seed: int = 0) -> dict:
    key = jax.random.key(seed)
    k1, k2, k3, k4, k5, k6 = jax.random.split(key, 6)
    user_emb = jax.random.normal(k1, (N_USERS, DIM), dtype=jnp.float32)
    item_emb = jax.random.normal(k2, (N_ITEMS, DIM), dtype=jnp.float32)
    hg_rows = jax.random.randint(k3, (E,), 0, N_USERS, dtype=jnp.int32)
    hg_cols = jax.random.randint(k4, (E,), 0, N_ITEMS, dtype=jnp.int32)
    hg_vals = jax.random.uniform(k5, (E,), dtype=jnp.float32)
    # HGBCN.aggregation = nn.Linear(2*dim, dim); xavier-like init
    W = jax.random.normal(k6, (2 * DIM, DIM), dtype=jnp.float32) * (1.0 / np.sqrt(2 * DIM))
    b = jnp.zeros((DIM,), dtype=jnp.float32)
    return {
        "user_emb": user_emb,
        "item_emb": item_emb,
        "hg_rows": hg_rows,
        "hg_cols": hg_cols,
        "hg_vals": hg_vals,
        "W": W,
        "b": b,
    }


def reference(user_emb, item_emb, hg_rows, hg_cols, hg_vals, W, b):
    # node_msg = torch.sparse.mm(hyper_graph, item_emb)
    # hyper_graph is [N_USERS, N_ITEMS] sparse COO (rows, cols, vals)
    gathered = hg_vals[:, None] * jnp.take(item_emb, hg_cols, axis=0)
    node_msg = jax.ops.segment_sum(gathered, hg_rows, num_segments=N_USERS)
    # edge_node_element = node_msg * user_emb
    edge_node_element = node_msg * user_emb
    # msg = Linear(2*dim, dim)(cat([node_msg, edge_node_element], dim=1))
    msg = jnp.concatenate([node_msg, edge_node_element], axis=1) @ W + b
    # norm_emb = torch.mm(hyper_graph.t(), msg)
    gathered_t = hg_vals[:, None] * jnp.take(msg, hg_rows, axis=0)
    norm_emb = jax.ops.segment_sum(gathered_t, hg_cols, num_segments=N_ITEMS)
    return (norm_emb, msg)

if __name__ == "__main__":
    import jax
    _d = setup_inputs()
    print(jax.jit(kernel)(*tuple(_d.values())))

</pallas_src>

<mosaic_0001>
#map = affine_map<(d0, d1) -> (0, 0)>
#map1 = affine_map<(d0, d1) -> (0, 0, 0)>
module attributes {stable_mosaic.version = 14 : i64} {
  func.func @_spmm_sc(%arg0: i32, %arg1: i32, %arg2: memref<20000x64xf32, #tpu.memory_space<hbm>>, %arg3: memref<16x250x80xi32, #tpu.memory_space<hbm>>, %arg4: memref<16x250x80xi32, #tpu.memory_space<hbm>>, %arg5: memref<16x250x80xf32, #tpu.memory_space<hbm>>, %arg6: memref<10000x128xf32, #tpu.memory_space<hbm>>, %arg7: memref<250x80xi32, #tpu.memory_space<vmem>>, %arg8: memref<250x80xi32, #tpu.memory_space<vmem>>, %arg9: memref<250x80xf32, #tpu.memory_space<vmem>>, %arg10: memref<80x64xf32, #tpu.memory_space<vmem>>, %arg11: memref<80x64xf32, #tpu.memory_space<vmem>>, %arg12: memref<80x64xf32, #tpu.memory_space<vmem>>, %arg13: memref<80x64xf32, #tpu.memory_space<vmem>>, %arg14: memref<80x64xf32, #tpu.memory_space<vmem>>, %arg15: memref<10000x64xf32, #tpu.memory_space<vmem_shared>>, %arg16: memref<!tpu.dma_semaphore, #tpu.memory_space<semaphore_mem>>, %arg17: memref<!tpu.dma_semaphore, #tpu.memory_space<semaphore_mem>>, %arg18: memref<!tpu.dma_semaphore, #tpu.memory_space<semaphore_mem>>, %arg19: memref<!tpu.dma_semaphore, #tpu.memory_space<semaphore_mem>>, %arg20: memref<!tpu.dma_semaphore, #tpu.memory_space<semaphore_mem>>, %arg21: memref<!tpu.dma_semaphore, #tpu.memory_space<semaphore_mem>>, %arg22: memref<!tpu.dma_semaphore, #tpu.memory_space<semaphore_mem>>, %arg23: memref<!tpu.dma_semaphore, #tpu.memory_space<semaphore_mem>>) attributes {dimension_semantics = [#tpu.dimension_semantics<core_parallel>, #tpu.dimension_semantics<subcore_parallel>], iteration_bounds = array<i64: 2, 16>, scalar_prefetch = 0 : i64, scratch_operands = 17 : i64, tpu.core_type = #tpu.core_type<sc_vector_subcore>, window_params = [{transform_indices = #map}, {transform_indices = #map1}, {transform_indices = #map1}, {transform_indices = #map1}, {transform_indices = #map}]} {
    %scan3A = arith.constant 0 : i32
    %scan3A_0 = arith.constant 80 : i32
    %scan3A_1 = arith.addi %scan3A, %scan3A_0 : i32
    %scan3A_2 = arith.constant 1 : i32
    scf.for %scan3A_110 = %scan3A to %scan3A_1 step %scan3A_2  : i32 {
      %mul3A = arith.constant 1 : i32
      %mul3A_111 = arith.muli %scan3A_110, %mul3A : i32
      %add3A = arith.constant 0 : i32
      %add3A_112 = arith.addi %add3A, %mul3A_111 : i32
      %broadcast_in_dim3A = arith.constant 0.000000e+00 : f32
      %broadcast_in_dim3A_113 = vector.broadcast %broadcast_in_dim3A : f32 to vector<16xf32>
      %swap3A = arith.index_cast %add3A_112 : i32 to index
      %swap3A_114 = arith.constant 0 : index
      %swap3A_115 = tpu.vector_load %arg14[%swap3A, %swap3A_114] {strides = array<i32>} : memref<80x64xf32, #tpu.memory_space<vmem>>, vector<1x16xf32>,
      %swap3A_116 = vector.shape_cast %swap3A_115 : vector<1x16xf32> to vector<16xf32>
      %swap3A_117 = vector.shape_cast %broadcast_in_dim3A_113 : vector<16xf32> to vector<1x16xf32>
      tpu.vector_store %arg14[%swap3A, %swap3A_114], %swap3A_117 {strides = array<i32>} : memref<80x64xf32, #tpu.memory_space<vmem>>, vector<1x16xf32>,
      %broadcast_in_dim3A_118 = arith.constant 0.000000e+00 : f32
      %broadcast_in_dim3A_119 = vector.broadcast %broadcast_in_dim3A_118 : f32 to vector<16xf32>
      %swap3A_120 = arith.index_cast %add3A_112 : i32 to index
      %swap3A_121 = arith.constant 16 : index
      %swap3A_122 = tpu.vector_load %arg14[%swap3A_120, %swap3A_121] {strides = array<i32>} : memref<80x64xf32, #tpu.memory_space<vmem>>, vector<1x16xf32>,
      %swap3A_123 = vector.shape_cast %swap3A_122 : vector<1x16xf32> to vector<16xf32>
      %swap3A_124 = vector.shape_cast %broadcast_in_dim3A_119 : vector<16xf32> to vector<1x16xf32>
      tpu.vector_store %arg14[%swap3A_120, %swap3A_121], %swap3A_124 {strides = array<i32>} : memref<80x64xf32, #tpu.memory_space<vmem>>, vector<1x16xf32>,
      %broadcast_in_dim3A_125 = arith.constant 0.000000e+00 : f32
      %broadcast_in_dim3A_126 = vector.broadcast %broadcast_in_dim3A_125 : f32 to vector<16xf32>
      %swap3A_127 = arith.index_cast %add3A_112 : i32 to index
      %swap3A_128 = arith.constant 32 : index
      %swap3A_129 = tpu.vector_load %arg14[%swap3A_127, %swap3A_128] {strides = array<i32>} : memref<80x64xf32, #tpu.memory_space<vmem>>, vector<1x16xf32>,
      %swap3A_130 = vector.shape_cast %swap3A_129 : vector<1x16xf32> to vector<16xf32>
      %swap3A_131 = vector.shape_cast %broadcast_in_dim3A_126 : vector<16xf32> to vector<1x16xf32>
      tpu.vector_store %arg14[%swap3A_127, %swap3A_128], %swap3A_131 {strides = array<i32>} : memref<80x64xf32, #tpu.memory_space<vmem>>, vector<1x16xf32>,
      %broadcast_in_dim3A_132 = arith.constant 0.000000e+00 : f32
      %broadcast_in_dim3A_133 = vector.broadcast %broadcast_in_dim3A_132 : f32 to vector<16xf32>
      %swap3A_134 = arith.index_cast %add3A_112 : i32 to index
      %swap3A_135 = arith.constant 48 : index
      %swap3A_136 = tpu.vector_load %arg14[%swap3A_134, %swap3A_135] {strides = array<i32>} : memref<80x64xf32, #tpu.memory_space<vmem>>, vector<1x16xf32>,
      %swap3A_137 = vector.shape_cast %swap3A_136 : vector<1x16xf32> to vector<16xf32>
      %swap3A_138 = vector.shape_cast %broadcast_in_dim3A_133 : vector<16xf32> to vector<1x16xf32>
      tpu.vector_store %arg14[%swap3A_134, %swap3A_135], %swap3A_138 {strides = array<i32>} : memref<80x64xf32, #tpu.memory_space<vmem>>, vector<1x16xf32>,
    }
    %scan3A_3 = arith.constant 80 : i32
    %scan3A_4 = arith.constant 0 : i32
    %scan3A_5 = arith.constant 8 : i32
    %scan3A_6 = arith.addi %scan3A_4, %scan3A_5 : i32
    %scan3A_7 = arith.constant 1 : i32
    scf.for %scan3A_110 = %scan3A_4 to %scan3A_6 step %scan3A_7  : i32 {
      %mul3A = arith.constant 1 : i32
      %mul3A_111 = arith.muli %scan3A_110, %mul3A : i32
      %add3A = arith.constant 0 : i32
      %add3A_112 = arith.addi %add3A, %mul3A_111 : i32
      %mul3A_113 = arith.constant 16 : i32
      %mul3A_114 = arith.muli %add3A_112, %mul3A_113 : i32
      %add3A_115 = arith.addi %arg1, %mul3A_114 : i32
      %lt3A = arith.constant 125 : i32
      %lt3A_116 = arith.cmpi slt, %add3A_115, %lt3A : i32
      %convert_element_type3A = arith.extui %lt3A_116 : i1 to i32
      %cond3A = arith.constant 0 : i32
      %cond3A_117 = arith.cmpi ne, %convert_element_type3A, %cond3A : i32
      scf.if %cond3A_117 {
        %mul3A_118 = arith.constant 80 : i32
        %mul3A_119 = arith.muli %add3A_115, %mul3A_118 : i32
        "tpu.region"() ({
          %run_scoped3A = tpu.sem_alloc : memref<!tpu.dma_semaphore, #tpu.memory_space<semaphore_mem>>
          %dma_start3A_120 = arith.constant 0 : i32
          %dma_start3A_121 = tpu.memref_slice %arg15[%mul3A_119, %dma_start3A_120] : memref<10000x64xf32, #tpu.memory_space<vmem_shared>> -> memref<80x64xf32, #tpu.memory_space<vmem_shared>>
          %dma_start3A_122 = arith.constant 0 : i32
          %dma_start3A_123 = tpu.memref_slice %arg15[%mul3A_119, %dma_start3A_122] : memref<10000x64xf32, #tpu.memory_space<vmem_shared>> -> memref<80x64xf32, #tpu.memory_space<vmem_shared>>
          tpu.enqueue_dma source(%arg14 : memref<80x64xf32, #tpu.memory_space<vmem>>) target(%dma_start3A_123 : memref<80x64xf32, #tpu.memory_space<vmem_shared>>) target_semaphore(%run_scoped3A : memref<!tpu.dma_semaphore, #tpu.memory_space<semaphore_mem>>)
          %dma_wait3A_124 = arith.constant 0 : i32
          %dma_wait3A_125 = tpu.memref_slice %arg15[%mul3A_119, %dma_wait3A_124] : memref<10000x64xf32, #tpu.memory_space<vmem_shared>> -> memref<80x64xf32, #tpu.memory_space<vmem_shared>>
          %dma_wait3A_126 = arith.constant 0 : i32
          %dma_wait3A_127 = tpu.memref_slice %arg15[%mul3A_119, %dma_wait3A_126] : memref<10000x64xf32, #tpu.memory_space<vmem_shared>> -> memref<80x64xf32, #tpu.memory_space<vmem_shared>>
          tpu.wait_dma2 semaphore(%run_scoped3A : memref<!tpu.dma_semaphore, #tpu.memory_space<semaphore_mem>>) src(%arg14 : memref<80x64xf32, #tpu.memory_space<vmem>>) dst(%dma_wait3A_127 : memref<80x64xf32, #tpu.memory_space<vmem_shared>>)
          tpu.yield
        }) : () -> ()
      } else {
      }
    }
    %scan3A_8 = arith.constant 8 : i32
    "tpu.region"() ({
      %run_scoped3A = tpu.sem_alloc : memref<!tpu.dma_semaphore, #tpu.memory_space<semaphore_mem>>
      %dma_start3A_110 = arith.constant 0 : i32
      %dma_start3A_111 = arith.constant 0 : i32
      %dma_start3A_112 = tpu.memref_slice %arg3[%arg1, %dma_start3A_110, %dma_start3A_111] : memref<16x250x80xi32, #tpu.memory_space<hbm>> -> memref<1x250x80xi32, #tpu.memory_space<hbm>>
      %dma_start3A_113 = tpu.memref_squeeze %dma_start3A_112 : memref<1x250x80xi32, #tpu.memory_space<hbm>> -> memref<250x80xi32, #tpu.memory_space<hbm>>
      %dma_start3A_114 = arith.constant 0 : i32
      %dma_start3A_115 = arith.constant 0 : i32
      %dma_start3A_116 = tpu.memref_slice %arg3[%arg1, %dma_start3A_114, %dma_start3A_115] : memref<16x250x80xi32, #tpu.memory_space<hbm>> -> memref<1x250x80xi32, #tpu.memory_space<hbm>>
      %dma_start3A_117 = tpu.memref_squeeze %dma_start3A_116 : memref<1x250x80xi32, #tpu.memory_space<hbm>> -> memref<250x80xi32, #tpu.memory_space<hbm>>
      tpu.enqueue_dma source(%dma_start3A_117 : memref<250x80xi32, #tpu.memory_space<hbm>>) target(%arg7 : memref<250x80xi32, #tpu.memory_space<vmem>>) target_semaphore(%run_scoped3A : memref<!tpu.dma_semaphore, #tpu.memory_space<semaphore_mem>>)
      %dma_wait3A_118 = arith.constant 0 : i32
      %dma_wait3A_119 = arith.constant 0 : i32
      %dma_wait3A_120 = tpu.memref_slice %arg3[%arg1, %dma_wait3A_118, %dma_wait3A_119] : memref<16x250x80xi32, #tpu.memory_space<hbm>> -> memref<1x250x80xi32, #tpu.memory_space<hbm>>
      %dma_wait3A_121 = tpu.memref_squeeze %dma_wait3A_120 : memref<1x250x80xi32, #tpu.memory_space<hbm>> -> memref<250x80xi32, #tpu.memory_space<hbm>>
      %dma_wait3A_122 = arith.constant 0 : i32
      %dma_wait3A_123 = arith.constant 0 : i32
      %dma_wait3A_124 = tpu.memref_slice %arg3[%arg1, %dma_wait3A_122, %dma_wait3A_123] : memref<16x250x80xi32, #tpu.memory_space<hbm>> -> memref<1x250x80xi32, #tpu.memory_space<hbm>>
      %dma_wait3A_125 = tpu.memref_squeeze %dma_wait3A_124 : memref<1x250x80xi32, #tpu.memory_space<hbm>> -> memref<250x80xi32, #tpu.memory_space<hbm>>
      tpu.wait_dma2 semaphore(%run_scoped3A : memref<!tpu.dma_semaphore, #tpu.memory_space<semaphore_mem>>) src(%dma_wait3A_125 : memref<250x80xi32, #tpu.memory_space<hbm>>) dst(%arg7 : memref<250x80xi32, #tpu.memory_space<vmem>>)
      tpu.yield
    }) : () -> ()
    "tpu.region"() ({
      %run_scoped3A = tpu.sem_alloc : memref<!tpu.dma_semaphore, #tpu.memory_space<semaphore_mem>>
      %dma_start3A_110 = arith.constant 0 : i32
      %dma_start3A_111 = arith.constant 0 : i32
      %dma_start3A_112 = tpu.memref_slice %arg4[%arg1, %dma_start3A_110, %dma_start3A_111] : memref<16x250x80xi32, #tpu.memory_space<hbm>> -> memref<1x250x80xi32, #tpu.memory_space<hbm>>
      %dma_start3A_113 = tpu.memref_squeeze %dma_start3A_112 : memref<1x250x80xi32, #tpu.memory_space<hbm>> -> memref<250x80xi32, #tpu.memory_space<hbm>>
      %dma_start3A_114 = arith.constant 0 : i32
      %dma_start3A_115 = arith.constant 0 : i32
      %dma_start3A_116 = tpu.memref_slice %arg4[%arg1, %dma_start3A_114, %dma_start3A_115] : memref<16x250x80xi32, #tpu.memory_space<hbm>> -> memref<1x250x80xi32, #tpu.memory_space<hbm>>
      %dma_start3A_117 = tpu.memref_squeeze %dma_start3A_116 : memref<1x250x80xi32, #tpu.memory_space<hbm>> -> memref<250x80xi32, #tpu.memory_space<hbm>>
      tpu.enqueue_dma source(%dma_start3A_117 : memref<250x80xi32, #tpu.memory_space<hbm>>) target(%arg8 : memref<250x80xi32, #tpu.memory_space<vmem>>) target_semaphore(%run_scoped3A : memref<!tpu.dma_semaphore, #tpu.memory_space<semaphore_mem>>)
      %dma_wait3A_118 = arith.constant 0 : i32
      %dma_wait3A_119 = arith.constant 0 : i32
      %dma_wait3A_120 = tpu.memref_slice %arg4[%arg1, %dma_wait3A_118, %dma_wait3A_119] : memref<16x250x80xi32, #tpu.memory_space<hbm>> -> memref<1x250x80xi32, #tpu.memory_space<hbm>>
      %dma_wait3A_121 = tpu.memref_squeeze %dma_wait3A_120 : memref<1x250x80xi32, #tpu.memory_space<hbm>> -> memref<250x80xi32, #tpu.memory_space<hbm>>
      %dma_wait3A_122 = arith.constant 0 : i32
      %dma_wait3A_123 = arith.constant 0 : i32
      %dma_wait3A_124 = tpu.memref_slice %arg4[%arg1, %dma_wait3A_122, %dma_wait3A_123] : memref<16x250x80xi32, #tpu.memory_space<hbm>> -> memref<1x250x80xi32, #tpu.memory_space<hbm>>
      %dma_wait3A_125 = tpu.memref_squeeze %dma_wait3A_124 : memref<1x250x80xi32, #tpu.memory_space<hbm>> -> memref<250x80xi32, #tpu.memory_space<hbm>>
      tpu.wait_dma2 semaphore(%run_scoped3A : memref<!tpu.dma_semaphore, #tpu.memory_space<semaphore_mem>>) src(%dma_wait3A_125 : memref<250x80xi32, #tpu.memory_space<hbm>>) dst(%arg8 : memref<250x80xi32, #tpu.memory_space<vmem>>)
      tpu.yield
    }) : () -> ()
    "tpu.region"() ({
      %run_scoped3A = tpu.sem_alloc : memref<!tpu.dma_semaphore, #tpu.memory_space<semaphore_mem>>
      %dma_start3A_110 = arith.constant 0 : i32
      %dma_start3A_111 = arith.constant 0 : i32
      %dma_start3A_112 = tpu.memref_slice %arg5[%arg1, %dma_start3A_110, %dma_start3A_111] : memref<16x250x80xf32, #tpu.memory_space<hbm>> -> memref<1x250x80xf32, #tpu.memory_space<hbm>>
      %dma_start3A_113 = tpu.memref_squeeze %dma_start3A_112 : memref<1x250x80xf32, #tpu.memory_space<hbm>> -> memref<250x80xf32, #tpu.memory_space<hbm>>
      %dma_start3A_114 = arith.constant 0 : i32
      %dma_start3A_115 = arith.constant 0 : i32
      %dma_start3A_116 = tpu.memref_slice %arg5[%arg1, %dma_start3A_114, %dma_start3A_115] : memref<16x250x80xf32, #tpu.memory_space<hbm>> -> memref<1x250x80xf32, #tpu.memory_space<hbm>>
      %dma_start3A_117 = tpu.memref_squeeze %dma_start3A_116 : memref<1x250x80xf32, #tpu.memory_space<hbm>> -> memref<250x80xf32, #tpu.memory_space<hbm>>
      tpu.enqueue_dma source(%dma_start3A_117 : memref<250x80xf32, #tpu.memory_space<hbm>>) target(%arg9 : memref<250x80xf32, #tpu.memory_space<vmem>>) target_semaphore(%run_scoped3A : memref<!tpu.dma_semaphore, #tpu.memory_space<semaphore_mem>>)
      %dma_wait3A_118 = arith.constant 0 : i32
      %dma_wait3A_119 = arith.constant 0 : i32
      %dma_wait3A_120 = tpu.memref_slice %arg5[%arg1, %dma_wait3A_118, %dma_wait3A_119] : memref<16x250x80xf32, #tpu.memory_space<hbm>> -> memref<1x250x80xf32, #tpu.memory_space<hbm>>
      %dma_wait3A_121 = tpu.memref_squeeze %dma_wait3A_120 : memref<1x250x80xf32, #tpu.memory_space<hbm>> -> memref<250x80xf32, #tpu.memory_space<hbm>>
      %dma_wait3A_122 = arith.constant 0 : i32
      %dma_wait3A_123 = arith.constant 0 : i32
      %dma_wait3A_124 = tpu.memref_slice %arg5[%arg1, %dma_wait3A_122, %dma_wait3A_123] : memref<16x250x80xf32, #tpu.memory_space<hbm>> -> memref<1x250x80xf32, #tpu.memory_space<hbm>>
      %dma_wait3A_125 = tpu.memref_squeeze %dma_wait3A_124 : memref<1x250x80xf32, #tpu.memory_space<hbm>> -> memref<250x80xf32, #tpu.memory_space<hbm>>
      tpu.wait_dma2 semaphore(%run_scoped3A : memref<!tpu.dma_semaphore, #tpu.memory_space<semaphore_mem>>) src(%dma_wait3A_125 : memref<250x80xf32, #tpu.memory_space<hbm>>) dst(%arg9 : memref<250x80xf32, #tpu.memory_space<vmem>>)
      tpu.yield
    }) : () -> ()
    %scan3A_9 = arith.constant 0 : i32
    %scan3A_10 = arith.constant 250 : i32
    %scan3A_11 = arith.addi %scan3A_9, %scan3A_10 : i32
    %scan3A_12 = arith.constant 1 : i32
    scf.for %scan3A_110 = %scan3A_9 to %scan3A_11 step %scan3A_12  : i32 {
      %mul3A = arith.constant 1 : i32
      %mul3A_111 = arith.muli %scan3A_110, %mul3A : i32
      %add3A = arith.constant 0 : i32
      %add3A_112 = arith.addi %add3A, %mul3A_111 : i32
      %get3A = arith.index_cast %add3A_112 : i32 to index
      %get3A_113 = arith.constant 0 : index
      %get3A_114 = tpu.vector_load %arg7[%get3A, %get3A_113] {strides = array<i32>} : memref<250x80xi32, #tpu.memory_space<vmem>>, vector<1x16xi32>,
      %get3A_115 = vector.shape_cast %get3A_114 : vector<1x16xi32> to vector<16xi32>
      %mul3A_116 = arith.constant 10000 : i32
      %mul3A_117 = arith.muli %arg0, %mul3A_116 : i32
      %add3A_118 = vector.broadcast %mul3A_117 : i32 to vector<16xi32>
      %add3A_119 = arith.addi %get3A_115, %add3A_118 : vector<16xi32>
      %swap3A = arith.index_cast %add3A_112 : i32 to index
      %swap3A_120 = arith.constant 0 : index
      %swap3A_121 = tpu.vector_load %arg7[%swap3A, %swap3A_120] {strides = array<i32>} : memref<250x80xi32, #tpu.memory_space<vmem>>, vector<1x16xi32>,
      %swap3A_122 = vector.shape_cast %swap3A_121 : vector<1x16xi32> to vector<16xi32>
      %swap3A_123 = vector.shape_cast %add3A_119 : vector<16xi32> to vector<1x16xi32>
      tpu.vector_store %arg7[%swap3A, %swap3A_120], %swap3A_123 {strides = array<i32>} : memref<250x80xi32, #tpu.memory_space<vmem>>, vector<1x16xi32>,
      %get3A_124 = arith.index_cast %add3A_112 : i32 to index
      %get3A_125 = arith.constant 16 : index
      %get3A_126 = tpu.vector_load %arg7[%get3A_124, %get3A_125] {strides = array<i32>} : memref<250x80xi32, #tpu.memory_space<vmem>>, vector<1x16xi32>,
      %get3A_127 = vector.shape_cast %get3A_126 : vector<1x16xi32> to vector<16xi32>
      %mul3A_128 = arith.constant 10000 : i32
      %mul3A_129 = arith.muli %arg0, %mul3A_128 : i32
      %add3A_130 = vector.broadcast %mul3A_129 : i32 to vector<16xi32>
      %add3A_131 = arith.addi %get3A_127, %add3A_130 : vector<16xi32>
      %swap3A_132 = arith.index_cast %add3A_112 : i32 to index
      %swap3A_133 = arith.constant 16 : index
      %swap3A_134 = tpu.vector_load %arg7[%swap3A_132, %swap3A_133] {strides = array<i32>} : memref<250x80xi32, #tpu.memory_space<vmem>>, vector<1x16xi32>,
      %swap3A_135 = vector.shape_cast %swap3A_134 : vector<1x16xi32> to vector<16xi32>
      %swap3A_136 = vector.shape_cast %add3A_131 : vector<16xi32> to vector<1x16xi32>
      tpu.vector_store %arg7[%swap3A_132, %swap3A_133], %swap3A_136 {strides = array<i32>} : memref<250x80xi32, #tpu.memory_space<vmem>>, vector<1x16xi32>,
      %get3A_137 = arith.index_cast %add3A_112 : i32 to index
      %get3A_138 = arith.constant 32 : index
      %get3A_139 = tpu.vector_load %arg7[%get3A_137, %get3A_138] {strides = array<i32>} : memref<250x80xi32, #tpu.memory_space<vmem>>, vector<1x16xi32>,
      %get3A_140 = vector.shape_cast %get3A_139 : vector<1x16xi32> to vector<16xi32>
      %mul3A_141 = arith.constant 10000 : i32
      %mul3A_142 = arith.muli %arg0, %mul3A_141 : i32
      %add3A_143 = vector.broadcast %mul3A_142 : i32 to vector<16xi32>
      %add3A_144 = arith.addi %get3A_140, %add3A_143 : vector<16xi32>
      %swap3A_145 = arith.index_cast %add3A_112 : i32 to index
      %swap3A_146 = arith.constant 32 : index
      %swap3A_147 = tpu.vector_load %arg7[%swap3A_145, %swap3A_146] {strides = array<i32>} : memref<250x80xi32, #tpu.memory_space<vmem>>, vector<1x16xi32>,
      %swap3A_148 = vector.shape_cast %swap3A_147 : vector<1x16xi32> to vector<16xi32>
      %swap3A_149 = vector.shape_cast %add3A_144 : vector<16xi32> to vector<1x16xi32>
      tpu.vector_store %arg7[%swap3A_145, %swap3A_146], %swap3A_149 {strides = array<i32>} : memref<250x80xi32, #tpu.memory_space<vmem>>, vector<1x16xi32>,
      %get3A_150 = arith.index_cast %add3A_112 : i32 to index
      %get3A_151 = arith.constant 48 : index
      %get3A_152 = tpu.vector_load %arg7[%get3A_150, %get3A_151] {strides = array<i32>} : memref<250x80xi32, #tpu.memory_space<vmem>>, vector<1x16xi32>,
      %get3A_153 = vector.shape_cast %get3A_152 : vector<1x16xi32> to vector<16xi32>
      %mul3A_154 = arith.constant 10000 : i32
      %mul3A_155 = arith.muli %arg0, %mul3A_154 : i32
      %add3A_156 = vector.broadcast %mul3A_155 : i32 to vector<16xi32>
      %add3A_157 = arith.addi %get3A_153, %add3A_156 : vector<16xi32>
      %swap3A_158 = arith.index_cast %add3A_112 : i32 to index
      %swap3A_159 = arith.constant 48 : index
      %swap3A_160 = tpu.vector_load %arg7[%swap3A_158, %swap3A_159] {strides = array<i32>} : memref<250x80xi32, #tpu.memory_space<vmem>>, vector<1x16xi32>,
      %swap3A_161 = vector.shape_cast %swap3A_160 : vector<1x16xi32> to vector<16xi32>
      %swap3A_162 = vector.shape_cast %add3A_157 : vector<16xi32> to vector<1x16xi32>
      tpu.vector_store %arg7[%swap3A_158, %swap3A_159], %swap3A_162 {strides = array<i32>} : memref<250x80xi32, #tpu.memory_space<vmem>>, vector<1x16xi32>,
      %get3A_163 = arith.index_cast %add3A_112 : i32 to index
      %get3A_164 = arith.constant 64 : index
      %get3A_165 = tpu.vector_load %arg7[%get3A_163, %get3A_164] {strides = array<i32>} : memref<250x80xi32, #tpu.memory_space<vmem>>, vector<1x16xi32>,
      %get3A_166 = vector.shape_cast %get3A_165 : vector<1x16xi32> to vector<16xi32>
      %mul3A_167 = arith.constant 10000 : i32
      %mul3A_168 = arith.muli %arg0, %mul3A_167 : i32
      %add3A_169 = vector.broadcast %mul3A_168 : i32 to vector<16xi32>
      %add3A_170 = arith.addi %get3A_166, %add3A_169 : vector<16xi32>
      %swap3A_171 = arith.index_cast %add3A_112 : i32 to index
      %swap3A_172 = arith.constant 64 : index
      %swap3A_173 = tpu.vector_load %arg7[%swap3A_171, %swap3A_172] {strides = array<i32>} : memref<250x80xi32, #tpu.memory_space<vmem>>, vector<1x16xi32>,
      %swap3A_174 = vector.shape_cast %swap3A_173 : vector<1x16xi32> to vector<16xi32>
      %swap3A_175 = vector.shape_cast %add3A_170 : vector<16xi32> to vector<1x16xi32>
      tpu.vector_store %arg7[%swap3A_171, %swap3A_172], %swap3A_175 {strides = array<i32>} : memref<250x80xi32, #tpu.memory_space<vmem>>, vector<1x16xi32>,
    }
    %scan3A_13 = arith.constant 250 : i32
    %barrier3A = arith.constant 0 : index
    tpu.barrier barrier_id(%barrier3A)
    %dma_start3A = arith.constant 0 : i32
    %dma_start3A_14 = arith.constant 0 : i32
    %dma_start3A_15 = tpu.memref_slice %arg7[%dma_start3A, %dma_start3A_14] : memref<250x80xi32, #tpu.memory_space<vmem>> -> memref<1x80xi32, #tpu.memory_space<vmem>>
    %dma_start3A_16 = tpu.memref_squeeze %dma_start3A_15 : memref<1x80xi32, #tpu.memory_space<vmem>> -> memref<80xi32, #tpu.memory_space<vmem>>
    %dma_start3A_17 = arith.constant 0 : i32
    %dma_start3A_18 = arith.constant 0 : i32
    %dma_start3A_19 = tpu.memref_slice %arg2[%dma_start3A_17, %dma_start3A_18] : memref<20000x64xf32, #tpu.memory_space<hbm>> -> memref<20000x64xf32, #tpu.memory_space<hbm>>
    tpu.enqueue_indirect_dma source(%dma_start3A_19 : memref<20000x64xf32, #tpu.memory_space<hbm>>) target(%arg10 : memref<80x64xf32, #tpu.memory_space<vmem>>) offsets(%dma_start3A_16 : memref<80xi32, #tpu.memory_space<vmem>>) semaphore(%arg16 : memref<!tpu.dma_semaphore, #tpu.memory_space<semaphore_mem>>)
    %scan3A_20 = arith.constant 0 : i32
    %scan3A_21 = arith.constant 62 : i32
    %scan3A_22 = arith.addi %scan3A_20, %scan3A_21 : i32
    %scan3A_23 = arith.constant 1 : i32
    scf.for %scan3A_110 = %scan3A_20 to %scan3A_22 step %scan3A_23  : i32 {
      %mul3A = arith.constant 4 : i32
      %mul3A_111 = arith.muli %scan3A_110, %mul3A : i32
      %add3A = arith.constant 0 : i32
      %add3A_112 = arith.addi %add3A, %mul3A_111 : i32
      %add3A_113 = arith.constant 0 : i32
      %add3A_114 = arith.addi %add3A_112, %add3A_113 : i32
      %add3A_115 = arith.constant 1 : i32
      %add3A_116 = arith.addi %add3A_114, %add3A_115 : i32
      %lt3A = arith.constant 250 : i32
      %lt3A_117 = arith.cmpi slt, %add3A_116, %lt3A : i32
      %convert_element_type3A = arith.extui %lt3A_117 : i1 to i32
      %cond3A = arith.constant 0 : i32
      %cond3A_118 = arith.cmpi ne, %convert_element_type3A, %cond3A : i32
      scf.if %cond3A_118 {
        %ge3A = arith.constant 4 : i32
        %ge3A_214 = arith.cmpi sge, %add3A_116, %ge3A : i32
        %convert_element_type3A_215 = arith.extui %ge3A_214 : i1 to i32
        %cond3A_216 = arith.constant 0 : i32
        %cond3A_217 = arith.cmpi ne, %convert_element_type3A_215, %cond3A_216 : i32
        scf.if %cond3A_217 {
          %sub3A = arith.constant 4 : i32
          %sub3A_224 = arith.subi %add3A_116, %sub3A : i32
          %dma_wait3A_225 = arith.constant 0 : i32
          %dma_wait3A_226 = tpu.memref_slice %arg8[%sub3A_224, %dma_wait3A_225] : memref<250x80xi32, #tpu.memory_space<vmem>> -> memref<1x80xi32, #tpu.memory_space<vmem>>
          %dma_wait3A_227 = tpu.memref_squeeze %dma_wait3A_226 : memref<1x80xi32, #tpu.memory_space<vmem>> -> memref<80xi32, #tpu.memory_space<vmem>>
          %dma_wait3A_228 = arith.constant 0 : i32
          %dma_wait3A_229 = arith.constant 0 : i32
          %dma_wait3A_230 = tpu.memref_slice %arg15[%dma_wait3A_228, %dma_wait3A_229] : memref<10000x64xf32, #tpu.memory_space<vmem_shared>> -> memref<10000x64xf32, #tpu.memory_space<vmem_shared>>
          tpu.wait_indirect_dma semaphore(%arg21 : memref<!tpu.dma_semaphore, #tpu.memory_space<semaphore_mem>>) src(%arg11 : memref<80x64xf32, #tpu.memory_space<vmem>>) dst(%dma_wait3A_230 : memref<10000x64xf32, #tpu.memory_space<vmem_shared>>)
        } else {
        }
        %dma_start3A_218 = arith.constant 0 : i32
        %dma_start3A_219 = tpu.memref_slice %arg7[%add3A_116, %dma_start3A_218] : memref<250x80xi32, #tpu.memory_space<vmem>> -> memref<1x80xi32, #tpu.memory_space<vmem>>
        %dma_start3A_220 = tpu.memref_squeeze %dma_start3A_219 : memref<1x80xi32, #tpu.memory_space<vmem>> -> memref<80xi32, #tpu.memory_space<vmem>>
        %dma_start3A_221 = arith.constant 0 : i32
        %dma_start3A_222 = arith.constant 0 : i32
        %dma_start3A_223 = tpu.memref_slice %arg2[%dma_start3A_221, %dma_start3A_222] : memref<20000x64xf32, #tpu.memory_space<hbm>> -> memref<20000x64xf32, #tpu.memory_space<hbm>>
        tpu.enqueue_indirect_dma source(%dma_start3A_223 : memref<20000x64xf32, #tpu.memory_space<hbm>>) target(%arg11 : memref<80x64xf32, #tpu.memory_space<vmem>>) offsets(%dma_start3A_220 : memref<80xi32, #tpu.memory_space<vmem>>) semaphore(%arg17 : memref<!tpu.dma_semaphore, #tpu.memory_space<semaphore_mem>>)
      } else {
      }
      %dma_wait3A_119 = arith.constant 0 : i32
      %dma_wait3A_120 = tpu.memref_slice %arg7[%add3A_114, %dma_wait3A_119] : memref<250x80xi32, #tpu.memory_space<vmem>> -> memref<1x80xi32, #tpu.memory_space<vmem>>
      %dma_wait3A_121 = tpu.memref_squeeze %dma_wait3A_120 : memref<1x80xi32, #tpu.memory_space<vmem>> -> memref<80xi32, #tpu.memory_space<vmem>>
      %dma_wait3A_122 = arith.constant 0 : i32
      %dma_wait3A_123 = arith.constant 0 : i32
      %dma_wait3A_124 = tpu.memref_slice %arg2[%dma_wait3A_122, %dma_wait3A_123] : memref<20000x64xf32, #tpu.memory_space<hbm>> -> memref<20000x64xf32, #tpu.memory_space<hbm>>
      tpu.wait_indirect_dma semaphore(%arg16 : memref<!tpu.dma_semaphore, #tpu.memory_space<semaphore_mem>>) src(%dma_wait3A_124 : memref<20000x64xf32, #tpu.memory_space<hbm>>) dst(%arg10 : memref<80x64xf32, #tpu.memory_space<vmem>>)
      %scan3A_125 = arith.constant 0 : i32
      %scan3A_126 = arith.constant 5 : i32
      %scan3A_127 = arith.addi %scan3A_125, %scan3A_126 : i32
      %scan3A_128 = arith.constant 1 : i32
      scf.for %scan3A_214 = %scan3A_125 to %scan3A_127 step %scan3A_128  : i32 {
        %mul3A_215 = arith.constant 1 : i32
        %mul3A_216 = arith.muli %scan3A_214, %mul3A_215 : i32
        %add3A_217 = arith.constant 0 : i32
        %add3A_218 = arith.addi %add3A_217, %mul3A_216 : i32
        %mul3A_219 = arith.constant 16 : i32
        %mul3A_220 = arith.muli %add3A_218, %mul3A_219 : i32
        %get3A = arith.index_cast %add3A_114 : i32 to index
        %get3A_221 = arith.index_cast %mul3A_220 : i32 to index
        %get3A_222 = tpu.vector_load %arg9[%get3A, %get3A_221] {strides = array<i32>} : memref<250x80xf32, #tpu.memory_space<vmem>>, vector<1x16xf32>,
        %get3A_223 = vector.shape_cast %get3A_222 : vector<1x16xf32> to vector<16xf32>
        %mul3A_224 = arith.constant 16 : i32
        %mul3A_225 = arith.muli %add3A_218, %mul3A_224 : i32
        %scan3A_226 = arith.constant 0 : i32
        %scan3A_227 = arith.constant 16 : i32
        %scan3A_228 = arith.addi %scan3A_226, %scan3A_227 : i32
        %scan3A_229 = arith.constant 4 : i32
        scf.for %scan3A_231 = %scan3A_226 to %scan3A_228 step %scan3A_229  : i32 {
          %mul3A_232 = arith.constant 1 : i32
          %mul3A_233 = arith.muli %scan3A_231, %mul3A_232 : i32
          %add3A_234 = arith.constant 0 : i32
          %add3A_235 = arith.addi %add3A_234, %mul3A_233 : i32
          %broadcast_in_dim3A = vector.broadcast %add3A_235 : i32 to vector<16xi32>
          %reshape3A = vector.shape_cast %broadcast_in_dim3A : vector<16xi32> to vector<16x1xi32>
          %gather3A = vector.shape_cast %reshape3A : vector<16x1xi32> to vector<16xi32>
          %gather3A_236 = tpu.dynamic_gather %get3A_223[%gather3A] in [0] : vector<16xf32>, vector<16xi32> -> vector<16xf32>
          %add3A_237 = arith.addi %mul3A_225, %add3A_235 : i32
          %get3A_238 = arith.index_cast %add3A_237 : i32 to index
          %get3A_239 = arith.constant 0 : index
          %get3A_240 = tpu.vector_load %arg10[%get3A_238, %get3A_239] {strides = array<i32>} : memref<80x64xf32, #tpu.memory_space<vmem>>, vector<1x16xf32>,
          %get3A_241 = vector.shape_cast %get3A_240 : vector<1x16xf32> to vector<16xf32>
          %mul3A_242 = arith.mulf %get3A_241, %gather3A_236 : vector<16xf32>
          %swap3A = arith.index_cast %add3A_237 : i32 to index
          %swap3A_243 = arith.constant 0 : index
          %swap3A_244 = tpu.vector_load %arg10[%swap3A, %swap3A_243] {strides = array<i32>} : memref<80x64xf32, #tpu.memory_space<vmem>>, vector<1x16xf32>,
          %swap3A_245 = vector.shape_cast %swap3A_244 : vector<1x16xf32> to vector<16xf32>
          %swap3A_246 = vector.shape_cast %mul3A_242 : vector<16xf32> to vector<1x16xf32>
          tpu.vector_store %arg10[%swap3A, %swap3A_243], %swap3A_246 {strides = array<i32>} : memref<80x64xf32, #tpu.memory_space<vmem>>, vector<1x16xf32>,
          %get3A_247 = arith.index_cast %add3A_237 : i32 to index
          %get3A_248 = arith.constant 16 : index
          %get3A_249 = tpu.vector_load %arg10[%get3A_247, %get3A_248] {strides = array<i32>} : memref<80x64xf32, #tpu.memory_space<vmem>>, vector<1x16xf32>,
          %get3A_250 = vector.shape_cast %get3A_249 : vector<1x16xf32> to vector<16xf32>
          %mul3A_251 = arith.mulf %get3A_250, %gather3A_236 : vector<16xf32>
          %swap3A_252 = arith.index_cast %add3A_237 : i32 to index
          %swap3A_253 = arith.constant 16 : index
          %swap3A_254 = tpu.vector_load %arg10[%swap3A_252, %swap3A_253] {strides = array<i32>} : memref<80x64xf32, #tpu.memory_space<vmem>>, vector<1x16xf32>,
          %swap3A_255 = vector.shape_cast %swap3A_254 : vector<1x16xf32> to vector<16xf32>
          %swap3A_256 = vector.shape_cast %mul3A_251 : vector<16xf32> to vector<1x16xf32>
          tpu.vector_store %arg10[%swap3A_252, %swap3A_253], %swap3A_256 {strides = array<i32>} : memref<80x64xf32, #tpu.memory_space<vmem>>, vector<1x16xf32>,
          %get3A_257 = arith.index_cast %add3A_237 : i32 to index
          %get3A_258 = arith.constant 32 : index
          %get3A_259 = tpu.vector_load %arg10[%get3A_257, %get3A_258] {strides = array<i32>} : memref<80x64xf32, #tpu.memory_space<vmem>>, vector<1x16xf32>,
          %get3A_260 = vector.shape_cast %get3A_259 : vector<1x16xf32> to vector<16xf32>
          %mul3A_261 = arith.mulf %get3A_260, %gather3A_236 : vector<16xf32>
          %swap3A_262 = arith.index_cast %add3A_237 : i32 to index
          %swap3A_263 = arith.constant 32 : index
          %swap3A_264 = tpu.vector_load %arg10[%swap3A_262, %swap3A_263] {strides = array<i32>} : memref<80x64xf32, #tpu.memory_space<vmem>>, vector<1x16xf32>,
          %swap3A_265 = vector.shape_cast %swap3A_264 : vector<1x16xf32> to vector<16xf32>
          %swap3A_266 = vector.shape_cast %mul3A_261 : vector<16xf32> to vector<1x16xf32>
          tpu.vector_store %arg10[%swap3A_262, %swap3A_263], %swap3A_266 {strides = array<i32>} : memref<80x64xf32, #tpu.memory_space<vmem>>, vector<1x16xf32>,
          %get3A_267 = arith.index_cast %add3A_237 : i32 to index
          %get3A_268 = arith.constant 48 : index
          %get3A_269 = tpu.vector_load %arg10[%get3A_267, %get3A_268] {strides = array<i32>} : memref<80x64xf32, #tpu.memory_space<vmem>>, vector<1x16xf32>,
          %get3A_270 = vector.shape_cast %get3A_269 : vector<1x16xf32> to vector<16xf32>
          %mul3A_271 = arith.mulf %get3A_270, %gather3A_236 : vector<16xf32>
          %swap3A_272 = arith.index_cast %add3A_237 : i32 to index
          %swap3A_273 = arith.constant 48 : index
          %swap3A_274 = tpu.vector_load %arg10[%swap3A_272, %swap3A_273] {strides = array<i32>} : memref<80x64xf32, #tpu.memory_space<vmem>>, vector<1x16xf32>,
          %swap3A_275 = vector.shape_cast %swap3A_274 : vector<1x16xf32> to vector<16xf32>
          %swap3A_276 = vector.shape_cast %mul3A_271 : vector<16xf32> to vector<1x16xf32>
          tpu.vector_store %arg10[%swap3A_272, %swap3A_273], %swap3A_276 {strides = array<i32>} : memref<80x64xf32, #tpu.memory_space<vmem>>, vector<1x16xf32>,
          %scan3A_277 = arith.constant 1 : i32
          %scan3A_278 = arith.addi %scan3A_231, %scan3A_277 : i32
          %mul3A_279 = arith.constant 1 : i32
          %mul3A_280 = arith.muli %scan3A_278, %mul3A_279 : i32
          %add3A_281 = arith.constant 0 : i32
          %add3A_282 = arith.addi %add3A_281, %mul3A_280 : i32
          %broadcast_in_dim3A_283 = vector.broadcast %add3A_282 : i32 to vector<16xi32>
          %reshape3A_284 = vector.shape_cast %broadcast_in_dim3A_283 : vector<16xi32> to vector<16x1xi32>
          %gather3A_285 = vector.shape_cast %reshape3A_284 : vector<16x1xi32> to vector<16xi32>
          %gather3A_286 = tpu.dynamic_gather %get3A_223[%gather3A_285] in [0] : vector<16xf32>, vector<16xi32> -> vector<16xf32>
          %add3A_287 = arith.addi %mul3A_225, %add3A_282 : i32
          %get3A_288 = arith.index_cast %add3A_287 : i32 to index
          %get3A_289 = arith.constant 0 : index
          %get3A_290 = tpu.vector_load %arg10[%get3A_288, %get3A_289] {strides = array<i32>} : memref<80x64xf32, #tpu.memory_space<vmem>>, vector<1x16xf32>,
          %get3A_291 = vector.shape_cast %get3A_290 : vector<1x16xf32> to vector<16xf32>
          %mul3A_292 = arith.mulf %get3A_291, %gather3A_286 : vector<16xf32>
          %swap3A_293 = arith.index_cast %add3A_287 : i32 to index
          %swap3A_294 = arith.constant 0 : index
          %swap3A_295 = tpu.vector_load %arg10[%swap3A_293, %swap3A_294] {strides = array<i32>} : memref<80x64xf32, #tpu.memory_space<vmem>>, vector<1x16xf32>,
          %swap3A_296 = vector.shape_cast %swap3A_295 : vector<1x16xf32> to vector<16xf32>
          %swap3A_297 = vector.shape_cast %mul3A_292 : vector<16xf32> to vector<1x16xf32>
          tpu.vector_store %arg10[%swap3A_293, %swap3A_294], %swap3A_297 {strides = array<i32>} : memref<80x64xf32, #tpu.memory_space<vmem>>, vector<1x16xf32>,
          %get3A_298 = arith.index_cast %add3A_287 : i32 to index
          %get3A_299 = arith.constant 16 : index
          %get3A_300 = tpu.vector_load %arg10[%get3A_298, %get3A_299] {strides = array<i32>} : memref<80x64xf32, #tpu.memory_space<vmem>>, vector<1x16xf32>,
          %get3A_301 = vector.shape_cast %get3A_300 : vector<1x16xf32> to vector<16xf32>
          %mul3A_302 = arith.mulf %get3A_301, %gather3A_286 : vector<16xf32>
          %swap3A_303 = arith.index_cast %add3A_287 : i32 to index
          %swap3A_304 = arith.constant 16 : index
          %swap3A_305 = tpu.vector_load %arg10[%swap3A_303, %swap3A_304] {strides = array<i32>} : memref<80x64xf32, #tpu.memory_space<vmem>>, vector<1x16xf32>,
          %swap3A_306 = vector.shape_cast %swap3A_305 : vector<1x16xf32> to vector<16xf32>
          %swap3A_307 = vector.shape_cast %mul3A_302 : vector<16xf32> to vector<1x16xf32>
          tpu.vector_store %arg10[%swap3A_303, %swap3A_304], %swap3A_307 {strides = array<i32>} : memref<80x64xf32, #tpu.memory_space<vmem>>, vector<1x16xf32>,
          %get3A_308 = arith.index_cast %add3A_287 : i32 to index
          %get3A_309 = arith.constant 32 : index
          %get3A_310 = tpu.vector_load %arg10[%get3A_308, %get3A_309] {strides = array<i32>} : memref<80x64xf32, #tpu.memory_space<vmem>>, vector<1x16xf32>,
          %get3A_311 = vector.shape_cast %get3A_310 : vector<1x16xf32> to vector<16xf32>
          %mul3A_312 = arith.mulf %get3A_311, %gather3A_286 : vector<16xf32>
          %swap3A_313 = arith.index_cast %add3A_287 : i32 to index
          %swap3A_314 = arith.constant 32 : index
          %swap3A_315 = tpu.vector_load %arg10[%swap3A_313, %swap3A_314] {strides = array<i32>} : memref<80x64xf32, #tpu.memory_space<vmem>>, vector<1x16xf32>,
          %swap3A_316 = vector.shape_cast %swap3A_315 : vector<1x16xf32> to vector<16xf32>
          %swap3A_317 = vector.shape_cast %mul3A_312 : vector<16xf32> to vector<1x16xf32>
          tpu.vector_store %arg10[%swap3A_313, %swap3A_314], %swap3A_317 {strides = array<i32>} : memref<80x64xf32, #tpu.memory_space<vmem>>, vector<1x16xf32>,
          %get3A_318 = arith.index_cast %add3A_287 : i32 to index
          %get3A_319 = arith.constant 48 : index
          %get3A_320 = tpu.vector_load %arg10[%get3A_318, %get3A_319] {strides = array<i32>} : memref<80x64xf32, #tpu.memory_space<vmem>>, vector<1x16xf32>,
          %get3A_321 = vector.shape_cast %get3A_320 : vector<1x16xf32> to vector<16xf32>
          %mul3A_322 = arith.mulf %get3A_321, %gather3A_286 : vector<16xf32>
          %swap3A_323 = arith.index_cast %add3A_287 : i32 to index
          %swap3A_324 = arith.constant 48 : index
          %swap3A_325 = tpu.vector_load %arg10[%swap3A_323, %swap3A_324] {strides = array<i32>} : memref<80x64xf32, #tpu.memory_space<vmem>>, vector<1x16xf32>,
          %swap3A_326 = vector.shape_cast %swap3A_325 : vector<1x16xf32> to vector<16xf32>
          %swap3A_327 = vector.shape_cast %mul3A_322 : vector<16xf32> to vector<1x16xf32>
          tpu.vector_store %arg10[%swap3A_323, %swap3A_324], %swap3A_327 {strides = array<i32>} : memref<80x64xf32, #tpu.memory_space<vmem>>, vector<1x16xf32>,
          %scan3A_328 = arith.constant 2 : i32
          %scan3A_329 = arith.addi %scan3A_231, %scan3A_328 : i32
          %mul3A_330 = arith.constant 1 : i32
          %mul3A_331 = arith.muli %scan3A_329, %mul3A_330 : i32
          %add3A_332 = arith.constant 0 : i32
          %add3A_333 = arith.addi %add3A_332, %mul3A_331 : i32
          %broadcast_in_dim3A_334 = vector.broadcast %add3A_333 : i32 to vector<16xi32>
          %reshape3A_335 = vector.shape_cast %broadcast_in_dim3A_334 : vector<16xi32> to vector<16x1xi32>
          %gather3A_336 = vector.shape_cast %reshape3A_335 : vector<16x1xi32> to vector<16xi32>
          %gather3A_337 = tpu.dynamic_gather %get3A_223[%gather3A_336] in [0] : vector<16xf32>, vector<16xi32> -> vector<16xf32>
          %add3A_338 = arith.addi %mul3A_225, %add3A_333 : i32
          %get3A_339 = arith.index_cast %add3A_338 : i32 to index
          %get3A_340 = arith.constant 0 : index
          %get3A_341 = tpu.vector_load %arg10[%get3A_339, %get3A_340] {strides = array<i32>} : memref<80x64xf32, #tpu.memory_space<vmem>>, vector<1x16xf32>,
          %get3A_342 = vector.shape_cast %get3A_341 : vector<1x16xf32> to vector<16xf32>
          %mul3A_343 = arith.mulf %get3A_342, %gather3A_337 : vector<16xf32>
          %swap3A_344 = arith.index_cast %add3A_338 : i32 to index
          %swap3A_345 = arith.constant 0 : index
          %swap3A_346 = tpu.vector_load %arg10[%swap3A_344, %swap3A_345] {strides = array<i32>} : memref<80x64xf32, #tpu.memory_space<vmem>>, vector<1x16xf32>,
          %swap3A_347 = vector.shape_cast %swap3A_346 : vector<1x16xf32> to vector<16xf32>
          %swap3A_348 = vector.shape_cast %mul3A_343 : vector<16xf32> to vector<1x16xf32>
          tpu.vector_store %arg10[%swap3A_344, %swap3A_345], %swap3A_348 {strides = array<i32>} : memref<80x64xf32, #tpu.memory_space<vmem>>, vector<1x16xf32>,
          %get3A_349 = arith.index_cast %add3A_338 : i32 to index
          %get3A_350 = arith.constant 16 : index
          %get3A_351 = tpu.vector_load %arg10[%get3A_349, %get3A_350] {strides = array<i32>} : memref<80x64xf32, #tpu.memory_space<vmem>>, vector<1x16xf32>,
          %get3A_352 = vector.shape_cast %get3A_351 : vector<1x16xf32> to vector<16xf32>
          %mul3A_353 = arith.mulf %get3A_352, %gather3A_337 : vector<16xf32>
          %swap3A_354 = arith.index_cast %add3A_338 : i32 to index
          %swap3A_355 = arith.constant 16 : index
          %swap3A_356 = tpu.vector_load %arg10[%swap3A_354, %swap3A_355] {strides = array<i32>} : memref<80x64xf32, #tpu.memory_space<vmem>>, vector<1x16xf32>,
          %swap3A_357 = vector.shape_cast %swap3A_356 : vector<1x16xf32> to vector<16xf32>
          %swap3A_358 = vector.shape_cast %mul3A_353 : vector<16xf32> to vector<1x16xf32>
          tpu.vector_store %arg10[%swap3A_354, %swap3A_355], %swap3A_358 {strides = array<i32>} : memref<80x64xf32, #tpu.memory_space<vmem>>, vector<1x16xf32>,
          %get3A_359 = arith.index_cast %add3A_338 : i32 to index
          %get3A_360 = arith.constant 32 : index
          %get3A_361 = tpu.vector_load %arg10[%get3A_359, %get3A_360] {strides = array<i32>} : memref<80x64xf32, #tpu.memory_space<vmem>>, vector<1x16xf32>,
          %get3A_362 = vector.shape_cast %get3A_361 : vector<1x16xf32> to vector<16xf32>
          %mul3A_363 = arith.mulf %get3A_362, %gather3A_337 : vector<16xf32>
          %swap3A_364 = arith.index_cast %add3A_338 : i32 to index
          %swap3A_365 = arith.constant 32 : index
          %swap3A_366 = tpu.vector_load %arg10[%swap3A_364, %swap3A_365] {strides = array<i32>} : memref<80x64xf32, #tpu.memory_space<vmem>>, vector<1x16xf32>,
          %swap3A_367 = vector.shape_cast %swap3A_366 : vector<1x16xf32> to vector<16xf32>
          %swap3A_368 = vector.shape_cast %mul3A_363 : vector<16xf32> to vector<1x16xf32>
          tpu.vector_store %arg10[%swap3A_364, %swap3A_365], %swap3A_368 {strides = array<i32>} : memref<80x64xf32, #tpu.memory_space<vmem>>, vector<1x16xf32>,
          %get3A_369 = arith.index_cast %add3A_338 : i32 to index
          %get3A_370 = arith.constant 48 : index
          %get3A_371 = tpu.vector_load %arg10[%get3A_369, %get3A_370] {strides = array<i32>} : memref<80x64xf32, #tpu.memory_space<vmem>>, vector<1x16xf32>,
          %get3A_372 = vector.shape_cast %get3A_371 : vector<1x16xf32> to vector<16xf32>
          %mul3A_373 = arith.mulf %get3A_372, %gather3A_337 : vector<16xf32>
          %swap3A_374 = arith.index_cast %add3A_338 : i32 to index
          %swap3A_375 = arith.constant 48 : index
          %swap3A_376 = tpu.vector_load %arg10[%swap3A_374, %swap3A_375] {strides = array<i32>} : memref<80x64xf32, #tpu.memory_space<vmem>>, vector<1x16xf32>,
          %swap3A_377 = vector.shape_cast %swap3A_376 : vector<1x16xf32> to vector<16xf32>
          %swap3A_378 = vector.shape_cast %mul3A_373 : vector<16xf32> to vector<1x16xf32>
          tpu.vector_store %arg10[%swap3A_374, %swap3A_375], %swap3A_378 {strides = array<i32>} : memref<80x64xf32, #tpu.memory_space<vmem>>, vector<1x16xf32>,
          %scan3A_379 = arith.constant 3 : i32
          %scan3A_380 = arith.addi %scan3A_231, %scan3A_379 : i32
          %mul3A_381 = arith.constant 1 : i32
          %mul3A_382 = arith.muli %scan3A_380, %mul3A_381 : i32
          %add3A_383 = arith.constant 0 : i32
          %add3A_384 = arith.addi %add3A_383, %mul3A_382 : i32
          %broadcast_in_dim3A_385 = vector.broadcast %add3A_384 : i32 to vector<16xi32>
          %reshape3A_386 = vector.shape_cast %broadcast_in_dim3A_385 : vector<16xi32> to vector<16x1xi32>
          %gather3A_387 = vector.shape_cast %reshape3A_386 : vector<16x1xi32> to vector<16xi32>
          %gather3A_388 = tpu.dynamic_gather %get3A_223[%gather3A_387] in [0] : vector<16xf32>, vector<16xi32> -> vector<16xf32>
          %add3A_389 = arith.addi %mul3A_225, %add3A_384 : i32
          %get3A_390 = arith.index_cast %add3A_389 : i32 to index
          %get3A_391 = arith.constant 0 : index
          %get3A_392 = tpu.vector_load %arg10[%get3A_390, %get3A_391] {strides = array<i32>} : memref<80x64xf32, #tpu.memory_space<vmem>>, vector<1x16xf32>,
          %get3A_393 = vector.shape_cast %get3A_392 : vector<1x16xf32> to vector<16xf32>
          %mul3A_394 = arith.mulf %get3A_393, %gather3A_388 : vector<16xf32>
          %swap3A_395 = arith.index_cast %add3A_389 : i32 to index
          %swap3A_396 = arith.constant 0 : index
          %swap3A_397 = tpu.vector_load %arg10[%swap3A_395, %swap3A_396] {strides = array<i32>} : memref<80x64xf32, #tpu.memory_space<vmem>>, vector<1x16xf32>,
          %swap3A_398 = vector.shape_cast %swap3A_397 : vector<1x16xf32> to vector<16xf32>
          %swap3A_399 = vector.shape_cast %mul3A_394 : vector<16xf32> to vector<1x16xf32>
          tpu.vector_store %arg10[%swap3A_395, %swap3A_396], %swap3A_399 {strides = array<i32>} : memref<80x64xf32, #tpu.memory_space<vmem>>, vector<1x16xf32>,
          %get3A_400 = arith.index_cast %add3A_389 : i32 to index
          %get3A_401 = arith.constant 16 : index
          %get3A_402 = tpu.vector_load %arg10[%get3A_400, %get3A_401] {strides = array<i32>} : memref<80x64xf32, #tpu.memory_space<vmem>>, vector<1x16xf32>,
          %get3A_403 = vector.shape_cast %get3A_402 : vector<1x16xf32> to vector<16xf32>
          %mul3A_404 = arith.mulf %get3A_403, %gather3A_388 : vector<16xf32>
          %swap3A_405 = arith.index_cast %add3A_389 : i32 to index
          %swap3A_406 = arith.constant 16 : index
          %swap3A_407 = tpu.vector_load %arg10[%swap3A_405, %swap3A_406] {strides = array<i32>} : memref<80x64xf32, #tpu.memory_space<vmem>>, vector<1x16xf32>,
          %swap3A_408 = vector.shape_cast %swap3A_407 : vector<1x16xf32> to vector<16xf32>
          %swap3A_409 = vector.shape_cast %mul3A_404 : vector<16xf32> to vector<1x16xf32>
          tpu.vector_store %arg10[%swap3A_405, %swap3A_406], %swap3A_409 {strides = array<i32>} : memref<80x64xf32, #tpu.memory_space<vmem>>, vector<1x16xf32>,
          %get3A_410 = arith.index_cast %add3A_389 : i32 to index
          %get3A_411 = arith.constant 32 : index
          %get3A_412 = tpu.vector_load %arg10[%get3A_410, %get3A_411] {strides = array<i32>} : memref<80x64xf32, #tpu.memory_space<vmem>>, vector<1x16xf32>,
          %get3A_413 = vector.shape_cast %get3A_412 : vector<1x16xf32> to vector<16xf32>
          %mul3A_414 = arith.mulf %get3A_413, %gather3A_388 : vector<16xf32>
          %swap3A_415 = arith.index_cast %add3A_389 : i32 to index
          %swap3A_416 = arith.constant 32 : index
          %swap3A_417 = tpu.vector_load %arg10[%swap3A_415, %swap3A_416] {strides = array<i32>} : memref<80x64xf32, #tpu.memory_space<vmem>>, vector<1x16xf32>,
          %swap3A_418 = vector.shape_cast %swap3A_417 : vector<1x16xf32> to vector<16xf32>
          %swap3A_419 = vector.shape_cast %mul3A_414 : vector<16xf32> to vector<1x16xf32>
          tpu.vector_store %arg10[%swap3A_415, %swap3A_416], %swap3A_419 {strides = array<i32>} : memref<80x64xf32, #tpu.memory_space<vmem>>, vector<1x16xf32>,
          %get3A_420 = arith.index_cast %add3A_389 : i32 to index
          %get3A_421 = arith.constant 48 : index
          %get3A_422 = tpu.vector_load %arg10[%get3A_420, %get3A_421] {strides = array<i32>} : memref<80x64xf32, #tpu.memory_space<vmem>>, vector<1x16xf32>,
          %get3A_423 = vector.shape_cast %get3A_422 : vector<1x16xf32> to vector<16xf32>
          %mul3A_424 = arith.mulf %get3A_423, %gather3A_388 : vector<16xf32>
          %swap3A_425 = arith.index_cast %add3A_389 : i32 to index
          %swap3A_426 = arith.constant 48 : index
          %swap3A_427 = tpu.vector_load %arg10[%swap3A_425, %swap3A_426] {strides = array<i32>} : memref<80x64xf32, #tpu.memory_space<vmem>>, vector<1x16xf32>,
          %swap3A_428 = vector.shape_cast %swap3A_427 : vector<1x16xf32> to vector<16xf32>
          %swap3A_429 = vector.shape_cast %mul3A_424 : vector<16xf32> to vector<1x16xf32>
          tpu.vector_store %arg10[%swap3A_425, %swap3A_426], %swap3A_429 {strides = array<i32>} : memref<80x64xf32, #tpu.memory_space<vmem>>, vector<1x16xf32>,
        }
        %scan3A_230 = arith.constant 16 : i32
      }
      %scan3A_129 = arith.constant 5 : i32
      %dma_start3A_130 = arith.constant 0 : i32
      %dma_start3A_131 = tpu.memref_slice %arg8[%add3A_114, %dma_start3A_130] : memref<250x80xi32, #tpu.memory_space<vmem>> -> memref<1x80xi32, #tpu.memory_space<vmem>>
      %dma_start3A_132 = tpu.memref_squeeze %dma_start3A_131 : memref<1x80xi32, #tpu.memory_space<vmem>> -> memref<80xi32, #tpu.memory_space<vmem>>
      %dma_start3A_133 = arith.constant 0 : i32
      %dma_start3A_134 = arith.constant 0 : i32
      %dma_start3A_135 = tpu.memref_slice %arg15[%dma_start3A_133, %dma_start3A_134] : memref<10000x64xf32, #tpu.memory_space<vmem_shared>> -> memref<10000x64xf32, #tpu.memory_space<vmem_shared>>
      tpu.enqueue_indirect_dma source(%arg10 : memref<80x64xf32, #tpu.memory_space<vmem>>) target(%dma_start3A_135 : memref<10000x64xf32, #tpu.memory_space<vmem_shared>>) offsets(%dma_start3A_132 : memref<80xi32, #tpu.memory_space<vmem>>) semaphore(%arg20 : memref<!tpu.dma_semaphore, #tpu.memory_space<semaphore_mem>>) {add = true}
      %add3A_136 = arith.constant 1 : i32
      %add3A_137 = arith.addi %add3A_112, %add3A_136 : i32
      %add3A_138 = arith.constant 1 : i32
      %add3A_139 = arith.addi %add3A_137, %add3A_138 : i32
      %lt3A_140 = arith.constant 250 : i32
      %lt3A_141 = arith.cmpi slt, %add3A_139, %lt3A_140 : i32
      %convert_element_type3A_142 = arith.extui %lt3A_141 : i1 to i32
      %cond3A_143 = arith.constant 0 : i32
      %cond3A_144 = arith.cmpi ne, %convert_element_type3A_142, %cond3A_143 : i32
      scf.if %cond3A_144 {
        %ge3A = arith.constant 4 : i32
        %ge3A_214 = arith.cmpi sge, %add3A_139, %ge3A : i32
        %convert_element_type3A_215 = arith.extui %ge3A_214 : i1 to i32
        %cond3A_216 = arith.constant 0 : i32
        %cond3A_217 = arith.cmpi ne, %convert_element_type3A_215, %cond3A_216 : i32
        scf.if %cond3A_217 {
          %sub3A = arith.constant 4 : i32
          %sub3A_224 = arith.subi %add3A_139, %sub3A : i32
          %dma_wait3A_225 = arith.constant 0 : i32
          %dma_wait3A_226 = tpu.memref_slice %arg8[%sub3A_224, %dma_wait3A_225] : memref<250x80xi32, #tpu.memory_space<vmem>> -> memref<1x80xi32, #tpu.memory_space<vmem>>
          %dma_wait3A_227 = tpu.memref_squeeze %dma_wait3A_226 : memref<1x80xi32, #tpu.memory_space<vmem>> -> memref<80xi32, #tpu.memory_space<vmem>>
          %dma_wait3A_228 = arith.constant 0 : i32
          %dma_wait3A_229 = arith.constant 0 : i32
          %dma_wait3A_230 = tpu.memref_slice %arg15[%dma_wait3A_228, %dma_wait3A_229] : memref<10000x64xf32, #tpu.memory_space<vmem_shared>> -> memref<10000x64xf32, #tpu.memory_space<vmem_shared>>
          tpu.wait_indirect_dma semaphore(%arg22 : memref<!tpu.dma_semaphore, #tpu.memory_space<semaphore_mem>>) src(%arg12 : memref<80x64xf32, #tpu.memory_space<vmem>>) dst(%dma_wait3A_230 : memref<10000x64xf32, #tpu.memory_space<vmem_shared>>)
        } else {
        }
        %dma_start3A_218 = arith.constant 0 : i32
        %dma_start3A_219 = tpu.memref_slice %arg7[%add3A_139, %dma_start3A_218] : memref<250x80xi32, #tpu.memory_space<vmem>> -> memref<1x80xi32, #tpu.memory_space<vmem>>
        %dma_start3A_220 = tpu.memref_squeeze %dma_start3A_219 : memref<1x80xi32, #tpu.memory_space<vmem>> -> memref<80xi32, #tpu.memory_space<vmem>>
        %dma_start3A_221 = arith.constant 0 : i32
        %dma_start3A_222 = arith.constant 0 : i32
        %dma_start3A_223 = tpu.memref_slice %arg2[%dma_start3A_221, %dma_start3A_222] : memref<20000x64xf32, #tpu.memory_space<hbm>> -> memref<20000x64xf32, #tpu.memory_space<hbm>>
        tpu.enqueue_indirect_dma source(%dma_start3A_223 : memref<20000x64xf32, #tpu.memory_space<hbm>>) target(%arg12 : memref<80x64xf32, #tpu.memory_space<vmem>>) offsets(%dma_start3A_220 : memref<80xi32, #tpu.memory_space<vmem>>) semaphore(%arg18 : memref<!tpu.dma_semaphore, #tpu.memory_space<semaphore_mem>>)
      } else {
      }
      %dma_wait3A_145 = arith.constant 0 : i32
      %dma_wait3A_146 = tpu.memref_slice %arg7[%add3A_137, %dma_wait3A_145] : memref<250x80xi32, #tpu.memory_space<vmem>> -> memref<1x80xi32, #tpu.memory_space<vmem>>
      %dma_wait3A_147 = tpu.memref_squeeze %dma_wait3A_146 : memref<1x80xi32, #tpu.memory_space<vmem>> -> memref<80xi32, #tpu.memory_space<vmem>>
      %dma_wait3A_148 = arith.constant 0 : i32
      %dma_wait3A_149 = arith.constant 0 : i32
      %dma_wait3A_150 = tpu.memref_slice %arg2[%dma_wait3A_148, %dma_wait3A_149] : memref<20000x64xf32, #tpu.memory_space<hbm>> -> memref<20000x64xf32, #tpu.memory_space<hbm>>
      tpu.wait_indirect_dma semaphore(%arg17 : memref<!tpu.dma_semaphore, #tpu.memory_space<semaphore_mem>>) src(%dma_wait3A_150 : memref<20000x64xf32, #tpu.memory_space<hbm>>) dst(%arg11 : memref<80x64xf32, #tpu.memory_space<vmem>>)
      %scan3A_151 = arith.constant 0 : i32
      %scan3A_152 = arith.constant 5 : i32
      %scan3A_153 = arith.addi %scan3A_151, %scan3A_152 : i32
      %scan3A_154 = arith.constant 1 : i32
      scf.for %scan3A_214 = %scan3A_151 to %scan3A_153 step %scan3A_154  : i32 {
        %mul3A_215 = arith.constant 1 : i32
        %mul3A_216 = arith.muli %scan3A_214, %mul3A_215 : i32
        %add3A_217 = arith.constant 0 : i32
        %add3A_218 = arith.addi %add3A_217, %mul3A_216 : i32
        %mul3A_219 = arith.constant 16 : i32
        %mul3A_220 = arith.muli %add3A_218, %mul3A_219 : i32
        %get3A = arith.index_cast %add3A_137 : i32 to index
        %get3A_221 = arith.index_cast %mul3A_220 : i32 to index
        %get3A_222 = tpu.vector_load %arg9[%get3A, %get3A_221] {strides = array<i32>} : memref<250x80xf32, #tpu.memory_space<vmem>>, vector<1x16xf32>,
        %get3A_223 = vector.shape_cast %get3A_222 : vector<1x16xf32> to vector<16xf32>
        %mul3A_224 = arith.constant 16 : i32
        %mul3A_225 = arith.muli %add3A_218, %mul3A_224 : i32
        %scan3A_226 = arith.constant 0 : i32
        %scan3A_227 = arith.constant 16 : i32
        %scan3A_228 = arith.addi %scan3A_226, %scan3A_227 : i32
        %scan3A_229 = arith.constant 4 : i32
        scf.for %scan3A_231 = %scan3A_226 to %scan3A_228 step %scan3A_229  : i32 {
          %mul3A_232 = arith.constant 1 : i32
          %mul3A_233 = arith.muli %scan3A_231, %mul3A_232 : i32
          %add3A_234 = arith.constant 0 : i32
          %add3A_235 = arith.addi %add3A_234, %mul3A_233 : i32
          %broadcast_in_dim3A = vector.broadcast %add3A_235 : i32 to vector<16xi32>
          %reshape3A = vector.shape_cast %broadcast_in_dim3A : vector<16xi32> to vector<16x1xi32>
          %gather3A = vector.shape_cast %reshape3A : vector<16x1xi32> to vector<16xi32>
          %gather3A_236 = tpu.dynamic_gather %get3A_223[%gather3A] in [0] : vector<16xf32>, vector<16xi32> -> vector<16xf32>
          %add3A_237 = arith.addi %mul3A_225, %add3A_235 : i32
          %get3A_238 = arith.index_cast %add3A_237 : i32 to index
          %get3A_239 = arith.constant 0 : index
          %get3A_240 = tpu.vector_load %arg11[%get3A_238, %get3A_239] {strides = array<i32>} : memref<80x64xf32, #tpu.memory_space<vmem>>, vector<1x16xf32>,
          %get3A_241 = vector.shape_cast %get3A_240 : vector<1x16xf32> to vector<16xf32>
          %mul3A_242 = arith.mulf %get3A_241, %gather3A_236 : vector<16xf32>
          %swap3A = arith.index_cast %add3A_237 : i32 to index
          %swap3A_243 = arith.constant 0 : index
          %swap3A_244 = tpu.vector_load %arg11[%swap3A, %swap3A_243] {strides = array<i32>} : memref<80x64xf32, #tpu.memory_space<vmem>>, vector<1x16xf32>,
          %swap3A_245 = vector.shape_cast %swap3A_244 : vector<1x16xf32> to vector<16xf32>
          %swap3A_246 = vector.shape_cast %mul3A_242 : vector<16xf32> to vector<1x16xf32>
          tpu.vector_store %arg11[%swap3A, %swap3A_243], %swap3A_246 {strides = array<i32>} : memref<80x64xf32, #tpu.memory_space<vmem>>, vector<1x16xf32>,
          %get3A_247 = arith.index_cast %add3A_237 : i32 to index
          %get3A_248 = arith.constant 16 : index
          %get3A_249 = tpu.vector_load %arg11[%get3A_247, %get3A_248] {strides = array<i32>} : memref<80x64xf32, #tpu.memory_space<vmem>>, vector<1x16xf32>,
          %get3A_250 = vector.shape_cast %get3A_249 : vector<1x16xf32> to vector<16xf32>
          %mul3A_251 = arith.mulf %get3A_250, %gather3A_236 : vector<16xf32>
          %swap3A_252 = arith.index_cast %add3A_237 : i32 to index
          %swap3A_253 = arith.constant 16 : index
          %swap3A_254 = tpu.vector_load %arg11[%swap3A_252, %swap3A_253] {strides = array<i32>} : memref<80x64xf32, #tpu.memory_space<vmem>>, vector<1x16xf32>,
          %swap3A_255 = vector.shape_cast %swap3A_254 : vector<1x16xf32> to vector<16xf32>
          %swap3A_256 = vector.shape_cast %mul3A_251 : vector<16xf32> to vector<1x16xf32>
          tpu.vector_store %arg11[%swap3A_252, %swap3A_253], %swap3A_256 {strides = array<i32>} : memref<80x64xf32, #tpu.memory_space<vmem>>, vector<1x16xf32>,
          %get3A_257 = arith.index_cast %add3A_237 : i32 to index
          %get3A_258 = arith.constant 32 : index
          %get3A_259 = tpu.vector_load %arg11[%get3A_257, %get3A_258] {strides = array<i32>} : memref<80x64xf32, #tpu.memory_space<vmem>>, vector<1x16xf32>,
          %get3A_260 = vector.shape_cast %get3A_259 : vector<1x16xf32> to vector<16xf32>
          %mul3A_261 = arith.mulf %get3A_260, %gather3A_236 : vector<16xf32>
          %swap3A_262 = arith.index_cast %add3A_237 : i32 to index
          %swap3A_263 = arith.constant 32 : index
          %swap3A_264 = tpu.vector_load %arg11[%swap3A_262, %swap3A_263] {strides = array<i32>} : memref<80x64xf32, #tpu.memory_space<vmem>>, vector<1x16xf32>,
          %swap3A_265 = vector.shape_cast %swap3A_264 : vector<1x16xf32> to vector<16xf32>
          %swap3A_266 = vector.shape_cast %mul3A_261 : vector<16xf32> to vector<1x16xf32>
          tpu.vector_store %arg11[%swap3A_262, %swap3A_263], %swap3A_266 {strides = array<i32>} : memref<80x64xf32, #tpu.memory_space<vmem>>, vector<1x16xf32>,
          %get3A_267 = arith.index_cast %add3A_237 : i32 to index
          %get3A_268 = arith.constant 48 : index
          %get3A_269 = tpu.vector_load %arg11[%get3A_267, %get3A_268] {strides = array<i32>} : memref<80x64xf32, #tpu.memory_space<vmem>>, vector<1x16xf32>,
          %get3A_270 = vector.shape_cast %get3A_269 : vector<1x16xf32> to vector<16xf32>
          %mul3A_271 = arith.mulf %get3A_270, %gather3A_236 : vector<16xf32>
          %swap3A_272 = arith.index_cast %add3A_237 : i32 to index
          %swap3A_273 = arith.constant 48 : index
          %swap3A_274 = tpu.vector_load %arg11[%swap3A_272, %swap3A_273] {strides = array<i32>} : memref<80x64xf32, #tpu.memory_space<vmem>>, vector<1x16xf32>,
          %swap3A_275 = vector.shape_cast %swap3A_274 : vector<1x16xf32> to vector<16xf32>
          %swap3A_276 = vector.shape_cast %mul3A_271 : vector<16xf32> to vector<1x16xf32>
          tpu.vector_store %arg11[%swap3A_272, %swap3A_273], %swap3A_276 {strides = array<i32>} : memref<80x64xf32, #tpu.memory_space<vmem>>, vector<1x16xf32>,
          %scan3A_277 = arith.constant 1 : i32
          %scan3A_278 = arith.addi %scan3A_231, %scan3A_277 : i32
          %mul3A_279 = arith.constant 1 : i32
          %mul3A_280 = arith.muli %scan3A_278, %mul3A_279 : i32
          %add3A_281 = arith.constant 0 : i32
          %add3A_282 = arith.addi %add3A_281, %mul3A_280 : i32
          %broadcast_in_dim3A_283 = vector.broadcast %add3A_282 : i32 to vector<16xi32>
          %reshape3A_284 = vector.shape_cast %broadcast_in_dim3A_283 : vector<16xi32> to vector<16x1xi32>
          %gather3A_285 = vector.shape_cast %reshape3A_284 : vector<16x1xi32> to vector<16xi32>
          %gather3A_286 = tpu.dynamic_gather %get3A_223[%gather3A_285] in [0] : vector<16xf32>, vector<16xi32> -> vector<16xf32>
          %add3A_287 = arith.addi %mul3A_225, %add3A_282 : i32
          %get3A_288 = arith.index_cast %add3A_287 : i32 to index
          %get3A_289 = arith.constant 0 : index
          %get3A_290 = tpu.vector_load %arg11[%get3A_288, %get3A_289] {strides = array<i32>} : memref<80x64xf32, #tpu.memory_space<vmem>>, vector<1x16xf32>,
          %get3A_291 = vector.shape_cast %get3A_290 : vector<1x16xf32> to vector<16xf32>
          %mul3A_292 = arith.mulf %get3A_291, %gather3A_286 : vector<16xf32>
          %swap3A_293 = arith.index_cast %add3A_287 : i32 to index
          %swap3A_294 = arith.constant 0 : index
          %swap3A_295 = tpu.vector_load %arg11[%swap3A_293, %swap3A_294] {strides = array<i32>} : memref<80x64xf32, #tpu.memory_space<vmem>>, vector<1x16xf32>,
          %swap3A_296 = vector.shape_cast %swap3A_295 : vector<1x16xf32> to vector<16xf32>
          %swap3A_297 = vector.shape_cast %mul3A_292 : vector<16xf32> to vector<1x16xf32>
          tpu.vector_store %arg11[%swap3A_293, %swap3A_294], %swap3A_297 {strides = array<i32>} : memref<80x64xf32, #tpu.memory_space<vmem>>, vector<1x16xf32>,
          %get3A_298 = arith.index_cast %add3A_287 : i32 to index
          %get3A_299 = arith.constant 16 : index
          %get3A_300 = tpu.vector_load %arg11[%get3A_298, %get3A_299] {strides = array<i32>} : memref<80x64xf32, #tpu.memory_space<vmem>>, vector<1x16xf32>,
          %get3A_301 = vector.shape_cast %get3A_300 : vector<1x16xf32> to vector<16xf32>
          %mul3A_302 = arith.mulf %get3A_301, %gather3A_286 : vector<16xf32>
          %swap3A_303 = arith.index_cast %add3A_287 : i32 to index
          %swap3A_304 = arith.constant 16 : index
          %swap3A_305 = tpu.vector_load %arg11[%swap3A_303, %swap3A_304] {strides = array<i32>} : memref<80x64xf32, #tpu.memory_space<vmem>>, vector<1x16xf32>,
          %swap3A_306 = vector.shape_cast %swap3A_305 : vector<1x16xf32> to vector<16xf32>
          %swap3A_307 = vector.shape_cast %mul3A_302 : vector<16xf32> to vector<1x16xf32>
          tpu.vector_store %arg11[%swap3A_303, %swap3A_304], %swap3A_307 {strides = array<i32>} : memref<80x64xf32, #tpu.memory_space<vmem>>, vector<1x16xf32>,
          %get3A_308 = arith.index_cast %add3A_287 : i32 to index
          %get3A_309 = arith.constant 32 : index
          %get3A_310 = tpu.vector_load %arg11[%get3A_308, %get3A_309] {strides = array<i32>} : memref<80x64xf32, #tpu.memory_space<vmem>>, vector<1x16xf32>,
          %get3A_311 = vector.shape_cast %get3A_310 : vector<1x16xf32> to vector<16xf32>
          %mul3A_312 = arith.mulf %get3A_311, %gather3A_286 : vector<16xf32>
          %swap3A_313 = arith.index_cast %add3A_287 : i32 to index
          %swap3A_314 = arith.constant 32 : index
          %swap3A_315 = tpu.vector_load %arg11[%swap3A_313, %swap3A_314] {strides = array<i32>} : memref<80x64xf32, #tpu.memory_space<vmem>>, vector<1x16xf32>,
          %swap3A_316 = vector.shape_cast %swap3A_315 : vector<1x16xf32> to vector<16xf32>
          %swap3A_317 = vector.shape_cast %mul3A_312 : vector<16xf32> to vector<1x16xf32>
          tpu.vector_store %arg11[%swap3A_313, %swap3A_314], %swap3A_317 {strides = array<i32>} : memref<80x64xf32, #tpu.memory_space<vmem>>, vector<1x16xf32>,
          %get3A_318 = arith.index_cast %add3A_287 : i32 to index
          %get3A_319 = arith.constant 48 : index
          %get3A_320 = tpu.vector_load %arg11[%get3A_318, %get3A_319] {strides = array<i32>} : memref<80x64xf32, #tpu.memory_space<vmem>>, vector<1x16xf32>,
          %get3A_321 = vector.shape_cast %get3A_320 : vector<1x16xf32> to vector<16xf32>
          %mul3A_322 = arith.mulf %get3A_321, %gather3A_286 : vector<16xf32>
          %swap3A_323 = arith.index_cast %add3A_287 : i32 to index
          %swap3A_324 = arith.constant 48 : index
          %swap3A_325 = tpu.vector_load %arg11[%swap3A_323, %swap3A_324] {strides = array<i32>} : memref<80x64xf32, #tpu.memory_space<vmem>>, vector<1x16xf32>,
          %swap3A_326 = vector.shape_cast %swap3A_325 : vector<1x16xf32> to vector<16xf32>
          %swap3A_327 = vector.shape_cast %mul3A_322 : vector<16xf32> to vector<1x16xf32>
          tpu.vector_store %arg11[%swap3A_323, %swap3A_324], %swap3A_327 {strides = array<i32>} : memref<80x64xf32, #tpu.memory_space<vmem>>, vector<1x16xf32>,
          %scan3A_328 = arith.constant 2 : i32
          %scan3A_329 = arith.addi %scan3A_231, %scan3A_328 : i32
          %mul3A_330 = arith.constant 1 : i32
          %mul3A_331 = arith.muli %scan3A_329, %mul3A_330 : i32
          %add3A_332 = arith.constant 0 : i32
          %add3A_333 = arith.addi %add3A_332, %mul3A_331 : i32
          %broadcast_in_dim3A_334 = vector.broadcast %add3A_333 : i32 to vector<16xi32>
          %reshape3A_335 = vector.shape_cast %broadcast_in_dim3A_334 : vector<16xi32> to vector<16x1xi32>
          %gather3A_336 = vector.shape_cast %reshape3A_335 : vector<16x1xi32> to vector<16xi32>
          %gather3A_337 = tpu.dynamic_gather %get3A_223[%gather3A_336] in [0] : vector<16xf32>, vector<16xi32> -> vector<16xf32>
          %add3A_338 = arith.addi %mul3A_225, %add3A_333 : i32
          %get3A_339 = arith.index_cast %add3A_338 : i32 to index
          %get3A_340 = arith.constant 0 : index
          %get3A_341 = tpu.vector_load %arg11[%get3A_339, %get3A_340] {strides = array<i32>} : memref<80x64xf32, #tpu.memory_space<vmem>>, vector<1x16xf32>,
          %get3A_342 = vector.shape_cast %get3A_341 : vector<1x16xf32> to vector<16xf32>
          %mul3A_343 = arith.mulf %get3A_342, %gather3A_337 : vector<16xf32>
          %swap3A_344 = arith.index_cast %add3A_338 : i32 to index
          %swap3A_345 = arith.constant 0 : index
          %swap3A_346 = tpu.vector_load %arg11[%swap3A_344, %swap3A_345] {strides = array<i32>} : memref<80x64xf32, #tpu.memory_space<vmem>>, vector<1x16xf32>,
          %swap3A_347 = vector.shape_cast %swap3A_346 : vector<1x16xf32> to vector<16xf32>
          %swap3A_348 = vector.shape_cast %mul3A_343 : vector<16xf32> to vector<1x16xf32>
          tpu.vector_store %arg11[%swap3A_344, %swap3A_345], %swap3A_348 {strides = array<i32>} : memref<80x64xf32, #tpu.memory_space<vmem>>, vector<1x16xf32>,
          %get3A_349 = arith.index_cast %add3A_338 : i32 to index
          %get3A_350 = arith.constant 16 : index
          %get3A_351 = tpu.vector_load %arg11[%get3A_349, %get3A_350] {strides = array<i32>} : memref<80x64xf32, #tpu.memory_space<vmem>>, vector<1x16xf32>,
          %get3A_352 = vector.shape_cast %get3A_351 : vector<1x16xf32> to vector<16xf32>
          %mul3A_353 = arith.mulf %get3A_352, %gather3A_337 : vector<16xf32>
          %swap3A_354 = arith.index_cast %add3A_338 : i32 to index
          %swap3A_355 = arith.constant 16 : index
          %swap3A_356 = tpu.vector_load %arg11[%swap3A_354, %swap3A_355] {strides = array<i32>} : memref<80x64xf32, #tpu.memory_space<vmem>>, vector<1x16xf32>,
          %swap3A_357 = vector.shape_cast %swap3A_356 : vector<1x16xf32> to vector<16xf32>
          %swap3A_358 = vector.shape_cast %mul3A_353 : vector<16xf32> to vector<1x16xf32>
          tpu.vector_store %arg11[%swap3A_354, %swap3A_355], %swap3A_358 {strides = array<i32>} : memref<80x64xf32, #tpu.memory_space<vmem>>, vector<1x16xf32>,
          %get3A_359 = arith.index_cast %add3A_338 : i32 to index
          %get3A_360 = arith.constant 32 : index
          %get3A_361 = tpu.vector_load %arg11[%get3A_359, %get3A_360] {strides = array<i32>} : memref<80x64xf32, #tpu.memory_space<vmem>>, vector<1x16xf32>,
          %get3A_362 = vector.shape_cast %get3A_361 : vector<1x16xf32> to vector<16xf32>
          %mul3A_363 = arith.mulf %get3A_362, %gather3A_337 : vector<16xf32>
          %swap3A_364 = arith.index_cast %add3A_338 : i32 to index
          %swap3A_365 = arith.constant 32 : index
          %swap3A_366 = tpu.vector_load %arg11[%swap3A_364, %swap3A_365] {strides = array<i32>} : memref<80x64xf32, #tpu.memory_space<vmem>>, vector<1x16xf32>,
          %swap3A_367 = vector.shape_cast %swap3A_366 : vector<1x16xf32> to vector<16xf32>
          %swap3A_368 = vector.shape_cast %mul3A_363 : vector<16xf32> to vector<1x16xf32>
          tpu.vector_store %arg11[%swap3A_364, %swap3A_365], %swap3A_368 {strides = array<i32>} : memref<80x64xf32, #tpu.memory_space<vmem>>, vector<1x16xf32>,
          %get3A_369 = arith.index_cast %add3A_338 : i32 to index
          %get3A_370 = arith.constant 48 : index
          %get3A_371 = tpu.vector_load %arg11[%get3A_369, %get3A_370] {strides = array<i32>} : memref<80x64xf32, #tpu.memory_space<vmem>>, vector<1x16xf32>,
          %get3A_372 = vector.shape_cast %get3A_371 : vector<1x16xf32> to vector<16xf32>
          %mul3A_373 = arith.mulf %get3A_372, %gather3A_337 : vector<16xf32>
          %swap3A_374 = arith.index_cast %add3A_338 : i32 to index
          %swap3A_375 = arith.constant 48 : index
          %swap3A_376 = tpu.vector_load %arg11[%swap3A_374, %swap3A_375] {strides = array<i32>} : memref<80x64xf32, #tpu.memory_space<vmem>>, vector<1x16xf32>,
          %swap3A_377 = vector.shape_cast %swap3A_376 : vector<1x16xf32> to vector<16xf32>
          %swap3A_378 = vector.shape_cast %mul3A_373 : vector<16xf32> to vector<1x16xf32>
          tpu.vector_store %arg11[%swap3A_374, %swap3A_375], %swap3A_378 {strides = array<i32>} : memref<80x64xf32, #tpu.memory_space<vmem>>, vector<1x16xf32>,
          %scan3A_379 = arith.constant 3 : i32
          %scan3A_380 = arith.addi %scan3A_231, %scan3A_379 : i32
          %mul3A_381 = arith.constant 1 : i32
          %mul3A_382 = arith.muli %scan3A_380, %mul3A_381 : i32
          %add3A_383 = arith.constant 0 : i32
          %add3A_384 = arith.addi %add3A_383, %mul3A_382 : i32
          %broadcast_in_dim3A_385 = vector.broadcast %add3A_384 : i32 to vector<16xi32>
          %reshape3A_386 = vector.shape_cast %broadcast_in_dim3A_385 : vector<16xi32> to vector<16x1xi32>
          %gather3A_387 = vector.shape_cast %reshape3A_386 : vector<16x1xi32> to vector<16xi32>
          %gather3A_388 = tpu.dynamic_gather %get3A_223[%gather3A_387] in [0] : vector<16xf32>, vector<16xi32> -> vector<16xf32>
          %add3A_389 = arith.addi %mul3A_225, %add3A_384 : i32
          %get3A_390 = arith.index_cast %add3A_389 : i32 to index
          %get3A_391 = arith.constant 0 : index
          %get3A_392 = tpu.vector_load %arg11[%get3A_390, %get3A_391] {strides = array<i32>} : memref<80x64xf32, #tpu.memory_space<vmem>>, vector<1x16xf32>,
          %get3A_393 = vector.shape_cast %get3A_392 : vector<1x16xf32> to vector<16xf32>
          %mul3A_394 = arith.mulf %get3A_393, %gather3A_388 : vector<16xf32>
          %swap3A_395 = arith.index_cast %add3A_389 : i32 to index
          %swap3A_396 = arith.constant 0 : index
          %swap3A_397 = tpu.vector_load %arg11[%swap3A_395, %swap3A_396] {strides = array<i32>} : memref<80x64xf32, #tpu.memory_space<vmem>>, vector<1x16xf32>,
          %swap3A_398 = vector.shape_cast %swap3A_397 : vector<1x16xf32> to vector<16xf32>
          %swap3A_399 = vector.shape_cast %mul3A_394 : vector<16xf32> to vector<1x16xf32>
          tpu.vector_store %arg11[%swap3A_395, %swap3A_396], %swap3A_399 {strides = array<i32>} : memref<80x64xf32, #tpu.memory_space<vmem>>, vector<1x16xf32>,
          %get3A_400 = arith.index_cast %add3A_389 : i32 to index
          %get3A_401 = arith.constant 16 : index
          %get3A_402 = tpu.vector_load %arg11[%get3A_400, %get3A_401] {strides = array<i32>} : memref<80x64xf32, #tpu.memory_space<vmem>>, vector<1x16xf32>,
          %get3A_403 = vector.shape_cast %get3A_402 : vector<1x16xf32> to vector<16xf32>
          %mul3A_404 = arith.mulf %get3A_403, %gather3A_388 : vector<16xf32>
          %swap3A_405 = arith.index_cast %add3A_389 : i32 to index
          %swap3A_406 = arith.constant 16 : index
          %swap3A_407 = tpu.vector_load %arg11[%swap3A_405, %swap3A_406] {strides = array<i32>} : memref<80x64xf32, #tpu.memory_space<vmem>>, vector<1x16xf32>,
          %swap3A_408 = vector.shape_cast %swap3A_407 : vector<1x16xf32> to vector<16xf32>
          %swap3A_409 = vector.shape_cast %mul3A_404 : vector<16xf32> to vector<1x16xf32>
          tpu.vector_store %arg11[%swap3A_405, %swap3A_406], %swap3A_409 {strides = array<i32>} : memref<80x64xf32, #tpu.memory_space<vmem>>, vector<1x16xf32>,
          %get3A_410 = arith.index_cast %add3A_389 : i32 to index
          %get3A_411 = arith.constant 32 : index
          %get3A_412 = tpu.vector_load %arg11[%get3A_410, %get3A_411] {strides = array<i32>} : memref<80x64xf32, #tpu.memory_space<vmem>>, vector<1x16xf32>,
          %get3A_413 = vector.shape_cast %get3A_412 : vector<1x16xf32> to vector<16xf32>
          %mul3A_414 = arith.mulf %get3A_413, %gather3A_388 : vector<16xf32>
          %swap3A_415 = arith.index_cast %add3A_389 : i32 to index
          %swap3A_416 = arith.constant 32 : index
          %swap3A_417 = tpu.vector_load %arg11[%swap3A_415, %swap3A_416] {strides = array<i32>} : memref<80x64xf32, #tpu.memory_space<vmem>>, vector<1x16xf32>,
          %swap3A_418 = vector.shape_cast %swap3A_417 : vector<1x16xf32> to vector<16xf32>
          %swap3A_419 = vector.shape_cast %mul3A_414 : vector<16xf32> to vector<1x16xf32>
          tpu.vector_store %arg11[%swap3A_415, %swap3A_416], %swap3A_419 {strides = array<i32>} : memref<80x64xf32, #tpu.memory_space<vmem>>, vector<1x16xf32>,
          %get3A_420 = arith.index_cast %add3A_389 : i32 to index
          %get3A_421 = arith.constant 48 : index
          %get3A_422 = tpu.vector_load %arg11[%get3A_420, %get3A_421] {strides = array<i32>} : memref<80x64xf32, #tpu.memory_space<vmem>>, vector<1x16xf32>,
          %get3A_423 = vector.shape_cast %get3A_422 : vector<1x16xf32> to vector<16xf32>
          %mul3A_424 = arith.mulf %get3A_423, %gather3A_388 : vector<16xf32>
          %swap3A_425 = arith.index_cast %add3A_389 : i32 to index
          %swap3A_426 = arith.constant 48 : index
          %swap3A_427 = tpu.vector_load %arg11[%swap3A_425, %swap3A_426] {strides = array<i32>} : memref<80x64xf32, #tpu.memory_space<vmem>>, vector<1x16xf32>,
          %swap3A_428 = vector.shape_cast %swap3A_427 : vector<1x16xf32> to vector<16xf32>
          %swap3A_429 = vector.shape_cast %mul3A_424 : vector<16xf32> to vector<1x16xf32>
          tpu.vector_store %arg11[%swap3A_425, %swap3A_426], %swap3A_429 {strides = array<i32>} : memref<80x64xf32, #tpu.memory_space<vmem>>, vector<1x16xf32>,
        }
        %scan3A_230 = arith.constant 16 : i32
      }
      %scan3A_155 = arith.constant 5 : i32
      %dma_start3A_156 = arith.constant 0 : i32
      %dma_start3A_157 = tpu.memref_slice %arg8[%add3A_137, %dma_start3A_156] : memref<250x80xi32, #tpu.memory_space<vmem>> -> memref<1x80xi32, #tpu.memory_space<vmem>>
      %dma_start3A_158 = tpu.memref_squeeze %dma_start3A_157 : memref<1x80xi32, #tpu.memory_space<vmem>> -> memref<80xi32, #tpu.memory_space<vmem>>
      %dma_start3A_159 = arith.constant 0 : i32
      %dma_start3A_160 = arith.constant 0 : i32
      %dma_start3A_161 = tpu.memref_slice %arg15[%dma_start3A_159, %dma_start3A_160] : memref<10000x64xf32, #tpu.memory_space<vmem_shared>> -> memref<10000x64xf32, #tpu.memory_space<vmem_shared>>
      tpu.enqueue_indirect_dma source(%arg11 : memref<80x64xf32, #tpu.memory_space<vmem>>) target(%dma_start3A_161 : memref<10000x64xf32, #tpu.memory_space<vmem_shared>>) offsets(%dma_start3A_158 : memref<80xi32, #tpu.memory_space<vmem>>) semaphore(%arg21 : memref<!tpu.dma_semaphore, #tpu.memory_space<semaphore_mem>>) {add = true}
      %add3A_162 = arith.constant 2 : i32
      %add3A_163 = arith.addi %add3A_112, %add3A_162 : i32
      %add3A_164 = arith.constant 1 : i32
      %add3A_165 = arith.addi %add3A_163, %add3A_164 : i32
      %lt3A_166 = arith.constant 250 : i32
      %lt3A_167 = arith.cmpi slt, %add3A_165, %lt3A_166 : i32
      %convert_element_type3A_168 = arith.extui %lt3A_167 : i1 to i32
      %cond3A_169 = arith.constant 0 : i32
      %cond3A_170 = arith.cmpi ne, %convert_element_type3A_168, %cond3A_169 : i32
      scf.if %cond3A_170 {
        %ge3A = arith.constant 4 : i32
        %ge3A_214 = arith.cmpi sge, %add3A_165, %ge3A : i32
        %convert_element_type3A_215 = arith.extui %ge3A_214 : i1 to i32
        %cond3A_216 = arith.constant 0 : i32
        %cond3A_217 = arith.cmpi ne, %convert_element_type3A_215, %cond3A_216 : i32
        scf.if %cond3A_217 {
          %sub3A = arith.constant 4 : i32
          %sub3A_224 = arith.subi %add3A_165, %sub3A : i32
          %dma_wait3A_225 = arith.constant 0 : i32
          %dma_wait3A_226 = tpu.memref_slice %arg8[%sub3A_224, %dma_wait3A_225] : memref<250x80xi32, #tpu.memory_space<vmem>> -> memref<1x80xi32, #tpu.memory_space<vmem>>
          %dma_wait3A_227 = tpu.memref_squeeze %dma_wait3A_226 : memref<1x80xi32, #tpu.memory_space<vmem>> -> memref<80xi32, #tpu.memory_space<vmem>>
          %dma_wait3A_228 = arith.constant 0 : i32
          %dma_wait3A_229 = arith.constant 0 : i32
          %dma_wait3A_230 = tpu.memref_slice %arg15[%dma_wait3A_228, %dma_wait3A_229] : memref<10000x64xf32, #tpu.memory_space<vmem_shared>> -> memref<10000x64xf32, #tpu.memory_space<vmem_shared>>
          tpu.wait_indirect_dma semaphore(%arg23 : memref<!tpu.dma_semaphore, #tpu.memory_space<semaphore_mem>>) src(%arg13 : memref<80x64xf32, #tpu.memory_space<vmem>>) dst(%dma_wait3A_230 : memref<10000x64xf32, #tpu.memory_space<vmem_shared>>)
        } else {
        }
        %dma_start3A_218 = arith.constant 0 : i32
        %dma_start3A_219 = tpu.memref_slice %arg7[%add3A_165, %dma_start3A_218] : memref<250x80xi32, #tpu.memory_space<vmem>> -> memref<1x80xi32, #tpu.memory_space<vmem>>
        %dma_start3A_220 = tpu.memref_squeeze %dma_start3A_219 : memref<1x80xi32, #tpu.memory_space<vmem>> -> memref<80xi32, #tpu.memory_space<vmem>>
        %dma_start3A_221 = arith.constant 0 : i32
        %dma_start3A_222 = arith.constant 0 : i32
        %dma_start3A_223 = tpu.memref_slice %arg2[%dma_start3A_221, %dma_start3A_222] : memref<20000x64xf32, #tpu.memory_space<hbm>> -> memref<20000x64xf32, #tpu.memory_space<hbm>>
        tpu.enqueue_indirect_dma source(%dma_start3A_223 : memref<20000x64xf32, #tpu.memory_space<hbm>>) target(%arg13 : memref<80x64xf32, #tpu.memory_space<vmem>>) offsets(%dma_start3A_220 : memref<80xi32, #tpu.memory_space<vmem>>) semaphore(%arg19 : memref<!tpu.dma_semaphore, #tpu.memory_space<semaphore_mem>>)
      } else {
      }
      %dma_wait3A_171 = arith.constant 0 : i32
      %dma_wait3A_172 = tpu.memref_slice %arg7[%add3A_163, %dma_wait3A_171] : memref<250x80xi32, #tpu.memory_space<vmem>> -> memref<1x80xi32, #tpu.memory_space<vmem>>
      %dma_wait3A_173 = tpu.memref_squeeze %dma_wait3A_172 : memref<1x80xi32, #tpu.memory_space<vmem>> -> memref<80xi32, #tpu.memory_space<vmem>>
      %dma_wait3A_174 = arith.constant 0 : i32
      %dma_wait3A_175 = arith.constant 0 : i32
      %dma_wait3A_176 = tpu.memref_slice %arg2[%dma_wait3A_174, %dma_wait3A_175] : memref<20000x64xf32, #tpu.memory_space<hbm>> -> memref<20000x64xf32, #tpu.memory_space<hbm>>
      tpu.wait_indirect_dma semaphore(%arg18 : memref<!tpu.dma_semaphore, #tpu.memory_space<semaphore_mem>>) src(%dma_wait3A_176 : memref<20000x64xf32, #tpu.memory_space<hbm>>) dst(%arg12 : memref<80x64xf32, #tpu.memory_space<vmem>>)
      %scan3A_177 = arith.constant 0 : i32
      %scan3A_178 = arith.constant 5 : i32
      %scan3A_179 = arith.addi %scan3A_177, %scan3A_178 : i32
      %scan3A_180 = arith.constant 1 : i32
      scf.for %scan3A_214 = %scan3A_177 to %scan3A_179 step %scan3A_180  : i32 {
        %mul3A_215 = arith.constant 1 : i32
        %mul3A_216 = arith.muli %scan3A_214, %mul3A_215 : i32
        %add3A_217 = arith.constant 0 : i32
        %add3A_218 = arith.addi %add3A_217, %mul3A_216 : i32
        %mul3A_219 = arith.constant 16 : i32
        %mul3A_220 = arith.muli %add3A_218, %mul3A_219 : i32
        %get3A = arith.index_cast %add3A_163 : i32 to index
        %get3A_221 = arith.index_cast %mul3A_220 : i32 to index
        %get3A_222 = tpu.vector_load %arg9[%get3A, %get3A_221] {strides = array<i32>} : memref<250x80xf32, #tpu.memory_space<vmem>>, vector<1x16xf32>,
        %get3A_223 = vector.shape_cast %get3A_222 : vector<1x16xf32> to vector<16xf32>
        %mul3A_224 = arith.constant 16 : i32
        %mul3A_225 = arith.muli %add3A_218, %mul3A_224 : i32
        %scan3A_226 = arith.constant 0 : i32
        %scan3A_227 = arith.constant 16 : i32
        %scan3A_228 = arith.addi %scan3A_226, %scan3A_227 : i32
        %scan3A_229 = arith.constant 4 : i32
        scf.for %scan3A_231 = %scan3A_226 to %scan3A_228 step %scan3A_229  : i32 {
          %mul3A_232 = arith.constant 1 : i32
          %mul3A_233 = arith.muli %scan3A_231, %mul3A_232 : i32
          %add3A_234 = arith.constant 0 : i32
          %add3A_235 = arith.addi %add3A_234, %mul3A_233 : i32
          %broadcast_in_dim3A = vector.broadcast %add3A_235 : i32 to vector<16xi32>
          %reshape3A = vector.shape_cast %broadcast_in_dim3A : vector<16xi32> to vector<16x1xi32>
          %gather3A = vector.shape_cast %reshape3A : vector<16x1xi32> to vector<16xi32>
          %gather3A_236 = tpu.dynamic_gather %get3A_223[%gather3A] in [0] : vector<16xf32>, vector<16xi32> -> vector<16xf32>
          %add3A_237 = arith.addi %mul3A_225, %add3A_235 : i32
          %get3A_238 = arith.index_cast %add3A_237 : i32 to index
          %get3A_239 = arith.constant 0 : index
          %get3A_240 = tpu.vector_load %arg12[%get3A_238, %get3A_239] {strides = array<i32>} : memref<80x64xf32, #tpu.memory_space<vmem>>, vector<1x16xf32>,
          %get3A_241 = vector.shape_cast %get3A_240 : vector<1x16xf32> to vector<16xf32>
          %mul3A_242 = arith.mulf %get3A_241, %gather3A_236 : vector<16xf32>
          %swap3A = arith.index_cast %add3A_237 : i32 to index
          %swap3A_243 = arith.constant 0 : index
          %swap3A_244 = tpu.vector_load %arg12[%swap3A, %swap3A_243] {strides = array<i32>} : memref<80x64xf32, #tpu.memory_space<vmem>>, vector<1x16xf32>,
          %swap3A_245 = vector.shape_cast %swap3A_244 : vector<1x16xf32> to vector<16xf32>
          %swap3A_246 = vector.shape_cast %mul3A_242 : vector<16xf32> to vector<1x16xf32>
          tpu.vector_store %arg12[%swap3A, %swap3A_243], %swap3A_246 {strides = array<i32>} : memref<80x64xf32, #tpu.memory_space<vmem>>, vector<1x16xf32>,
          %get3A_247 = arith.index_cast %add3A_237 : i32 to index
          %get3A_248 = arith.constant 16 : index
          %get3A_249 = tpu.vector_load %arg12[%get3A_247, %get3A_248] {strides = array<i32>} : memref<80x64xf32, #tpu.memory_space<vmem>>, vector<1x16xf32>,
          %get3A_250 = vector.shape_cast %get3A_249 : vector<1x16xf32> to vector<16xf32>
          %mul3A_251 = arith.mulf %get3A_250, %gather3A_236 : vector<16xf32>
          %swap3A_252 = arith.index_cast %add3A_237 : i32 to index
          %swap3A_253 = arith.constant 16 : index
          %swap3A_254 = tpu.vector_load %arg12[%swap3A_252, %swap3A_253] {strides = array<i32>} : memref<80x64xf32, #tpu.memory_space<vmem>>, vector<1x16xf32>,
          %swap3A_255 = vector.shape_cast %swap3A_254 : vector<1x16xf32> to vector<16xf32>
          %swap3A_256 = vector.shape_cast %mul3A_251 : vector<16xf32> to vector<1x16xf32>
          tpu.vector_store %arg12[%swap3A_252, %swap3A_253], %swap3A_256 {strides = array<i32>} : memref<80x64xf32, #tpu.memory_space<vmem>>, vector<1x16xf32>,
          %get3A_257 = arith.index_cast %add3A_237 : i32 to index
          %get3A_258 = arith.constant 32 : index
          %get3A_259 = tpu.vector_load %arg12[%get3A_257, %get3A_258] {strides = array<i32>} : memref<80x64xf32, #tpu.memory_space<vmem>>, vector<1x16xf32>,
          %get3A_260 = vector.shape_cast %get3A_259 : vector<1x16xf32> to vector<16xf32>
          %mul3A_261 = arith.mulf %get3A_260, %gather3A_236 : vector<16xf32>
          %swap3A_262 = arith.index_cast %add3A_237 : i32 to index
          %swap3A_263 = arith.constant 32 : index
          %swap3A_264 = tpu.vector_load %arg12[%swap3A_262, %swap3A_263] {strides = array<i32>} : memref<80x64xf32, #tpu.memory_space<vmem>>, vector<1x16xf32>,
          %swap3A_265 = vector.shape_cast %swap3A_264 : vector<1x16xf32> to vector<16xf32>
          %swap3A_266 = vector.shape_cast %mul3A_261 : vector<16xf32> to vector<1x16xf32>
          tpu.vector_store %arg12[%swap3A_262, %swap3A_263], %swap3A_266 {strides = array<i32>} : memref<80x64xf32, #tpu.memory_space<vmem>>, vector<1x16xf32>,
          %get3A_267 = arith.index_cast %add3A_237 : i32 to index
          %get3A_268 = arith.constant 48 : index
          %get3A_269 = tpu.vector_load %arg12[%get3A_267, %get3A_268] {strides = array<i32>} : memref<80x64xf32, #tpu.memory_space<vmem>>, vector<1x16xf32>,
          %get3A_270 = vector.shape_cast %get3A_269 : vector<1x16xf32> to vector<16xf32>
          %mul3A_271 = arith.mulf %get3A_270, %gather3A_236 : vector<16xf32>
          %swap3A_272 = arith.index_cast %add3A_237 : i32 to index
          %swap3A_273 = arith.constant 48 : index
          %swap3A_274 = tpu.vector_load %arg12[%swap3A_272, %swap3A_273] {strides = array<i32>} : memref<80x64xf32, #tpu.memory_space<vmem>>, vector<1x16xf32>,
          %swap3A_275 = vector.shape_cast %swap3A_274 : vector<1x16xf32> to vector<16xf32>
          %swap3A_276 = vector.shape_cast %mul3A_271 : vector<16xf32> to vector<1x16xf32>
          tpu.vector_store %arg12[%swap3A_272, %swap3A_273], %swap3A_276 {strides = array<i32>} : memref<80x64xf32, #tpu.memory_space<vmem>>, vector<1x16xf32>,
          %scan3A_277 = arith.constant 1 : i32
          %scan3A_278 = arith.addi %scan3A_231, %scan3A_277 : i32
          %mul3A_279 = arith.constant 1 : i32
          %mul3A_280 = arith.muli %scan3A_278, %mul3A_279 : i32
          %add3A_281 = arith.constant 0 : i32
          %add3A_282 = arith.addi %add3A_281, %mul3A_280 : i32
          %broadcast_in_dim3A_283 = vector.broadcast %add3A_282 : i32 to vector<16xi32>
          %reshape3A_284 = vector.shape_cast %broadcast_in_dim3A_283 : vector<16xi32> to vector<16x1xi32>
          %gather3A_285 = vector.shape_cast %reshape3A_284 : vector<16x1xi32> to vector<16xi32>
          %gather3A_286 = tpu.dynamic_gather %get3A_223[%gather3A_285] in [0] : vector<16xf32>, vector<16xi32> -> vector<16xf32>
          %add3A_287 = arith.addi %mul3A_225, %add3A_282 : i32
          %get3A_288 = arith.index_cast %add3A_287 : i32 to index
          %get3A_289 = arith.constant 0 : index
          %get3A_290 = tpu.vector_load %arg12[%get3A_288, %get3A_289] {strides = array<i32>} : memref<80x64xf32, #tpu.memory_space<vmem>>, vector<1x16xf32>,
          %get3A_291 = vector.shape_cast %get3A_290 : vector<1x16xf32> to vector<16xf32>
          %mul3A_292 = arith.mulf %get3A_291, %gather3A_286 : vector<16xf32>
          %swap3A_293 = arith.index_cast %add3A_287 : i32 to index
          %swap3A_294 = arith.constant 0 : index
          %swap3A_295 = tpu.vector_load %arg12[%swap3A_293, %swap3A_294] {strides = array<i32>} : memref<80x64xf32, #tpu.memory_space<vmem>>, vector<1x16xf32>,
          %swap3A_296 = vector.shape_cast %swap3A_295 : vector<1x16xf32> to vector<16xf32>
          %swap3A_297 = vector.shape_cast %mul3A_292 : vector<16xf32> to vector<1x16xf32>
          tpu.vector_store %arg12[%swap3A_293, %swap3A_294], %swap3A_297 {strides = array<i32>} : memref<80x64xf32, #tpu.memory_space<vmem>>, vector<1x16xf32>,
          %get3A_298 = arith.index_cast %add3A_287 : i32 to index
          %get3A_299 = arith.constant 16 : index
          %get3A_300 = tpu.vector_load %arg12[%get3A_298, %get3A_299] {strides = array<i32>} : memref<80x64xf32, #tpu.memory_space<vmem>>, vector<1x16xf32>,
          %get3A_301 = vector.shape_cast %get3A_300 : vector<1x16xf32> to vector<16xf32>
          %mul3A_302 = arith.mulf %get3A_301, %gather3A_286 : vector<16xf32>
          %swap3A_303 = arith.index_cast %add3A_287 : i32 to index
          %swap3A_304 = arith.constant 16 : index
          %swap3A_305 = tpu.vector_load %arg12[%swap3A_303, %swap3A_304] {strides = array<i32>} : memref<80x64xf32, #tpu.memory_space<vmem>>, vector<1x16xf32>,
          %swap3A_306 = vector.shape_cast %swap3A_305 : vector<1x16xf32> to vector<16xf32>
          %swap3A_307 = vector.shape_cast %mul3A_302 : vector<16xf32> to vector<1x16xf32>
          tpu.vector_store %arg12[%swap3A_303, %swap3A_304], %swap3A_307 {strides = array<i32>} : memref<80x64xf32, #tpu.memory_space<vmem>>, vector<1x16xf32>,
          %get3A_308 = arith.index_cast %add3A_287 : i32 to index
          %get3A_309 = arith.constant 32 : index
          %get3A_310 = tpu.vector_load %arg12[%get3A_308, %get3A_309] {strides = array<i32>} : memref<80x64xf32, #tpu.memory_space<vmem>>, vector<1x16xf32>,
          %get3A_311 = vector.shape_cast %get3A_310 : vector<1x16xf32> to vector<16xf32>
          %mul3A_312 = arith.mulf %get3A_311, %gather3A_286 : vector<16xf32>
          %swap3A_313 = arith.index_cast %add3A_287 : i32 to index
          %swap3A_314 = arith.constant 32 : index
          %swap3A_315 = tpu.vector_load %arg12[%swap3A_313, %swap3A_314] {strides = array<i32>} : memref<80x64xf32, #tpu.memory_space<vmem>>, vector<1x16xf32>,
          %swap3A_316 = vector.shape_cast %swap3A_315 : vector<1x16xf32> to vector<16xf32>
          %swap3A_317 = vector.shape_cast %mul3A_312 : vector<16xf32> to vector<1x16xf32>
          tpu.vector_store %arg12[%swap3A_313, %swap3A_314], %swap3A_317 {strides = array<i32>} : memref<80x64xf32, #tpu.memory_space<vmem>>, vector<1x16xf32>,
          %get3A_318 = arith.index_cast %add3A_287 : i32 to index
          %get3A_319 = arith.constant 48 : index
          %get3A_320 = tpu.vector_load %arg12[%get3A_318, %get3A_319] {strides = array<i32>} : memref<80x64xf32, #tpu.memory_space<vmem>>, vector<1x16xf32>,
          %get3A_321 = vector.shape_cast %get3A_320 : vector<1x16xf32> to vector<16xf32>
          %mul3A_322 = arith.mulf %get3A_321, %gather3A_286 : vector<16xf32>
          %swap3A_323 = arith.index_cast %add3A_287 : i32 to index
          %swap3A_324 = arith.constant 48 : index
          %swap3A_325 = tpu.vector_load %arg12[%swap3A_323, %swap3A_324] {strides = array<i32>} : memref<80x64xf32, #tpu.memory_space<vmem>>, vector<1x16xf32>,
          %swap3A_326 = vector.shape_cast %swap3A_325 : vector<1x16xf32> to vector<16xf32>
          %swap3A_327 = vector.shape_cast %mul3A_322 : vector<16xf32> to vector<1x16xf32>
          tpu.vector_store %arg12[%swap3A_323, %swap3A_324], %swap3A_327 {strides = array<i32>} : memref<80x64xf32, #tpu.memory_space<vmem>>, vector<1x16xf32>,
          %scan3A_328 = arith.constant 2 : i32
          %scan3A_329 = arith.addi %scan3A_231, %scan3A_328 : i32
          %mul3A_330 = arith.constant 1 : i32
          %mul3A_331 = arith.muli %scan3A_329, %mul3A_330 : i32
          %add3A_332 = arith.constant 0 : i32
          %add3A_333 = arith.addi %add3A_332, %mul3A_331 : i32
          %broadcast_in_dim3A_334 = vector.broadcast %add3A_333 : i32 to vector<16xi32>
          %reshape3A_335 = vector.shape_cast %broadcast_in_dim3A_334 : vector<16xi32> to vector<16x1xi32>
          %gather3A_336 = vector.shape_cast %reshape3A_335 : vector<16x1xi32> to vector<16xi32>
          %gather3A_337 = tpu.dynamic_gather %get3A_223[%gather3A_336] in [0] : vector<16xf32>, vector<16xi32> -> vector<16xf32>
          %add3A_338 = arith.addi %mul3A_225, %add3A_333 : i32
          %get3A_339 = arith.index_cast %add3A_338 : i32 to index
          %get3A_340 = arith.constant 0 : index
          %get3A_341 = tpu.vector_load %arg12[%get3A_339, %get3A_340] {strides = array<i32>} : memref<80x64xf32, #tpu.memory_space<vmem>>, vector<1x16xf32>,
          %get3A_342 = vector.shape_cast %get3A_341 : vector<1x16xf32> to vector<16xf32>
          %mul3A_343 = arith.mulf %get3A_342, %gather3A_337 : vector<16xf32>
          %swap3A_344 = arith.index_cast %add3A_338 : i32 to index
          %swap3A_345 = arith.constant 0 : index
          %swap3A_346 = tpu.vector_load %arg12[%swap3A_344, %swap3A_345] {strides = array<i32>} : memref<80x64xf32, #tpu.memory_space<vmem>>, vector<1x16xf32>,
          %swap3A_347 = vector.shape_cast %swap3A_346 : vector<1x16xf32> to vector<16xf32>
          %swap3A_348 = vector.shape_cast %mul3A_343 : vector<16xf32> to vector<1x16xf32>
          tpu.vector_store %arg12[%swap3A_344, %swap3A_345], %swap3A_348 {strides = array<i32>} : memref<80x64xf32, #tpu.memory_space<vmem>>, vector<1x16xf32>,
          %get3A_349 = arith.index_cast %add3A_338 : i32 to index
          %get3A_350 = arith.constant 16 : index
          %get3A_351 = tpu.vector_load %arg12[%get3A_349, %get3A_350] {strides = array<i32>} : memref<80x64xf32, #tpu.memory_space<vmem>>, vector<1x16xf32>,
          %get3A_352 = vector.shape_cast %get3A_351 : vector<1x16xf32> to vector<16xf32>
          %mul3A_353 = arith.mulf %get3A_352, %gather3A_337 : vector<16xf32>
          %swap3A_354 = arith.index_cast %add3A_338 : i32 to index
          %swap3A_355 = arith.constant 16 : index
          %swap3A_356 = tpu.vector_load %arg12[%swap3A_354, %swap3A_355] {strides = array<i32>} : memref<80x64xf32, #tpu.memory_space<vmem>>, vector<1x16xf32>,
          %swap3A_357 = vector.shape_cast %swap3A_356 : vector<1x16xf32> to vector<16xf32>
          %swap3A_358 = vector.shape_cast %mul3A_353 : vector<16xf32> to vector<1x16xf32>
          tpu.vector_store %arg12[%swap3A_354, %swap3A_355], %swap3A_358 {strides = array<i32>} : memref<80x64xf32, #tpu.memory_space<vmem>>, vector<1x16xf32>,
          %get3A_359 = arith.index_cast %add3A_338 : i32 to index
          %get3A_360 = arith.constant 32 : index
          %get3A_361 = tpu.vector_load %arg12[%get3A_359, %get3A_360] {strides = array<i32>} : memref<80x64xf32, #tpu.memory_space<vmem>>, vector<1x16xf32>,
          %get3A_362 = vector.shape_cast %get3A_361 : vector<1x16xf32> to vector<16xf32>
          %mul3A_363 = arith.mulf %get3A_362, %gather3A_337 : vector<16xf32>
          %swap3A_364 = arith.index_cast %add3A_338 : i32 to index
          %swap3A_365 = arith.constant 32 : index
          %swap3A_366 = tpu.vector_load %arg12[%swap3A_364, %swap3A_365] {strides = array<i32>} : memref<80x64xf32, #tpu.memory_space<vmem>>, vector<1x16xf32>,
          %swap3A_367 = vector.shape_cast %swap3A_366 : vector<1x16xf32> to vector<16xf32>
          %swap3A_368 = vector.shape_cast %mul3A_363 : vector<16xf32> to vector<1x16xf32>
          tpu.vector_store %arg12[%swap3A_364, %swap3A_365], %swap3A_368 {strides = array<i32>} : memref<80x64xf32, #tpu.memory_space<vmem>>, vector<1x16xf32>,
          %get3A_369 = arith.index_cast %add3A_338 : i32 to index
          %get3A_370 = arith.constant 48 : index
          %get3A_371 = tpu.vector_load %arg12[%get3A_369, %get3A_370] {strides = array<i32>} : memref<80x64xf32, #tpu.memory_space<vmem>>, vector<1x16xf32>,
          %get3A_372 = vector.shape_cast %get3A_371 : vector<1x16xf32> to vector<16xf32>
          %mul3A_373 = arith.mulf %get3A_372, %gather3A_337 : vector<16xf32>
          %swap3A_374 = arith.index_cast %add3A_338 : i32 to index
          %swap3A_375 = arith.constant 48 : index
          %swap3A_376 = tpu.vector_load %arg12[%swap3A_374, %swap3A_375] {strides = array<i32>} : memref<80x64xf32, #tpu.memory_space<vmem>>, vector<1x16xf32>,
          %swap3A_377 = vector.shape_cast %swap3A_376 : vector<1x16xf32> to vector<16xf32>
          %swap3A_378 = vector.shape_cast %mul3A_373 : vector<16xf32> to vector<1x16xf32>
          tpu.vector_store %arg12[%swap3A_374, %swap3A_375], %swap3A_378 {strides = array<i32>} : memref<80x64xf32, #tpu.memory_space<vmem>>, vector<1x16xf32>,
          %scan3A_379 = arith.constant 3 : i32
          %scan3A_380 = arith.addi %scan3A_231, %scan3A_379 : i32
          %mul3A_381 = arith.constant 1 : i32
          %mul3A_382 = arith.muli %scan3A_380, %mul3A_381 : i32
          %add3A_383 = arith.constant 0 : i32
          %add3A_384 = arith.addi %add3A_383, %mul3A_382 : i32
          %broadcast_in_dim3A_385 = vector.broadcast %add3A_384 : i32 to vector<16xi32>
          %reshape3A_386 = vector.shape_cast %broadcast_in_dim3A_385 : vector<16xi32> to vector<16x1xi32>
          %gather3A_387 = vector.shape_cast %reshape3A_386 : vector<16x1xi32> to vector<16xi32>
          %gather3A_388 = tpu.dynamic_gather %get3A_223[%gather3A_387] in [0] : vector<16xf32>, vector<16xi32> -> vector<16xf32>
          %add3A_389 = arith.addi %mul3A_225, %add3A_384 : i32
          %get3A_390 = arith.index_cast %add3A_389 : i32 to index
          %get3A_391 = arith.constant 0 : index
          %get3A_392 = tpu.vector_load %arg12[%get3A_390, %get3A_391] {strides = array<i32>} : memref<80x64xf32, #tpu.memory_space<vmem>>, vector<1x16xf32>,
          %get3A_393 = vector.shape_cast %get3A_392 : vector<1x16xf32> to vector<16xf32>
          %mul3A_394 = arith.mulf %get3A_393, %gather3A_388 : vector<16xf32>
          %swap3A_395 = arith.index_cast %add3A_389 : i32 to index
          %swap3A_396 = arith.constant 0 : index
          %swap3A_397 = tpu.vector_load %arg12[%swap3A_395, %swap3A_396] {strides = array<i32>} : memref<80x64xf32, #tpu.memory_space<vmem>>, vector<1x16xf32>,
          %swap3A_398 = vector.shape_cast %swap3A_397 : vector<1x16xf32> to vector<16xf32>
          %swap3A_399 = vector.shape_cast %mul3A_394 : vector<16xf32> to vector<1x16xf32>
          tpu.vector_store %arg12[%swap3A_395, %swap3A_396], %swap3A_399 {strides = array<i32>} : memref<80x64xf32, #tpu.memory_space<vmem>>, vector<1x16xf32>,
          %get3A_400 = arith.index_cast %add3A_389 : i32 to index
          %get3A_401 = arith.constant 16 : index
          %get3A_402 = tpu.vector_load %arg12[%get3A_400, %get3A_401] {strides = array<i32>} : memref<80x64xf32, #tpu.memory_space<vmem>>, vector<1x16xf32>,
          %get3A_403 = vector.shape_cast %get3A_402 : vector<1x16xf32> to vector<16xf32>
          %mul3A_404 = arith.mulf %get3A_403, %gather3A_388 : vector<16xf32>
          %swap3A_405 = arith.index_cast %add3A_389 : i32 to index
          %swap3A_406 = arith.constant 16 : index
          %swap3A_407 = tpu.vector_load %arg12[%swap3A_405, %swap3A_406] {strides = array<i32>} : memref<80x64xf32, #tpu.memory_space<vmem>>, vector<1x16xf32>,
          %swap3A_408 = vector.shape_cast %swap3A_407 : vector<1x16xf32> to vector<16xf32>
          %swap3A_409 = vector.shape_cast %mul3A_404 : vector<16xf32> to vector<1x16xf32>
          tpu.vector_store %arg12[%swap3A_405, %swap3A_406], %swap3A_409 {strides = array<i32>} : memref<80x64xf32, #tpu.memory_space<vmem>>, vector<1x16xf32>,
          %get3A_410 = arith.index_cast %add3A_389 : i32 to index
          %get3A_411 = arith.constant 32 : index
          %get3A_412 = tpu.vector_load %arg12[%get3A_410, %get3A_411] {strides = array<i32>} : memref<80x64xf32, #tpu.memory_space<vmem>>, vector<1x16xf32>,
          %get3A_413 = vector.shape_cast %get3A_412 : vector<1x16xf32> to vector<16xf32>
          %mul3A_414 = arith.mulf %get3A_413, %gather3A_388 : vector<16xf32>
          %swap3A_415 = arith.index_cast %add3A_389 : i32 to index
          %swap3A_416 = arith.constant 32 : index
          %swap3A_417 = tpu.vector_load %arg12[%swap3A_415, %swap3A_416] {strides = array<i32>} : memref<80x64xf32, #tpu.memory_space<vmem>>, vector<1x16xf32>,
          %swap3A_418 = vector.shape_cast %swap3A_417 : vector<1x16xf32> to vector<16xf32>
          %swap3A_419 = vector.shape_cast %mul3A_414 : vector<16xf32> to vector<1x16xf32>
          tpu.vector_store %arg12[%swap3A_415, %swap3A_416], %swap3A_419 {strides = array<i32>} : memref<80x64xf32, #tpu.memory_space<vmem>>, vector<1x16xf32>,
          %get3A_420 = arith.index_cast %add3A_389 : i32 to index
          %get3A_421 = arith.constant 48 : index
          %get3A_422 = tpu.vector_load %arg12[%get3A_420, %get3A_421] {strides = array<i32>} : memref<80x64xf32, #tpu.memory_space<vmem>>, vector<1x16xf32>,
          %get3A_423 = vector.shape_cast %get3A_422 : vector<1x16xf32> to vector<16xf32>
          %mul3A_424 = arith.mulf %get3A_423, %gather3A_388 : vector<16xf32>
          %swap3A_425 = arith.index_cast %add3A_389 : i32 to index
          %swap3A_426 = arith.constant 48 : index
          %swap3A_427 = tpu.vector_load %arg12[%swap3A_425, %swap3A_426] {strides = array<i32>} : memref<80x64xf32, #tpu.memory_space<vmem>>, vector<1x16xf32>,
          %swap3A_428 = vector.shape_cast %swap3A_427 : vector<1x16xf32> to vector<16xf32>
          %swap3A_429 = vector.shape_cast %mul3A_424 : vector<16xf32> to vector<1x16xf32>
          tpu.vector_store %arg12[%swap3A_425, %swap3A_426], %swap3A_429 {strides = array<i32>} : memref<80x64xf32, #tpu.memory_space<vmem>>, vector<1x16xf32>,
        }
        %scan3A_230 = arith.constant 16 : i32
      }
      %scan3A_181 = arith.constant 5 : i32
      %dma_start3A_182 = arith.constant 0 : i32
      %dma_start3A_183 = tpu.memref_slice %arg8[%add3A_163, %dma_start3A_182] : memref<250x80xi32, #tpu.memory_space<vmem>> -> memref<1x80xi32, #tpu.memory_space<vmem>>
      %dma_start3A_184 = tpu.memref_squeeze %dma_start3A_183 : memref<1x80xi32, #tpu.memory_space<vmem>> -> memref<80xi32, #tpu.memory_space<vmem>>
      %dma_start3A_185 = arith.constant 0 : i32
      %dma_start3A_186 = arith.constant 0 : i32
      %dma_start3A_187 = tpu.memref_slice %arg15[%dma_start3A_185, %dma_start3A_186] : memref<10000x64xf32, #tpu.memory_space<vmem_shared>> -> memref<10000x64xf32, #tpu.memory_space<vmem_shared>>
      tpu.enqueue_indirect_dma source(%arg12 : memref<80x64xf32, #tpu.memory_space<vmem>>) target(%dma_start3A_187 : memref<10000x64xf32, #tpu.memory_space<vmem_shared>>) offsets(%dma_start3A_184 : memref<80xi32, #tpu.memory_space<vmem>>) semaphore(%arg22 : memref<!tpu.dma_semaphore, #tpu.memory_space<semaphore_mem>>) {add = true}
      %add3A_188 = arith.constant 3 : i32
      %add3A_189 = arith.addi %add3A_112, %add3A_188 : i32
      %add3A_190 = arith.constant 1 : i32
      %add3A_191 = arith.addi %add3A_189, %add3A_190 : i32
      %lt3A_192 = arith.constant 250 : i32
      %lt3A_193 = arith.cmpi slt, %add3A_191, %lt3A_192 : i32
      %convert_element_type3A_194 = arith.extui %lt3A_193 : i1 to i32
      %cond3A_195 = arith.constant 0 : i32
      %cond3A_196 = arith.cmpi ne, %convert_element_type3A_194, %cond3A_195 : i32
      scf.if %cond3A_196 {
        %ge3A = arith.constant 4 : i32
        %ge3A_214 = arith.cmpi sge, %add3A_191, %ge3A : i32
        %convert_element_type3A_215 = arith.extui %ge3A_214 : i1 to i32
        %cond3A_216 = arith.constant 0 : i32
        %cond3A_217 = arith.cmpi ne, %convert_element_type3A_215, %cond3A_216 : i32
        scf.if %cond3A_217 {
          %sub3A = arith.constant 4 : i32
          %sub3A_224 = arith.subi %add3A_191, %sub3A : i32
          %dma_wait3A_225 = arith.constant 0 : i32
          %dma_wait3A_226 = tpu.memref_slice %arg8[%sub3A_224, %dma_wait3A_225] : memref<250x80xi32, #tpu.memory_space<vmem>> -> memref<1x80xi32, #tpu.memory_space<vmem>>
          %dma_wait3A_227 = tpu.memref_squeeze %dma_wait3A_226 : memref<1x80xi32, #tpu.memory_space<vmem>> -> memref<80xi32, #tpu.memory_space<vmem>>
          %dma_wait3A_228 = arith.constant 0 : i32
          %dma_wait3A_229 = arith.constant 0 : i32
          %dma_wait3A_230 = tpu.memref_slice %arg15[%dma_wait3A_228, %dma_wait3A_229] : memref<10000x64xf32, #tpu.memory_space<vmem_shared>> -> memref<10000x64xf32, #tpu.memory_space<vmem_shared>>
          tpu.wait_indirect_dma semaphore(%arg20 : memref<!tpu.dma_semaphore, #tpu.memory_space<semaphore_mem>>) src(%arg10 : memref<80x64xf32, #tpu.memory_space<vmem>>) dst(%dma_wait3A_230 : memref<10000x64xf32, #tpu.memory_space<vmem_shared>>)
        } else {
        }
        %dma_start3A_218 = arith.constant 0 : i32
        %dma_start3A_219 = tpu.memref_slice %arg7[%add3A_191, %dma_start3A_218] : memref<250x80xi32, #tpu.memory_space<vmem>> -> memref<1x80xi32, #tpu.memory_space<vmem>>
        %dma_start3A_220 = tpu.memref_squeeze %dma_start3A_219 : memref<1x80xi32, #tpu.memory_space<vmem>> -> memref<80xi32, #tpu.memory_space<vmem>>
        %dma_start3A_221 = arith.constant 0 : i32
        %dma_start3A_222 = arith.constant 0 : i32
        %dma_start3A_223 = tpu.memref_slice %arg2[%dma_start3A_221, %dma_start3A_222] : memref<20000x64xf32, #tpu.memory_space<hbm>> -> memref<20000x64xf32, #tpu.memory_space<hbm>>
        tpu.enqueue_indirect_dma source(%dma_start3A_223 : memref<20000x64xf32, #tpu.memory_space<hbm>>) target(%arg10 : memref<80x64xf32, #tpu.memory_space<vmem>>) offsets(%dma_start3A_220 : memref<80xi32, #tpu.memory_space<vmem>>) semaphore(%arg16 : memref<!tpu.dma_semaphore, #tpu.memory_space<semaphore_mem>>)
      } else {
      }
      %dma_wait3A_197 = arith.constant 0 : i32
      %dma_wait3A_198 = tpu.memref_slice %arg7[%add3A_189, %dma_wait3A_197] : memref<250x80xi32, #tpu.memory_space<vmem>> -> memref<1x80xi32, #tpu.memory_space<vmem>>
      %dma_wait3A_199 = tpu.memref_squeeze %dma_wait3A_198 : memref<1x80xi32, #tpu.memory_space<vmem>> -> memref<80xi32, #tpu.memory_space<vmem>>
      %dma_wait3A_200 = arith.constant 0 : i32
      %dma_wait3A_201 = arith.constant 0 : i32
      %dma_wait3A_202 = tpu.memref_slice %arg2[%dma_wait3A_200, %dma_wait3A_201] : memref<20000x64xf32, #tpu.memory_space<hbm>> -> memref<20000x64xf32, #tpu.memory_space<hbm>>
      tpu.wait_indirect_dma semaphore(%arg19 : memref<!tpu.dma_semaphore, #tpu.memory_space<semaphore_mem>>) src(%dma_wait3A_202 : memref<20000x64xf32, #tpu.memory_space<hbm>>) dst(%arg13 : memref<80x64xf32, #tpu.memory_space<vmem>>)
      %scan3A_203 = arith.constant 0 : i32
      %scan3A_204 = arith.constant 5 : i32
      %scan3A_205 = arith.addi %scan3A_203, %scan3A_204 : i32
      %scan3A_206 = arith.constant 1 : i32
      scf.for %scan3A_214 = %scan3A_203 to %scan3A_205 step %scan3A_206  : i32 {
        %mul3A_215 = arith.constant 1 : i32
        %mul3A_216 = arith.muli %scan3A_214, %mul3A_215 : i32
        %add3A_217 = arith.constant 0 : i32
        %add3A_218 = arith.addi %add3A_217, %mul3A_216 : i32
        %mul3A_219 = arith.constant 16 : i32
        %mul3A_220 = arith.muli %add3A_218, %mul3A_219 : i32
        %get3A = arith.index_cast %add3A_189 : i32 to index
        %get3A_221 = arith.index_cast %mul3A_220 : i32 to index
        %get3A_222 = tpu.vector_load %arg9[%get3A, %get3A_221] {strides = array<i32>} : memref<250x80xf32, #tpu.memory_space<vmem>>, vector<1x16xf32>,
        %get3A_223 = vector.shape_cast %get3A_222 : vector<1x16xf32> to vector<16xf32>
        %mul3A_224 = arith.constant 16 : i32
        %mul3A_225 = arith.muli %add3A_218, %mul3A_224 : i32
        %scan3A_226 = arith.constant 0 : i32
        %scan3A_227 = arith.constant 16 : i32
        %scan3A_228 = arith.addi %scan3A_226, %scan3A_227 : i32
        %scan3A_229 = arith.constant 4 : i32
        scf.for %scan3A_231 = %scan3A_226 to %scan3A_228 step %scan3A_229  : i32 {
          %mul3A_232 = arith.constant 1 : i32
          %mul3A_233 = arith.muli %scan3A_231, %mul3A_232 : i32
          %add3A_234 = arith.constant 0 : i32
          %add3A_235 = arith.addi %add3A_234, %mul3A_233 : i32
          %broadcast_in_dim3A = vector.broadcast %add3A_235 : i32 to vector<16xi32>
          %reshape3A = vector.shape_cast %broadcast_in_dim3A : vector<16xi32> to vector<16x1xi32>
          %gather3A = vector.shape_cast %reshape3A : vector<16x1xi32> to vector<16xi32>
          %gather3A_236 = tpu.dynamic_gather %get3A_223[%gather3A] in [0] : vector<16xf32>, vector<16xi32> -> vector<16xf32>
          %add3A_237 = arith.addi %mul3A_225, %add3A_235 : i32
          %get3A_238 = arith.index_cast %add3A_237 : i32 to index
          %get3A_239 = arith.constant 0 : index
          %get3A_240 = tpu.vector_load %arg13[%get3A_238, %get3A_239] {strides = array<i32>} : memref<80x64xf32, #tpu.memory_space<vmem>>, vector<1x16xf32>,
          %get3A_241 = vector.shape_cast %get3A_240 : vector<1x16xf32> to vector<16xf32>
          %mul3A_242 = arith.mulf %get3A_241, %gather3A_236 : vector<16xf32>
          %swap3A = arith.index_cast %add3A_237 : i32 to index
          %swap3A_243 = arith.constant 0 : index
          %swap3A_244 = tpu.vector_load %arg13[%swap3A, %swap3A_243] {strides = array<i32>} : memref<80x64xf32, #tpu.memory_space<vmem>>, vector<1x16xf32>,
          %swap3A_245 = vector.shape_cast %swap3A_244 : vector<1x16xf32> to vector<16xf32>
          %swap3A_246 = vector.shape_cast %mul3A_242 : vector<16xf32> to vector<1x16xf32>
          tpu.vector_store %arg13[%swap3A, %swap3A_243], %swap3A_246 {strides = array<i32>} : memref<80x64xf32, #tpu.memory_space<vmem>>, vector<1x16xf32>,
          %get3A_247 = arith.index_cast %add3A_237 : i32 to index
          %get3A_248 = arith.constant 16 : index
          %get3A_249 = tpu.vector_load %arg13[%get3A_247, %get3A_248] {strides = array<i32>} : memref<80x64xf32, #tpu.memory_space<vmem>>, vector<1x16xf32>,
          %get3A_250 = vector.shape_cast %get3A_249 : vector<1x16xf32> to vector<16xf32>
          %mul3A_251 = arith.mulf %get3A_250, %gather3A_236 : vector<16xf32>
          %swap3A_252 = arith.index_cast %add3A_237 : i32 to index
          %swap3A_253 = arith.constant 16 : index
          %swap3A_254 = tpu.vector_load %arg13[%swap3A_252, %swap3A_253] {strides = array<i32>} : memref<80x64xf32, #tpu.memory_space<vmem>>, vector<1x16xf32>,
          %swap3A_255 = vector.shape_cast %swap3A_254 : vector<1x16xf32> to vector<16xf32>
          %swap3A_256 = vector.shape_cast %mul3A_251 : vector<16xf32> to vector<1x16xf32>
          tpu.vector_store %arg13[%swap3A_252, %swap3A_253], %swap3A_256 {strides = array<i32>} : memref<80x64xf32, #tpu.memory_space<vmem>>, vector<1x16xf32>,
          %get3A_257 = arith.index_cast %add3A_237 : i32 to index
          %get3A_258 = arith.constant 32 : index
          %get3A_259 = tpu.vector_load %arg13[%get3A_257, %get3A_258] {strides = array<i32>} : memref<80x64xf32, #tpu.memory_space<vmem>>, vector<1x16xf32>,
          %get3A_260 = vector.shape_cast %get3A_259 : vector<1x16xf32> to vector<16xf32>
          %mul3A_261 = arith.mulf %get3A_260, %gather3A_236 : vector<16xf32>
          %swap3A_262 = arith.index_cast %add3A_237 : i32 to index
          %swap3A_263 = arith.constant 32 : index
          %swap3A_264 = tpu.vector_load %arg13[%swap3A_262, %swap3A_263] {strides = array<i32>} : memref<80x64xf32, #tpu.memory_space<vmem>>, vector<1x16xf32>,
          %swap3A_265 = vector.shape_cast %swap3A_264 : vector<1x16xf32> to vector<16xf32>
          %swap3A_266 = vector.shape_cast %mul3A_261 : vector<16xf32> to vector<1x16xf32>
          tpu.vector_store %arg13[%swap3A_262, %swap3A_263], %swap3A_266 {strides = array<i32>} : memref<80x64xf32, #tpu.memory_space<vmem>>, vector<1x16xf32>,
          %get3A_267 = arith.index_cast %add3A_237 : i32 to index
          %get3A_268 = arith.constant 48 : index
          %get3A_269 = tpu.vector_load %arg13[%get3A_267, %get3A_268] {strides = array<i32>} : memref<80x64xf32, #tpu.memory_space<vmem>>, vector<1x16xf32>,
          %get3A_270 = vector.shape_cast %get3A_269 : vector<1x16xf32> to vector<16xf32>
          %mul3A_271 = arith.mulf %get3A_270, %gather3A_236 : vector<16xf32>
          %swap3A_272 = arith.index_cast %add3A_237 : i32 to index
          %swap3A_273 = arith.constant 48 : index
          %swap3A_274 = tpu.vector_load %arg13[%swap3A_272, %swap3A_273] {strides = array<i32>} : memref<80x64xf32, #tpu.memory_space<vmem>>, vector<1x16xf32>,
          %swap3A_275 = vector.shape_cast %swap3A_274 : vector<1x16xf32> to vector<16xf32>
          %swap3A_276 = vector.shape_cast %mul3A_271 : vector<16xf32> to vector<1x16xf32>
          tpu.vector_store %arg13[%swap3A_272, %swap3A_273], %swap3A_276 {strides = array<i32>} : memref<80x64xf32, #tpu.memory_space<vmem>>, vector<1x16xf32>,
          %scan3A_277 = arith.constant 1 : i32
          %scan3A_278 = arith.addi %scan3A_231, %scan3A_277 : i32
          %mul3A_279 = arith.constant 1 : i32
          %mul3A_280 = arith.muli %scan3A_278, %mul3A_279 : i32
          %add3A_281 = arith.constant 0 : i32
          %add3A_282 = arith.addi %add3A_281, %mul3A_280 : i32
          %broadcast_in_dim3A_283 = vector.broadcast %add3A_282 : i32 to vector<16xi32>
          %reshape3A_284 = vector.shape_cast %broadcast_in_dim3A_283 : vector<16xi32> to vector<16x1xi32>
          %gather3A_285 = vector.shape_cast %reshape3A_284 : vector<16x1xi32> to vector<16xi32>
          %gather3A_286 = tpu.dynamic_gather %get3A_223[%gather3A_285] in [0] : vector<16xf32>, vector<16xi32> -> vector<16xf32>
          %add3A_287 = arith.addi %mul3A_225, %add3A_282 : i32
          %get3A_288 = arith.index_cast %add3A_287 : i32 to index
          %get3A_289 = arith.constant 0 : index
          %get3A_290 = tpu.vector_load %arg13[%get3A_288, %get3A_289] {strides = array<i32>} : memref<80x64xf32, #tpu.memory_space<vmem>>, vector<1x16xf32>,
          %get3A_291 = vector.shape_cast %get3A_290 : vector<1x16xf32> to vector<16xf32>
          %mul3A_292 = arith.mulf %get3A_291, %gather3A_286 : vector<16xf32>
          %swap3A_293 = arith.index_cast %add3A_287 : i32 to index
          %swap3A_294 = arith.constant 0 : index
          %swap3A_295 = tpu.vector_load %arg13[%swap3A_293, %swap3A_294] {strides = array<i32>} : memref<80x64xf32, #tpu.memory_space<vmem>>, vector<1x16xf32>,
          %swap3A_296 = vector.shape_cast %swap3A_295 : vector<1x16xf32> to vector<16xf32>
          %swap3A_297 = vector.shape_cast %mul3A_292 : vector<16xf32> to vector<1x16xf32>
          tpu.vector_store %arg13[%swap3A_293, %swap3A_294], %swap3A_297 {strides = array<i32>} : memref<80x64xf32, #tpu.memory_space<vmem>>, vector<1x16xf32>,
          %get3A_298 = arith.index_cast %add3A_287 : i32 to index
          %get3A_299 = arith.constant 16 : index
          %get3A_300 = tpu.vector_load %arg13[%get3A_298, %get3A_299] {strides = array<i32>} : memref<80x64xf32, #tpu.memory_space<vmem>>, vector<1x16xf32>,
          %get3A_301 = vector.shape_cast %get3A_300 : vector<1x16xf32> to vector<16xf32>
          %mul3A_302 = arith.mulf %get3A_301, %gather3A_286 : vector<16xf32>
          %swap3A_303 = arith.index_cast %add3A_287 : i32 to index
          %swap3A_304 = arith.constant 16 : index
          %swap3A_305 = tpu.vector_load %arg13[%swap3A_303, %swap3A_304] {strides = array<i32>} : memref<80x64xf32, #tpu.memory_space<vmem>>, vector<1x16xf32>,
          %swap3A_306 = vector.shape_cast %swap3A_305 : vector<1x16xf32> to vector<16xf32>
          %swap3A_307 = vector.shape_cast %mul3A_302 : vector<16xf32> to vector<1x16xf32>
          tpu.vector_store %arg13[%swap3A_303, %swap3A_304], %swap3A_307 {strides = array<i32>} : memref<80x64xf32, #tpu.memory_space<vmem>>, vector<1x16xf32>,
          %get3A_308 = arith.index_cast %add3A_287 : i32 to index
          %get3A_309 = arith.constant 32 : index
          %get3A_310 = tpu.vector_load %arg13[%get3A_308, %get3A_309] {strides = array<i32>} : memref<80x64xf32, #tpu.memory_space<vmem>>, vector<1x16xf32>,
          %get3A_311 = vector.shape_cast %get3A_310 : vector<1x16xf32> to vector<16xf32>
          %mul3A_312 = arith.mulf %get3A_311, %gather3A_286 : vector<16xf32>
          %swap3A_313 = arith.index_cast %add3A_287 : i32 to index
          %swap3A_314 = arith.constant 32 : index
          %swap3A_315 = tpu.vector_load %arg13[%swap3A_313, %swap3A_314] {strides = array<i32>} : memref<80x64xf32, #tpu.memory_space<vmem>>, vector<1x16xf32>,
          %swap3A_316 = vector.shape_cast %swap3A_315 : vector<1x16xf32> to vector<16xf32>
          %swap3A_317 = vector.shape_cast %mul3A_312 : vector<16xf32> to vector<1x16xf32>
          tpu.vector_store %arg13[%swap3A_313, %swap3A_314], %swap3A_317 {strides = array<i32>} : memref<80x64xf32, #tpu.memory_space<vmem>>, vector<1x16xf32>,
          %get3A_318 = arith.index_cast %add3A_287 : i32 to index
          %get3A_319 = arith.constant 48 : index
          %get3A_320 = tpu.vector_load %arg13[%get3A_318, %get3A_319] {strides = array<i32>} : memref<80x64xf32, #tpu.memory_space<vmem>>, vector<1x16xf32>,
          %get3A_321 = vector.shape_cast %get3A_320 : vector<1x16xf32> to vector<16xf32>
          %mul3A_322 = arith.mulf %get3A_321, %gather3A_286 : vector<16xf32>
          %swap3A_323 = arith.index_cast %add3A_287 : i32 to index
          %swap3A_324 = arith.constant 48 : index
          %swap3A_325 = tpu.vector_load %arg13[%swap3A_323, %swap3A_324] {strides = array<i32>} : memref<80x64xf32, #tpu.memory_space<vmem>>, vector<1x16xf32>,
          %swap3A_326 = vector.shape_cast %swap3A_325 : vector<1x16xf32> to vector<16xf32>
          %swap3A_327 = vector.shape_cast %mul3A_322 : vector<16xf32> to vector<1x16xf32>
          tpu.vector_store %arg13[%swap3A_323, %swap3A_324], %swap3A_327 {strides = array<i32>} : memref<80x64xf32, #tpu.memory_space<vmem>>, vector<1x16xf32>,
          %scan3A_328 = arith.constant 2 : i32
          %scan3A_329 = arith.addi %scan3A_231, %scan3A_328 : i32
          %mul3A_330 = arith.constant 1 : i32
          %mul3A_331 = arith.muli %scan3A_329, %mul3A_330 : i32
          %add3A_332 = arith.constant 0 : i32
          %add3A_333 = arith.addi %add3A_332, %mul3A_331 : i32
          %broadcast_in_dim3A_334 = vector.broadcast %add3A_333 : i32 to vector<16xi32>
          %reshape3A_335 = vector.shape_cast %broadcast_in_dim3A_334 : vector<16xi32> to vector<16x1xi32>
          %gather3A_336 = vector.shape_cast %reshape3A_335 : vector<16x1xi32> to vector<16xi32>
          %gather3A_337 = tpu.dynamic_gather %get3A_223[%gather3A_336] in [0] : vector<16xf32>, vector<16xi32> -> vector<16xf32>
          %add3A_338 = arith.addi %mul3A_225, %add3A_333 : i32
          %get3A_339 = arith.index_cast %add3A_338 : i32 to index
          %get3A_340 = arith.constant 0 : index
          %get3A_341 = tpu.vector_load %arg13[%get3A_339, %get3A_340] {strides = array<i32>} : memref<80x64xf32, #tpu.memory_space<vmem>>, vector<1x16xf32>,
          %get3A_342 = vector.shape_cast %get3A_341 : vector<1x16xf32> to vector<16xf32>
          %mul3A_343 = arith.mulf %get3A_342, %gather3A_337 : vector<16xf32>
          %swap3A_344 = arith.index_cast %add3A_338 : i32 to index
          %swap3A_345 = arith.constant 0 : index
          %swap3A_346 = tpu.vector_load %arg13[%swap3A_344, %swap3A_345] {strides = array<i32>} : memref<80x64xf32, #tpu.memory_space<vmem>>, vector<1x16xf32>,
          %swap3A_347 = vector.shape_cast %swap3A_346 : vector<1x16xf32> to vector<16xf32>
          %swap3A_348 = vector.shape_cast %mul3A_343 : vector<16xf32> to vector<1x16xf32>
          tpu.vector_store %arg13[%swap3A_344, %swap3A_345], %swap3A_348 {strides = array<i32>} : memref<80x64xf32, #tpu.memory_space<vmem>>, vector<1x16xf32>,
          %get3A_349 = arith.index_cast %add3A_338 : i32 to index
          %get3A_350 = arith.constant 16 : index
          %get3A_351 = tpu.vector_load %arg13[%get3A_349, %get3A_350] {strides = array<i32>} : memref<80x64xf32, #tpu.memory_space<vmem>>, vector<1x16xf32>,
          %get3A_352 = vector.shape_cast %get3A_351 : vector<1x16xf32> to vector<16xf32>
          %mul3A_353 = arith.mulf %get3A_352, %gather3A_337 : vector<16xf32>
          %swap3A_354 = arith.index_cast %add3A_338 : i32 to index
          %swap3A_355 = arith.constant 16 : index
          %swap3A_356 = tpu.vector_load %arg13[%swap3A_354, %swap3A_355] {strides = array<i32>} : memref<80x64xf32, #tpu.memory_space<vmem>>, vector<1x16xf32>,
          %swap3A_357 = vector.shape_cast %swap3A_356 : vector<1x16xf32> to vector<16xf32>
          %swap3A_358 = vector.shape_cast %mul3A_353 : vector<16xf32> to vector<1x16xf32>
          tpu.vector_store %arg13[%swap3A_354, %swap3A_355], %swap3A_358 {strides = array<i32>} : memref<80x64xf32, #tpu.memory_space<vmem>>, vector<1x16xf32>,
          %get3A_359 = arith.index_cast %add3A_338 : i32 to index
          %get3A_360 = arith.constant 32 : index
          %get3A_361 = tpu.vector_load %arg13[%get3A_359, %get3A_360] {strides = array<i32>} : memref<80x64xf32, #tpu.memory_space<vmem>>, vector<1x16xf32>,
          %get3A_362 = vector.shape_cast %get3A_361 : vector<1x16xf32> to vector<16xf32>
          %mul3A_363 = arith.mulf %get3A_362, %gather3A_337 : vector<16xf32>
          %swap3A_364 = arith.index_cast %add3A_338 : i32 to index
          %swap3A_365 = arith.constant 32 : index
          %swap3A_366 = tpu.vector_load %arg13[%swap3A_364, %swap3A_365] {strides = array<i32>} : memref<80x64xf32, #tpu.memory_space<vmem>>, vector<1x16xf32>,
          %swap3A_367 = vector.shape_cast %swap3A_366 : vector<1x16xf32> to vector<16xf32>
          %swap3A_368 = vector.shape_cast %mul3A_363 : vector<16xf32> to vector<1x16xf32>
          tpu.vector_store %arg13[%swap3A_364, %swap3A_365], %swap3A_368 {strides = array<i32>} : memref<80x64xf32, #tpu.memory_space<vmem>>, vector<1x16xf32>,
          %get3A_369 = arith.index_cast %add3A_338 : i32 to index
          %get3A_370 = arith.constant 48 : index
          %get3A_371 = tpu.vector_load %arg13[%get3A_369, %get3A_370] {strides = array<i32>} : memref<80x64xf32, #tpu.memory_space<vmem>>, vector<1x16xf32>,
          %get3A_372 = vector.shape_cast %get3A_371 : vector<1x16xf32> to vector<16xf32>
          %mul3A_373 = arith.mulf %get3A_372, %gather3A_337 : vector<16xf32>
          %swap3A_374 = arith.index_cast %add3A_338 : i32 to index
          %swap3A_375 = arith.constant 48 : index
          %swap3A_376 = tpu.vector_load %arg13[%swap3A_374, %swap3A_375] {strides = array<i32>} : memref<80x64xf32, #tpu.memory_space<vmem>>, vector<1x16xf32>,
          %swap3A_377 = vector.shape_cast %swap3A_376 : vector<1x16xf32> to vector<16xf32>
          %swap3A_378 = vector.shape_cast %mul3A_373 : vector<16xf32> to vector<1x16xf32>
          tpu.vector_store %arg13[%swap3A_374, %swap3A_375], %swap3A_378 {strides = array<i32>} : memref<80x64xf32, #tpu.memory_space<vmem>>, vector<1x16xf32>,
          %scan3A_379 = arith.constant 3 : i32
          %scan3A_380 = arith.addi %scan3A_231, %scan3A_379 : i32
          %mul3A_381 = arith.constant 1 : i32
          %mul3A_382 = arith.muli %scan3A_380, %mul3A_381 : i32
          %add3A_383 = arith.constant 0 : i32
          %add3A_384 = arith.addi %add3A_383, %mul3A_382 : i32
          %broadcast_in_dim3A_385 = vector.broadcast %add3A_384 : i32 to vector<16xi32>
          %reshape3A_386 = vector.shape_cast %broadcast_in_dim3A_385 : vector<16xi32> to vector<16x1xi32>
          %gather3A_387 = vector.shape_cast %reshape3A_386 : vector<16x1xi32> to vector<16xi32>
          %gather3A_388 = tpu.dynamic_gather %get3A_223[%gather3A_387] in [0] : vector<16xf32>, vector<16xi32> -> vector<16xf32>
          %add3A_389 = arith.addi %mul3A_225, %add3A_384 : i32
          %get3A_390 = arith.index_cast %add3A_389 : i32 to index
          %get3A_391 = arith.constant 0 : index
          %get3A_392 = tpu.vector_load %arg13[%get3A_390, %get3A_391] {strides = array<i32>} : memref<80x64xf32, #tpu.memory_space<vmem>>, vector<1x16xf32>,
          %get3A_393 = vector.shape_cast %get3A_392 : vector<1x16xf32> to vector<16xf32>
          %mul3A_394 = arith.mulf %get3A_393, %gather3A_388 : vector<16xf32>
          %swap3A_395 = arith.index_cast %add3A_389 : i32 to index
          %swap3A_396 = arith.constant 0 : index
          %swap3A_397 = tpu.vector_load %arg13[%swap3A_395, %swap3A_396] {strides = array<i32>} : memref<80x64xf32, #tpu.memory_space<vmem>>, vector<1x16xf32>,
          %swap3A_398 = vector.shape_cast %swap3A_397 : vector<1x16xf32> to vector<16xf32>
          %swap3A_399 = vector.shape_cast %mul3A_394 : vector<16xf32> to vector<1x16xf32>
          tpu.vector_store %arg13[%swap3A_395, %swap3A_396], %swap3A_399 {strides = array<i32>} : memref<80x64xf32, #tpu.memory_space<vmem>>, vector<1x16xf32>,
          %get3A_400 = arith.index_cast %add3A_389 : i32 to index
          %get3A_401 = arith.constant 16 : index
          %get3A_402 = tpu.vector_load %arg13[%get3A_400, %get3A_401] {strides = array<i32>} : memref<80x64xf32, #tpu.memory_space<vmem>>, vector<1x16xf32>,
          %get3A_403 = vector.shape_cast %get3A_402 : vector<1x16xf32> to vector<16xf32>
          %mul3A_404 = arith.mulf %get3A_403, %gather3A_388 : vector<16xf32>
          %swap3A_405 = arith.index_cast %add3A_389 : i32 to index
          %swap3A_406 = arith.constant 16 : index
          %swap3A_407 = tpu.vector_load %arg13[%swap3A_405, %swap3A_406] {strides = array<i32>} : memref<80x64xf32, #tpu.memory_space<vmem>>, vector<1x16xf32>,
          %swap3A_408 = vector.shape_cast %swap3A_407 : vector<1x16xf32> to vector<16xf32>
          %swap3A_409 = vector.shape_cast %mul3A_404 : vector<16xf32> to vector<1x16xf32>
          tpu.vector_store %arg13[%swap3A_405, %swap3A_406], %swap3A_409 {strides = array<i32>} : memref<80x64xf32, #tpu.memory_space<vmem>>, vector<1x16xf32>,
          %get3A_410 = arith.index_cast %add3A_389 : i32 to index
          %get3A_411 = arith.constant 32 : index
          %get3A_412 = tpu.vector_load %arg13[%get3A_410, %get3A_411] {strides = array<i32>} : memref<80x64xf32, #tpu.memory_space<vmem>>, vector<1x16xf32>,
          %get3A_413 = vector.shape_cast %get3A_412 : vector<1x16xf32> to vector<16xf32>
          %mul3A_414 = arith.mulf %get3A_413, %gather3A_388 : vector<16xf32>
          %swap3A_415 = arith.index_cast %add3A_389 : i32 to index
          %swap3A_416 = arith.constant 32 : index
          %swap3A_417 = tpu.vector_load %arg13[%swap3A_415, %swap3A_416] {strides = array<i32>} : memref<80x64xf32, #tpu.memory_space<vmem>>, vector<1x16xf32>,
          %swap3A_418 = vector.shape_cast %swap3A_417 : vector<1x16xf32> to vector<16xf32>
          %swap3A_419 = vector.shape_cast %mul3A_414 : vector<16xf32> to vector<1x16xf32>
          tpu.vector_store %arg13[%swap3A_415, %swap3A_416], %swap3A_419 {strides = array<i32>} : memref<80x64xf32, #tpu.memory_space<vmem>>, vector<1x16xf32>,
          %get3A_420 = arith.index_cast %add3A_389 : i32 to index
          %get3A_421 = arith.constant 48 : index
          %get3A_422 = tpu.vector_load %arg13[%get3A_420, %get3A_421] {strides = array<i32>} : memref<80x64xf32, #tpu.memory_space<vmem>>, vector<1x16xf32>,
          %get3A_423 = vector.shape_cast %get3A_422 : vector<1x16xf32> to vector<16xf32>
          %mul3A_424 = arith.mulf %get3A_423, %gather3A_388 : vector<16xf32>
          %swap3A_425 = arith.index_cast %add3A_389 : i32 to index
          %swap3A_426 = arith.constant 48 : index
          %swap3A_427 = tpu.vector_load %arg13[%swap3A_425, %swap3A_426] {strides = array<i32>} : memref<80x64xf32, #tpu.memory_space<vmem>>, vector<1x16xf32>,
          %swap3A_428 = vector.shape_cast %swap3A_427 : vector<1x16xf32> to vector<16xf32>
          %swap3A_429 = vector.shape_cast %mul3A_424 : vector<16xf32> to vector<1x16xf32>
          tpu.vector_store %arg13[%swap3A_425, %swap3A_426], %swap3A_429 {strides = array<i32>} : memref<80x64xf32, #tpu.memory_space<vmem>>, vector<1x16xf32>,
        }
        %scan3A_230 = arith.constant 16 : i32
      }
      %scan3A_207 = arith.constant 5 : i32
      %dma_start3A_208 = arith.constant 0 : i32
      %dma_start3A_209 = tpu.memref_slice %arg8[%add3A_189, %dma_start3A_208] : memref<250x80xi32, #tpu.memory_space<vmem>> -> memref<1x80xi32, #tpu.memory_space<vmem>>
      %dma_start3A_210 = tpu.memref_squeeze %dma_start3A_209 : memref<1x80xi32, #tpu.memory_space<vmem>> -> memref<80xi32, #tpu.memory_space<vmem>>
      %dma_start3A_211 = arith.constant 0 : i32
      %dma_start3A_212 = arith.constant 0 : i32
      %dma_start3A_213 = tpu.memref_slice %arg15[%dma_start3A_211, %dma_start3A_212] : memref<10000x64xf32, #tpu.memory_space<vmem_shared>> -> memref<10000x64xf32, #tpu.memory_space<vmem_shared>>
      tpu.enqueue_indirect_dma source(%arg13 : memref<80x64xf32, #tpu.memory_space<vmem>>) target(%dma_start3A_213 : memref<10000x64xf32, #tpu.memory_space<vmem_shared>>) offsets(%dma_start3A_210 : memref<80xi32, #tpu.memory_space<vmem>>) semaphore(%arg23 : memref<!tpu.dma_semaphore, #tpu.memory_space<semaphore_mem>>) {add = true}
    }
    %scan3A_24 = arith.constant 62 : i32
    %dma_wait3A = arith.constant 245 : i32
    %dma_wait3A_25 = arith.constant 0 : i32
    %dma_wait3A_26 = tpu.memref_slice %arg8[%dma_wait3A, %dma_wait3A_25] : memref<250x80xi32, #tpu.memory_space<vmem>> -> memref<1x80xi32, #tpu.memory_space<vmem>>
    %dma_wait3A_27 = tpu.memref_squeeze %dma_wait3A_26 : memref<1x80xi32, #tpu.memory_space<vmem>> -> memref<80xi32, #tpu.memory_space<vmem>>
    %dma_wait3A_28 = arith.constant 0 : i32
    %dma_wait3A_29 = arith.constant 0 : i32
    %dma_wait3A_30 = tpu.memref_slice %arg15[%dma_wait3A_28, %dma_wait3A_29] : memref<10000x64xf32, #tpu.memory_space<vmem_shared>> -> memref<10000x64xf32, #tpu.memory_space<vmem_shared>>
    tpu.wait_indirect_dma semaphore(%arg21 : memref<!tpu.dma_semaphore, #tpu.memory_space<semaphore_mem>>) src(%arg11 : memref<80x64xf32, #tpu.memory_space<vmem>>) dst(%dma_wait3A_30 : memref<10000x64xf32, #tpu.memory_space<vmem_shared>>)
    %dma_start3A_31 = arith.constant 249 : i32
    %dma_start3A_32 = arith.constant 0 : i32
    %dma_start3A_33 = tpu.memref_slice %arg7[%dma_start3A_31, %dma_start3A_32] : memref<250x80xi32, #tpu.memory_space<vmem>> -> memref<1x80xi32, #tpu.memory_space<vmem>>
    %dma_start3A_34 = tpu.memref_squeeze %dma_start3A_33 : memref<1x80xi32, #tpu.memory_space<vmem>> -> memref<80xi32, #tpu.memory_space<vmem>>
    %dma_start3A_35 = arith.constant 0 : i32
    %dma_start3A_36 = arith.constant 0 : i32
    %dma_start3A_37 = tpu.memref_slice %arg2[%dma_start3A_35, %dma_start3A_36] : memref<20000x64xf32, #tpu.memory_space<hbm>> -> memref<20000x64xf32, #tpu.memory_space<hbm>>
    tpu.enqueue_indirect_dma source(%dma_start3A_37 : memref<20000x64xf32, #tpu.memory_space<hbm>>) target(%arg11 : memref<80x64xf32, #tpu.memory_space<vmem>>) offsets(%dma_start3A_34 : memref<80xi32, #tpu.memory_space<vmem>>) semaphore(%arg17 : memref<!tpu.dma_semaphore, #tpu.memory_space<semaphore_mem>>)
    %dma_wait3A_38 = arith.constant 248 : i32
    %dma_wait3A_39 = arith.constant 0 : i32
    %dma_wait3A_40 = tpu.memref_slice %arg7[%dma_wait3A_38, %dma_wait3A_39] : memref<250x80xi32, #tpu.memory_space<vmem>> -> memref<1x80xi32, #tpu.memory_space<vmem>>
    %dma_wait3A_41 = tpu.memref_squeeze %dma_wait3A_40 : memref<1x80xi32, #tpu.memory_space<vmem>> -> memref<80xi32, #tpu.memory_space<vmem>>
    %dma_wait3A_42 = arith.constant 0 : i32
    %dma_wait3A_43 = arith.constant 0 : i32
    %dma_wait3A_44 = tpu.memref_slice %arg2[%dma_wait3A_42, %dma_wait3A_43] : memref<20000x64xf32, #tpu.memory_space<hbm>> -> memref<20000x64xf32, #tpu.memory_space<hbm>>
    tpu.wait_indirect_dma semaphore(%arg16 : memref<!tpu.dma_semaphore, #tpu.memory_space<semaphore_mem>>) src(%dma_wait3A_44 : memref<20000x64xf32, #tpu.memory_space<hbm>>) dst(%arg10 : memref<80x64xf32, #tpu.memory_space<vmem>>)
    %scan3A_45 = arith.constant 0 : i32
    %scan3A_46 = arith.constant 5 : i32
    %scan3A_47 = arith.addi %scan3A_45, %scan3A_46 : i32
    %scan3A_48 = arith.constant 1 : i32
    scf.for %scan3A_110 = %scan3A_45 to %scan3A_47 step %scan3A_48  : i32 {
      %mul3A = arith.constant 1 : i32
      %mul3A_111 = arith.muli %scan3A_110, %mul3A : i32
      %add3A = arith.constant 0 : i32
      %add3A_112 = arith.addi %add3A, %mul3A_111 : i32
      %mul3A_113 = arith.constant 16 : i32
      %mul3A_114 = arith.muli %add3A_112, %mul3A_113 : i32
      %get3A = arith.constant 248 : i32
      %get3A_115 = arith.index_cast %get3A : i32 to index
      %get3A_116 = arith.index_cast %mul3A_114 : i32 to index
      %get3A_117 = tpu.vector_load %arg9[%get3A_115, %get3A_116] {strides = array<i32>} : memref<250x80xf32, #tpu.memory_space<vmem>>, vector<1x16xf32>,
      %get3A_118 = vector.shape_cast %get3A_117 : vector<1x16xf32> to vector<16xf32>
      %mul3A_119 = arith.constant 16 : i32
      %mul3A_120 = arith.muli %add3A_112, %mul3A_119 : i32
      %scan3A_121 = arith.constant 0 : i32
      %scan3A_122 = arith.constant 16 : i32
      %scan3A_123 = arith.addi %scan3A_121, %scan3A_122 : i32
      %scan3A_124 = arith.constant 4 : i32
      scf.for %scan3A_126 = %scan3A_121 to %scan3A_123 step %scan3A_124  : i32 {
        %mul3A_127 = arith.constant 1 : i32
        %mul3A_128 = arith.muli %scan3A_126, %mul3A_127 : i32
        %add3A_129 = arith.constant 0 : i32
        %add3A_130 = arith.addi %add3A_129, %mul3A_128 : i32
        %broadcast_in_dim3A = vector.broadcast %add3A_130 : i32 to vector<16xi32>
        %reshape3A = vector.shape_cast %broadcast_in_dim3A : vector<16xi32> to vector<16x1xi32>
        %gather3A = vector.shape_cast %reshape3A : vector<16x1xi32> to vector<16xi32>
        %gather3A_131 = tpu.dynamic_gather %get3A_118[%gather3A] in [0] : vector<16xf32>, vector<16xi32> -> vector<16xf32>
        %add3A_132 = arith.addi %mul3A_120, %add3A_130 : i32
        %get3A_133 = arith.index_cast %add3A_132 : i32 to index
        %get3A_134 = arith.constant 0 : index
        %get3A_135 = tpu.vector_load %arg10[%get3A_133, %get3A_134] {strides = array<i32>} : memref<80x64xf32, #tpu.memory_space<vmem>>, vector<1x16xf32>,
        %get3A_136 = vector.shape_cast %get3A_135 : vector<1x16xf32> to vector<16xf32>
        %mul3A_137 = arith.mulf %get3A_136, %gather3A_131 : vector<16xf32>
        %swap3A = arith.index_cast %add3A_132 : i32 to index
        %swap3A_138 = arith.constant 0 : index
        %swap3A_139 = tpu.vector_load %arg10[%swap3A, %swap3A_138] {strides = array<i32>} : memref<80x64xf32, #tpu.memory_space<vmem>>, vector<1x16xf32>,
        %swap3A_140 = vector.shape_cast %swap3A_139 : vector<1x16xf32> to vector<16xf32>
        %swap3A_141 = vector.shape_cast %mul3A_137 : vector<16xf32> to vector<1x16xf32>
        tpu.vector_store %arg10[%swap3A, %swap3A_138], %swap3A_141 {strides = array<i32>} : memref<80x64xf32, #tpu.memory_space<vmem>>, vector<1x16xf32>,
        %get3A_142 = arith.index_cast %add3A_132 : i32 to index
        %get3A_143 = arith.constant 16 : index
        %get3A_144 = tpu.vector_load %arg10[%get3A_142, %get3A_143] {strides = array<i32>} : memref<80x64xf32, #tpu.memory_space<vmem>>, vector<1x16xf32>,
        %get3A_145 = vector.shape_cast %get3A_144 : vector<1x16xf32> to vector<16xf32>
        %mul3A_146 = arith.mulf %get3A_145, %gather3A_131 : vector<16xf32>
        %swap3A_147 = arith.index_cast %add3A_132 : i32 to index
        %swap3A_148 = arith.constant 16 : index
        %swap3A_149 = tpu.vector_load %arg10[%swap3A_147, %swap3A_148] {strides = array<i32>} : memref<80x64xf32, #tpu.memory_space<vmem>>, vector<1x16xf32>,
        %swap3A_150 = vector.shape_cast %swap3A_149 : vector<1x16xf32> to vector<16xf32>
        %swap3A_151 = vector.shape_cast %mul3A_146 : vector<16xf32> to vector<1x16xf32>
        tpu.vector_store %arg10[%swap3A_147, %swap3A_148], %swap3A_151 {strides = array<i32>} : memref<80x64xf32, #tpu.memory_space<vmem>>, vector<1x16xf32>,
        %get3A_152 = arith.index_cast %add3A_132 : i32 to index
        %get3A_153 = arith.constant 32 : index
        %get3A_154 = tpu.vector_load %arg10[%get3A_152, %get3A_153] {strides = array<i32>} : memref<80x64xf32, #tpu.memory_space<vmem>>, vector<1x16xf32>,
        %get3A_155 = vector.shape_cast %get3A_154 : vector<1x16xf32> to vector<16xf32>
        %mul3A_156 = arith.mulf %get3A_155, %gather3A_131 : vector<16xf32>
        %swap3A_157 = arith.index_cast %add3A_132 : i32 to index
        %swap3A_158 = arith.constant 32 : index
        %swap3A_159 = tpu.vector_load %arg10[%swap3A_157, %swap3A_158] {strides = array<i32>} : memref<80x64xf32, #tpu.memory_space<vmem>>, vector<1x16xf32>,
        %swap3A_160 = vector.shape_cast %swap3A_159 : vector<1x16xf32> to vector<16xf32>
        %swap3A_161 = vector.shape_cast %mul3A_156 : vector<16xf32> to vector<1x16xf32>
        tpu.vector_store %arg10[%swap3A_157, %swap3A_158], %swap3A_161 {strides = array<i32>} : memref<80x64xf32, #tpu.memory_space<vmem>>, vector<1x16xf32>,
        %get3A_162 = arith.index_cast %add3A_132 : i32 to index
        %get3A_163 = arith.constant 48 : index
        %get3A_164 = tpu.vector_load %arg10[%get3A_162, %get3A_163] {strides = array<i32>} : memref<80x64xf32, #tpu.memory_space<vmem>>, vector<1x16xf32>,
        %get3A_165 = vector.shape_cast %get3A_164 : vector<1x16xf32> to vector<16xf32>
        %mul3A_166 = arith.mulf %get3A_165, %gather3A_131 : vector<16xf32>
        %swap3A_167 = arith.index_cast %add3A_132 : i32 to index
        %swap3A_168 = arith.constant 48 : index
        %swap3A_169 = tpu.vector_load %arg10[%swap3A_167, %swap3A_168] {strides = array<i32>} : memref<80x64xf32, #tpu.memory_space<vmem>>, vector<1x16xf32>,
        %swap3A_170 = vector.shape_cast %swap3A_169 : vector<1x16xf32> to vector<16xf32>
        %swap3A_171 = vector.shape_cast %mul3A_166 : vector<16xf32> to vector<1x16xf32>
        tpu.vector_store %arg10[%swap3A_167, %swap3A_168], %swap3A_171 {strides = array<i32>} : memref<80x64xf32, #tpu.memory_space<vmem>>, vector<1x16xf32>,
        %scan3A_172 = arith.constant 1 : i32
        %scan3A_173 = arith.addi %scan3A_126, %scan3A_172 : i32
        %mul3A_174 = arith.constant 1 : i32
        %mul3A_175 = arith.muli %scan3A_173, %mul3A_174 : i32
        %add3A_176 = arith.constant 0 : i32
        %add3A_177 = arith.addi %add3A_176, %mul3A_175 : i32
        %broadcast_in_dim3A_178 = vector.broadcast %add3A_177 : i32 to vector<16xi32>
        %reshape3A_179 = vector.shape_cast %broadcast_in_dim3A_178 : vector<16xi32> to vector<16x1xi32>
        %gather3A_180 = vector.shape_cast %reshape3A_179 : vector<16x1xi32> to vector<16xi32>
        %gather3A_181 = tpu.dynamic_gather %get3A_118[%gather3A_180] in [0] : vector<16xf32>, vector<16xi32> -> vector<16xf32>
        %add3A_182 = arith.addi %mul3A_120, %add3A_177 : i32
        %get3A_183 = arith.index_cast %add3A_182 : i32 to index
        %get3A_184 = arith.constant 0 : index
        %get3A_185 = tpu.vector_load %arg10[%get3A_183, %get3A_184] {strides = array<i32>} : memref<80x64xf32, #tpu.memory_space<vmem>>, vector<1x16xf32>,
        %get3A_186 = vector.shape_cast %get3A_185 : vector<1x16xf32> to vector<16xf32>
        %mul3A_187 = arith.mulf %get3A_186, %gather3A_181 : vector<16xf32>
        %swap3A_188 = arith.index_cast %add3A_182 : i32 to index
        %swap3A_189 = arith.constant 0 : index
        %swap3A_190 = tpu.vector_load %arg10[%swap3A_188, %swap3A_189] {strides = array<i32>} : memref<80x64xf32, #tpu.memory_space<vmem>>, vector<1x16xf32>,
        %swap3A_191 = vector.shape_cast %swap3A_190 : vector<1x16xf32> to vector<16xf32>
        %swap3A_192 = vector.shape_cast %mul3A_187 : vector<16xf32> to vector<1x16xf32>
        tpu.vector_store %arg10[%swap3A_188, %swap3A_189], %swap3A_192 {strides = array<i32>} : memref<80x64xf32, #tpu.memory_space<vmem>>, vector<1x16xf32>,
        %get3A_193 = arith.index_cast %add3A_182 : i32 to index
        %get3A_194 = arith.constant 16 : index
        %get3A_195 = tpu.vector_load %arg10[%get3A_193, %get3A_194] {strides = array<i32>} : memref<80x64xf32, #tpu.memory_space<vmem>>, vector<1x16xf32>,
        %get3A_196 = vector.shape_cast %get3A_195 : vector<1x16xf32> to vector<16xf32>
        %mul3A_197 = arith.mulf %get3A_196, %gather3A_181 : vector<16xf32>
        %swap3A_198 = arith.index_cast %add3A_182 : i32 to index
        %swap3A_199 = arith.constant 16 : index
        %swap3A_200 = tpu.vector_load %arg10[%swap3A_198, %swap3A_199] {strides = array<i32>} : memref<80x64xf32, #tpu.memory_space<vmem>>, vector<1x16xf32>,
        %swap3A_201 = vector.shape_cast %swap3A_200 : vector<1x16xf32> to vector<16xf32>
        %swap3A_202 = vector.shape_cast %mul3A_197 : vector<16xf32> to vector<1x16xf32>
        tpu.vector_store %arg10[%swap3A_198, %swap3A_199], %swap3A_202 {strides = array<i32>} : memref<80x64xf32, #tpu.memory_space<vmem>>, vector<1x16xf32>,
        %get3A_203 = arith.index_cast %add3A_182 : i32 to index
        %get3A_204 = arith.constant 32 : index
        %get3A_205 = tpu.vector_load %arg10[%get3A_203, %get3A_204] {strides = array<i32>} : memref<80x64xf32, #tpu.memory_space<vmem>>, vector<1x16xf32>,
        %get3A_206 = vector.shape_cast %get3A_205 : vector<1x16xf32> to vector<16xf32>
        %mul3A_207 = arith.mulf %get3A_206, %gather3A_181 : vector<16xf32>
        %swap3A_208 = arith.index_cast %add3A_182 : i32 to index
        %swap3A_209 = arith.constant 32 : index
        %swap3A_210 = tpu.vector_load %arg10[%swap3A_208, %swap3A_209] {strides = array<i32>} : memref<80x64xf32, #tpu.memory_space<vmem>>, vector<1x16xf32>,
        %swap3A_211 = vector.shape_cast %swap3A_210 : vector<1x16xf32> to vector<16xf32>
        %swap3A_212 = vector.shape_cast %mul3A_207 : vector<16xf32> to vector<1x16xf32>
        tpu.vector_store %arg10[%swap3A_208, %swap3A_209], %swap3A_212 {strides = array<i32>} : memref<80x64xf32, #tpu.memory_space<vmem>>, vector<1x16xf32>,
        %get3A_213 = arith.index_cast %add3A_182 : i32 to index
        %get3A_214 = arith.constant 48 : index
        %get3A_215 = tpu.vector_load %arg10[%get3A_213, %get3A_214] {strides = array<i32>} : memref<80x64xf32, #tpu.memory_space<vmem>>, vector<1x16xf32>,
        %get3A_216 = vector.shape_cast %get3A_215 : vector<1x16xf32> to vector<16xf32>
        %mul3A_217 = arith.mulf %get3A_216, %gather3A_181 : vector<16xf32>
        %swap3A_218 = arith.index_cast %add3A_182 : i32 to index
        %swap3A_219 = arith.constant 48 : index
        %swap3A_220 = tpu.vector_load %arg10[%swap3A_218, %swap3A_219] {strides = array<i32>} : memref<80x64xf32, #tpu.memory_space<vmem>>, vector<1x16xf32>,
        %swap3A_221 = vector.shape_cast %swap3A_220 : vector<1x16xf32> to vector<16xf32>
        %swap3A_222 = vector.shape_cast %mul3A_217 : vector<16xf32> to vector<1x16xf32>
        tpu.vector_store %arg10[%swap3A_218, %swap3A_219], %swap3A_222 {strides = array<i32>} : memref<80x64xf32, #tpu.memory_space<vmem>>, vector<1x16xf32>,
        %scan3A_223 = arith.constant 2 : i32
        %scan3A_224 = arith.addi %scan3A_126, %scan3A_223 : i32
        %mul3A_225 = arith.constant 1 : i32
        %mul3A_226 = arith.muli %scan3A_224, %mul3A_225 : i32
        %add3A_227 = arith.constant 0 : i32
        %add3A_228 = arith.addi %add3A_227, %mul3A_226 : i32
        %broadcast_in_dim3A_229 = vector.broadcast %add3A_228 : i32 to vector<16xi32>
        %reshape3A_230 = vector.shape_cast %broadcast_in_dim3A_229 : vector<16xi32> to vector<16x1xi32>
        %gather3A_231 = vector.shape_cast %reshape3A_230 : vector<16x1xi32> to vector<16xi32>
        %gather3A_232 = tpu.dynamic_gather %get3A_118[%gather3A_231] in [0] : vector<16xf32>, vector<16xi32> -> vector<16xf32>
        %add3A_233 = arith.addi %mul3A_120, %add3A_228 : i32
        %get3A_234 = arith.index_cast %add3A_233 : i32 to index
        %get3A_235 = arith.constant 0 : index
        %get3A_236 = tpu.vector_load %arg10[%get3A_234, %get3A_235] {strides = array<i32>} : memref<80x64xf32, #tpu.memory_space<vmem>>, vector<1x16xf32>,
        %get3A_237 = vector.shape_cast %get3A_236 : vector<1x16xf32> to vector<16xf32>
        %mul3A_238 = arith.mulf %get3A_237, %gather3A_232 : vector<16xf32>
        %swap3A_239 = arith.index_cast %add3A_233 : i32 to index
        %swap3A_240 = arith.constant 0 : index
        %swap3A_241 = tpu.vector_load %arg10[%swap3A_239, %swap3A_240] {strides = array<i32>} : memref<80x64xf32, #tpu.memory_space<vmem>>, vector<1x16xf32>,
        %swap3A_242 = vector.shape_cast %swap3A_241 : vector<1x16xf32> to vector<16xf32>
        %swap3A_243 = vector.shape_cast %mul3A_238 : vector<16xf32> to vector<1x16xf32>
        tpu.vector_store %arg10[%swap3A_239, %swap3A_240], %swap3A_243 {strides = array<i32>} : memref<80x64xf32, #tpu.memory_space<vmem>>, vector<1x16xf32>,
        %get3A_244 = arith.index_cast %add3A_233 : i32 to index
        %get3A_245 = arith.constant 16 : index
        %get3A_246 = tpu.vector_load %arg10[%get3A_244, %get3A_245] {strides = array<i32>} : memref<80x64xf32, #tpu.memory_space<vmem>>, vector<1x16xf32>,
        %get3A_247 = vector.shape_cast %get3A_246 : vector<1x16xf32> to vector<16xf32>
        %mul3A_248 = arith.mulf %get3A_247, %gather3A_232 : vector<16xf32>
        %swap3A_249 = arith.index_cast %add3A_233 : i32 to index
        %swap3A_250 = arith.constant 16 : index
        %swap3A_251 = tpu.vector_load %arg10[%swap3A_249, %swap3A_250] {strides = array<i32>} : memref<80x64xf32, #tpu.memory_space<vmem>>, vector<1x16xf32>,
        %swap3A_252 = vector.shape_cast %swap3A_251 : vector<1x16xf32> to vector<16xf32>
        %swap3A_253 = vector.shape_cast %mul3A_248 : vector<16xf32> to vector<1x16xf32>
        tpu.vector_store %arg10[%swap3A_249, %swap3A_250], %swap3A_253 {strides = array<i32>} : memref<80x64xf32, #tpu.memory_space<vmem>>, vector<1x16xf32>,
        %get3A_254 = arith.index_cast %add3A_233 : i32 to index
        %get3A_255 = arith.constant 32 : index
        %get3A_256 = tpu.vector_load %arg10[%get3A_254, %get3A_255] {strides = array<i32>} : memref<80x64xf32, #tpu.memory_space<vmem>>, vector<1x16xf32>,
        %get3A_257 = vector.shape_cast %get3A_256 : vector<1x16xf32> to vector<16xf32>
        %mul3A_258 = arith.mulf %get3A_257, %gather3A_232 : vector<16xf32>
        %swap3A_259 = arith.index_cast %add3A_233 : i32 to index
        %swap3A_260 = arith.constant 32 : index
        %swap3A_261 = tpu.vector_load %arg10[%swap3A_259, %swap3A_260] {strides = array<i32>} : memref<80x64xf32, #tpu.memory_space<vmem>>, vector<1x16xf32>,
        %swap3A_262 = vector.shape_cast %swap3A_261 : vector<1x16xf32> to vector<16xf32>
        %swap3A_263 = vector.shape_cast %mul3A_258 : vector<16xf32> to vector<1x16xf32>
        tpu.vector_store %arg10[%swap3A_259, %swap3A_260], %swap3A_263 {strides = array<i32>} : memref<80x64xf32, #tpu.memory_space<vmem>>, vector<1x16xf32>,
        %get3A_264 = arith.index_cast %add3A_233 : i32 to index
        %get3A_265 = arith.constant 48 : index
        %get3A_266 = tpu.vector_load %arg10[%get3A_264, %get3A_265] {strides = array<i32>} : memref<80x64xf32, #tpu.memory_space<vmem>>, vector<1x16xf32>,
        %get3A_267 = vector.shape_cast %get3A_266 : vector<1x16xf32> to vector<16xf32>
        %mul3A_268 = arith.mulf %get3A_267, %gather3A_232 : vector<16xf32>
        %swap3A_269 = arith.index_cast %add3A_233 : i32 to index
        %swap3A_270 = arith.constant 48 : index
        %swap3A_271 = tpu.vector_load %arg10[%swap3A_269, %swap3A_270] {strides = array<i32>} : memref<80x64xf32, #tpu.memory_space<vmem>>, vector<1x16xf32>,
        %swap3A_272 = vector.shape_cast %swap3A_271 : vector<1x16xf32> to vector<16xf32>
        %swap3A_273 = vector.shape_cast %mul3A_268 : vector<16xf32> to vector<1x16xf32>
        tpu.vector_store %arg10[%swap3A_269, %swap3A_270], %swap3A_273 {strides = array<i32>} : memref<80x64xf32, #tpu.memory_space<vmem>>, vector<1x16xf32>,
        %scan3A_274 = arith.constant 3 : i32
        %scan3A_275 = arith.addi %scan3A_126, %scan3A_274 : i32
        %mul3A_276 = arith.constant 1 : i32
        %mul3A_277 = arith.muli %scan3A_275, %mul3A_276 : i32
        %add3A_278 = arith.constant 0 : i32
        %add3A_279 = arith.addi %add3A_278, %mul3A_277 : i32
        %broadcast_in_dim3A_280 = vector.broadcast %add3A_279 : i32 to vector<16xi32>
        %reshape3A_281 = vector.shape_cast %broadcast_in_dim3A_280 : vector<16xi32> to vector<16x1xi32>
        %gather3A_282 = vector.shape_cast %reshape3A_281 : vector<16x1xi32> to vector<16xi32>
        %gather3A_283 = tpu.dynamic_gather %get3A_118[%gather3A_282] in [0] : vector<16xf32>, vector<16xi32> -> vector<16xf32>
        %add3A_284 = arith.addi %mul3A_120, %add3A_279 : i32
        %get3A_285 = arith.index_cast %add3A_284 : i32 to index
        %get3A_286 = arith.constant 0 : index
        %get3A_287 = tpu.vector_load %arg10[%get3A_285, %get3A_286] {strides = array<i32>} : memref<80x64xf32, #tpu.memory_space<vmem>>, vector<1x16xf32>,
        %get3A_288 = vector.shape_cast %get3A_287 : vector<1x16xf32> to vector<16xf32>
        %mul3A_289 = arith.mulf %get3A_288, %gather3A_283 : vector<16xf32>
        %swap3A_290 = arith.index_cast %add3A_284 : i32 to index
        %swap3A_291 = arith.constant 0 : index
        %swap3A_292 = tpu.vector_load %arg10[%swap3A_290, %swap3A_291] {strides = array<i32>} : memref<80x64xf32, #tpu.memory_space<vmem>>, vector<1x16xf32>,
        %swap3A_293 = vector.shape_cast %swap3A_292 : vector<1x16xf32> to vector<16xf32>
        %swap3A_294 = vector.shape_cast %mul3A_289 : vector<16xf32> to vector<1x16xf32>
        tpu.vector_store %arg10[%swap3A_290, %swap3A_291], %swap3A_294 {strides = array<i32>} : memref<80x64xf32, #tpu.memory_space<vmem>>, vector<1x16xf32>,
        %get3A_295 = arith.index_cast %add3A_284 : i32 to index
        %get3A_296 = arith.constant 16 : index
        %get3A_297 = tpu.vector_load %arg10[%get3A_295, %get3A_296] {strides = array<i32>} : memref<80x64xf32, #tpu.memory_space<vmem>>, vector<1x16xf32>,
        %get3A_298 = vector.shape_cast %get3A_297 : vector<1x16xf32> to vector<16xf32>
        %mul3A_299 = arith.mulf %get3A_298, %gather3A_283 : vector<16xf32>
        %swap3A_300 = arith.index_cast %add3A_284 : i32 to index
        %swap3A_301 = arith.constant 16 : index
        %swap3A_302 = tpu.vector_load %arg10[%swap3A_300, %swap3A_301] {strides = array<i32>} : memref<80x64xf32, #tpu.memory_space<vmem>>, vector<1x16xf32>,
        %swap3A_303 = vector.shape_cast %swap3A_302 : vector<1x16xf32> to vector<16xf32>
        %swap3A_304 = vector.shape_cast %mul3A_299 : vector<16xf32> to vector<1x16xf32>
        tpu.vector_store %arg10[%swap3A_300, %swap3A_301], %swap3A_304 {strides = array<i32>} : memref<80x64xf32, #tpu.memory_space<vmem>>, vector<1x16xf32>,
        %get3A_305 = arith.index_cast %add3A_284 : i32 to index
        %get3A_306 = arith.constant 32 : index
        %get3A_307 = tpu.vector_load %arg10[%get3A_305, %get3A_306] {strides = array<i32>} : memref<80x64xf32, #tpu.memory_space<vmem>>, vector<1x16xf32>,
        %get3A_308 = vector.shape_cast %get3A_307 : vector<1x16xf32> to vector<16xf32>
        %mul3A_309 = arith.mulf %get3A_308, %gather3A_283 : vector<16xf32>
        %swap3A_310 = arith.index_cast %add3A_284 : i32 to index
        %swap3A_311 = arith.constant 32 : index
        %swap3A_312 = tpu.vector_load %arg10[%swap3A_310, %swap3A_311] {strides = array<i32>} : memref<80x64xf32, #tpu.memory_space<vmem>>, vector<1x16xf32>,
        %swap3A_313 = vector.shape_cast %swap3A_312 : vector<1x16xf32> to vector<16xf32>
        %swap3A_314 = vector.shape_cast %mul3A_309 : vector<16xf32> to vector<1x16xf32>
        tpu.vector_store %arg10[%swap3A_310, %swap3A_311], %swap3A_314 {strides = array<i32>} : memref<80x64xf32, #tpu.memory_space<vmem>>, vector<1x16xf32>,
        %get3A_315 = arith.index_cast %add3A_284 : i32 to index
        %get3A_316 = arith.constant 48 : index
        %get3A_317 = tpu.vector_load %arg10[%get3A_315, %get3A_316] {strides = array<i32>} : memref<80x64xf32, #tpu.memory_space<vmem>>, vector<1x16xf32>,
        %get3A_318 = vector.shape_cast %get3A_317 : vector<1x16xf32> to vector<16xf32>
        %mul3A_319 = arith.mulf %get3A_318, %gather3A_283 : vector<16xf32>
        %swap3A_320 = arith.index_cast %add3A_284 : i32 to index
        %swap3A_321 = arith.constant 48 : index
        %swap3A_322 = tpu.vector_load %arg10[%swap3A_320, %swap3A_321] {strides = array<i32>} : memref<80x64xf32, #tpu.memory_space<vmem>>, vector<1x16xf32>,
        %swap3A_323 = vector.shape_cast %swap3A_322 : vector<1x16xf32> to vector<16xf32>
        %swap3A_324 = vector.shape_cast %mul3A_319 : vector<16xf32> to vector<1x16xf32>
        tpu.vector_store %arg10[%swap3A_320, %swap3A_321], %swap3A_324 {strides = array<i32>} : memref<80x64xf32, #tpu.memory_space<vmem>>, vector<1x16xf32>,
      }
      %scan3A_125 = arith.constant 16 : i32
    }
    %scan3A_49 = arith.constant 5 : i32
    %dma_start3A_50 = arith.constant 248 : i32
    %dma_start3A_51 = arith.constant 0 : i32
    %dma_start3A_52 = tpu.memref_slice %arg8[%dma_start3A_50, %dma_start3A_51] : memref<250x80xi32, #tpu.memory_space<vmem>> -> memref<1x80xi32, #tpu.memory_space<vmem>>
    %dma_start3A_53 = tpu.memref_squeeze %dma_start3A_52 : memref<1x80xi32, #tpu.memory_space<vmem>> -> memref<80xi32, #tpu.memory_space<vmem>>
    %dma_start3A_54 = arith.constant 0 : i32
    %dma_start3A_55 = arith.constant 0 : i32
    %dma_start3A_56 = tpu.memref_slice %arg15[%dma_start3A_54, %dma_start3A_55] : memref<10000x64xf32, #tpu.memory_space<vmem_shared>> -> memref<10000x64xf32, #tpu.memory_space<vmem_shared>>
    tpu.enqueue_indirect_dma source(%arg10 : memref<80x64xf32, #tpu.memory_space<vmem>>) target(%dma_start3A_56 : memref<10000x64xf32, #tpu.memory_space<vmem_shared>>) offsets(%dma_start3A_53 : memref<80xi32, #tpu.memory_space<vmem>>) semaphore(%arg20 : memref<!tpu.dma_semaphore, #tpu.memory_space<semaphore_mem>>) {add = true}
    %dma_wait3A_57 = arith.constant 249 : i32
    %dma_wait3A_58 = arith.constant 0 : i32
    %dma_wait3A_59 = tpu.memref_slice %arg7[%dma_wait3A_57, %dma_wait3A_58] : memref<250x80xi32, #tpu.memory_space<vmem>> -> memref<1x80xi32, #tpu.memory_space<vmem>>
    %dma_wait3A_60 = tpu.memref_squeeze %dma_wait3A_59 : memref<1x80xi32, #tpu.memory_space<vmem>> -> memref<80xi32, #tpu.memory_space<vmem>>
    %dma_wait3A_61 = arith.constant 0 : i32
    %dma_wait3A_62 = arith.constant 0 : i32
    %dma_wait3A_63 = tpu.memref_slice %arg2[%dma_wait3A_61, %dma_wait3A_62] : memref<20000x64xf32, #tpu.memory_space<hbm>> -> memref<20000x64xf32, #tpu.memory_space<hbm>>
    tpu.wait_indirect_dma semaphore(%arg17 : memref<!tpu.dma_semaphore, #tpu.memory_space<semaphore_mem>>) src(%dma_wait3A_63 : memref<20000x64xf32, #tpu.memory_space<hbm>>) dst(%arg11 : memref<80x64xf32, #tpu.memory_space<vmem>>)
    %scan3A_64 = arith.constant 0 : i32
    %scan3A_65 = arith.constant 5 : i32
    %scan3A_66 = arith.addi %scan3A_64, %scan3A_65 : i32
    %scan3A_67 = arith.constant 1 : i32
    scf.for %scan3A_110 = %scan3A_64 to %scan3A_66 step %scan3A_67  : i32 {
      %mul3A = arith.constant 1 : i32
      %mul3A_111 = arith.muli %scan3A_110, %mul3A : i32
      %add3A = arith.constant 0 : i32
      %add3A_112 = arith.addi %add3A, %mul3A_111 : i32
      %mul3A_113 = arith.constant 16 : i32
      %mul3A_114 = arith.muli %add3A_112, %mul3A_113 : i32
      %get3A = arith.constant 249 : i32
      %get3A_115 = arith.index_cast %get3A : i32 to index
      %get3A_116 = arith.index_cast %mul3A_114 : i32 to index
      %get3A_117 = tpu.vector_load %arg9[%get3A_115, %get3A_116] {strides = array<i32>} : memref<250x80xf32, #tpu.memory_space<vmem>>, vector<1x16xf32>,
      %get3A_118 = vector.shape_cast %get3A_117 : vector<1x16xf32> to vector<16xf32>
      %mul3A_119 = arith.constant 16 : i32
      %mul3A_120 = arith.muli %add3A_112, %mul3A_119 : i32
      %scan3A_121 = arith.constant 0 : i32
      %scan3A_122 = arith.constant 16 : i32
      %scan3A_123 = arith.addi %scan3A_121, %scan3A_122 : i32
      %scan3A_124 = arith.constant 4 : i32
      scf.for %scan3A_126 = %scan3A_121 to %scan3A_123 step %scan3A_124  : i32 {
        %mul3A_127 = arith.constant 1 : i32
        %mul3A_128 = arith.muli %scan3A_126, %mul3A_127 : i32
        %add3A_129 = arith.constant 0 : i32
        %add3A_130 = arith.addi %add3A_129, %mul3A_128 : i32
        %broadcast_in_dim3A = vector.broadcast %add3A_130 : i32 to vector<16xi32>
        %reshape3A = vector.shape_cast %broadcast_in_dim3A : vector<16xi32> to vector<16x1xi32>
        %gather3A = vector.shape_cast %reshape3A : vector<16x1xi32> to vector<16xi32>
        %gather3A_131 = tpu.dynamic_gather %get3A_118[%gather3A] in [0] : vector<16xf32>, vector<16xi32> -> vector<16xf32>
        %add3A_132 = arith.addi %mul3A_120, %add3A_130 : i32
        %get3A_133 = arith.index_cast %add3A_132 : i32 to index
        %get3A_134 = arith.constant 0 : index
        %get3A_135 = tpu.vector_load %arg11[%get3A_133, %get3A_134] {strides = array<i32>} : memref<80x64xf32, #tpu.memory_space<vmem>>, vector<1x16xf32>,
        %get3A_136 = vector.shape_cast %get3A_135 : vector<1x16xf32> to vector<16xf32>
        %mul3A_137 = arith.mulf %get3A_136, %gather3A_131 : vector<16xf32>
        %swap3A = arith.index_cast %add3A_132 : i32 to index
        %swap3A_138 = arith.constant 0 : index
        %swap3A_139 = tpu.vector_load %arg11[%swap3A, %swap3A_138] {strides = array<i32>} : memref<80x64xf32, #tpu.memory_space<vmem>>, vector<1x16xf32>,
        %swap3A_140 = vector.shape_cast %swap3A_139 : vector<1x16xf32> to vector<16xf32>
        %swap3A_141 = vector.shape_cast %mul3A_137 : vector<16xf32> to vector<1x16xf32>
        tpu.vector_store %arg11[%swap3A, %swap3A_138], %swap3A_141 {strides = array<i32>} : memref<80x64xf32, #tpu.memory_space<vmem>>, vector<1x16xf32>,
        %get3A_142 = arith.index_cast %add3A_132 : i32 to index
        %get3A_143 = arith.constant 16 : index
        %get3A_144 = tpu.vector_load %arg11[%get3A_142, %get3A_143] {strides = array<i32>} : memref<80x64xf32, #tpu.memory_space<vmem>>, vector<1x16xf32>,
        %get3A_145 = vector.shape_cast %get3A_144 : vector<1x16xf32> to vector<16xf32>
        %mul3A_146 = arith.mulf %get3A_145, %gather3A_131 : vector<16xf32>
        %swap3A_147 = arith.index_cast %add3A_132 : i32 to index
        %swap3A_148 = arith.constant 16 : index
        %swap3A_149 = tpu.vector_load %arg11[%swap3A_147, %swap3A_148] {strides = array<i32>} : memref<80x64xf32, #tpu.memory_space<vmem>>, vector<1x16xf32>,
        %swap3A_150 = vector.shape_cast %swap3A_149 : vector<1x16xf32> to vector<16xf32>
        %swap3A_151 = vector.shape_cast %mul3A_146 : vector<16xf32> to vector<1x16xf32>
        tpu.vector_store %arg11[%swap3A_147, %swap3A_148], %swap3A_151 {strides = array<i32>} : memref<80x64xf32, #tpu.memory_space<vmem>>, vector<1x16xf32>,
        %get3A_152 = arith.index_cast %add3A_132 : i32 to index
        %get3A_153 = arith.constant 32 : index
        %get3A_154 = tpu.vector_load %arg11[%get3A_152, %get3A_153] {strides = array<i32>} : memref<80x64xf32, #tpu.memory_space<vmem>>, vector<1x16xf32>,
        %get3A_155 = vector.shape_cast %get3A_154 : vector<1x16xf32> to vector<16xf32>
        %mul3A_156 = arith.mulf %get3A_155, %gather3A_131 : vector<16xf32>
        %swap3A_157 = arith.index_cast %add3A_132 : i32 to index
        %swap3A_158 = arith.constant 32 : index
        %swap3A_159 = tpu.vector_load %arg11[%swap3A_157, %swap3A_158] {strides = array<i32>} : memref<80x64xf32, #tpu.memory_space<vmem>>, vector<1x16xf32>,
        %swap3A_160 = vector.shape_cast %swap3A_159 : vector<1x16xf32> to vector<16xf32>
        %swap3A_161 = vector.shape_cast %mul3A_156 : vector<16xf32> to vector<1x16xf32>
        tpu.vector_store %arg11[%swap3A_157, %swap3A_158], %swap3A_161 {strides = array<i32>} : memref<80x64xf32, #tpu.memory_space<vmem>>, vector<1x16xf32>,
        %get3A_162 = arith.index_cast %add3A_132 : i32 to index
        %get3A_163 = arith.constant 48 : index
        %get3A_164 = tpu.vector_load %arg11[%get3A_162, %get3A_163] {strides = array<i32>} : memref<80x64xf32, #tpu.memory_space<vmem>>, vector<1x16xf32>,
        %get3A_165 = vector.shape_cast %get3A_164 : vector<1x16xf32> to vector<16xf32>
        %mul3A_166 = arith.mulf %get3A_165, %gather3A_131 : vector<16xf32>
        %swap3A_167 = arith.index_cast %add3A_132 : i32 to index
        %swap3A_168 = arith.constant 48 : index
        %swap3A_169 = tpu.vector_load %arg11[%swap3A_167, %swap3A_168] {strides = array<i32>} : memref<80x64xf32, #tpu.memory_space<vmem>>, vector<1x16xf32>,
        %swap3A_170 = vector.shape_cast %swap3A_169 : vector<1x16xf32> to vector<16xf32>
        %swap3A_171 = vector.shape_cast %mul3A_166 : vector<16xf32> to vector<1x16xf32>
        tpu.vector_store %arg11[%swap3A_167, %swap3A_168], %swap3A_171 {strides = array<i32>} : memref<80x64xf32, #tpu.memory_space<vmem>>, vector<1x16xf32>,
        %scan3A_172 = arith.constant 1 : i32
        %scan3A_173 = arith.addi %scan3A_126, %scan3A_172 : i32
        %mul3A_174 = arith.constant 1 : i32
        %mul3A_175 = arith.muli %scan3A_173, %mul3A_174 : i32
        %add3A_176 = arith.constant 0 : i32
        %add3A_177 = arith.addi %add3A_176, %mul3A_175 : i32
        %broadcast_in_dim3A_178 = vector.broadcast %add3A_177 : i32 to vector<16xi32>
        %reshape3A_179 = vector.shape_cast %broadcast_in_dim3A_178 : vector<16xi32> to vector<16x1xi32>
        %gather3A_180 = vector.shape_cast %reshape3A_179 : vector<16x1xi32> to vector<16xi32>
        %gather3A_181 = tpu.dynamic_gather %get3A_118[%gather3A_180] in [0] : vector<16xf32>, vector<16xi32> -> vector<16xf32>
        %add3A_182 = arith.addi %mul3A_120, %add3A_177 : i32
        %get3A_183 = arith.index_cast %add3A_182 : i32 to index
        %get3A_184 = arith.constant 0 : index
        %get3A_185 = tpu.vector_load %arg11[%get3A_183, %get3A_184] {strides = array<i32>} : memref<80x64xf32, #tpu.memory_space<vmem>>, vector<1x16xf32>,
        %get3A_186 = vector.shape_cast %get3A_185 : vector<1x16xf32> to vector<16xf32>
        %mul3A_187 = arith.mulf %get3A_186, %gather3A_181 : vector<16xf32>
        %swap3A_188 = arith.index_cast %add3A_182 : i32 to index
        %swap3A_189 = arith.constant 0 : index
        %swap3A_190 = tpu.vector_load %arg11[%swap3A_188, %swap3A_189] {strides = array<i32>} : memref<80x64xf32, #tpu.memory_space<vmem>>, vector<1x16xf32>,
        %swap3A_191 = vector.shape_cast %swap3A_190 : vector<1x16xf32> to vector<16xf32>
        %swap3A_192 = vector.shape_cast %mul3A_187 : vector<16xf32> to vector<1x16xf32>
        tpu.vector_store %arg11[%swap3A_188, %swap3A_189], %swap3A_192 {strides = array<i32>} : memref<80x64xf32, #tpu.memory_space<vmem>>, vector<1x16xf32>,
        %get3A_193 = arith.index_cast %add3A_182 : i32 to index
        %get3A_194 = arith.constant 16 : index
        %get3A_195 = tpu.vector_load %arg11[%get3A_193, %get3A_194] {strides = array<i32>} : memref<80x64xf32, #tpu.memory_space<vmem>>, vector<1x16xf32>,
        %get3A_196 = vector.shape_cast %get3A_195 : vector<1x16xf32> to vector<16xf32>
        %mul3A_197 = arith.mulf %get3A_196, %gather3A_181 : vector<16xf32>
        %swap3A_198 = arith.index_cast %add3A_182 : i32 to index
        %swap3A_199 = arith.constant 16 : index
        %swap3A_200 = tpu.vector_load %arg11[%swap3A_198, %swap3A_199] {strides = array<i32>} : memref<80x64xf32, #tpu.memory_space<vmem>>, vector<1x16xf32>,
        %swap3A_201 = vector.shape_cast %swap3A_200 : vector<1x16xf32> to vector<16xf32>
        %swap3A_202 = vector.shape_cast %mul3A_197 : vector<16xf32> to vector<1x16xf32>
        tpu.vector_store %arg11[%swap3A_198, %swap3A_199], %swap3A_202 {strides = array<i32>} : memref<80x64xf32, #tpu.memory_space<vmem>>, vector<1x16xf32>,
        %get3A_203 = arith.index_cast %add3A_182 : i32 to index
        %get3A_204 = arith.constant 32 : index
        %get3A_205 = tpu.vector_load %arg11[%get3A_203, %get3A_204] {strides = array<i32>} : memref<80x64xf32, #tpu.memory_space<vmem>>, vector<1x16xf32>,
        %get3A_206 = vector.shape_cast %get3A_205 : vector<1x16xf32> to vector<16xf32>
        %mul3A_207 = arith.mulf %get3A_206, %gather3A_181 : vector<16xf32>
        %swap3A_208 = arith.index_cast %add3A_182 : i32 to index
        %swap3A_209 = arith.constant 32 : index
        %swap3A_210 = tpu.vector_load %arg11[%swap3A_208, %swap3A_209] {strides = array<i32>} : memref<80x64xf32, #tpu.memory_space<vmem>>, vector<1x16xf32>,
        %swap3A_211 = vector.shape_cast %swap3A_210 : vector<1x16xf32> to vector<16xf32>
        %swap3A_212 = vector.shape_cast %mul3A_207 : vector<16xf32> to vector<1x16xf32>
        tpu.vector_store %arg11[%swap3A_208, %swap3A_209], %swap3A_212 {strides = array<i32>} : memref<80x64xf32, #tpu.memory_space<vmem>>, vector<1x16xf32>,
        %get3A_213 = arith.index_cast %add3A_182 : i32 to index
        %get3A_214 = arith.constant 48 : index
        %get3A_215 = tpu.vector_load %arg11[%get3A_213, %get3A_214] {strides = array<i32>} : memref<80x64xf32, #tpu.memory_space<vmem>>, vector<1x16xf32>,
        %get3A_216 = vector.shape_cast %get3A_215 : vector<1x16xf32> to vector<16xf32>
        %mul3A_217 = arith.mulf %get3A_216, %gather3A_181 : vector<16xf32>
        %swap3A_218 = arith.index_cast %add3A_182 : i32 to index
        %swap3A_219 = arith.constant 48 : index
        %swap3A_220 = tpu.vector_load %arg11[%swap3A_218, %swap3A_219] {strides = array<i32>} : memref<80x64xf32, #tpu.memory_space<vmem>>, vector<1x16xf32>,
        %swap3A_221 = vector.shape_cast %swap3A_220 : vector<1x16xf32> to vector<16xf32>
        %swap3A_222 = vector.shape_cast %mul3A_217 : vector<16xf32> to vector<1x16xf32>
        tpu.vector_store %arg11[%swap3A_218, %swap3A_219], %swap3A_222 {strides = array<i32>} : memref<80x64xf32, #tpu.memory_space<vmem>>, vector<1x16xf32>,
        %scan3A_223 = arith.constant 2 : i32
        %scan3A_224 = arith.addi %scan3A_126, %scan3A_223 : i32
        %mul3A_225 = arith.constant 1 : i32
        %mul3A_226 = arith.muli %scan3A_224, %mul3A_225 : i32
        %add3A_227 = arith.constant 0 : i32
        %add3A_228 = arith.addi %add3A_227, %mul3A_226 : i32
        %broadcast_in_dim3A_229 = vector.broadcast %add3A_228 : i32 to vector<16xi32>
        %reshape3A_230 = vector.shape_cast %broadcast_in_dim3A_229 : vector<16xi32> to vector<16x1xi32>
        %gather3A_231 = vector.shape_cast %reshape3A_230 : vector<16x1xi32> to vector<16xi32>
        %gather3A_232 = tpu.dynamic_gather %get3A_118[%gather3A_231] in [0] : vector<16xf32>, vector<16xi32> -> vector<16xf32>
        %add3A_233 = arith.addi %mul3A_120, %add3A_228 : i32
        %get3A_234 = arith.index_cast %add3A_233 : i32 to index
        %get3A_235 = arith.constant 0 : index
        %get3A_236 = tpu.vector_load %arg11[%get3A_234, %get3A_235] {strides = array<i32>} : memref<80x64xf32, #tpu.memory_space<vmem>>, vector<1x16xf32>,
        %get3A_237 = vector.shape_cast %get3A_236 : vector<1x16xf32> to vector<16xf32>
        %mul3A_238 = arith.mulf %get3A_237, %gather3A_232 : vector<16xf32>
        %swap3A_239 = arith.index_cast %add3A_233 : i32 to index
        %swap3A_240 = arith.constant 0 : index
        %swap3A_241 = tpu.vector_load %arg11[%swap3A_239, %swap3A_240] {strides = array<i32>} : memref<80x64xf32, #tpu.memory_space<vmem>>, vector<1x16xf32>,
        %swap3A_242 = vector.shape_cast %swap3A_241 : vector<1x16xf32> to vector<16xf32>
        %swap3A_243 = vector.shape_cast %mul3A_238 : vector<16xf32> to vector<1x16xf32>
        tpu.vector_store %arg11[%swap3A_239, %swap3A_240], %swap3A_243 {strides = array<i32>} : memref<80x64xf32, #tpu.memory_space<vmem>>, vector<1x16xf32>,
        %get3A_244 = arith.index_cast %add3A_233 : i32 to index
        %get3A_245 = arith.constant 16 : index
        %get3A_246 = tpu.vector_load %arg11[%get3A_244, %get3A_245] {strides = array<i32>} : memref<80x64xf32, #tpu.memory_space<vmem>>, vector<1x16xf32>,
        %get3A_247 = vector.shape_cast %get3A_246 : vector<1x16xf32> to vector<16xf32>
        %mul3A_248 = arith.mulf %get3A_247, %gather3A_232 : vector<16xf32>
        %swap3A_249 = arith.index_cast %add3A_233 : i32 to index
        %swap3A_250 = arith.constant 16 : index
        %swap3A_251 = tpu.vector_load %arg11[%swap3A_249, %swap3A_250] {strides = array<i32>} : memref<80x64xf32, #tpu.memory_space<vmem>>, vector<1x16xf32>,
        %swap3A_252 = vector.shape_cast %swap3A_251 : vector<1x16xf32> to vector<16xf32>
        %swap3A_253 = vector.shape_cast %mul3A_248 : vector<16xf32> to vector<1x16xf32>
        tpu.vector_store %arg11[%swap3A_249, %swap3A_250], %swap3A_253 {strides = array<i32>} : memref<80x64xf32, #tpu.memory_space<vmem>>, vector<1x16xf32>,
        %get3A_254 = arith.index_cast %add3A_233 : i32 to index
        %get3A_255 = arith.constant 32 : index
        %get3A_256 = tpu.vector_load %arg11[%get3A_254, %get3A_255] {strides = array<i32>} : memref<80x64xf32, #tpu.memory_space<vmem>>, vector<1x16xf32>,
        %get3A_257 = vector.shape_cast %get3A_256 : vector<1x16xf32> to vector<16xf32>
        %mul3A_258 = arith.mulf %get3A_257, %gather3A_232 : vector<16xf32>
        %swap3A_259 = arith.index_cast %add3A_233 : i32 to index
        %swap3A_260 = arith.constant 32 : index
        %swap3A_261 = tpu.vector_load %arg11[%swap3A_259, %swap3A_260] {strides = array<i32>} : memref<80x64xf32, #tpu.memory_space<vmem>>, vector<1x16xf32>,
        %swap3A_262 = vector.shape_cast %swap3A_261 : vector<1x16xf32> to vector<16xf32>
        %swap3A_263 = vector.shape_cast %mul3A_258 : vector<16xf32> to vector<1x16xf32>
        tpu.vector_store %arg11[%swap3A_259, %swap3A_260], %swap3A_263 {strides = array<i32>} : memref<80x64xf32, #tpu.memory_space<vmem>>, vector<1x16xf32>,
        %get3A_264 = arith.index_cast %add3A_233 : i32 to index
        %get3A_265 = arith.constant 48 : index
        %get3A_266 = tpu.vector_load %arg11[%get3A_264, %get3A_265] {strides = array<i32>} : memref<80x64xf32, #tpu.memory_space<vmem>>, vector<1x16xf32>,
        %get3A_267 = vector.shape_cast %get3A_266 : vector<1x16xf32> to vector<16xf32>
        %mul3A_268 = arith.mulf %get3A_267, %gather3A_232 : vector<16xf32>
        %swap3A_269 = arith.index_cast %add3A_233 : i32 to index
        %swap3A_270 = arith.constant 48 : index
        %swap3A_271 = tpu.vector_load %arg11[%swap3A_269, %swap3A_270] {strides = array<i32>} : memref<80x64xf32, #tpu.memory_space<vmem>>, vector<1x16xf32>,
        %swap3A_272 = vector.shape_cast %swap3A_271 : vector<1x16xf32> to vector<16xf32>
        %swap3A_273 = vector.shape_cast %mul3A_268 : vector<16xf32> to vector<1x16xf32>
        tpu.vector_store %arg11[%swap3A_269, %swap3A_270], %swap3A_273 {strides = array<i32>} : memref<80x64xf32, #tpu.memory_space<vmem>>, vector<1x16xf32>,
        %scan3A_274 = arith.constant 3 : i32
        %scan3A_275 = arith.addi %scan3A_126, %scan3A_274 : i32
        %mul3A_276 = arith.constant 1 : i32
        %mul3A_277 = arith.muli %scan3A_275, %mul3A_276 : i32
        %add3A_278 = arith.constant 0 : i32
        %add3A_279 = arith.addi %add3A_278, %mul3A_277 : i32
        %broadcast_in_dim3A_280 = vector.broadcast %add3A_279 : i32 to vector<16xi32>
        %reshape3A_281 = vector.shape_cast %broadcast_in_dim3A_280 : vector<16xi32> to vector<16x1xi32>
        %gather3A_282 = vector.shape_cast %reshape3A_281 : vector<16x1xi32> to vector<16xi32>
        %gather3A_283 = tpu.dynamic_gather %get3A_118[%gather3A_282] in [0] : vector<16xf32>, vector<16xi32> -> vector<16xf32>
        %add3A_284 = arith.addi %mul3A_120, %add3A_279 : i32
        %get3A_285 = arith.index_cast %add3A_284 : i32 to index
        %get3A_286 = arith.constant 0 : index
        %get3A_287 = tpu.vector_load %arg11[%get3A_285, %get3A_286] {strides = array<i32>} : memref<80x64xf32, #tpu.memory_space<vmem>>, vector<1x16xf32>,
        %get3A_288 = vector.shape_cast %get3A_287 : vector<1x16xf32> to vector<16xf32>
        %mul3A_289 = arith.mulf %get3A_288, %gather3A_283 : vector<16xf32>
        %swap3A_290 = arith.index_cast %add3A_284 : i32 to index
        %swap3A_291 = arith.constant 0 : index
        %swap3A_292 = tpu.vector_load %arg11[%swap3A_290, %swap3A_291] {strides = array<i32>} : memref<80x64xf32, #tpu.memory_space<vmem>>, vector<1x16xf32>,
        %swap3A_293 = vector.shape_cast %swap3A_292 : vector<1x16xf32> to vector<16xf32>
        %swap3A_294 = vector.shape_cast %mul3A_289 : vector<16xf32> to vector<1x16xf32>
        tpu.vector_store %arg11[%swap3A_290, %swap3A_291], %swap3A_294 {strides = array<i32>} : memref<80x64xf32, #tpu.memory_space<vmem>>, vector<1x16xf32>,
        %get3A_295 = arith.index_cast %add3A_284 : i32 to index
        %get3A_296 = arith.constant 16 : index
        %get3A_297 = tpu.vector_load %arg11[%get3A_295, %get3A_296] {strides = array<i32>} : memref<80x64xf32, #tpu.memory_space<vmem>>, vector<1x16xf32>,
        %get3A_298 = vector.shape_cast %get3A_297 : vector<1x16xf32> to vector<16xf32>
        %mul3A_299 = arith.mulf %get3A_298, %gather3A_283 : vector<16xf32>
        %swap3A_300 = arith.index_cast %add3A_284 : i32 to index
        %swap3A_301 = arith.constant 16 : index
        %swap3A_302 = tpu.vector_load %arg11[%swap3A_300, %swap3A_301] {strides = array<i32>} : memref<80x64xf32, #tpu.memory_space<vmem>>, vector<1x16xf32>,
        %swap3A_303 = vector.shape_cast %swap3A_302 : vector<1x16xf32> to vector<16xf32>
        %swap3A_304 = vector.shape_cast %mul3A_299 : vector<16xf32> to vector<1x16xf32>
        tpu.vector_store %arg11[%swap3A_300, %swap3A_301], %swap3A_304 {strides = array<i32>} : memref<80x64xf32, #tpu.memory_space<vmem>>, vector<1x16xf32>,
        %get3A_305 = arith.index_cast %add3A_284 : i32 to index
        %get3A_306 = arith.constant 32 : index
        %get3A_307 = tpu.vector_load %arg11[%get3A_305, %get3A_306] {strides = array<i32>} : memref<80x64xf32, #tpu.memory_space<vmem>>, vector<1x16xf32>,
        %get3A_308 = vector.shape_cast %get3A_307 : vector<1x16xf32> to vector<16xf32>
        %mul3A_309 = arith.mulf %get3A_308, %gather3A_283 : vector<16xf32>
        %swap3A_310 = arith.index_cast %add3A_284 : i32 to index
        %swap3A_311 = arith.constant 32 : index
        %swap3A_312 = tpu.vector_load %arg11[%swap3A_310, %swap3A_311] {strides = array<i32>} : memref<80x64xf32, #tpu.memory_space<vmem>>, vector<1x16xf32>,
        %swap3A_313 = vector.shape_cast %swap3A_312 : vector<1x16xf32> to vector<16xf32>
        %swap3A_314 = vector.shape_cast %mul3A_309 : vector<16xf32> to vector<1x16xf32>
        tpu.vector_store %arg11[%swap3A_310, %swap3A_311], %swap3A_314 {strides = array<i32>} : memref<80x64xf32, #tpu.memory_space<vmem>>, vector<1x16xf32>,
        %get3A_315 = arith.index_cast %add3A_284 : i32 to index
        %get3A_316 = arith.constant 48 : index
        %get3A_317 = tpu.vector_load %arg11[%get3A_315, %get3A_316] {strides = array<i32>} : memref<80x64xf32, #tpu.memory_space<vmem>>, vector<1x16xf32>,
        %get3A_318 = vector.shape_cast %get3A_317 : vector<1x16xf32> to vector<16xf32>
        %mul3A_319 = arith.mulf %get3A_318, %gather3A_283 : vector<16xf32>
        %swap3A_320 = arith.index_cast %add3A_284 : i32 to index
        %swap3A_321 = arith.constant 48 : index
        %swap3A_322 = tpu.vector_load %arg11[%swap3A_320, %swap3A_321] {strides = array<i32>} : memref<80x64xf32, #tpu.memory_space<vmem>>, vector<1x16xf32>,
        %swap3A_323 = vector.shape_cast %swap3A_322 : vector<1x16xf32> to vector<16xf32>
        %swap3A_324 = vector.shape_cast %mul3A_319 : vector<16xf32> to vector<1x16xf32>
        tpu.vector_store %arg11[%swap3A_320, %swap3A_321], %swap3A_324 {strides = array<i32>} : memref<80x64xf32, #tpu.memory_space<vmem>>, vector<1x16xf32>,
      }
      %scan3A_125 = arith.constant 16 : i32
    }
    %scan3A_68 = arith.constant 5 : i32
    %dma_start3A_69 = arith.constant 249 : i32
    %dma_start3A_70 = arith.constant 0 : i32
    %dma_start3A_71 = tpu.memref_slice %arg8[%dma_start3A_69, %dma_start3A_70] : memref<250x80xi32, #tpu.memory_space<vmem>> -> memref<1x80xi32, #tpu.memory_space<vmem>>
    %dma_start3A_72 = tpu.memref_squeeze %dma_start3A_71 : memref<1x80xi32, #tpu.memory_space<vmem>> -> memref<80xi32, #tpu.memory_space<vmem>>
    %dma_start3A_73 = arith.constant 0 : i32
    %dma_start3A_74 = arith.constant 0 : i32
    %dma_start3A_75 = tpu.memref_slice %arg15[%dma_start3A_73, %dma_start3A_74] : memref<10000x64xf32, #tpu.memory_space<vmem_shared>> -> memref<10000x64xf32, #tpu.memory_space<vmem_shared>>
    tpu.enqueue_indirect_dma source(%arg11 : memref<80x64xf32, #tpu.memory_space<vmem>>) target(%dma_start3A_75 : memref<10000x64xf32, #tpu.memory_space<vmem_shared>>) offsets(%dma_start3A_72 : memref<80xi32, #tpu.memory_space<vmem>>) semaphore(%arg21 : memref<!tpu.dma_semaphore, #tpu.memory_space<semaphore_mem>>) {add = true}
    %dma_wait3A_76 = arith.constant 246 : i32
    %dma_wait3A_77 = arith.constant 0 : i32
    %dma_wait3A_78 = tpu.memref_slice %arg8[%dma_wait3A_76, %dma_wait3A_77] : memref<250x80xi32, #tpu.memory_space<vmem>> -> memref<1x80xi32, #tpu.memory_space<vmem>>
    %dma_wait3A_79 = tpu.memref_squeeze %dma_wait3A_78 : memref<1x80xi32, #tpu.memory_space<vmem>> -> memref<80xi32, #tpu.memory_space<vmem>>
    %dma_wait3A_80 = arith.constant 0 : i32
    %dma_wait3A_81 = arith.constant 0 : i32
    %dma_wait3A_82 = tpu.memref_slice %arg15[%dma_wait3A_80, %dma_wait3A_81] : memref<10000x64xf32, #tpu.memory_space<vmem_shared>> -> memref<10000x64xf32, #tpu.memory_space<vmem_shared>>
    tpu.wait_indirect_dma semaphore(%arg22 : memref<!tpu.dma_semaphore, #tpu.memory_space<semaphore_mem>>) src(%arg12 : memref<80x64xf32, #tpu.memory_space<vmem>>) dst(%dma_wait3A_82 : memref<10000x64xf32, #tpu.memory_space<vmem_shared>>)
    %dma_wait3A_83 = arith.constant 247 : i32
    %dma_wait3A_84 = arith.constant 0 : i32
    %dma_wait3A_85 = tpu.memref_slice %arg8[%dma_wait3A_83, %dma_wait3A_84] : memref<250x80xi32, #tpu.memory_space<vmem>> -> memref<1x80xi32, #tpu.memory_space<vmem>>
    %dma_wait3A_86 = tpu.memref_squeeze %dma_wait3A_85 : memref<1x80xi32, #tpu.memory_space<vmem>> -> memref<80xi32, #tpu.memory_space<vmem>>
    %dma_wait3A_87 = arith.constant 0 : i32
    %dma_wait3A_88 = arith.constant 0 : i32
    %dma_wait3A_89 = tpu.memref_slice %arg15[%dma_wait3A_87, %dma_wait3A_88] : memref<10000x64xf32, #tpu.memory_space<vmem_shared>> -> memref<10000x64xf32, #tpu.memory_space<vmem_shared>>
    tpu.wait_indirect_dma semaphore(%arg23 : memref<!tpu.dma_semaphore, #tpu.memory_space<semaphore_mem>>) src(%arg13 : memref<80x64xf32, #tpu.memory_space<vmem>>) dst(%dma_wait3A_89 : memref<10000x64xf32, #tpu.memory_space<vmem_shared>>)
    %dma_wait3A_90 = arith.constant 248 : i32
    %dma_wait3A_91 = arith.constant 0 : i32
    %dma_wait3A_92 = tpu.memref_slice %arg8[%dma_wait3A_90, %dma_wait3A_91] : memref<250x80xi32, #tpu.memory_space<vmem>> -> memref<1x80xi32, #tpu.memory_space<vmem>>
    %dma_wait3A_93 = tpu.memref_squeeze %dma_wait3A_92 : memref<1x80xi32, #tpu.memory_space<vmem>> -> memref<80xi32, #tpu.memory_space<vmem>>
    %dma_wait3A_94 = arith.constant 0 : i32
    %dma_wait3A_95 = arith.constant 0 : i32
    %dma_wait3A_96 = tpu.memref_slice %arg15[%dma_wait3A_94, %dma_wait3A_95] : memref<10000x64xf32, #tpu.memory_space<vmem_shared>> -> memref<10000x64xf32, #tpu.memory_space<vmem_shared>>
    tpu.wait_indirect_dma semaphore(%arg20 : memref<!tpu.dma_semaphore, #tpu.memory_space<semaphore_mem>>) src(%arg10 : memref<80x64xf32, #tpu.memory_space<vmem>>) dst(%dma_wait3A_96 : memref<10000x64xf32, #tpu.memory_space<vmem_shared>>)
    %dma_wait3A_97 = arith.constant 249 : i32
    %dma_wait3A_98 = arith.constant 0 : i32
    %dma_wait3A_99 = tpu.memref_slice %arg8[%dma_wait3A_97, %dma_wait3A_98] : memref<250x80xi32, #tpu.memory_space<vmem>> -> memref<1x80xi32, #tpu.memory_space<vmem>>
    %dma_wait3A_100 = tpu.memref_squeeze %dma_wait3A_99 : memref<1x80xi32, #tpu.memory_space<vmem>> -> memref<80xi32, #tpu.memory_space<vmem>>
    %dma_wait3A_101 = arith.constant 0 : i32
    %dma_wait3A_102 = arith.constant 0 : i32
    %dma_wait3A_103 = tpu.memref_slice %arg15[%dma_wait3A_101, %dma_wait3A_102] : memref<10000x64xf32, #tpu.memory_space<vmem_shared>> -> memref<10000x64xf32, #tpu.memory_space<vmem_shared>>
    tpu.wait_indirect_dma semaphore(%arg21 : memref<!tpu.dma_semaphore, #tpu.memory_space<semaphore_mem>>) src(%arg11 : memref<80x64xf32, #tpu.memory_space<vmem>>) dst(%dma_wait3A_103 : memref<10000x64xf32, #tpu.memory_space<vmem_shared>>)
    %barrier3A_104 = arith.constant 0 : index
    tpu.barrier barrier_id(%barrier3A_104)
    %scan3A_105 = arith.constant 0 : i32
    %scan3A_106 = arith.constant 8 : i32
    %scan3A_107 = arith.addi %scan3A_105, %scan3A_106 : i32
    %scan3A_108 = arith.constant 1 : i32
    scf.for %scan3A_110 = %scan3A_105 to %scan3A_107 step %scan3A_108  : i32 {
      %mul3A = arith.constant 1 : i32
      %mul3A_111 = arith.muli %scan3A_110, %mul3A : i32
      %add3A = arith.constant 0 : i32
      %add3A_112 = arith.addi %add3A, %mul3A_111 : i32
      %mul3A_113 = arith.constant 16 : i32
      %mul3A_114 = arith.muli %add3A_112, %mul3A_113 : i32
      %add3A_115 = arith.addi %arg1, %mul3A_114 : i32
      %lt3A = arith.constant 125 : i32
      %lt3A_116 = arith.cmpi slt, %add3A_115, %lt3A : i32
      %convert_element_type3A = arith.extui %lt3A_116 : i1 to i32
      %cond3A = arith.constant 0 : i32
      %cond3A_117 = arith.cmpi ne, %convert_element_type3A, %cond3A : i32
      scf.if %cond3A_117 {
        %mul3A_118 = arith.constant 80 : i32
        %mul3A_119 = arith.muli %add3A_115, %mul3A_118 : i32
        %mul3A_120 = arith.constant 64 : i32
        %mul3A_121 = arith.muli %arg0, %mul3A_120 : i32
        "tpu.region"() ({
          %run_scoped3A = tpu.sem_alloc : memref<!tpu.dma_semaphore, #tpu.memory_space<semaphore_mem>>
          %dma_start3A_122 = tpu.memref_slice %arg6[%mul3A_119, %mul3A_121] : memref<10000x128xf32, #tpu.memory_space<hbm>> -> memref<80x64xf32, #tpu.memory_space<hbm>>
          %dma_start3A_123 = arith.constant 0 : i32
          %dma_start3A_124 = tpu.memref_slice %arg15[%mul3A_119, %dma_start3A_123] : memref<10000x64xf32, #tpu.memory_space<vmem_shared>> -> memref<80x64xf32, #tpu.memory_space<vmem_shared>>
          tpu.enqueue_dma source(%dma_start3A_124 : memref<80x64xf32, #tpu.memory_space<vmem_shared>>) target(%dma_start3A_122 : memref<80x64xf32, #tpu.memory_space<hbm>>) target_semaphore(%run_scoped3A : memref<!tpu.dma_semaphore, #tpu.memory_space<semaphore_mem>>)
          %dma_wait3A_125 = tpu.memref_slice %arg6[%mul3A_119, %mul3A_121] : memref<10000x128xf32, #tpu.memory_space<hbm>> -> memref<80x64xf32, #tpu.memory_space<hbm>>
          %dma_wait3A_126 = arith.constant 0 : i32
          %dma_wait3A_127 = tpu.memref_slice %arg15[%mul3A_119, %dma_wait3A_126] : memref<10000x64xf32, #tpu.memory_space<vmem_shared>> -> memref<80x64xf32, #tpu.memory_space<vmem_shared>>
          tpu.wait_dma2 semaphore(%run_scoped3A : memref<!tpu.dma_semaphore, #tpu.memory_space<semaphore_mem>>) src(%dma_wait3A_127 : memref<80x64xf32, #tpu.memory_space<vmem_shared>>) dst(%dma_wait3A_125 : memref<80x64xf32, #tpu.memory_space<hbm>>)
          tpu.yield
        }) : () -> ()
      } else {
      }
    }
    %scan3A_109 = arith.constant 8 : i32
    return
  }
}

#map = affine_map<(d0, d1) -> (0, 0)>
#map1 = affine_map<(d0, d1) -> (0, 0, 0)>
module attributes {stable_mosaic.version = 14 : i64} {
  func.func @_spmm_sc(%arg0: i32, %arg1: i32, %arg2: memref<20000x64xf32, #tpu.memory_space<hbm>>, %arg3: memref<16x250x80xi32, #tpu.memory_space<hbm>>, %arg4: memref<16x250x80xi32, #tpu.memory_space<hbm>>, %arg5: memref<16x250x80xf32, #tpu.memory_space<hbm>>, %arg6: memref<10000x128xf32, #tpu.memory_space<hbm>>, %arg7: memref<250x80xi32, #tpu.memory_space<vmem>>, %arg8: memref<250x80xi32, #tpu.memory_space<vmem>>, %arg9: memref<250x80xf32, #tpu.memory_space<vmem>>, %arg10: memref<80x64xf32, #tpu.memory_space<vmem>>, %arg11: memref<80x64xf32, #tpu.memory_space<vmem>>, %arg12: memref<80x64xf32, #tpu.memory_space<vmem>>, %arg13: memref<80x64xf32, #tpu.memory_space<vmem>>, %arg14: memref<80x64xf32, #tpu.memory_space<vmem>>, %arg15: memref<10000x64xf32, #tpu.memory_space<vmem_shared>>, %arg16: memref<!tpu.dma_semaphore, #tpu.memory_space<semaphore_mem>>, %arg17: memref<!tpu.dma_semaphore, #tpu.memory_space<semaphore_mem>>, %arg18: memref<!tpu.dma_semaphore, #tpu.memory_space<semaphore_mem>>, %arg19: memref<!tpu.dma_semaphore, #tpu.memory_space<semaphore_mem>>, %arg20: memref<!tpu.dma_semaphore, #tpu.memory_space<semaphore_mem>>, %arg21: memref<!tpu.dma_semaphore, #tpu.memory_space<semaphore_mem>>, %arg22: memref<!tpu.dma_semaphore, #tpu.memory_space<semaphore_mem>>, %arg23: memref<!tpu.dma_semaphore, #tpu.memory_space<semaphore_mem>>) attributes {dimension_semantics = [#tpu.dimension_semantics<core_parallel>, #tpu.dimension_semantics<subcore_parallel>], iteration_bounds = array<i64: 2, 16>, scalar_prefetch = 0 : i64, scratch_operands = 17 : i64, tpu.core_type = #tpu.core_type<sc_vector_subcore>, window_params = [{transform_indices = #map}, {transform_indices = #map1}, {transform_indices = #map1}, {transform_indices = #map1}, {transform_indices = #map}]} {
    %scan3A = arith.constant 0 : i32
    %scan3A_0 = arith.constant 80 : i32
    %scan3A_1 = arith.addi %scan3A, %scan3A_0 : i32
    %scan3A_2 = arith.constant 1 : i32
    scf.for %scan3A_110 = %scan3A to %scan3A_1 step %scan3A_2  : i32 {
      %mul3A = arith.constant 1 : i32
      %mul3A_111 = arith.muli %scan3A_110, %mul3A : i32
      %add3A = arith.constant 0 : i32
      %add3A_112 = arith.addi %add3A, %mul3A_111 : i32
      %broadcast_in_dim3A = arith.constant 0.000000e+00 : f32
      %broadcast_in_dim3A_113 = vector.broadcast %broadcast_in_dim3A : f32 to vector<16xf32>
      %swap3A = arith.index_cast %add3A_112 : i32 to index
      %swap3A_114 = arith.constant 0 : index
      %swap3A_115 = tpu.vector_load %arg14[%swap3A, %swap3A_114] {strides = array<i32>} : memref<80x64xf32, #tpu.memory_space<vmem>>, vector<1x16xf32>,
      %swap3A_116 = vector.shape_cast %swap3A_115 : vector<1x16xf32> to vector<16xf32>
      %swap3A_117 = vector.shape_cast %broadcast_in_dim3A_113 : vector<16xf32> to vector<1x16xf32>
      tpu.vector_store %arg14[%swap3A, %swap3A_114], %swap3A_117 {strides = array<i32>} : memref<80x64xf32, #tpu.memory_space<vmem>>, vector<1x16xf32>,
      %broadcast_in_dim3A_118 = arith.constant 0.000000e+00 : f32
      %broadcast_in_dim3A_119 = vector.broadcast %broadcast_in_dim3A_118 : f32 to vector<16xf32>
      %swap3A_120 = arith.index_cast %add3A_112 : i32 to index
      %swap3A_121 = arith.constant 16 : index
      %swap3A_122 = tpu.vector_load %arg14[%swap3A_120, %swap3A_121] {strides = array<i32>} : memref<80x64xf32, #tpu.memory_space<vmem>>, vector<1x16xf32>,
      %swap3A_123 = vector.shape_cast %swap3A_122 : vector<1x16xf32> to vector<16xf32>
      %swap3A_124 = vector.shape_cast %broadcast_in_dim3A_119 : vector<16xf32> to vector<1x16xf32>
      tpu.vector_store %arg14[%swap3A_120, %swap3A_121], %swap3A_124 {strides = array<i32>} : memref<80x64xf32, #tpu.memory_space<vmem>>, vector<1x16xf32>,
      %broadcast_in_dim3A_125 = arith.constant 0.000000e+00 : f32
      %broadcast_in_dim3A_126 = vector.broadcast %broadcast_in_dim3A_125 : f32 to vector<16xf32>
      %swap3A_127 = arith.index_cast %add3A_112 : i32 to index
      %swap3A_128 = arith.constant 32 : index
      %swap3A_129 = tpu.vector_load %arg14[%swap3A_127, %swap3A_128] {strides = array<i32>} : memref<80x64xf32, #tpu.memory_space<vmem>>, vector<1x16xf32>,
      %swap3A_130 = vector.shape_cast %swap3A_129 : vector<1x16xf32> to vector<16xf32>
      %swap3A_131 = vector.shape_cast %broadcast_in_dim3A_126 : vector<16xf32> to vector<1x16xf32>
      tpu.vector_store %arg14[%swap3A_127, %swap3A_128], %swap3A_131 {strides = array<i32>} : memref<80x64xf32, #tpu.memory_space<vmem>>, vector<1x16xf32>,
      %broadcast_in_dim3A_132 = arith.constant 0.000000e+00 : f32
      %broadcast_in_dim3A_133 = vector.broadcast %broadcast_in_dim3A_132 : f32 to vector<16xf32>
      %swap3A_134 = arith.index_cast %add3A_112 : i32 to index
      %swap3A_135 = arith.constant 48 : index
      %swap3A_136 = tpu.vector_load %arg14[%swap3A_134, %swap3A_135] {strides = array<i32>} : memref<80x64xf32, #tpu.memory_space<vmem>>, vector<1x16xf32>,
      %swap3A_137 = vector.shape_cast %swap3A_136 : vector<1x16xf32> to vector<16xf32>
      %swap3A_138 = vector.shape_cast %broadcast_in_dim3A_133 : vector<16xf32> to vector<1x16xf32>
      tpu.vector_store %arg14[%swap3A_134, %swap3A_135], %swap3A_138 {strides = array<i32>} : memref<80x64xf32, #tpu.memory_space<vmem>>, vector<1x16xf32>,
    }
    %scan3A_3 = arith.constant 80 : i32
    %scan3A_4 = arith.constant 0 : i32
    %scan3A_5 = arith.constant 8 : i32
    %scan3A_6 = arith.addi %scan3A_4, %scan3A_5 : i32
    %scan3A_7 = arith.constant 1 : i32
    scf.for %scan3A_110 = %scan3A_4 to %scan3A_6 step %scan3A_7  : i32 {
      %mul3A = arith.constant 1 : i32
      %mul3A_111 = arith.muli %scan3A_110, %mul3A : i32
      %add3A = arith.constant 0 : i32
      %add3A_112 = arith.addi %add3A, %mul3A_111 : i32
      %mul3A_113 = arith.constant 16 : i32
      %mul3A_114 = arith.muli %add3A_112, %mul3A_113 : i32
      %add3A_115 = arith.addi %arg1, %mul3A_114 : i32
      %lt3A = arith.constant 125 : i32
      %lt3A_116 = arith.cmpi slt, %add3A_115, %lt3A : i32
      %convert_element_type3A = arith.extui %lt3A_116 : i1 to i32
      %cond3A = arith.constant 0 : i32
      %cond3A_117 = arith.cmpi ne, %convert_element_type3A, %cond3A : i32
      scf.if %cond3A_117 {
        %mul3A_118 = arith.constant 80 : i32
        %mul3A_119 = arith.muli %add3A_115, %mul3A_118 : i32
        "tpu.region"() ({
          %run_scoped3A = tpu.sem_alloc : memref<!tpu.dma_semaphore, #tpu.memory_space<semaphore_mem>>
          %dma_start3A_120 = arith.constant 0 : i32
          %dma_start3A_121 = tpu.memref_slice %arg15[%mul3A_119, %dma_start3A_120] : memref<10000x64xf32, #tpu.memory_space<vmem_shared>> -> memref<80x64xf32, #tpu.memory_space<vmem_shared>>
          %dma_start3A_122 = arith.constant 0 : i32
          %dma_start3A_123 = tpu.memref_slice %arg15[%mul3A_119, %dma_start3A_122] : memref<10000x64xf32, #tpu.memory_space<vmem_shared>> -> memref<80x64xf32, #tpu.memory_space<vmem_shared>>
          tpu.enqueue_dma source(%arg14 : memref<80x64xf32, #tpu.memory_space<vmem>>) target(%dma_start3A_123 : memref<80x64xf32, #tpu.memory_space<vmem_shared>>) target_semaphore(%run_scoped3A : memref<!tpu.dma_semaphore, #tpu.memory_space<semaphore_mem>>)
          %dma_wait3A_124 = arith.constant 0 : i32
          %dma_wait3A_125 = tpu.memref_slice %arg15[%mul3A_119, %dma_wait3A_124] : memref<10000x64xf32, #tpu.memory_space<vmem_shared>> -> memref<80x64xf32, #tpu.memory_space<vmem_shared>>
          %dma_wait3A_126 = arith.constant 0 : i32
          %dma_wait3A_127 = tpu.memref_slice %arg15[%mul3A_119, %dma_wait3A_126] : memref<10000x64xf32, #tpu.memory_space<vmem_shared>> -> memref<80x64xf32, #tpu.memory_space<vmem_shared>>
          tpu.wait_dma2 semaphore(%run_scoped3A : memref<!tpu.dma_semaphore, #tpu.memory_space<semaphore_mem>>) src(%arg14 : memref<80x64xf32, #tpu.memory_space<vmem>>) dst(%dma_wait3A_127 : memref<80x64xf32, #tpu.memory_space<vmem_shared>>)
          tpu.yield
        }) : () -> ()
      } else {
      }
    }
    %scan3A_8 = arith.constant 8 : i32
    "tpu.region"() ({
      %run_scoped3A = tpu.sem_alloc : memref<!tpu.dma_semaphore, #tpu.memory_space<semaphore_mem>>
      %dma_start3A_110 = arith.constant 0 : i32
      %dma_start3A_111 = arith.constant 0 : i32
      %dma_start3A_112 = tpu.memref_slice %arg3[%arg1, %dma_start3A_110, %dma_start3A_111] : memref<16x250x80xi32, #tpu.memory_space<hbm>> -> memref<1x250x80xi32, #tpu.memory_space<hbm>>
      %dma_start3A_113 = tpu.memref_squeeze %dma_start3A_112 : memref<1x250x80xi32, #tpu.memory_space<hbm>> -> memref<250x80xi32, #tpu.memory_space<hbm>>
      %dma_start3A_114 = arith.constant 0 : i32
      %dma_start3A_115 = arith.constant 0 : i32
      %dma_start3A_116 = tpu.memref_slice %arg3[%arg1, %dma_start3A_114, %dma_start3A_115] : memref<16x250x80xi32, #tpu.memory_space<hbm>> -> memref<1x250x80xi32, #tpu.memory_space<hbm>>
      %dma_start3A_117 = tpu.memref_squeeze %dma_start3A_116 : memref<1x250x80xi32, #tpu.memory_space<hbm>> -> memref<250x80xi32, #tpu.memory_space<hbm>>
      tpu.enqueue_dma source(%dma_start3A_117 : memref<250x80xi32, #tpu.memory_space<hbm>>) target(%arg7 : memref<250x80xi32, #tpu.memory_space<vmem>>) target_semaphore(%run_scoped3A : memref<!tpu.dma_semaphore, #tpu.memory_space<semaphore_mem>>)
      %dma_wait3A_118 = arith.constant 0 : i32
      %dma_wait3A_119 = arith.constant 0 : i32
      %dma_wait3A_120 = tpu.memref_slice %arg3[%arg1, %dma_wait3A_118, %dma_wait3A_119] : memref<16x250x80xi32, #tpu.memory_space<hbm>> -> memref<1x250x80xi32, #tpu.memory_space<hbm>>
      %dma_wait3A_121 = tpu.memref_squeeze %dma_wait3A_120 : memref<1x250x80xi32, #tpu.memory_space<hbm>> -> memref<250x80xi32, #tpu.memory_space<hbm>>
      %dma_wait3A_122 = arith.constant 0 : i32
      %dma_wait3A_123 = arith.constant 0 : i32
      %dma_wait3A_124 = tpu.memref_slice %arg3[%arg1, %dma_wait3A_122, %dma_wait3A_123] : memref<16x250x80xi32, #tpu.memory_space<hbm>> -> memref<1x250x80xi32, #tpu.memory_space<hbm>>
      %dma_wait3A_125 = tpu.memref_squeeze %dma_wait3A_124 : memref<1x250x80xi32, #tpu.memory_space<hbm>> -> memref<250x80xi32, #tpu.memory_space<hbm>>
      tpu.wait_dma2 semaphore(%run_scoped3A : memref<!tpu.dma_semaphore, #tpu.memory_space<semaphore_mem>>) src(%dma_wait3A_125 : memref<250x80xi32, #tpu.memory_space<hbm>>) dst(%arg7 : memref<250x80xi32, #tpu.memory_space<vmem>>)
      tpu.yield
    }) : () -> ()
    "tpu.region"() ({
      %run_scoped3A = tpu.sem_alloc : memref<!tpu.dma_semaphore, #tpu.memory_space<semaphore_mem>>
      %dma_start3A_110 = arith.constant 0 : i32
      %dma_start3A_111 = arith.constant 0 : i32
      %dma_start3A_112 = tpu.memref_slice %arg4[%arg1, %dma_start3A_110, %dma_start3A_111] : memref<16x250x80xi32, #tpu.memory_space<hbm>> -> memref<1x250x80xi32, #tpu.memory_space<hbm>>
      %dma_start3A_113 = tpu.memref_squeeze %dma_start3A_112 : memref<1x250x80xi32, #tpu.memory_space<hbm>> -> memref<250x80xi32, #tpu.memory_space<hbm>>
      %dma_start3A_114 = arith.constant 0 : i32
      %dma_start3A_115 = arith.constant 0 : i32
      %dma_start3A_116 = tpu.memref_slice %arg4[%arg1, %dma_start3A_114, %dma_start3A_115] : memref<16x250x80xi32, #tpu.memory_space<hbm>> -> memref<1x250x80xi32, #tpu.memory_space<hbm>>
      %dma_start3A_117 = tpu.memref_squeeze %dma_start3A_116 : memref<1x250x80xi32, #tpu.memory_space<hbm>> -> memref<250x80xi32, #tpu.memory_space<hbm>>
      tpu.enqueue_dma source(%dma_start3A_117 : memref<250x80xi32, #tpu.memory_space<hbm>>) target(%arg8 : memref<250x80xi32, #tpu.memory_space<vmem>>) target_semaphore(%run_scoped3A : memref<!tpu.dma_semaphore, #tpu.memory_space<semaphore_mem>>)
      %dma_wait3A_118 = arith.constant 0 : i32
      %dma_wait3A_119 = arith.constant 0 : i32
      %dma_wait3A_120 = tpu.memref_slice %arg4[%arg1, %dma_wait3A_118, %dma_wait3A_119] : memref<16x250x80xi32, #tpu.memory_space<hbm>> -> memref<1x250x80xi32, #tpu.memory_space<hbm>>
      %dma_wait3A_121 = tpu.memref_squeeze %dma_wait3A_120 : memref<1x250x80xi32, #tpu.memory_space<hbm>> -> memref<250x80xi32, #tpu.memory_space<hbm>>
      %dma_wait3A_122 = arith.constant 0 : i32
      %dma_wait3A_123 = arith.constant 0 : i32
      %dma_wait3A_124 = tpu.memref_slice %arg4[%arg1, %dma_wait3A_122, %dma_wait3A_123] : memref<16x250x80xi32, #tpu.memory_space<hbm>> -> memref<1x250x80xi32, #tpu.memory_space<hbm>>
      %dma_wait3A_125 = tpu.memref_squeeze %dma_wait3A_124 : memref<1x250x80xi32, #tpu.memory_space<hbm>> -> memref<250x80xi32, #tpu.memory_space<hbm>>
      tpu.wait_dma2 semaphore(%run_scoped3A : memref<!tpu.dma_semaphore, #tpu.memory_space<semaphore_mem>>) src(%dma_wait3A_125 : memref<250x80xi32, #tpu.memory_space<hbm>>) dst(%arg8 : memref<250x80xi32, #tpu.memory_space<vmem>>)
      tpu.yield
    }) : () -> ()
    "tpu.region"() ({
      %run_scoped3A = tpu.sem_alloc : memref<!tpu.dma_semaphore, #tpu.memory_space<semaphore_mem>>
      %dma_start3A_110 = arith.constant 0 : i32
      %dma_start3A_111 = arith.constant 0 : i32
      %dma_start3A_112 = tpu.memref_slice %arg5[%arg1, %dma_start3A_110, %dma_start3A_111] : memref<16x250x80xf32, #tpu.memory_space<hbm>> -> memref<1x250x80xf32, #tpu.memory_space<hbm>>
      %dma_start3A_113 = tpu.memref_squeeze %dma_start3A_112 : memref<1x250x80xf32, #tpu.memory_space<hbm>> -> memref<250x80xf32, #tpu.memory_space<hbm>>
      %dma_start3A_114 = arith.constant 0 : i32
      %dma_start3A_115 = arith.constant 0 : i32
      %dma_start3A_116 = tpu.memref_slice %arg5[%arg1, %dma_start3A_114, %dma_start3A_115] : memref<16x250x80xf32, #tpu.memory_space<hbm>> -> memref<1x250x80xf32, #tpu.memory_space<hbm>>
      %dma_start3A_117 = tpu.memref_squeeze %dma_start3A_116 : memref<1x250x80xf32, #tpu.memory_space<hbm>> -> memref<250x80xf32, #tpu.memory_space<hbm>>
      tpu.enqueue_dma source(%dma_start3A_117 : memref<250x80xf32, #tpu.memory_space<hbm>>) target(%arg9 : memref<250x80xf32, #tpu.memory_space<vmem>>) target_semaphore(%run_scoped3A : memref<!tpu.dma_semaphore, #tpu.memory_space<semaphore_mem>>)
      %dma_wait3A_118 = arith.constant 0 : i32
      %dma_wait3A_119 = arith.constant 0 : i32
      %dma_wait3A_120 = tpu.memref_slice %arg5[%arg1, %dma_wait3A_118, %dma_wait3A_119] : memref<16x250x80xf32, #tpu.memory_space<hbm>> -> memref<1x250x80xf32, #tpu.memory_space<hbm>>
      %dma_wait3A_121 = tpu.memref_squeeze %dma_wait3A_120 : memref<1x250x80xf32, #tpu.memory_space<hbm>> -> memref<250x80xf32, #tpu.memory_space<hbm>>
      %dma_wait3A_122 = arith.constant 0 : i32
      %dma_wait3A_123 = arith.constant 0 : i32
      %dma_wait3A_124 = tpu.memref_slice %arg5[%arg1, %dma_wait3A_122, %dma_wait3A_123] : memref<16x250x80xf32, #tpu.memory_space<hbm>> -> memref<1x250x80xf32, #tpu.memory_space<hbm>>
      %dma_wait3A_125 = tpu.memref_squeeze %dma_wait3A_124 : memref<1x250x80xf32, #tpu.memory_space<hbm>> -> memref<250x80xf32, #tpu.memory_space<hbm>>
      tpu.wait_dma2 semaphore(%run_scoped3A : memref<!tpu.dma_semaphore, #tpu.memory_space<semaphore_mem>>) src(%dma_wait3A_125 : memref<250x80xf32, #tpu.memory_space<hbm>>) dst(%arg9 : memref<250x80xf32, #tpu.memory_space<vmem>>)
      tpu.yield
    }) : () -> ()
    %scan3A_9 = arith.constant 0 : i32
    %scan3A_10 = arith.constant 250 : i32
    %scan3A_11 = arith.addi %scan3A_9, %scan3A_10 : i32
    %scan3A_12 = arith.constant 1 : i32
    scf.for %scan3A_110 = %scan3A_9 to %scan3A_11 step %scan3A_12  : i32 {
      %mul3A = arith.constant 1 : i32
      %mul3A_111 = arith.muli %scan3A_110, %mul3A : i32
      %add3A = arith.constant 0 : i32
      %add3A_112 = arith.addi %add3A, %mul3A_111 : i32
      %get3A = arith.index_cast %add3A_112 : i32 to index
      %get3A_113 = arith.constant 0 : index
      %get3A_114 = tpu.vector_load %arg7[%get3A, %get3A_113] {strides = array<i32>} : memref<250x80xi32, #tpu.memory_space<vmem>>, vector<1x16xi32>,
      %get3A_115 = vector.shape_cast %get3A_114 : vector<1x16xi32> to vector<16xi32>
      %mul3A_116 = arith.constant 2 : i32
      %mul3A_117 = vector.broadcast %mul3A_116 : i32 to vector<16xi32>
      %mul3A_118 = arith.muli %get3A_115, %mul3A_117 : vector<16xi32>
      %add3A_119 = vector.broadcast %arg0 : i32 to vector<16xi32>
      %add3A_120 = arith.addi %mul3A_118, %add3A_119 : vector<16xi32>
      %swap3A = arith.index_cast %add3A_112 : i32 to index
      %swap3A_121 = arith.constant 0 : index
      %swap3A_122 = tpu.vector_load %arg7[%swap3A, %swap3A_121] {strides = array<i32>} : memref<250x80xi32, #tpu.memory_space<vmem>>, vector<1x16xi32>,
      %swap3A_123 = vector.shape_cast %swap3A_122 : vector<1x16xi32> to vector<16xi32>
      %swap3A_124 = vector.shape_cast %add3A_120 : vector<16xi32> to vector<1x16xi32>
      tpu.vector_store %arg7[%swap3A, %swap3A_121], %swap3A_124 {strides = array<i32>} : memref<250x80xi32, #tpu.memory_space<vmem>>, vector<1x16xi32>,
      %get3A_125 = arith.index_cast %add3A_112 : i32 to index
      %get3A_126 = arith.constant 16 : index
      %get3A_127 = tpu.vector_load %arg7[%get3A_125, %get3A_126] {strides = array<i32>} : memref<250x80xi32, #tpu.memory_space<vmem>>, vector<1x16xi32>,
      %get3A_128 = vector.shape_cast %get3A_127 : vector<1x16xi32> to vector<16xi32>
      %mul3A_129 = arith.constant 2 : i32
      %mul3A_130 = vector.broadcast %mul3A_129 : i32 to vector<16xi32>
      %mul3A_131 = arith.muli %get3A_128, %mul3A_130 : vector<16xi32>
      %add3A_132 = vector.broadcast %arg0 : i32 to vector<16xi32>
      %add3A_133 = arith.addi %mul3A_131, %add3A_132 : vector<16xi32>
      %swap3A_134 = arith.index_cast %add3A_112 : i32 to index
      %swap3A_135 = arith.constant 16 : index
      %swap3A_136 = tpu.vector_load %arg7[%swap3A_134, %swap3A_135] {strides = array<i32>} : memref<250x80xi32, #tpu.memory_space<vmem>>, vector<1x16xi32>,
      %swap3A_137 = vector.shape_cast %swap3A_136 : vector<1x16xi32> to vector<16xi32>
      %swap3A_138 = vector.shape_cast %add3A_133 : vector<16xi32> to vector<1x16xi32>
      tpu.vector_store %arg7[%swap3A_134, %swap3A_135], %swap3A_138 {strides = array<i32>} : memref<250x80xi32, #tpu.memory_space<vmem>>, vector<1x16xi32>,
      %get3A_139 = arith.index_cast %add3A_112 : i32 to index
      %get3A_140 = arith.constant 32 : index
      %get3A_141 = tpu.vector_load %arg7[%get3A_139, %get3A_140] {strides = array<i32>} : memref<250x80xi32, #tpu.memory_space<vmem>>, vector<1x16xi32>,
      %get3A_142 = vector.shape_cast %get3A_141 : vector<1x16xi32> to vector<16xi32>
      %mul3A_143 = arith.constant 2 : i32
      %mul3A_144 = vector.broadcast %mul3A_143 : i32 to vector<16xi32>
      %mul3A_145 = arith.muli %get3A_142, %mul3A_144 : vector<16xi32>
      %add3A_146 = vector.broadcast %arg0 : i32 to vector<16xi32>
      %add3A_147 = arith.addi %mul3A_145, %add3A_146 : vector<16xi32>
      %swap3A_148 = arith.index_cast %add3A_112 : i32 to index
      %swap3A_149 = arith.constant 32 : index
      %swap3A_150 = tpu.vector_load %arg7[%swap3A_148, %swap3A_149] {strides = array<i32>} : memref<250x80xi32, #tpu.memory_space<vmem>>, vector<1x16xi32>,
      %swap3A_151 = vector.shape_cast %swap3A_150 : vector<1x16xi32> to vector<16xi32>
      %swap3A_152 = vector.shape_cast %add3A_147 : vector<16xi32> to vector<1x16xi32>
      tpu.vector_store %arg7[%swap3A_148, %swap3A_149], %swap3A_152 {strides = array<i32>} : memref<250x80xi32, #tpu.memory_space<vmem>>, vector<1x16xi32>,
      %get3A_153 = arith.index_cast %add3A_112 : i32 to index
      %get3A_154 = arith.constant 48 : index
      %get3A_155 = tpu.vector_load %arg7[%get3A_153, %get3A_154] {strides = array<i32>} : memref<250x80xi32, #tpu.memory_space<vmem>>, vector<1x16xi32>,
      %get3A_156 = vector.shape_cast %get3A_155 : vector<1x16xi32> to vector<16xi32>
      %mul3A_157 = arith.constant 2 : i32
      %mul3A_158 = vector.broadcast %mul3A_157 : i32 to vector<16xi32>
      %mul3A_159 = arith.muli %get3A_156, %mul3A_158 : vector<16xi32>
      %add3A_160 = vector.broadcast %arg0 : i32 to vector<16xi32>
      %add3A_161 = arith.addi %mul3A_159, %add3A_160 : vector<16xi32>
      %swap3A_162 = arith.index_cast %add3A_112 : i32 to index
      %swap3A_163 = arith.constant 48 : index
      %swap3A_164 = tpu.vector_load %arg7[%swap3A_162, %swap3A_163] {strides = array<i32>} : memref<250x80xi32, #tpu.memory_space<vmem>>, vector<1x16xi32>,
      %swap3A_165 = vector.shape_cast %swap3A_164 : vector<1x16xi32> to vector<16xi32>
      %swap3A_166 = vector.shape_cast %add3A_161 : vector<16xi32> to vector<1x16xi32>
      tpu.vector_store %arg7[%swap3A_162, %swap3A_163], %swap3A_166 {strides = array<i32>} : memref<250x80xi32, #tpu.memory_space<vmem>>, vector<1x16xi32>,
      %get3A_167 = arith.index_cast %add3A_112 : i32 to index
      %get3A_168 = arith.constant 64 : index
      %get3A_169 = tpu.vector_load %arg7[%get3A_167, %get3A_168] {strides = array<i32>} : memref<250x80xi32, #tpu.memory_space<vmem>>, vector<1x16xi32>,
      %get3A_170 = vector.shape_cast %get3A_169 : vector<1x16xi32> to vector<16xi32>
      %mul3A_171 = arith.constant 2 : i32
      %mul3A_172 = vector.broadcast %mul3A_171 : i32 to vector<16xi32>
      %mul3A_173 = arith.muli %get3A_170, %mul3A_172 : vector<16xi32>
      %add3A_174 = vector.broadcast %arg0 : i32 to vector<16xi32>
      %add3A_175 = arith.addi %mul3A_173, %add3A_174 : vector<16xi32>
      %swap3A_176 = arith.index_cast %add3A_112 : i32 to index
      %swap3A_177 = arith.constant 64 : index
      %swap3A_178 = tpu.vector_load %arg7[%swap3A_176, %swap3A_177] {strides = array<i32>} : memref<250x80xi32, #tpu.memory_space<vmem>>, vector<1x16xi32>,
      %swap3A_179 = vector.shape_cast %swap3A_178 : vector<1x16xi32> to vector<16xi32>
      %swap3A_180 = vector.shape_cast %add3A_175 : vector<16xi32> to vector<1x16xi32>
      tpu.vector_store %arg7[%swap3A_176, %swap3A_177], %swap3A_180 {strides = array<i32>} : memref<250x80xi32, #tpu.memory_space<vmem>>, vector<1x16xi32>,
    }
    %scan3A_13 = arith.constant 250 : i32
    %barrier3A = arith.constant 0 : index
    tpu.barrier barrier_id(%barrier3A)
    %dma_start3A = arith.constant 0 : i32
    %dma_start3A_14 = arith.constant 0 : i32
    %dma_start3A_15 = tpu.memref_slice %arg7[%dma_start3A, %dma_start3A_14] : memref<250x80xi32, #tpu.memory_space<vmem>> -> memref<1x80xi32, #tpu.memory_space<vmem>>
    %dma_start3A_16 = tpu.memref_squeeze %dma_start3A_15 : memref<1x80xi32, #tpu.memory_space<vmem>> -> memref<80xi32, #tpu.memory_space<vmem>>
    %dma_start3A_17 = arith.constant 0 : i32
    %dma_start3A_18 = arith.constant 0 : i32
    %dma_start3A_19 = tpu.memref_slice %arg2[%dma_start3A_17, %dma_start3A_18] : memref<20000x64xf32, #tpu.memory_space<hbm>> -> memref<20000x64xf32, #tpu.memory_space<hbm>>
    tpu.enqueue_indirect_dma source(%dma_start3A_19 : memref<20000x64xf32, #tpu.memory_space<hbm>>) target(%arg10 : memref<80x64xf32, #tpu.memory_space<vmem>>) offsets(%dma_start3A_16 : memref<80xi32, #tpu.memory_space<vmem>>) semaphore(%arg16 : memref<!tpu.dma_semaphore, #tpu.memory_space<semaphore_mem>>)
    %scan3A_20 = arith.constant 0 : i32
    %scan3A_21 = arith.constant 62 : i32
    %scan3A_22 = arith.addi %scan3A_20, %scan3A_21 : i32
    %scan3A_23 = arith.constant 1 : i32
    scf.for %scan3A_110 = %scan3A_20 to %scan3A_22 step %scan3A_23  : i32 {
      %mul3A = arith.constant 4 : i32
      %mul3A_111 = arith.muli %scan3A_110, %mul3A : i32
      %add3A = arith.constant 0 : i32
      %add3A_112 = arith.addi %add3A, %mul3A_111 : i32
      %add3A_113 = arith.constant 0 : i32
      %add3A_114 = arith.addi %add3A_112, %add3A_113 : i32
      %add3A_115 = arith.constant 1 : i32
      %add3A_116 = arith.addi %add3A_114, %add3A_115 : i32
      %lt3A = arith.constant 250 : i32
      %lt3A_117 = arith.cmpi slt, %add3A_116, %lt3A : i32
      %convert_element_type3A = arith.extui %lt3A_117 : i1 to i32
      %cond3A = arith.constant 0 : i32
      %cond3A_118 = arith.cmpi ne, %convert_element_type3A, %cond3A : i32
      scf.if %cond3A_118 {
        %ge3A = arith.constant 4 : i32
        %ge3A_214 = arith.cmpi sge, %add3A_116, %ge3A : i32
        %convert_element_type3A_215 = arith.extui %ge3A_214 : i1 to i32
        %cond3A_216 = arith.constant 0 : i32
        %cond3A_217 = arith.cmpi ne, %convert_element_type3A_215, %cond3A_216 : i32
        scf.if %cond3A_217 {
          %sub3A = arith.constant 4 : i32
          %sub3A_224 = arith.subi %add3A_116, %sub3A : i32
          %dma_wait3A_225 = arith.constant 0 : i32
          %dma_wait3A_226 = tpu.memref_slice %arg8[%sub3A_224, %dma_wait3A_225] : memref<250x80xi32, #tpu.memory_space<vmem>> -> memref<1x80xi32, #tpu.memory_space<vmem>>
          %dma_wait3A_227 = tpu.memref_squeeze %dma_wait3A_226 : memref<1x80xi32, #tpu.memory_space<vmem>> -> memref<80xi32, #tpu.memory_space<vmem>>
          %dma_wait3A_228 = arith.constant 0 : i32
          %dma_wait3A_229 = arith.constant 0 : i32
          %dma_wait3A_230 = tpu.memref_slice %arg15[%dma_wait3A_228, %dma_wait3A_229] : memref<10000x64xf32, #tpu.memory_space<vmem_shared>> -> memref<10000x64xf32, #tpu.memory_space<vmem_shared>>
          tpu.wait_indirect_dma semaphore(%arg21 : memref<!tpu.dma_semaphore, #tpu.memory_space<semaphore_mem>>) src(%arg11 : memref<80x64xf32, #tpu.memory_space<vmem>>) dst(%dma_wait3A_230 : memref<10000x64xf32, #tpu.memory_space<vmem_shared>>)
        } else {
        }
        %dma_start3A_218 = arith.constant 0 : i32
        %dma_start3A_219 = tpu.memref_slice %arg7[%add3A_116, %dma_start3A_218] : memref<250x80xi32, #tpu.memory_space<vmem>> -> memref<1x80xi32, #tpu.memory_space<vmem>>
        %dma_start3A_220 = tpu.memref_squeeze %dma_start3A_219 : memref<1x80xi32, #tpu.memory_space<vmem>> -> memref<80xi32, #tpu.memory_space<vmem>>
        %dma_start3A_221 = arith.constant 0 : i32
        %dma_start3A_222 = arith.constant 0 : i32
        %dma_start3A_223 = tpu.memref_slice %arg2[%dma_start3A_221, %dma_start3A_222] : memref<20000x64xf32, #tpu.memory_space<hbm>> -> memref<20000x64xf32, #tpu.memory_space<hbm>>
        tpu.enqueue_indirect_dma source(%dma_start3A_223 : memref<20000x64xf32, #tpu.memory_space<hbm>>) target(%arg11 : memref<80x64xf32, #tpu.memory_space<vmem>>) offsets(%dma_start3A_220 : memref<80xi32, #tpu.memory_space<vmem>>) semaphore(%arg17 : memref<!tpu.dma_semaphore, #tpu.memory_space<semaphore_mem>>)
      } else {
      }
      %dma_wait3A_119 = arith.constant 0 : i32
      %dma_wait3A_120 = tpu.memref_slice %arg7[%add3A_114, %dma_wait3A_119] : memref<250x80xi32, #tpu.memory_space<vmem>> -> memref<1x80xi32, #tpu.memory_space<vmem>>
      %dma_wait3A_121 = tpu.memref_squeeze %dma_wait3A_120 : memref<1x80xi32, #tpu.memory_space<vmem>> -> memref<80xi32, #tpu.memory_space<vmem>>
      %dma_wait3A_122 = arith.constant 0 : i32
      %dma_wait3A_123 = arith.constant 0 : i32
      %dma_wait3A_124 = tpu.memref_slice %arg2[%dma_wait3A_122, %dma_wait3A_123] : memref<20000x64xf32, #tpu.memory_space<hbm>> -> memref<20000x64xf32, #tpu.memory_space<hbm>>
      tpu.wait_indirect_dma semaphore(%arg16 : memref<!tpu.dma_semaphore, #tpu.memory_space<semaphore_mem>>) src(%dma_wait3A_124 : memref<20000x64xf32, #tpu.memory_space<hbm>>) dst(%arg10 : memref<80x64xf32, #tpu.memory_space<vmem>>)
      %scan3A_125 = arith.constant 0 : i32
      %scan3A_126 = arith.constant 5 : i32
      %scan3A_127 = arith.addi %scan3A_125, %scan3A_126 : i32
      %scan3A_128 = arith.constant 1 : i32
      scf.for %scan3A_214 = %scan3A_125 to %scan3A_127 step %scan3A_128  : i32 {
        %mul3A_215 = arith.constant 1 : i32
        %mul3A_216 = arith.muli %scan3A_214, %mul3A_215 : i32
        %add3A_217 = arith.constant 0 : i32
        %add3A_218 = arith.addi %add3A_217, %mul3A_216 : i32
        %mul3A_219 = arith.constant 16 : i32
        %mul3A_220 = arith.muli %add3A_218, %mul3A_219 : i32
        %get3A = arith.index_cast %add3A_114 : i32 to index
        %get3A_221 = arith.index_cast %mul3A_220 : i32 to index
        %get3A_222 = tpu.vector_load %arg9[%get3A, %get3A_221] {strides = array<i32>} : memref<250x80xf32, #tpu.memory_space<vmem>>, vector<1x16xf32>,
        %get3A_223 = vector.shape_cast %get3A_222 : vector<1x16xf32> to vector<16xf32>
        %mul3A_224 = arith.constant 16 : i32
        %mul3A_225 = arith.muli %add3A_218, %mul3A_224 : i32
        %scan3A_226 = arith.constant 0 : i32
        %scan3A_227 = arith.constant 16 : i32
        %scan3A_228 = arith.addi %scan3A_226, %scan3A_227 : i32
        %scan3A_229 = arith.constant 4 : i32
        scf.for %scan3A_231 = %scan3A_226 to %scan3A_228 step %scan3A_229  : i32 {
          %mul3A_232 = arith.constant 1 : i32
          %mul3A_233 = arith.muli %scan3A_231, %mul3A_232 : i32
          %add3A_234 = arith.constant 0 : i32
          %add3A_235 = arith.addi %add3A_234, %mul3A_233 : i32
          %broadcast_in_dim3A = vector.broadcast %add3A_235 : i32 to vector<16xi32>
          %reshape3A = vector.shape_cast %broadcast_in_dim3A : vector<16xi32> to vector<16x1xi32>
          %gather3A = vector.shape_cast %reshape3A : vector<16x1xi32> to vector<16xi32>
          %gather3A_236 = tpu.dynamic_gather %get3A_223[%gather3A] in [0] : vector<16xf32>, vector<16xi32> -> vector<16xf32>
          %add3A_237 = arith.addi %mul3A_225, %add3A_235 : i32
          %get3A_238 = arith.index_cast %add3A_237 : i32 to index
          %get3A_239 = arith.constant 0 : index
          %get3A_240 = tpu.vector_load %arg10[%get3A_238, %get3A_239] {strides = array<i32>} : memref<80x64xf32, #tpu.memory_space<vmem>>, vector<1x16xf32>,
          %get3A_241 = vector.shape_cast %get3A_240 : vector<1x16xf32> to vector<16xf32>
          %mul3A_242 = arith.mulf %get3A_241, %gather3A_236 : vector<16xf32>
          %swap3A = arith.index_cast %add3A_237 : i32 to index
          %swap3A_243 = arith.constant 0 : index
          %swap3A_244 = tpu.vector_load %arg10[%swap3A, %swap3A_243] {strides = array<i32>} : memref<80x64xf32, #tpu.memory_space<vmem>>, vector<1x16xf32>,
          %swap3A_245 = vector.shape_cast %swap3A_244 : vector<1x16xf32> to vector<16xf32>
          %swap3A_246 = vector.shape_cast %mul3A_242 : vector<16xf32> to vector<1x16xf32>
          tpu.vector_store %arg10[%swap3A, %swap3A_243], %swap3A_246 {strides = array<i32>} : memref<80x64xf32, #tpu.memory_space<vmem>>, vector<1x16xf32>,
          %get3A_247 = arith.index_cast %add3A_237 : i32 to index
          %get3A_248 = arith.constant 16 : index
          %get3A_249 = tpu.vector_load %arg10[%get3A_247, %get3A_248] {strides = array<i32>} : memref<80x64xf32, #tpu.memory_space<vmem>>, vector<1x16xf32>,
          %get3A_250 = vector.shape_cast %get3A_249 : vector<1x16xf32> to vector<16xf32>
          %mul3A_251 = arith.mulf %get3A_250, %gather3A_236 : vector<16xf32>
          %swap3A_252 = arith.index_cast %add3A_237 : i32 to index
          %swap3A_253 = arith.constant 16 : index
          %swap3A_254 = tpu.vector_load %arg10[%swap3A_252, %swap3A_253] {strides = array<i32>} : memref<80x64xf32, #tpu.memory_space<vmem>>, vector<1x16xf32>,
          %swap3A_255 = vector.shape_cast %swap3A_254 : vector<1x16xf32> to vector<16xf32>
          %swap3A_256 = vector.shape_cast %mul3A_251 : vector<16xf32> to vector<1x16xf32>
          tpu.vector_store %arg10[%swap3A_252, %swap3A_253], %swap3A_256 {strides = array<i32>} : memref<80x64xf32, #tpu.memory_space<vmem>>, vector<1x16xf32>,
          %get3A_257 = arith.index_cast %add3A_237 : i32 to index
          %get3A_258 = arith.constant 32 : index
          %get3A_259 = tpu.vector_load %arg10[%get3A_257, %get3A_258] {strides = array<i32>} : memref<80x64xf32, #tpu.memory_space<vmem>>, vector<1x16xf32>,
          %get3A_260 = vector.shape_cast %get3A_259 : vector<1x16xf32> to vector<16xf32>
          %mul3A_261 = arith.mulf %get3A_260, %gather3A_236 : vector<16xf32>
          %swap3A_262 = arith.index_cast %add3A_237 : i32 to index
          %swap3A_263 = arith.constant 32 : index
          %swap3A_264 = tpu.vector_load %arg10[%swap3A_262, %swap3A_263] {strides = array<i32>} : memref<80x64xf32, #tpu.memory_space<vmem>>, vector<1x16xf32>,
          %swap3A_265 = vector.shape_cast %swap3A_264 : vector<1x16xf32> to vector<16xf32>
          %swap3A_266 = vector.shape_cast %mul3A_261 : vector<16xf32> to vector<1x16xf32>
          tpu.vector_store %arg10[%swap3A_262, %swap3A_263], %swap3A_266 {strides = array<i32>} : memref<80x64xf32, #tpu.memory_space<vmem>>, vector<1x16xf32>,
          %get3A_267 = arith.index_cast %add3A_237 : i32 to index
          %get3A_268 = arith.constant 48 : index
          %get3A_269 = tpu.vector_load %arg10[%get3A_267, %get3A_268] {strides = array<i32>} : memref<80x64xf32, #tpu.memory_space<vmem>>, vector<1x16xf32>,
          %get3A_270 = vector.shape_cast %get3A_269 : vector<1x16xf32> to vector<16xf32>
          %mul3A_271 = arith.mulf %get3A_270, %gather3A_236 : vector<16xf32>
          %swap3A_272 = arith.index_cast %add3A_237 : i32 to index
          %swap3A_273 = arith.constant 48 : index
          %swap3A_274 = tpu.vector_load %arg10[%swap3A_272, %swap3A_273] {strides = array<i32>} : memref<80x64xf32, #tpu.memory_space<vmem>>, vector<1x16xf32>,
          %swap3A_275 = vector.shape_cast %swap3A_274 : vector<1x16xf32> to vector<16xf32>
          %swap3A_276 = vector.shape_cast %mul3A_271 : vector<16xf32> to vector<1x16xf32>
          tpu.vector_store %arg10[%swap3A_272, %swap3A_273], %swap3A_276 {strides = array<i32>} : memref<80x64xf32, #tpu.memory_space<vmem>>, vector<1x16xf32>,
          %scan3A_277 = arith.constant 1 : i32
          %scan3A_278 = arith.addi %scan3A_231, %scan3A_277 : i32
          %mul3A_279 = arith.constant 1 : i32
          %mul3A_280 = arith.muli %scan3A_278, %mul3A_279 : i32
          %add3A_281 = arith.constant 0 : i32
          %add3A_282 = arith.addi %add3A_281, %mul3A_280 : i32
          %broadcast_in_dim3A_283 = vector.broadcast %add3A_282 : i32 to vector<16xi32>
          %reshape3A_284 = vector.shape_cast %broadcast_in_dim3A_283 : vector<16xi32> to vector<16x1xi32>
          %gather3A_285 = vector.shape_cast %reshape3A_284 : vector<16x1xi32> to vector<16xi32>
          %gather3A_286 = tpu.dynamic_gather %get3A_223[%gather3A_285] in [0] : vector<16xf32>, vector<16xi32> -> vector<16xf32>
          %add3A_287 = arith.addi %mul3A_225, %add3A_282 : i32
          %get3A_288 = arith.index_cast %add3A_287 : i32 to index
          %get3A_289 = arith.constant 0 : index
          %get3A_290 = tpu.vector_load %arg10[%get3A_288, %get3A_289] {strides = array<i32>} : memref<80x64xf32, #tpu.memory_space<vmem>>, vector<1x16xf32>,
          %get3A_291 = vector.shape_cast %get3A_290 : vector<1x16xf32> to vector<16xf32>
          %mul3A_292 = arith.mulf %get3A_291, %gather3A_286 : vector<16xf32>
          %swap3A_293 = arith.index_cast %add3A_287 : i32 to index
          %swap3A_294 = arith.constant 0 : index
          %swap3A_295 = tpu.vector_load %arg10[%swap3A_293, %swap3A_294] {strides = array<i32>} : memref<80x64xf32, #tpu.memory_space<vmem>>, vector<1x16xf32>,
          %swap3A_296 = vector.shape_cast %swap3A_295 : vector<1x16xf32> to vector<16xf32>
          %swap3A_297 = vector.shape_cast %mul3A_292 : vector<16xf32> to vector<1x16xf32>
          tpu.vector_store %arg10[%swap3A_293, %swap3A_294], %swap3A_297 {strides = array<i32>} : memref<80x64xf32, #tpu.memory_space<vmem>>, vector<1x16xf32>,
          %get3A_298 = arith.index_cast %add3A_287 : i32 to index
          %get3A_299 = arith.constant 16 : index
          %get3A_300 = tpu.vector_load %arg10[%get3A_298, %get3A_299] {strides = array<i32>} : memref<80x64xf32, #tpu.memory_space<vmem>>, vector<1x16xf32>,
          %get3A_301 = vector.shape_cast %get3A_300 : vector<1x16xf32> to vector<16xf32>
          %mul3A_302 = arith.mulf %get3A_301, %gather3A_286 : vector<16xf32>
          %swap3A_303 = arith.index_cast %add3A_287 : i32 to index
          %swap3A_304 = arith.constant 16 : index
          %swap3A_305 = tpu.vector_load %arg10[%swap3A_303, %swap3A_304] {strides = array<i32>} : memref<80x64xf32, #tpu.memory_space<vmem>>, vector<1x16xf32>,
          %swap3A_306 = vector.shape_cast %swap3A_305 : vector<1x16xf32> to vector<16xf32>
          %swap3A_307 = vector.shape_cast %mul3A_302 : vector<16xf32> to vector<1x16xf32>
          tpu.vector_store %arg10[%swap3A_303, %swap3A_304], %swap3A_307 {strides = array<i32>} : memref<80x64xf32, #tpu.memory_space<vmem>>, vector<1x16xf32>,
          %get3A_308 = arith.index_cast %add3A_287 : i32 to index
          %get3A_309 = arith.constant 32 : index
          %get3A_310 = tpu.vector_load %arg10[%get3A_308, %get3A_309] {strides = array<i32>} : memref<80x64xf32, #tpu.memory_space<vmem>>, vector<1x16xf32>,
          %get3A_311 = vector.shape_cast %get3A_310 : vector<1x16xf32> to vector<16xf32>
          %mul3A_312 = arith.mulf %get3A_311, %gather3A_286 : vector<16xf32>
          %swap3A_313 = arith.index_cast %add3A_287 : i32 to index
          %swap3A_314 = arith.constant 32 : index
          %swap3A_315 = tpu.vector_load %arg10[%swap3A_313, %swap3A_314] {strides = array<i32>} : memref<80x64xf32, #tpu.memory_space<vmem>>, vector<1x16xf32>,
          %swap3A_316 = vector.shape_cast %swap3A_315 : vector<1x16xf32> to vector<16xf32>
          %swap3A_317 = vector.shape_cast %mul3A_312 : vector<16xf32> to vector<1x16xf32>
          tpu.vector_store %arg10[%swap3A_313, %swap3A_314], %swap3A_317 {strides = array<i32>} : memref<80x64xf32, #tpu.memory_space<vmem>>, vector<1x16xf32>,
          %get3A_318 = arith.index_cast %add3A_287 : i32 to index
          %get3A_319 = arith.constant 48 : index
          %get3A_320 = tpu.vector_load %arg10[%get3A_318, %get3A_319] {strides = array<i32>} : memref<80x64xf32, #tpu.memory_space<vmem>>, vector<1x16xf32>,
          %get3A_321 = vector.shape_cast %get3A_320 : vector<1x16xf32> to vector<16xf32>
          %mul3A_322 = arith.mulf %get3A_321, %gather3A_286 : vector<16xf32>
          %swap3A_323 = arith.index_cast %add3A_287 : i32 to index
          %swap3A_324 = arith.constant 48 : index
          %swap3A_325 = tpu.vector_load %arg10[%swap3A_323, %swap3A_324] {strides = array<i32>} : memref<80x64xf32, #tpu.memory_space<vmem>>, vector<1x16xf32>,
          %swap3A_326 = vector.shape_cast %swap3A_325 : vector<1x16xf32> to vector<16xf32>
          %swap3A_327 = vector.shape_cast %mul3A_322 : vector<16xf32> to vector<1x16xf32>
          tpu.vector_store %arg10[%swap3A_323, %swap3A_324], %swap3A_327 {strides = array<i32>} : memref<80x64xf32, #tpu.memory_space<vmem>>, vector<1x16xf32>,
          %scan3A_328 = arith.constant 2 : i32
          %scan3A_329 = arith.addi %scan3A_231, %scan3A_328 : i32
          %mul3A_330 = arith.constant 1 : i32
          %mul3A_331 = arith.muli %scan3A_329, %mul3A_330 : i32
          %add3A_332 = arith.constant 0 : i32
          %add3A_333 = arith.addi %add3A_332, %mul3A_331 : i32
          %broadcast_in_dim3A_334 = vector.broadcast %add3A_333 : i32 to vector<16xi32>
          %reshape3A_335 = vector.shape_cast %broadcast_in_dim3A_334 : vector<16xi32> to vector<16x1xi32>
          %gather3A_336 = vector.shape_cast %reshape3A_335 : vector<16x1xi32> to vector<16xi32>
          %gather3A_337 = tpu.dynamic_gather %get3A_223[%gather3A_336] in [0] : vector<16xf32>, vector<16xi32> -> vector<16xf32>
          %add3A_338 = arith.addi %mul3A_225, %add3A_333 : i32
          %get3A_339 = arith.index_cast %add3A_338 : i32 to index
          %get3A_340 = arith.constant 0 : index
          %get3A_341 = tpu.vector_load %arg10[%get3A_339, %get3A_340] {strides = array<i32>} : memref<80x64xf32, #tpu.memory_space<vmem>>, vector<1x16xf32>,
          %get3A_342 = vector.shape_cast %get3A_341 : vector<1x16xf32> to vector<16xf32>
          %mul3A_343 = arith.mulf %get3A_342, %gather3A_337 : vector<16xf32>
          %swap3A_344 = arith.index_cast %add3A_338 : i32 to index
          %swap3A_345 = arith.constant 0 : index
          %swap3A_346 = tpu.vector_load %arg10[%swap3A_344, %swap3A_345] {strides = array<i32>} : memref<80x64xf32, #tpu.memory_space<vmem>>, vector<1x16xf32>,
          %swap3A_347 = vector.shape_cast %swap3A_346 : vector<1x16xf32> to vector<16xf32>
          %swap3A_348 = vector.shape_cast %mul3A_343 : vector<16xf32> to vector<1x16xf32>
          tpu.vector_store %arg10[%swap3A_344, %swap3A_345], %swap3A_348 {strides = array<i32>} : memref<80x64xf32, #tpu.memory_space<vmem>>, vector<1x16xf32>,
          %get3A_349 = arith.index_cast %add3A_338 : i32 to index
          %get3A_350 = arith.constant 16 : index
          %get3A_351 = tpu.vector_load %arg10[%get3A_349, %get3A_350] {strides = array<i32>} : memref<80x64xf32, #tpu.memory_space<vmem>>, vector<1x16xf32>,
          %get3A_352 = vector.shape_cast %get3A_351 : vector<1x16xf32> to vector<16xf32>
          %mul3A_353 = arith.mulf %get3A_352, %gather3A_337 : vector<16xf32>
          %swap3A_354 = arith.index_cast %add3A_338 : i32 to index
          %swap3A_355 = arith.constant 16 : index
          %swap3A_356 = tpu.vector_load %arg10[%swap3A_354, %swap3A_355] {strides = array<i32>} : memref<80x64xf32, #tpu.memory_space<vmem>>, vector<1x16xf32>,
          %swap3A_357 = vector.shape_cast %swap3A_356 : vector<1x16xf32> to vector<16xf32>
          %swap3A_358 = vector.shape_cast %mul3A_353 : vector<16xf32> to vector<1x16xf32>
          tpu.vector_store %arg10[%swap3A_354, %swap3A_355], %swap3A_358 {strides = array<i32>} : memref<80x64xf32, #tpu.memory_space<vmem>>, vector<1x16xf32>,
          %get3A_359 = arith.index_cast %add3A_338 : i32 to index
          %get3A_360 = arith.constant 32 : index
          %get3A_361 = tpu.vector_load %arg10[%get3A_359, %get3A_360] {strides = array<i32>} : memref<80x64xf32, #tpu.memory_space<vmem>>, vector<1x16xf32>,
          %get3A_362 = vector.shape_cast %get3A_361 : vector<1x16xf32> to vector<16xf32>
          %mul3A_363 = arith.mulf %get3A_362, %gather3A_337 : vector<16xf32>
          %swap3A_364 = arith.index_cast %add3A_338 : i32 to index
          %swap3A_365 = arith.constant 32 : index
          %swap3A_366 = tpu.vector_load %arg10[%swap3A_364, %swap3A_365] {strides = array<i32>} : memref<80x64xf32, #tpu.memory_space<vmem>>, vector<1x16xf32>,
          %swap3A_367 = vector.shape_cast %swap3A_366 : vector<1x16xf32> to vector<16xf32>
          %swap3A_368 = vector.shape_cast %mul3A_363 : vector<16xf32> to vector<1x16xf32>
          tpu.vector_store %arg10[%swap3A_364, %swap3A_365], %swap3A_368 {strides = array<i32>} : memref<80x64xf32, #tpu.memory_space<vmem>>, vector<1x16xf32>,
          %get3A_369 = arith.index_cast %add3A_338 : i32 to index
          %get3A_370 = arith.constant 48 : index
          %get3A_371 = tpu.vector_load %arg10[%get3A_369, %get3A_370] {strides = array<i32>} : memref<80x64xf32, #tpu.memory_space<vmem>>, vector<1x16xf32>,
          %get3A_372 = vector.shape_cast %get3A_371 : vector<1x16xf32> to vector<16xf32>
          %mul3A_373 = arith.mulf %get3A_372, %gather3A_337 : vector<16xf32>
          %swap3A_374 = arith.index_cast %add3A_338 : i32 to index
          %swap3A_375 = arith.constant 48 : index
          %swap3A_376 = tpu.vector_load %arg10[%swap3A_374, %swap3A_375] {strides = array<i32>} : memref<80x64xf32, #tpu.memory_space<vmem>>, vector<1x16xf32>,
          %swap3A_377 = vector.shape_cast %swap3A_376 : vector<1x16xf32> to vector<16xf32>
          %swap3A_378 = vector.shape_cast %mul3A_373 : vector<16xf32> to vector<1x16xf32>
          tpu.vector_store %arg10[%swap3A_374, %swap3A_375], %swap3A_378 {strides = array<i32>} : memref<80x64xf32, #tpu.memory_space<vmem>>, vector<1x16xf32>,
          %scan3A_379 = arith.constant 3 : i32
          %scan3A_380 = arith.addi %scan3A_231, %scan3A_379 : i32
          %mul3A_381 = arith.constant 1 : i32
          %mul3A_382 = arith.muli %scan3A_380, %mul3A_381 : i32
          %add3A_383 = arith.constant 0 : i32
          %add3A_384 = arith.addi %add3A_383, %mul3A_382 : i32
          %broadcast_in_dim3A_385 = vector.broadcast %add3A_384 : i32 to vector<16xi32>
          %reshape3A_386 = vector.shape_cast %broadcast_in_dim3A_385 : vector<16xi32> to vector<16x1xi32>
          %gather3A_387 = vector.shape_cast %reshape3A_386 : vector<16x1xi32> to vector<16xi32>
          %gather3A_388 = tpu.dynamic_gather %get3A_223[%gather3A_387] in [0] : vector<16xf32>, vector<16xi32> -> vector<16xf32>
          %add3A_389 = arith.addi %mul3A_225, %add3A_384 : i32
          %get3A_390 = arith.index_cast %add3A_389 : i32 to index
          %get3A_391 = arith.constant 0 : index
          %get3A_392 = tpu.vector_load %arg10[%get3A_390, %get3A_391] {strides = array<i32>} : memref<80x64xf32, #tpu.memory_space<vmem>>, vector<1x16xf32>,
          %get3A_393 = vector.shape_cast %get3A_392 : vector<1x16xf32> to vector<16xf32>
          %mul3A_394 = arith.mulf %get3A_393, %gather3A_388 : vector<16xf32>
          %swap3A_395 = arith.index_cast %add3A_389 : i32 to index
          %swap3A_396 = arith.constant 0 : index
          %swap3A_397 = tpu.vector_load %arg10[%swap3A_395, %swap3A_396] {strides = array<i32>} : memref<80x64xf32, #tpu.memory_space<vmem>>, vector<1x16xf32>,
          %swap3A_398 = vector.shape_cast %swap3A_397 : vector<1x16xf32> to vector<16xf32>
          %swap3A_399 = vector.shape_cast %mul3A_394 : vector<16xf32> to vector<1x16xf32>
          tpu.vector_store %arg10[%swap3A_395, %swap3A_396], %swap3A_399 {strides = array<i32>} : memref<80x64xf32, #tpu.memory_space<vmem>>, vector<1x16xf32>,
          %get3A_400 = arith.index_cast %add3A_389 : i32 to index
          %get3A_401 = arith.constant 16 : index
          %get3A_402 = tpu.vector_load %arg10[%get3A_400, %get3A_401] {strides = array<i32>} : memref<80x64xf32, #tpu.memory_space<vmem>>, vector<1x16xf32>,
          %get3A_403 = vector.shape_cast %get3A_402 : vector<1x16xf32> to vector<16xf32>
          %mul3A_404 = arith.mulf %get3A_403, %gather3A_388 : vector<16xf32>
          %swap3A_405 = arith.index_cast %add3A_389 : i32 to index
          %swap3A_406 = arith.constant 16 : index
          %swap3A_407 = tpu.vector_load %arg10[%swap3A_405, %swap3A_406] {strides = array<i32>} : memref<80x64xf32, #tpu.memory_space<vmem>>, vector<1x16xf32>,
          %swap3A_408 = vector.shape_cast %swap3A_407 : vector<1x16xf32> to vector<16xf32>
          %swap3A_409 = vector.shape_cast %mul3A_404 : vector<16xf32> to vector<1x16xf32>
          tpu.vector_store %arg10[%swap3A_405, %swap3A_406], %swap3A_409 {strides = array<i32>} : memref<80x64xf32, #tpu.memory_space<vmem>>, vector<1x16xf32>,
          %get3A_410 = arith.index_cast %add3A_389 : i32 to index
          %get3A_411 = arith.constant 32 : index
          %get3A_412 = tpu.vector_load %arg10[%get3A_410, %get3A_411] {strides = array<i32>} : memref<80x64xf32, #tpu.memory_space<vmem>>, vector<1x16xf32>,
          %get3A_413 = vector.shape_cast %get3A_412 : vector<1x16xf32> to vector<16xf32>
          %mul3A_414 = arith.mulf %get3A_413, %gather3A_388 : vector<16xf32>
          %swap3A_415 = arith.index_cast %add3A_389 : i32 to index
          %swap3A_416 = arith.constant 32 : index
          %swap3A_417 = tpu.vector_load %arg10[%swap3A_415, %swap3A_416] {strides = array<i32>} : memref<80x64xf32, #tpu.memory_space<vmem>>, vector<1x16xf32>,
          %swap3A_418 = vector.shape_cast %swap3A_417 : vector<1x16xf32> to vector<16xf32>
          %swap3A_419 = vector.shape_cast %mul3A_414 : vector<16xf32> to vector<1x16xf32>
          tpu.vector_store %arg10[%swap3A_415, %swap3A_416], %swap3A_419 {strides = array<i32>} : memref<80x64xf32, #tpu.memory_space<vmem>>, vector<1x16xf32>,
          %get3A_420 = arith.index_cast %add3A_389 : i32 to index
          %get3A_421 = arith.constant 48 : index
          %get3A_422 = tpu.vector_load %arg10[%get3A_420, %get3A_421] {strides = array<i32>} : memref<80x64xf32, #tpu.memory_space<vmem>>, vector<1x16xf32>,
          %get3A_423 = vector.shape_cast %get3A_422 : vector<1x16xf32> to vector<16xf32>
          %mul3A_424 = arith.mulf %get3A_423, %gather3A_388 : vector<16xf32>
          %swap3A_425 = arith.index_cast %add3A_389 : i32 to index
          %swap3A_426 = arith.constant 48 : index
          %swap3A_427 = tpu.vector_load %arg10[%swap3A_425, %swap3A_426] {strides = array<i32>} : memref<80x64xf32, #tpu.memory_space<vmem>>, vector<1x16xf32>,
          %swap3A_428 = vector.shape_cast %swap3A_427 : vector<1x16xf32> to vector<16xf32>
          %swap3A_429 = vector.shape_cast %mul3A_424 : vector<16xf32> to vector<1x16xf32>
          tpu.vector_store %arg10[%swap3A_425, %swap3A_426], %swap3A_429 {strides = array<i32>} : memref<80x64xf32, #tpu.memory_space<vmem>>, vector<1x16xf32>,
        }
        %scan3A_230 = arith.constant 16 : i32
      }
      %scan3A_129 = arith.constant 5 : i32
      %dma_start3A_130 = arith.constant 0 : i32
      %dma_start3A_131 = tpu.memref_slice %arg8[%add3A_114, %dma_start3A_130] : memref<250x80xi32, #tpu.memory_space<vmem>> -> memref<1x80xi32, #tpu.memory_space<vmem>>
      %dma_start3A_132 = tpu.memref_squeeze %dma_start3A_131 : memref<1x80xi32, #tpu.memory_space<vmem>> -> memref<80xi32, #tpu.memory_space<vmem>>
      %dma_start3A_133 = arith.constant 0 : i32
      %dma_start3A_134 = arith.constant 0 : i32
      %dma_start3A_135 = tpu.memref_slice %arg15[%dma_start3A_133, %dma_start3A_134] : memref<10000x64xf32, #tpu.memory_space<vmem_shared>> -> memref<10000x64xf32, #tpu.memory_space<vmem_shared>>
      tpu.enqueue_indirect_dma source(%arg10 : memref<80x64xf32, #tpu.memory_space<vmem>>) target(%dma_start3A_135 : memref<10000x64xf32, #tpu.memory_space<vmem_shared>>) offsets(%dma_start3A_132 : memref<80xi32, #tpu.memory_space<vmem>>) semaphore(%arg20 : memref<!tpu.dma_semaphore, #tpu.memory_space<semaphore_mem>>) {add = true}
      %add3A_136 = arith.constant 1 : i32
      %add3A_137 = arith.addi %add3A_112, %add3A_136 : i32
      %add3A_138 = arith.constant 1 : i32
      %add3A_139 = arith.addi %add3A_137, %add3A_138 : i32
      %lt3A_140 = arith.constant 250 : i32
      %lt3A_141 = arith.cmpi slt, %add3A_139, %lt3A_140 : i32
      %convert_element_type3A_142 = arith.extui %lt3A_141 : i1 to i32
      %cond3A_143 = arith.constant 0 : i32
      %cond3A_144 = arith.cmpi ne, %convert_element_type3A_142, %cond3A_143 : i32
      scf.if %cond3A_144 {
        %ge3A = arith.constant 4 : i32
        %ge3A_214 = arith.cmpi sge, %add3A_139, %ge3A : i32
        %convert_element_type3A_215 = arith.extui %ge3A_214 : i1 to i32
        %cond3A_216 = arith.constant 0 : i32
        %cond3A_217 = arith.cmpi ne, %convert_element_type3A_215, %cond3A_216 : i32
        scf.if %cond3A_217 {
          %sub3A = arith.constant 4 : i32
          %sub3A_224 = arith.subi %add3A_139, %sub3A : i32
          %dma_wait3A_225 = arith.constant 0 : i32
          %dma_wait3A_226 = tpu.memref_slice %arg8[%sub3A_224, %dma_wait3A_225] : memref<250x80xi32, #tpu.memory_space<vmem>> -> memref<1x80xi32, #tpu.memory_space<vmem>>
          %dma_wait3A_227 = tpu.memref_squeeze %dma_wait3A_226 : memref<1x80xi32, #tpu.memory_space<vmem>> -> memref<80xi32, #tpu.memory_space<vmem>>
          %dma_wait3A_228 = arith.constant 0 : i32
          %dma_wait3A_229 = arith.constant 0 : i32
          %dma_wait3A_230 = tpu.memref_slice %arg15[%dma_wait3A_228, %dma_wait3A_229] : memref<10000x64xf32, #tpu.memory_space<vmem_shared>> -> memref<10000x64xf32, #tpu.memory_space<vmem_shared>>
          tpu.wait_indirect_dma semaphore(%arg22 : memref<!tpu.dma_semaphore, #tpu.memory_space<semaphore_mem>>) src(%arg12 : memref<80x64xf32, #tpu.memory_space<vmem>>) dst(%dma_wait3A_230 : memref<10000x64xf32, #tpu.memory_space<vmem_shared>>)
        } else {
        }
        %dma_start3A_218 = arith.constant 0 : i32
        %dma_start3A_219 = tpu.memref_slice %arg7[%add3A_139, %dma_start3A_218] : memref<250x80xi32, #tpu.memory_space<vmem>> -> memref<1x80xi32, #tpu.memory_space<vmem>>
        %dma_start3A_220 = tpu.memref_squeeze %dma_start3A_219 : memref<1x80xi32, #tpu.memory_space<vmem>> -> memref<80xi32, #tpu.memory_space<vmem>>
        %dma_start3A_221 = arith.constant 0 : i32
        %dma_start3A_222 = arith.constant 0 : i32
        %dma_start3A_223 = tpu.memref_slice %arg2[%dma_start3A_221, %dma_start3A_222] : memref<20000x64xf32, #tpu.memory_space<hbm>> -> memref<20000x64xf32, #tpu.memory_space<hbm>>
        tpu.enqueue_indirect_dma source(%dma_start3A_223 : memref<20000x64xf32, #tpu.memory_space<hbm>>) target(%arg12 : memref<80x64xf32, #tpu.memory_space<vmem>>) offsets(%dma_start3A_220 : memref<80xi32, #tpu.memory_space<vmem>>) semaphore(%arg18 : memref<!tpu.dma_semaphore, #tpu.memory_space<semaphore_mem>>)
      } else {
      }
      %dma_wait3A_145 = arith.constant 0 : i32
      %dma_wait3A_146 = tpu.memref_slice %arg7[%add3A_137, %dma_wait3A_145] : memref<250x80xi32, #tpu.memory_space<vmem>> -> memref<1x80xi32, #tpu.memory_space<vmem>>
      %dma_wait3A_147 = tpu.memref_squeeze %dma_wait3A_146 : memref<1x80xi32, #tpu.memory_space<vmem>> -> memref<80xi32, #tpu.memory_space<vmem>>
      %dma_wait3A_148 = arith.constant 0 : i32
      %dma_wait3A_149 = arith.constant 0 : i32
      %dma_wait3A_150 = tpu.memref_slice %arg2[%dma_wait3A_148, %dma_wait3A_149] : memref<20000x64xf32, #tpu.memory_space<hbm>> -> memref<20000x64xf32, #tpu.memory_space<hbm>>
      tpu.wait_indirect_dma semaphore(%arg17 : memref<!tpu.dma_semaphore, #tpu.memory_space<semaphore_mem>>) src(%dma_wait3A_150 : memref<20000x64xf32, #tpu.memory_space<hbm>>) dst(%arg11 : memref<80x64xf32, #tpu.memory_space<vmem>>)
      %scan3A_151 = arith.constant 0 : i32
      %scan3A_152 = arith.constant 5 : i32
      %scan3A_153 = arith.addi %scan3A_151, %scan3A_152 : i32
      %scan3A_154 = arith.constant 1 : i32
      scf.for %scan3A_214 = %scan3A_151 to %scan3A_153 step %scan3A_154  : i32 {
        %mul3A_215 = arith.constant 1 : i32
        %mul3A_216 = arith.muli %scan3A_214, %mul3A_215 : i32
        %add3A_217 = arith.constant 0 : i32
        %add3A_218 = arith.addi %add3A_217, %mul3A_216 : i32
        %mul3A_219 = arith.constant 16 : i32
        %mul3A_220 = arith.muli %add3A_218, %mul3A_219 : i32
        %get3A = arith.index_cast %add3A_137 : i32 to index
        %get3A_221 = arith.index_cast %mul3A_220 : i32 to index
        %get3A_222 = tpu.vector_load %arg9[%get3A, %get3A_221] {strides = array<i32>} : memref<250x80xf32, #tpu.memory_space<vmem>>, vector<1x16xf32>,
        %get3A_223 = vector.shape_cast %get3A_222 : vector<1x16xf32> to vector<16xf32>
        %mul3A_224 = arith.constant 16 : i32
        %mul3A_225 = arith.muli %add3A_218, %mul3A_224 : i32
        %scan3A_226 = arith.constant 0 : i32
        %scan3A_227 = arith.constant 16 : i32
        %scan3A_228 = arith.addi %scan3A_226, %scan3A_227 : i32
        %scan3A_229 = arith.constant 4 : i32
        scf.for %scan3A_231 = %scan3A_226 to %scan3A_228 step %scan3A_229  : i32 {
          %mul3A_232 = arith.constant 1 : i32
          %mul3A_233 = arith.muli %scan3A_231, %mul3A_232 : i32
          %add3A_234 = arith.constant 0 : i32
          %add3A_235 = arith.addi %add3A_234, %mul3A_233 : i32
          %broadcast_in_dim3A = vector.broadcast %add3A_235 : i32 to vector<16xi32>
          %reshape3A = vector.shape_cast %broadcast_in_dim3A : vector<16xi32> to vector<16x1xi32>
          %gather3A = vector.shape_cast %reshape3A : vector<16x1xi32> to vector<16xi32>
          %gather3A_236 = tpu.dynamic_gather %get3A_223[%gather3A] in [0] : vector<16xf32>, vector<16xi32> -> vector<16xf32>
          %add3A_237 = arith.addi %mul3A_225, %add3A_235 : i32
          %get3A_238 = arith.index_cast %add3A_237 : i32 to index
          %get3A_239 = arith.constant 0 : index
          %get3A_240 = tpu.vector_load %arg11[%get3A_238, %get3A_239] {strides = array<i32>} : memref<80x64xf32, #tpu.memory_space<vmem>>, vector<1x16xf32>,
          %get3A_241 = vector.shape_cast %get3A_240 : vector<1x16xf32> to vector<16xf32>
          %mul3A_242 = arith.mulf %get3A_241, %gather3A_236 : vector<16xf32>
          %swap3A = arith.index_cast %add3A_237 : i32 to index
          %swap3A_243 = arith.constant 0 : index
          %swap3A_244 = tpu.vector_load %arg11[%swap3A, %swap3A_243] {strides = array<i32>} : memref<80x64xf32, #tpu.memory_space<vmem>>, vector<1x16xf32>,
          %swap3A_245 = vector.shape_cast %swap3A_244 : vector<1x16xf32> to vector<16xf32>
          %swap3A_246 = vector.shape_cast %mul3A_242 : vector<16xf32> to vector<1x16xf32>
          tpu.vector_store %arg11[%swap3A, %swap3A_243], %swap3A_246 {strides = array<i32>} : memref<80x64xf32, #tpu.memory_space<vmem>>, vector<1x16xf32>,
          %get3A_247 = arith.index_cast %add3A_237 : i32 to index
          %get3A_248 = arith.constant 16 : index
          %get3A_249 = tpu.vector_load %arg11[%get3A_247, %get3A_248] {strides = array<i32>} : memref<80x64xf32, #tpu.memory_space<vmem>>, vector<1x16xf32>,
          %get3A_250 = vector.shape_cast %get3A_249 : vector<1x16xf32> to vector<16xf32>
          %mul3A_251 = arith.mulf %get3A_250, %gather3A_236 : vector<16xf32>
          %swap3A_252 = arith.index_cast %add3A_237 : i32 to index
          %swap3A_253 = arith.constant 16 : index
          %swap3A_254 = tpu.vector_load %arg11[%swap3A_252, %swap3A_253] {strides = array<i32>} : memref<80x64xf32, #tpu.memory_space<vmem>>, vector<1x16xf32>,
          %swap3A_255 = vector.shape_cast %swap3A_254 : vector<1x16xf32> to vector<16xf32>
          %swap3A_256 = vector.shape_cast %mul3A_251 : vector<16xf32> to vector<1x16xf32>
          tpu.vector_store %arg11[%swap3A_252, %swap3A_253], %swap3A_256 {strides = array<i32>} : memref<80x64xf32, #tpu.memory_space<vmem>>, vector<1x16xf32>,
          %get3A_257 = arith.index_cast %add3A_237 : i32 to index
          %get3A_258 = arith.constant 32 : index
          %get3A_259 = tpu.vector_load %arg11[%get3A_257, %get3A_258] {strides = array<i32>} : memref<80x64xf32, #tpu.memory_space<vmem>>, vector<1x16xf32>,
          %get3A_260 = vector.shape_cast %get3A_259 : vector<1x16xf32> to vector<16xf32>
          %mul3A_261 = arith.mulf %get3A_260, %gather3A_236 : vector<16xf32>
          %swap3A_262 = arith.index_cast %add3A_237 : i32 to index
          %swap3A_263 = arith.constant 32 : index
          %swap3A_264 = tpu.vector_load %arg11[%swap3A_262, %swap3A_263] {strides = array<i32>} : memref<80x64xf32, #tpu.memory_space<vmem>>, vector<1x16xf32>,
          %swap3A_265 = vector.shape_cast %swap3A_264 : vector<1x16xf32> to vector<16xf32>
          %swap3A_266 = vector.shape_cast %mul3A_261 : vector<16xf32> to vector<1x16xf32>
          tpu.vector_store %arg11[%swap3A_262, %swap3A_263], %swap3A_266 {strides = array<i32>} : memref<80x64xf32, #tpu.memory_space<vmem>>, vector<1x16xf32>,
          %get3A_267 = arith.index_cast %add3A_237 : i32 to index
          %get3A_268 = arith.constant 48 : index
          %get3A_269 = tpu.vector_load %arg11[%get3A_267, %get3A_268] {strides = array<i32>} : memref<80x64xf32, #tpu.memory_space<vmem>>, vector<1x16xf32>,
          %get3A_270 = vector.shape_cast %get3A_269 : vector<1x16xf32> to vector<16xf32>
          %mul3A_271 = arith.mulf %get3A_270, %gather3A_236 : vector<16xf32>
          %swap3A_272 = arith.index_cast %add3A_237 : i32 to index
          %swap3A_273 = arith.constant 48 : index
          %swap3A_274 = tpu.vector_load %arg11[%swap3A_272, %swap3A_273] {strides = array<i32>} : memref<80x64xf32, #tpu.memory_space<vmem>>, vector<1x16xf32>,
          %swap3A_275 = vector.shape_cast %swap3A_274 : vector<1x16xf32> to vector<16xf32>
          %swap3A_276 = vector.shape_cast %mul3A_271 : vector<16xf32> to vector<1x16xf32>
          tpu.vector_store %arg11[%swap3A_272, %swap3A_273], %swap3A_276 {strides = array<i32>} : memref<80x64xf32, #tpu.memory_space<vmem>>, vector<1x16xf32>,
          %scan3A_277 = arith.constant 1 : i32
          %scan3A_278 = arith.addi %scan3A_231, %scan3A_277 : i32
          %mul3A_279 = arith.constant 1 : i32
          %mul3A_280 = arith.muli %scan3A_278, %mul3A_279 : i32
          %add3A_281 = arith.constant 0 : i32
          %add3A_282 = arith.addi %add3A_281, %mul3A_280 : i32
          %broadcast_in_dim3A_283 = vector.broadcast %add3A_282 : i32 to vector<16xi32>
          %reshape3A_284 = vector.shape_cast %broadcast_in_dim3A_283 : vector<16xi32> to vector<16x1xi32>
          %gather3A_285 = vector.shape_cast %reshape3A_284 : vector<16x1xi32> to vector<16xi32>
          %gather3A_286 = tpu.dynamic_gather %get3A_223[%gather3A_285] in [0] : vector<16xf32>, vector<16xi32> -> vector<16xf32>
          %add3A_287 = arith.addi %mul3A_225, %add3A_282 : i32
          %get3A_288 = arith.index_cast %add3A_287 : i32 to index
          %get3A_289 = arith.constant 0 : index
          %get3A_290 = tpu.vector_load %arg11[%get3A_288, %get3A_289] {strides = array<i32>} : memref<80x64xf32, #tpu.memory_space<vmem>>, vector<1x16xf32>,
          %get3A_291 = vector.shape_cast %get3A_290 : vector<1x16xf32> to vector<16xf32>
          %mul3A_292 = arith.mulf %get3A_291, %gather3A_286 : vector<16xf32>
          %swap3A_293 = arith.index_cast %add3A_287 : i32 to index
          %swap3A_294 = arith.constant 0 : index
          %swap3A_295 = tpu.vector_load %arg11[%swap3A_293, %swap3A_294] {strides = array<i32>} : memref<80x64xf32, #tpu.memory_space<vmem>>, vector<1x16xf32>,
          %swap3A_296 = vector.shape_cast %swap3A_295 : vector<1x16xf32> to vector<16xf32>
          %swap3A_297 = vector.shape_cast %mul3A_292 : vector<16xf32> to vector<1x16xf32>
          tpu.vector_store %arg11[%swap3A_293, %swap3A_294], %swap3A_297 {strides = array<i32>} : memref<80x64xf32, #tpu.memory_space<vmem>>, vector<1x16xf32>,
          %get3A_298 = arith.index_cast %add3A_287 : i32 to index
          %get3A_299 = arith.constant 16 : index
          %get3A_300 = tpu.vector_load %arg11[%get3A_298, %get3A_299] {strides = array<i32>} : memref<80x64xf32, #tpu.memory_space<vmem>>, vector<1x16xf32>,
          %get3A_301 = vector.shape_cast %get3A_300 : vector<1x16xf32> to vector<16xf32>
          %mul3A_302 = arith.mulf %get3A_301, %gather3A_286 : vector<16xf32>
          %swap3A_303 = arith.index_cast %add3A_287 : i32 to index
          %swap3A_304 = arith.constant 16 : index
          %swap3A_305 = tpu.vector_load %arg11[%swap3A_303, %swap3A_304] {strides = array<i32>} : memref<80x64xf32, #tpu.memory_space<vmem>>, vector<1x16xf32>,
          %swap3A_306 = vector.shape_cast %swap3A_305 : vector<1x16xf32> to vector<16xf32>
          %swap3A_307 = vector.shape_cast %mul3A_302 : vector<16xf32> to vector<1x16xf32>
          tpu.vector_store %arg11[%swap3A_303, %swap3A_304], %swap3A_307 {strides = array<i32>} : memref<80x64xf32, #tpu.memory_space<vmem>>, vector<1x16xf32>,
          %get3A_308 = arith.index_cast %add3A_287 : i32 to index
          %get3A_309 = arith.constant 32 : index
          %get3A_310 = tpu.vector_load %arg11[%get3A_308, %get3A_309] {strides = array<i32>} : memref<80x64xf32, #tpu.memory_space<vmem>>, vector<1x16xf32>,
          %get3A_311 = vector.shape_cast %get3A_310 : vector<1x16xf32> to vector<16xf32>
          %mul3A_312 = arith.mulf %get3A_311, %gather3A_286 : vector<16xf32>
          %swap3A_313 = arith.index_cast %add3A_287 : i32 to index
          %swap3A_314 = arith.constant 32 : index
          %swap3A_315 = tpu.vector_load %arg11[%swap3A_313, %swap3A_314] {strides = array<i32>} : memref<80x64xf32, #tpu.memory_space<vmem>>, vector<1x16xf32>,
          %swap3A_316 = vector.shape_cast %swap3A_315 : vector<1x16xf32> to vector<16xf32>
          %swap3A_317 = vector.shape_cast %mul3A_312 : vector<16xf32> to vector<1x16xf32>
          tpu.vector_store %arg11[%swap3A_313, %swap3A_314], %swap3A_317 {strides = array<i32>} : memref<80x64xf32, #tpu.memory_space<vmem>>, vector<1x16xf32>,
          %get3A_318 = arith.index_cast %add3A_287 : i32 to index
          %get3A_319 = arith.constant 48 : index
          %get3A_320 = tpu.vector_load %arg11[%get3A_318, %get3A_319] {strides = array<i32>} : memref<80x64xf32, #tpu.memory_space<vmem>>, vector<1x16xf32>,
          %get3A_321 = vector.shape_cast %get3A_320 : vector<1x16xf32> to vector<16xf32>
          %mul3A_322 = arith.mulf %get3A_321, %gather3A_286 : vector<16xf32>
          %swap3A_323 = arith.index_cast %add3A_287 : i32 to index
          %swap3A_324 = arith.constant 48 : index
          %swap3A_325 = tpu.vector_load %arg11[%swap3A_323, %swap3A_324] {strides = array<i32>} : memref<80x64xf32, #tpu.memory_space<vmem>>, vector<1x16xf32>,
          %swap3A_326 = vector.shape_cast %swap3A_325 : vector<1x16xf32> to vector<16xf32>
          %swap3A_327 = vector.shape_cast %mul3A_322 : vector<16xf32> to vector<1x16xf32>
          tpu.vector_store %arg11[%swap3A_323, %swap3A_324], %swap3A_327 {strides = array<i32>} : memref<80x64xf32, #tpu.memory_space<vmem>>, vector<1x16xf32>,
          %scan3A_328 = arith.constant 2 : i32
          %scan3A_329 = arith.addi %scan3A_231, %scan3A_328 : i32
          %mul3A_330 = arith.constant 1 : i32
          %mul3A_331 = arith.muli %scan3A_329, %mul3A_330 : i32
          %add3A_332 = arith.constant 0 : i32
          %add3A_333 = arith.addi %add3A_332, %mul3A_331 : i32
          %broadcast_in_dim3A_334 = vector.broadcast %add3A_333 : i32 to vector<16xi32>
          %reshape3A_335 = vector.shape_cast %broadcast_in_dim3A_334 : vector<16xi32> to vector<16x1xi32>
          %gather3A_336 = vector.shape_cast %reshape3A_335 : vector<16x1xi32> to vector<16xi32>
          %gather3A_337 = tpu.dynamic_gather %get3A_223[%gather3A_336] in [0] : vector<16xf32>, vector<16xi32> -> vector<16xf32>
          %add3A_338 = arith.addi %mul3A_225, %add3A_333 : i32
          %get3A_339 = arith.index_cast %add3A_338 : i32 to index
          %get3A_340 = arith.constant 0 : index
          %get3A_341 = tpu.vector_load %arg11[%get3A_339, %get3A_340] {strides = array<i32>} : memref<80x64xf32, #tpu.memory_space<vmem>>, vector<1x16xf32>,
          %get3A_342 = vector.shape_cast %get3A_341 : vector<1x16xf32> to vector<16xf32>
          %mul3A_343 = arith.mulf %get3A_342, %gather3A_337 : vector<16xf32>
          %swap3A_344 = arith.index_cast %add3A_338 : i32 to index
          %swap3A_345 = arith.constant 0 : index
          %swap3A_346 = tpu.vector_load %arg11[%swap3A_344, %swap3A_345] {strides = array<i32>} : memref<80x64xf32, #tpu.memory_space<vmem>>, vector<1x16xf32>,
          %swap3A_347 = vector.shape_cast %swap3A_346 : vector<1x16xf32> to vector<16xf32>
          %swap3A_348 = vector.shape_cast %mul3A_343 : vector<16xf32> to vector<1x16xf32>
          tpu.vector_store %arg11[%swap3A_344, %swap3A_345], %swap3A_348 {strides = array<i32>} : memref<80x64xf32, #tpu.memory_space<vmem>>, vector<1x16xf32>,
          %get3A_349 = arith.index_cast %add3A_338 : i32 to index
          %get3A_350 = arith.constant 16 : index
          %get3A_351 = tpu.vector_load %arg11[%get3A_349, %get3A_350] {strides = array<i32>} : memref<80x64xf32, #tpu.memory_space<vmem>>, vector<1x16xf32>,
          %get3A_352 = vector.shape_cast %get3A_351 : vector<1x16xf32> to vector<16xf32>
          %mul3A_353 = arith.mulf %get3A_352, %gather3A_337 : vector<16xf32>
          %swap3A_354 = arith.index_cast %add3A_338 : i32 to index
          %swap3A_355 = arith.constant 16 : index
          %swap3A_356 = tpu.vector_load %arg11[%swap3A_354, %swap3A_355] {strides = array<i32>} : memref<80x64xf32, #tpu.memory_space<vmem>>, vector<1x16xf32>,
          %swap3A_357 = vector.shape_cast %swap3A_356 : vector<1x16xf32> to vector<16xf32>
          %swap3A_358 = vector.shape_cast %mul3A_353 : vector<16xf32> to vector<1x16xf32>
          tpu.vector_store %arg11[%swap3A_354, %swap3A_355], %swap3A_358 {strides = array<i32>} : memref<80x64xf32, #tpu.memory_space<vmem>>, vector<1x16xf32>,
          %get3A_359 = arith.index_cast %add3A_338 : i32 to index
          %get3A_360 = arith.constant 32 : index
          %get3A_361 = tpu.vector_load %arg11[%get3A_359, %get3A_360] {strides = array<i32>} : memref<80x64xf32, #tpu.memory_space<vmem>>, vector<1x16xf32>,
          %get3A_362 = vector.shape_cast %get3A_361 : vector<1x16xf32> to vector<16xf32>
          %mul3A_363 = arith.mulf %get3A_362, %gather3A_337 : vector<16xf32>
          %swap3A_364 = arith.index_cast %add3A_338 : i32 to index
          %swap3A_365 = arith.constant 32 : index
          %swap3A_366 = tpu.vector_load %arg11[%swap3A_364, %swap3A_365] {strides = array<i32>} : memref<80x64xf32, #tpu.memory_space<vmem>>, vector<1x16xf32>,
          %swap3A_367 = vector.shape_cast %swap3A_366 : vector<1x16xf32> to vector<16xf32>
          %swap3A_368 = vector.shape_cast %mul3A_363 : vector<16xf32> to vector<1x16xf32>
          tpu.vector_store %arg11[%swap3A_364, %swap3A_365], %swap3A_368 {strides = array<i32>} : memref<80x64xf32, #tpu.memory_space<vmem>>, vector<1x16xf32>,
          %get3A_369 = arith.index_cast %add3A_338 : i32 to index
          %get3A_370 = arith.constant 48 : index
          %get3A_371 = tpu.vector_load %arg11[%get3A_369, %get3A_370] {strides = array<i32>} : memref<80x64xf32, #tpu.memory_space<vmem>>, vector<1x16xf32>,
          %get3A_372 = vector.shape_cast %get3A_371 : vector<1x16xf32> to vector<16xf32>
          %mul3A_373 = arith.mulf %get3A_372, %gather3A_337 : vector<16xf32>
          %swap3A_374 = arith.index_cast %add3A_338 : i32 to index
          %swap3A_375 = arith.constant 48 : index
          %swap3A_376 = tpu.vector_load %arg11[%swap3A_374, %swap3A_375] {strides = array<i32>} : memref<80x64xf32, #tpu.memory_space<vmem>>, vector<1x16xf32>,
          %swap3A_377 = vector.shape_cast %swap3A_376 : vector<1x16xf32> to vector<16xf32>
          %swap3A_378 = vector.shape_cast %mul3A_373 : vector<16xf32> to vector<1x16xf32>
          tpu.vector_store %arg11[%swap3A_374, %swap3A_375], %swap3A_378 {strides = array<i32>} : memref<80x64xf32, #tpu.memory_space<vmem>>, vector<1x16xf32>,
          %scan3A_379 = arith.constant 3 : i32
          %scan3A_380 = arith.addi %scan3A_231, %scan3A_379 : i32
          %mul3A_381 = arith.constant 1 : i32
          %mul3A_382 = arith.muli %scan3A_380, %mul3A_381 : i32
          %add3A_383 = arith.constant 0 : i32
          %add3A_384 = arith.addi %add3A_383, %mul3A_382 : i32
          %broadcast_in_dim3A_385 = vector.broadcast %add3A_384 : i32 to vector<16xi32>
          %reshape3A_386 = vector.shape_cast %broadcast_in_dim3A_385 : vector<16xi32> to vector<16x1xi32>
          %gather3A_387 = vector.shape_cast %reshape3A_386 : vector<16x1xi32> to vector<16xi32>
          %gather3A_388 = tpu.dynamic_gather %get3A_223[%gather3A_387] in [0] : vector<16xf32>, vector<16xi32> -> vector<16xf32>
          %add3A_389 = arith.addi %mul3A_225, %add3A_384 : i32
          %get3A_390 = arith.index_cast %add3A_389 : i32 to index
          %get3A_391 = arith.constant 0 : index
          %get3A_392 = tpu.vector_load %arg11[%get3A_390, %get3A_391] {strides = array<i32>} : memref<80x64xf32, #tpu.memory_space<vmem>>, vector<1x16xf32>,
          %get3A_393 = vector.shape_cast %get3A_392 : vector<1x16xf32> to vector<16xf32>
          %mul3A_394 = arith.mulf %get3A_393, %gather3A_388 : vector<16xf32>
          %swap3A_395 = arith.index_cast %add3A_389 : i32 to index
          %swap3A_396 = arith.constant 0 : index
          %swap3A_397 = tpu.vector_load %arg11[%swap3A_395, %swap3A_396] {strides = array<i32>} : memref<80x64xf32, #tpu.memory_space<vmem>>, vector<1x16xf32>,
          %swap3A_398 = vector.shape_cast %swap3A_397 : vector<1x16xf32> to vector<16xf32>
          %swap3A_399 = vector.shape_cast %mul3A_394 : vector<16xf32> to vector<1x16xf32>
          tpu.vector_store %arg11[%swap3A_395, %swap3A_396], %swap3A_399 {strides = array<i32>} : memref<80x64xf32, #tpu.memory_space<vmem>>, vector<1x16xf32>,
          %get3A_400 = arith.index_cast %add3A_389 : i32 to index
          %get3A_401 = arith.constant 16 : index
          %get3A_402 = tpu.vector_load %arg11[%get3A_400, %get3A_401] {strides = array<i32>} : memref<80x64xf32, #tpu.memory_space<vmem>>, vector<1x16xf32>,
          %get3A_403 = vector.shape_cast %get3A_402 : vector<1x16xf32> to vector<16xf32>
          %mul3A_404 = arith.mulf %get3A_403, %gather3A_388 : vector<16xf32>
          %swap3A_405 = arith.index_cast %add3A_389 : i32 to index
          %swap3A_406 = arith.constant 16 : index
          %swap3A_407 = tpu.vector_load %arg11[%swap3A_405, %swap3A_406] {strides = array<i32>} : memref<80x64xf32, #tpu.memory_space<vmem>>, vector<1x16xf32>,
          %swap3A_408 = vector.shape_cast %swap3A_407 : vector<1x16xf32> to vector<16xf32>
          %swap3A_409 = vector.shape_cast %mul3A_404 : vector<16xf32> to vector<1x16xf32>
          tpu.vector_store %arg11[%swap3A_405, %swap3A_406], %swap3A_409 {strides = array<i32>} : memref<80x64xf32, #tpu.memory_space<vmem>>, vector<1x16xf32>,
          %get3A_410 = arith.index_cast %add3A_389 : i32 to index
          %get3A_411 = arith.constant 32 : index
          %get3A_412 = tpu.vector_load %arg11[%get3A_410, %get3A_411] {strides = array<i32>} : memref<80x64xf32, #tpu.memory_space<vmem>>, vector<1x16xf32>,
          %get3A_413 = vector.shape_cast %get3A_412 : vector<1x16xf32> to vector<16xf32>
          %mul3A_414 = arith.mulf %get3A_413, %gather3A_388 : vector<16xf32>
          %swap3A_415 = arith.index_cast %add3A_389 : i32 to index
          %swap3A_416 = arith.constant 32 : index
          %swap3A_417 = tpu.vector_load %arg11[%swap3A_415, %swap3A_416] {strides = array<i32>} : memref<80x64xf32, #tpu.memory_space<vmem>>, vector<1x16xf32>,
          %swap3A_418 = vector.shape_cast %swap3A_417 : vector<1x16xf32> to vector<16xf32>
          %swap3A_419 = vector.shape_cast %mul3A_414 : vector<16xf32> to vector<1x16xf32>
          tpu.vector_store %arg11[%swap3A_415, %swap3A_416], %swap3A_419 {strides = array<i32>} : memref<80x64xf32, #tpu.memory_space<vmem>>, vector<1x16xf32>,
          %get3A_420 = arith.index_cast %add3A_389 : i32 to index
          %get3A_421 = arith.constant 48 : index
          %get3A_422 = tpu.vector_load %arg11[%get3A_420, %get3A_421] {strides = array<i32>} : memref<80x64xf32, #tpu.memory_space<vmem>>, vector<1x16xf32>,
          %get3A_423 = vector.shape_cast %get3A_422 : vector<1x16xf32> to vector<16xf32>
          %mul3A_424 = arith.mulf %get3A_423, %gather3A_388 : vector<16xf32>
          %swap3A_425 = arith.index_cast %add3A_389 : i32 to index
          %swap3A_426 = arith.constant 48 : index
          %swap3A_427 = tpu.vector_load %arg11[%swap3A_425, %swap3A_426] {strides = array<i32>} : memref<80x64xf32, #tpu.memory_space<vmem>>, vector<1x16xf32>,
          %swap3A_428 = vector.shape_cast %swap3A_427 : vector<1x16xf32> to vector<16xf32>
          %swap3A_429 = vector.shape_cast %mul3A_424 : vector<16xf32> to vector<1x16xf32>
          tpu.vector_store %arg11[%swap3A_425, %swap3A_426], %swap3A_429 {strides = array<i32>} : memref<80x64xf32, #tpu.memory_space<vmem>>, vector<1x16xf32>,
        }
        %scan3A_230 = arith.constant 16 : i32
      }
      %scan3A_155 = arith.constant 5 : i32
      %dma_start3A_156 = arith.constant 0 : i32
      %dma_start3A_157 = tpu.memref_slice %arg8[%add3A_137, %dma_start3A_156] : memref<250x80xi32, #tpu.memory_space<vmem>> -> memref<1x80xi32, #tpu.memory_space<vmem>>
      %dma_start3A_158 = tpu.memref_squeeze %dma_start3A_157 : memref<1x80xi32, #tpu.memory_space<vmem>> -> memref<80xi32, #tpu.memory_space<vmem>>
      %dma_start3A_159 = arith.constant 0 : i32
      %dma_start3A_160 = arith.constant 0 : i32
      %dma_start3A_161 = tpu.memref_slice %arg15[%dma_start3A_159, %dma_start3A_160] : memref<10000x64xf32, #tpu.memory_space<vmem_shared>> -> memref<10000x64xf32, #tpu.memory_space<vmem_shared>>
      tpu.enqueue_indirect_dma source(%arg11 : memref<80x64xf32, #tpu.memory_space<vmem>>) target(%dma_start3A_161 : memref<10000x64xf32, #tpu.memory_space<vmem_shared>>) offsets(%dma_start3A_158 : memref<80xi32, #tpu.memory_space<vmem>>) semaphore(%arg21 : memref<!tpu.dma_semaphore, #tpu.memory_space<semaphore_mem>>) {add = true}
      %add3A_162 = arith.constant 2 : i32
      %add3A_163 = arith.addi %add3A_112, %add3A_162 : i32
      %add3A_164 = arith.constant 1 : i32
      %add3A_165 = arith.addi %add3A_163, %add3A_164 : i32
      %lt3A_166 = arith.constant 250 : i32
      %lt3A_167 = arith.cmpi slt, %add3A_165, %lt3A_166 : i32
      %convert_element_type3A_168 = arith.extui %lt3A_167 : i1 to i32
      %cond3A_169 = arith.constant 0 : i32
      %cond3A_170 = arith.cmpi ne, %convert_element_type3A_168, %cond3A_169 : i32
      scf.if %cond3A_170 {
        %ge3A = arith.constant 4 : i32
        %ge3A_214 = arith.cmpi sge, %add3A_165, %ge3A : i32
        %convert_element_type3A_215 = arith.extui %ge3A_214 : i1 to i32
        %cond3A_216 = arith.constant 0 : i32
        %cond3A_217 = arith.cmpi ne, %convert_element_type3A_215, %cond3A_216 : i32
        scf.if %cond3A_217 {
          %sub3A = arith.constant 4 : i32
          %sub3A_224 = arith.subi %add3A_165, %sub3A : i32
          %dma_wait3A_225 = arith.constant 0 : i32
          %dma_wait3A_226 = tpu.memref_slice %arg8[%sub3A_224, %dma_wait3A_225] : memref<250x80xi32, #tpu.memory_space<vmem>> -> memref<1x80xi32, #tpu.memory_space<vmem>>
          %dma_wait3A_227 = tpu.memref_squeeze %dma_wait3A_226 : memref<1x80xi32, #tpu.memory_space<vmem>> -> memref<80xi32, #tpu.memory_space<vmem>>
          %dma_wait3A_228 = arith.constant 0 : i32
          %dma_wait3A_229 = arith.constant 0 : i32
          %dma_wait3A_230 = tpu.memref_slice %arg15[%dma_wait3A_228, %dma_wait3A_229] : memref<10000x64xf32, #tpu.memory_space<vmem_shared>> -> memref<10000x64xf32, #tpu.memory_space<vmem_shared>>
          tpu.wait_indirect_dma semaphore(%arg23 : memref<!tpu.dma_semaphore, #tpu.memory_space<semaphore_mem>>) src(%arg13 : memref<80x64xf32, #tpu.memory_space<vmem>>) dst(%dma_wait3A_230 : memref<10000x64xf32, #tpu.memory_space<vmem_shared>>)
        } else {
        }
        %dma_start3A_218 = arith.constant 0 : i32
        %dma_start3A_219 = tpu.memref_slice %arg7[%add3A_165, %dma_start3A_218] : memref<250x80xi32, #tpu.memory_space<vmem>> -> memref<1x80xi32, #tpu.memory_space<vmem>>
        %dma_start3A_220 = tpu.memref_squeeze %dma_start3A_219 : memref<1x80xi32, #tpu.memory_space<vmem>> -> memref<80xi32, #tpu.memory_space<vmem>>
        %dma_start3A_221 = arith.constant 0 : i32
        %dma_start3A_222 = arith.constant 0 : i32
        %dma_start3A_223 = tpu.memref_slice %arg2[%dma_start3A_221, %dma_start3A_222] : memref<20000x64xf32, #tpu.memory_space<hbm>> -> memref<20000x64xf32, #tpu.memory_space<hbm>>
        tpu.enqueue_indirect_dma source(%dma_start3A_223 : memref<20000x64xf32, #tpu.memory_space<hbm>>) target(%arg13 : memref<80x64xf32, #tpu.memory_space<vmem>>) offsets(%dma_start3A_220 : memref<80xi32, #tpu.memory_space<vmem>>) semaphore(%arg19 : memref<!tpu.dma_semaphore, #tpu.memory_space<semaphore_mem>>)
      } else {
      }
      %dma_wait3A_171 = arith.constant 0 : i32
      %dma_wait3A_172 = tpu.memref_slice %arg7[%add3A_163, %dma_wait3A_171] : memref<250x80xi32, #tpu.memory_space<vmem>> -> memref<1x80xi32, #tpu.memory_space<vmem>>
      %dma_wait3A_173 = tpu.memref_squeeze %dma_wait3A_172 : memref<1x80xi32, #tpu.memory_space<vmem>> -> memref<80xi32, #tpu.memory_space<vmem>>
      %dma_wait3A_174 = arith.constant 0 : i32
      %dma_wait3A_175 = arith.constant 0 : i32
      %dma_wait3A_176 = tpu.memref_slice %arg2[%dma_wait3A_174, %dma_wait3A_175] : memref<20000x64xf32, #tpu.memory_space<hbm>> -> memref<20000x64xf32, #tpu.memory_space<hbm>>
      tpu.wait_indirect_dma semaphore(%arg18 : memref<!tpu.dma_semaphore, #tpu.memory_space<semaphore_mem>>) src(%dma_wait3A_176 : memref<20000x64xf32, #tpu.memory_space<hbm>>) dst(%arg12 : memref<80x64xf32, #tpu.memory_space<vmem>>)
      %scan3A_177 = arith.constant 0 : i32
      %scan3A_178 = arith.constant 5 : i32
      %scan3A_179 = arith.addi %scan3A_177, %scan3A_178 : i32
      %scan3A_180 = arith.constant 1 : i32
      scf.for %scan3A_214 = %scan3A_177 to %scan3A_179 step %scan3A_180  : i32 {
        %mul3A_215 = arith.constant 1 : i32
        %mul3A_216 = arith.muli %scan3A_214, %mul3A_215 : i32
        %add3A_217 = arith.constant 0 : i32
        %add3A_218 = arith.addi %add3A_217, %mul3A_216 : i32
        %mul3A_219 = arith.constant 16 : i32
        %mul3A_220 = arith.muli %add3A_218, %mul3A_219 : i32
        %get3A = arith.index_cast %add3A_163 : i32 to index
        %get3A_221 = arith.index_cast %mul3A_220 : i32 to index
        %get3A_222 = tpu.vector_load %arg9[%get3A, %get3A_221] {strides = array<i32>} : memref<250x80xf32, #tpu.memory_space<vmem>>, vector<1x16xf32>,
        %get3A_223 = vector.shape_cast %get3A_222 : vector<1x16xf32> to vector<16xf32>
        %mul3A_224 = arith.constant 16 : i32
        %mul3A_225 = arith.muli %add3A_218, %mul3A_224 : i32
        %scan3A_226 = arith.constant 0 : i32
        %scan3A_227 = arith.constant 16 : i32
        %scan3A_228 = arith.addi %scan3A_226, %scan3A_227 : i32
        %scan3A_229 = arith.constant 4 : i32
        scf.for %scan3A_231 = %scan3A_226 to %scan3A_228 step %scan3A_229  : i32 {
          %mul3A_232 = arith.constant 1 : i32
          %mul3A_233 = arith.muli %scan3A_231, %mul3A_232 : i32
          %add3A_234 = arith.constant 0 : i32
          %add3A_235 = arith.addi %add3A_234, %mul3A_233 : i32
          %broadcast_in_dim3A = vector.broadcast %add3A_235 : i32 to vector<16xi32>
          %reshape3A = vector.shape_cast %broadcast_in_dim3A : vector<16xi32> to vector<16x1xi32>
          %gather3A = vector.shape_cast %reshape3A : vector<16x1xi32> to vector<16xi32>
          %gather3A_236 = tpu.dynamic_gather %get3A_223[%gather3A] in [0] : vector<16xf32>, vector<16xi32> -> vector<16xf32>
          %add3A_237 = arith.addi %mul3A_225, %add3A_235 : i32
          %get3A_238 = arith.index_cast %add3A_237 : i32 to index
          %get3A_239 = arith.constant 0 : index
          %get3A_240 = tpu.vector_load %arg12[%get3A_238, %get3A_239] {strides = array<i32>} : memref<80x64xf32, #tpu.memory_space<vmem>>, vector<1x16xf32>,
          %get3A_241 = vector.shape_cast %get3A_240 : vector<1x16xf32> to vector<16xf32>
          %mul3A_242 = arith.mulf %get3A_241, %gather3A_236 : vector<16xf32>
          %swap3A = arith.index_cast %add3A_237 : i32 to index
          %swap3A_243 = arith.constant 0 : index
          %swap3A_244 = tpu.vector_load %arg12[%swap3A, %swap3A_243] {strides = array<i32>} : memref<80x64xf32, #tpu.memory_space<vmem>>, vector<1x16xf32>,
          %swap3A_245 = vector.shape_cast %swap3A_244 : vector<1x16xf32> to vector<16xf32>
          %swap3A_246 = vector.shape_cast %mul3A_242 : vector<16xf32> to vector<1x16xf32>
          tpu.vector_store %arg12[%swap3A, %swap3A_243], %swap3A_246 {strides = array<i32>} : memref<80x64xf32, #tpu.memory_space<vmem>>, vector<1x16xf32>,
          %get3A_247 = arith.index_cast %add3A_237 : i32 to index
          %get3A_248 = arith.constant 16 : index
          %get3A_249 = tpu.vector_load %arg12[%get3A_247, %get3A_248] {strides = array<i32>} : memref<80x64xf32, #tpu.memory_space<vmem>>, vector<1x16xf32>,
          %get3A_250 = vector.shape_cast %get3A_249 : vector<1x16xf32> to vector<16xf32>
          %mul3A_251 = arith.mulf %get3A_250, %gather3A_236 : vector<16xf32>
          %swap3A_252 = arith.index_cast %add3A_237 : i32 to index
          %swap3A_253 = arith.constant 16 : index
          %swap3A_254 = tpu.vector_load %arg12[%swap3A_252, %swap3A_253] {strides = array<i32>} : memref<80x64xf32, #tpu.memory_space<vmem>>, vector<1x16xf32>,
          %swap3A_255 = vector.shape_cast %swap3A_254 : vector<1x16xf32> to vector<16xf32>
          %swap3A_256 = vector.shape_cast %mul3A_251 : vector<16xf32> to vector<1x16xf32>
          tpu.vector_store %arg12[%swap3A_252, %swap3A_253], %swap3A_256 {strides = array<i32>} : memref<80x64xf32, #tpu.memory_space<vmem>>, vector<1x16xf32>,
          %get3A_257 = arith.index_cast %add3A_237 : i32 to index
          %get3A_258 = arith.constant 32 : index
          %get3A_259 = tpu.vector_load %arg12[%get3A_257, %get3A_258] {strides = array<i32>} : memref<80x64xf32, #tpu.memory_space<vmem>>, vector<1x16xf32>,
          %get3A_260 = vector.shape_cast %get3A_259 : vector<1x16xf32> to vector<16xf32>
          %mul3A_261 = arith.mulf %get3A_260, %gather3A_236 : vector<16xf32>
          %swap3A_262 = arith.index_cast %add3A_237 : i32 to index
          %swap3A_263 = arith.constant 32 : index
          %swap3A_264 = tpu.vector_load %arg12[%swap3A_262, %swap3A_263] {strides = array<i32>} : memref<80x64xf32, #tpu.memory_space<vmem>>, vector<1x16xf32>,
          %swap3A_265 = vector.shape_cast %swap3A_264 : vector<1x16xf32> to vector<16xf32>
          %swap3A_266 = vector.shape_cast %mul3A_261 : vector<16xf32> to vector<1x16xf32>
          tpu.vector_store %arg12[%swap3A_262, %swap3A_263], %swap3A_266 {strides = array<i32>} : memref<80x64xf32, #tpu.memory_space<vmem>>, vector<1x16xf32>,
          %get3A_267 = arith.index_cast %add3A_237 : i32 to index
          %get3A_268 = arith.constant 48 : index
          %get3A_269 = tpu.vector_load %arg12[%get3A_267, %get3A_268] {strides = array<i32>} : memref<80x64xf32, #tpu.memory_space<vmem>>, vector<1x16xf32>,
          %get3A_270 = vector.shape_cast %get3A_269 : vector<1x16xf32> to vector<16xf32>
          %mul3A_271 = arith.mulf %get3A_270, %gather3A_236 : vector<16xf32>
          %swap3A_272 = arith.index_cast %add3A_237 : i32 to index
          %swap3A_273 = arith.constant 48 : index
          %swap3A_274 = tpu.vector_load %arg12[%swap3A_272, %swap3A_273] {strides = array<i32>} : memref<80x64xf32, #tpu.memory_space<vmem>>, vector<1x16xf32>,
          %swap3A_275 = vector.shape_cast %swap3A_274 : vector<1x16xf32> to vector<16xf32>
          %swap3A_276 = vector.shape_cast %mul3A_271 : vector<16xf32> to vector<1x16xf32>
          tpu.vector_store %arg12[%swap3A_272, %swap3A_273], %swap3A_276 {strides = array<i32>} : memref<80x64xf32, #tpu.memory_space<vmem>>, vector<1x16xf32>,
          %scan3A_277 = arith.constant 1 : i32
          %scan3A_278 = arith.addi %scan3A_231, %scan3A_277 : i32
          %mul3A_279 = arith.constant 1 : i32
          %mul3A_280 = arith.muli %scan3A_278, %mul3A_279 : i32
          %add3A_281 = arith.constant 0 : i32
          %add3A_282 = arith.addi %add3A_281, %mul3A_280 : i32
          %broadcast_in_dim3A_283 = vector.broadcast %add3A_282 : i32 to vector<16xi32>
          %reshape3A_284 = vector.shape_cast %broadcast_in_dim3A_283 : vector<16xi32> to vector<16x1xi32>
          %gather3A_285 = vector.shape_cast %reshape3A_284 : vector<16x1xi32> to vector<16xi32>
          %gather3A_286 = tpu.dynamic_gather %get3A_223[%gather3A_285] in [0] : vector<16xf32>, vector<16xi32> -> vector<16xf32>
          %add3A_287 = arith.addi %mul3A_225, %add3A_282 : i32
          %get3A_288 = arith.index_cast %add3A_287 : i32 to index
          %get3A_289 = arith.constant 0 : index
          %get3A_290 = tpu.vector_load %arg12[%get3A_288, %get3A_289] {strides = array<i32>} : memref<80x64xf32, #tpu.memory_space<vmem>>, vector<1x16xf32>,
          %get3A_291 = vector.shape_cast %get3A_290 : vector<1x16xf32> to vector<16xf32>
          %mul3A_292 = arith.mulf %get3A_291, %gather3A_286 : vector<16xf32>
          %swap3A_293 = arith.index_cast %add3A_287 : i32 to index
          %swap3A_294 = arith.constant 0 : index
          %swap3A_295 = tpu.vector_load %arg12[%swap3A_293, %swap3A_294] {strides = array<i32>} : memref<80x64xf32, #tpu.memory_space<vmem>>, vector<1x16xf32>,
          %swap3A_296 = vector.shape_cast %swap3A_295 : vector<1x16xf32> to vector<16xf32>
          %swap3A_297 = vector.shape_cast %mul3A_292 : vector<16xf32> to vector<1x16xf32>
          tpu.vector_store %arg12[%swap3A_293, %swap3A_294], %swap3A_297 {strides = array<i32>} : memref<80x64xf32, #tpu.memory_space<vmem>>, vector<1x16xf32>,
          %get3A_298 = arith.index_cast %add3A_287 : i32 to index
          %get3A_299 = arith.constant 16 : index
          %get3A_300 = tpu.vector_load %arg12[%get3A_298, %get3A_299] {strides = array<i32>} : memref<80x64xf32, #tpu.memory_space<vmem>>, vector<1x16xf32>,
          %get3A_301 = vector.shape_cast %get3A_300 : vector<1x16xf32> to vector<16xf32>
          %mul3A_302 = arith.mulf %get3A_301, %gather3A_286 : vector<16xf32>
          %swap3A_303 = arith.index_cast %add3A_287 : i32 to index
          %swap3A_304 = arith.constant 16 : index
          %swap3A_305 = tpu.vector_load %arg12[%swap3A_303, %swap3A_304] {strides = array<i32>} : memref<80x64xf32, #tpu.memory_space<vmem>>, vector<1x16xf32>,
          %swap3A_306 = vector.shape_cast %swap3A_305 : vector<1x16xf32> to vector<16xf32>
          %swap3A_307 = vector.shape_cast %mul3A_302 : vector<16xf32> to vector<1x16xf32>
          tpu.vector_store %arg12[%swap3A_303, %swap3A_304], %swap3A_307 {strides = array<i32>} : memref<80x64xf32, #tpu.memory_space<vmem>>, vector<1x16xf32>,
          %get3A_308 = arith.index_cast %add3A_287 : i32 to index
          %get3A_309 = arith.constant 32 : index
          %get3A_310 = tpu.vector_load %arg12[%get3A_308, %get3A_309] {strides = array<i32>} : memref<80x64xf32, #tpu.memory_space<vmem>>, vector<1x16xf32>,
          %get3A_311 = vector.shape_cast %get3A_310 : vector<1x16xf32> to vector<16xf32>
          %mul3A_312 = arith.mulf %get3A_311, %gather3A_286 : vector<16xf32>
          %swap3A_313 = arith.index_cast %add3A_287 : i32 to index
          %swap3A_314 = arith.constant 32 : index
          %swap3A_315 = tpu.vector_load %arg12[%swap3A_313, %swap3A_314] {strides = array<i32>} : memref<80x64xf32, #tpu.memory_space<vmem>>, vector<1x16xf32>,
          %swap3A_316 = vector.shape_cast %swap3A_315 : vector<1x16xf32> to vector<16xf32>
          %swap3A_317 = vector.shape_cast %mul3A_312 : vector<16xf32> to vector<1x16xf32>
          tpu.vector_store %arg12[%swap3A_313, %swap3A_314], %swap3A_317 {strides = array<i32>} : memref<80x64xf32, #tpu.memory_space<vmem>>, vector<1x16xf32>,
          %get3A_318 = arith.index_cast %add3A_287 : i32 to index
          %get3A_319 = arith.constant 48 : index
          %get3A_320 = tpu.vector_load %arg12[%get3A_318, %get3A_319] {strides = array<i32>} : memref<80x64xf32, #tpu.memory_space<vmem>>, vector<1x16xf32>,
          %get3A_321 = vector.shape_cast %get3A_320 : vector<1x16xf32> to vector<16xf32>
          %mul3A_322 = arith.mulf %get3A_321, %gather3A_286 : vector<16xf32>
          %swap3A_323 = arith.index_cast %add3A_287 : i32 to index
          %swap3A_324 = arith.constant 48 : index
          %swap3A_325 = tpu.vector_load %arg12[%swap3A_323, %swap3A_324] {strides = array<i32>} : memref<80x64xf32, #tpu.memory_space<vmem>>, vector<1x16xf32>,
          %swap3A_326 = vector.shape_cast %swap3A_325 : vector<1x16xf32> to vector<16xf32>
          %swap3A_327 = vector.shape_cast %mul3A_322 : vector<16xf32> to vector<1x16xf32>
          tpu.vector_store %arg12[%swap3A_323, %swap3A_324], %swap3A_327 {strides = array<i32>} : memref<80x64xf32, #tpu.memory_space<vmem>>, vector<1x16xf32>,
          %scan3A_328 = arith.constant 2 : i32
          %scan3A_329 = arith.addi %scan3A_231, %scan3A_328 : i32
          %mul3A_330 = arith.constant 1 : i32
          %mul3A_331 = arith.muli %scan3A_329, %mul3A_330 : i32
          %add3A_332 = arith.constant 0 : i32
          %add3A_333 = arith.addi %add3A_332, %mul3A_331 : i32
          %broadcast_in_dim3A_334 = vector.broadcast %add3A_333 : i32 to vector<16xi32>
          %reshape3A_335 = vector.shape_cast %broadcast_in_dim3A_334 : vector<16xi32> to vector<16x1xi32>
          %gather3A_336 = vector.shape_cast %reshape3A_335 : vector<16x1xi32> to vector<16xi32>
          %gather3A_337 = tpu.dynamic_gather %get3A_223[%gather3A_336] in [0] : vector<16xf32>, vector<16xi32> -> vector<16xf32>
          %add3A_338 = arith.addi %mul3A_225, %add3A_333 : i32
          %get3A_339 = arith.index_cast %add3A_338 : i32 to index
          %get3A_340 = arith.constant 0 : index
          %get3A_341 = tpu.vector_load %arg12[%get3A_339, %get3A_340] {strides = array<i32>} : memref<80x64xf32, #tpu.memory_space<vmem>>, vector<1x16xf32>,
          %get3A_342 = vector.shape_cast %get3A_341 : vector<1x16xf32> to vector<16xf32>
          %mul3A_343 = arith.mulf %get3A_342, %gather3A_337 : vector<16xf32>
          %swap3A_344 = arith.index_cast %add3A_338 : i32 to index
          %swap3A_345 = arith.constant 0 : index
          %swap3A_346 = tpu.vector_load %arg12[%swap3A_344, %swap3A_345] {strides = array<i32>} : memref<80x64xf32, #tpu.memory_space<vmem>>, vector<1x16xf32>,
          %swap3A_347 = vector.shape_cast %swap3A_346 : vector<1x16xf32> to vector<16xf32>
          %swap3A_348 = vector.shape_cast %mul3A_343 : vector<16xf32> to vector<1x16xf32>
          tpu.vector_store %arg12[%swap3A_344, %swap3A_345], %swap3A_348 {strides = array<i32>} : memref<80x64xf32, #tpu.memory_space<vmem>>, vector<1x16xf32>,
          %get3A_349 = arith.index_cast %add3A_338 : i32 to index
          %get3A_350 = arith.constant 16 : index
          %get3A_351 = tpu.vector_load %arg12[%get3A_349, %get3A_350] {strides = array<i32>} : memref<80x64xf32, #tpu.memory_space<vmem>>, vector<1x16xf32>,
          %get3A_352 = vector.shape_cast %get3A_351 : vector<1x16xf32> to vector<16xf32>
          %mul3A_353 = arith.mulf %get3A_352, %gather3A_337 : vector<16xf32>
          %swap3A_354 = arith.index_cast %add3A_338 : i32 to index
          %swap3A_355 = arith.constant 16 : index
          %swap3A_356 = tpu.vector_load %arg12[%swap3A_354, %swap3A_355] {strides = array<i32>} : memref<80x64xf32, #tpu.memory_space<vmem>>, vector<1x16xf32>,
          %swap3A_357 = vector.shape_cast %swap3A_356 : vector<1x16xf32> to vector<16xf32>
          %swap3A_358 = vector.shape_cast %mul3A_353 : vector<16xf32> to vector<1x16xf32>
          tpu.vector_store %arg12[%swap3A_354, %swap3A_355], %swap3A_358 {strides = array<i32>} : memref<80x64xf32, #tpu.memory_space<vmem>>, vector<1x16xf32>,
          %get3A_359 = arith.index_cast %add3A_338 : i32 to index
          %get3A_360 = arith.constant 32 : index
          %get3A_361 = tpu.vector_load %arg12[%get3A_359, %get3A_360] {strides = array<i32>} : memref<80x64xf32, #tpu.memory_space<vmem>>, vector<1x16xf32>,
          %get3A_362 = vector.shape_cast %get3A_361 : vector<1x16xf32> to vector<16xf32>
          %mul3A_363 = arith.mulf %get3A_362, %gather3A_337 : vector<16xf32>
          %swap3A_364 = arith.index_cast %add3A_338 : i32 to index
          %swap3A_365 = arith.constant 32 : index
          %swap3A_366 = tpu.vector_load %arg12[%swap3A_364, %swap3A_365] {strides = array<i32>} : memref<80x64xf32, #tpu.memory_space<vmem>>, vector<1x16xf32>,
          %swap3A_367 = vector.shape_cast %swap3A_366 : vector<1x16xf32> to vector<16xf32>
          %swap3A_368 = vector.shape_cast %mul3A_363 : vector<16xf32> to vector<1x16xf32>
          tpu.vector_store %arg12[%swap3A_364, %swap3A_365], %swap3A_368 {strides = array<i32>} : memref<80x64xf32, #tpu.memory_space<vmem>>, vector<1x16xf32>,
          %get3A_369 = arith.index_cast %add3A_338 : i32 to index
          %get3A_370 = arith.constant 48 : index
          %get3A_371 = tpu.vector_load %arg12[%get3A_369, %get3A_370] {strides = array<i32>} : memref<80x64xf32, #tpu.memory_space<vmem>>, vector<1x16xf32>,
          %get3A_372 = vector.shape_cast %get3A_371 : vector<1x16xf32> to vector<16xf32>
          %mul3A_373 = arith.mulf %get3A_372, %gather3A_337 : vector<16xf32>
          %swap3A_374 = arith.index_cast %add3A_338 : i32 to index
          %swap3A_375 = arith.constant 48 : index
          %swap3A_376 = tpu.vector_load %arg12[%swap3A_374, %swap3A_375] {strides = array<i32>} : memref<80x64xf32, #tpu.memory_space<vmem>>, vector<1x16xf32>,
          %swap3A_377 = vector.shape_cast %swap3A_376 : vector<1x16xf32> to vector<16xf32>
          %swap3A_378 = vector.shape_cast %mul3A_373 : vector<16xf32> to vector<1x16xf32>
          tpu.vector_store %arg12[%swap3A_374, %swap3A_375], %swap3A_378 {strides = array<i32>} : memref<80x64xf32, #tpu.memory_space<vmem>>, vector<1x16xf32>,
          %scan3A_379 = arith.constant 3 : i32
          %scan3A_380 = arith.addi %scan3A_231, %scan3A_379 : i32
          %mul3A_381 = arith.constant 1 : i32
          %mul3A_382 = arith.muli %scan3A_380, %mul3A_381 : i32
          %add3A_383 = arith.constant 0 : i32
          %add3A_384 = arith.addi %add3A_383, %mul3A_382 : i32
          %broadcast_in_dim3A_385 = vector.broadcast %add3A_384 : i32 to vector<16xi32>
          %reshape3A_386 = vector.shape_cast %broadcast_in_dim3A_385 : vector<16xi32> to vector<16x1xi32>
          %gather3A_387 = vector.shape_cast %reshape3A_386 : vector<16x1xi32> to vector<16xi32>
          %gather3A_388 = tpu.dynamic_gather %get3A_223[%gather3A_387] in [0] : vector<16xf32>, vector<16xi32> -> vector<16xf32>
          %add3A_389 = arith.addi %mul3A_225, %add3A_384 : i32
          %get3A_390 = arith.index_cast %add3A_389 : i32 to index
          %get3A_391 = arith.constant 0 : index
          %get3A_392 = tpu.vector_load %arg12[%get3A_390, %get3A_391] {strides = array<i32>} : memref<80x64xf32, #tpu.memory_space<vmem>>, vector<1x16xf32>,
          %get3A_393 = vector.shape_cast %get3A_392 : vector<1x16xf32> to vector<16xf32>
          %mul3A_394 = arith.mulf %get3A_393, %gather3A_388 : vector<16xf32>
          %swap3A_395 = arith.index_cast %add3A_389 : i32 to index
          %swap3A_396 = arith.constant 0 : index
          %swap3A_397 = tpu.vector_load %arg12[%swap3A_395, %swap3A_396] {strides = array<i32>} : memref<80x64xf32, #tpu.memory_space<vmem>>, vector<1x16xf32>,
          %swap3A_398 = vector.shape_cast %swap3A_397 : vector<1x16xf32> to vector<16xf32>
          %swap3A_399 = vector.shape_cast %mul3A_394 : vector<16xf32> to vector<1x16xf32>
          tpu.vector_store %arg12[%swap3A_395, %swap3A_396], %swap3A_399 {strides = array<i32>} : memref<80x64xf32, #tpu.memory_space<vmem>>, vector<1x16xf32>,
          %get3A_400 = arith.index_cast %add3A_389 : i32 to index
          %get3A_401 = arith.constant 16 : index
          %get3A_402 = tpu.vector_load %arg12[%get3A_400, %get3A_401] {strides = array<i32>} : memref<80x64xf32, #tpu.memory_space<vmem>>, vector<1x16xf32>,
          %get3A_403 = vector.shape_cast %get3A_402 : vector<1x16xf32> to vector<16xf32>
          %mul3A_404 = arith.mulf %get3A_403, %gather3A_388 : vector<16xf32>
          %swap3A_405 = arith.index_cast %add3A_389 : i32 to index
          %swap3A_406 = arith.constant 16 : index
          %swap3A_407 = tpu.vector_load %arg12[%swap3A_405, %swap3A_406] {strides = array<i32>} : memref<80x64xf32, #tpu.memory_space<vmem>>, vector<1x16xf32>,
          %swap3A_408 = vector.shape_cast %swap3A_407 : vector<1x16xf32> to vector<16xf32>
          %swap3A_409 = vector.shape_cast %mul3A_404 : vector<16xf32> to vector<1x16xf32>
          tpu.vector_store %arg12[%swap3A_405, %swap3A_406], %swap3A_409 {strides = array<i32>} : memref<80x64xf32, #tpu.memory_space<vmem>>, vector<1x16xf32>,
          %get3A_410 = arith.index_cast %add3A_389 : i32 to index
          %get3A_411 = arith.constant 32 : index
          %get3A_412 = tpu.vector_load %arg12[%get3A_410, %get3A_411] {strides = array<i32>} : memref<80x64xf32, #tpu.memory_space<vmem>>, vector<1x16xf32>,
          %get3A_413 = vector.shape_cast %get3A_412 : vector<1x16xf32> to vector<16xf32>
          %mul3A_414 = arith.mulf %get3A_413, %gather3A_388 : vector<16xf32>
          %swap3A_415 = arith.index_cast %add3A_389 : i32 to index
          %swap3A_416 = arith.constant 32 : index
          %swap3A_417 = tpu.vector_load %arg12[%swap3A_415, %swap3A_416] {strides = array<i32>} : memref<80x64xf32, #tpu.memory_space<vmem>>, vector<1x16xf32>,
          %swap3A_418 = vector.shape_cast %swap3A_417 : vector<1x16xf32> to vector<16xf32>
          %swap3A_419 = vector.shape_cast %mul3A_414 : vector<16xf32> to vector<1x16xf32>
          tpu.vector_store %arg12[%swap3A_415, %swap3A_416], %swap3A_419 {strides = array<i32>} : memref<80x64xf32, #tpu.memory_space<vmem>>, vector<1x16xf32>,
          %get3A_420 = arith.index_cast %add3A_389 : i32 to index
          %get3A_421 = arith.constant 48 : index
          %get3A_422 = tpu.vector_load %arg12[%get3A_420, %get3A_421] {strides = array<i32>} : memref<80x64xf32, #tpu.memory_space<vmem>>, vector<1x16xf32>,
          %get3A_423 = vector.shape_cast %get3A_422 : vector<1x16xf32> to vector<16xf32>
          %mul3A_424 = arith.mulf %get3A_423, %gather3A_388 : vector<16xf32>
          %swap3A_425 = arith.index_cast %add3A_389 : i32 to index
          %swap3A_426 = arith.constant 48 : index
          %swap3A_427 = tpu.vector_load %arg12[%swap3A_425, %swap3A_426] {strides = array<i32>} : memref<80x64xf32, #tpu.memory_space<vmem>>, vector<1x16xf32>,
          %swap3A_428 = vector.shape_cast %swap3A_427 : vector<1x16xf32> to vector<16xf32>
          %swap3A_429 = vector.shape_cast %mul3A_424 : vector<16xf32> to vector<1x16xf32>
          tpu.vector_store %arg12[%swap3A_425, %swap3A_426], %swap3A_429 {strides = array<i32>} : memref<80x64xf32, #tpu.memory_space<vmem>>, vector<1x16xf32>,
        }
        %scan3A_230 = arith.constant 16 : i32
      }
      %scan3A_181 = arith.constant 5 : i32
      %dma_start3A_182 = arith.constant 0 : i32
      %dma_start3A_183 = tpu.memref_slice %arg8[%add3A_163, %dma_start3A_182] : memref<250x80xi32, #tpu.memory_space<vmem>> -> memref<1x80xi32, #tpu.memory_space<vmem>>
      %dma_start3A_184 = tpu.memref_squeeze %dma_start3A_183 : memref<1x80xi32, #tpu.memory_space<vmem>> -> memref<80xi32, #tpu.memory_space<vmem>>
      %dma_start3A_185 = arith.constant 0 : i32
      %dma_start3A_186 = arith.constant 0 : i32
      %dma_start3A_187 = tpu.memref_slice %arg15[%dma_start3A_185, %dma_start3A_186] : memref<10000x64xf32, #tpu.memory_space<vmem_shared>> -> memref<10000x64xf32, #tpu.memory_space<vmem_shared>>
      tpu.enqueue_indirect_dma source(%arg12 : memref<80x64xf32, #tpu.memory_space<vmem>>) target(%dma_start3A_187 : memref<10000x64xf32, #tpu.memory_space<vmem_shared>>) offsets(%dma_start3A_184 : memref<80xi32, #tpu.memory_space<vmem>>) semaphore(%arg22 : memref<!tpu.dma_semaphore, #tpu.memory_space<semaphore_mem>>) {add = true}
      %add3A_188 = arith.constant 3 : i32
      %add3A_189 = arith.addi %add3A_112, %add3A_188 : i32
      %add3A_190 = arith.constant 1 : i32
      %add3A_191 = arith.addi %add3A_189, %add3A_190 : i32
      %lt3A_192 = arith.constant 250 : i32
      %lt3A_193 = arith.cmpi slt, %add3A_191, %lt3A_192 : i32
      %convert_element_type3A_194 = arith.extui %lt3A_193 : i1 to i32
      %cond3A_195 = arith.constant 0 : i32
      %cond3A_196 = arith.cmpi ne, %convert_element_type3A_194, %cond3A_195 : i32
      scf.if %cond3A_196 {
        %ge3A = arith.constant 4 : i32
        %ge3A_214 = arith.cmpi sge, %add3A_191, %ge3A : i32
        %convert_element_type3A_215 = arith.extui %ge3A_214 : i1 to i32
        %cond3A_216 = arith.constant 0 : i32
        %cond3A_217 = arith.cmpi ne, %convert_element_type3A_215, %cond3A_216 : i32
        scf.if %cond3A_217 {
          %sub3A = arith.constant 4 : i32
          %sub3A_224 = arith.subi %add3A_191, %sub3A : i32
          %dma_wait3A_225 = arith.constant 0 : i32
          %dma_wait3A_226 = tpu.memref_slice %arg8[%sub3A_224, %dma_wait3A_225] : memref<250x80xi32, #tpu.memory_space<vmem>> -> memref<1x80xi32, #tpu.memory_space<vmem>>
          %dma_wait3A_227 = tpu.memref_squeeze %dma_wait3A_226 : memref<1x80xi32, #tpu.memory_space<vmem>> -> memref<80xi32, #tpu.memory_space<vmem>>
          %dma_wait3A_228 = arith.constant 0 : i32
          %dma_wait3A_229 = arith.constant 0 : i32
          %dma_wait3A_230 = tpu.memref_slice %arg15[%dma_wait3A_228, %dma_wait3A_229] : memref<10000x64xf32, #tpu.memory_space<vmem_shared>> -> memref<10000x64xf32, #tpu.memory_space<vmem_shared>>
          tpu.wait_indirect_dma semaphore(%arg20 : memref<!tpu.dma_semaphore, #tpu.memory_space<semaphore_mem>>) src(%arg10 : memref<80x64xf32, #tpu.memory_space<vmem>>) dst(%dma_wait3A_230 : memref<10000x64xf32, #tpu.memory_space<vmem_shared>>)
        } else {
        }
        %dma_start3A_218 = arith.constant 0 : i32
        %dma_start3A_219 = tpu.memref_slice %arg7[%add3A_191, %dma_start3A_218] : memref<250x80xi32, #tpu.memory_space<vmem>> -> memref<1x80xi32, #tpu.memory_space<vmem>>
        %dma_start3A_220 = tpu.memref_squeeze %dma_start3A_219 : memref<1x80xi32, #tpu.memory_space<vmem>> -> memref<80xi32, #tpu.memory_space<vmem>>
        %dma_start3A_221 = arith.constant 0 : i32
        %dma_start3A_222 = arith.constant 0 : i32
        %dma_start3A_223 = tpu.memref_slice %arg2[%dma_start3A_221, %dma_start3A_222] : memref<20000x64xf32, #tpu.memory_space<hbm>> -> memref<20000x64xf32, #tpu.memory_space<hbm>>
        tpu.enqueue_indirect_dma source(%dma_start3A_223 : memref<20000x64xf32, #tpu.memory_space<hbm>>) target(%arg10 : memref<80x64xf32, #tpu.memory_space<vmem>>) offsets(%dma_start3A_220 : memref<80xi32, #tpu.memory_space<vmem>>) semaphore(%arg16 : memref<!tpu.dma_semaphore, #tpu.memory_space<semaphore_mem>>)
      } else {
      }
      %dma_wait3A_197 = arith.constant 0 : i32
      %dma_wait3A_198 = tpu.memref_slice %arg7[%add3A_189, %dma_wait3A_197] : memref<250x80xi32, #tpu.memory_space<vmem>> -> memref<1x80xi32, #tpu.memory_space<vmem>>
      %dma_wait3A_199 = tpu.memref_squeeze %dma_wait3A_198 : memref<1x80xi32, #tpu.memory_space<vmem>> -> memref<80xi32, #tpu.memory_space<vmem>>
      %dma_wait3A_200 = arith.constant 0 : i32
      %dma_wait3A_201 = arith.constant 0 : i32
      %dma_wait3A_202 = tpu.memref_slice %arg2[%dma_wait3A_200, %dma_wait3A_201] : memref<20000x64xf32, #tpu.memory_space<hbm>> -> memref<20000x64xf32, #tpu.memory_space<hbm>>
      tpu.wait_indirect_dma semaphore(%arg19 : memref<!tpu.dma_semaphore, #tpu.memory_space<semaphore_mem>>) src(%dma_wait3A_202 : memref<20000x64xf32, #tpu.memory_space<hbm>>) dst(%arg13 : memref<80x64xf32, #tpu.memory_space<vmem>>)
      %scan3A_203 = arith.constant 0 : i32
      %scan3A_204 = arith.constant 5 : i32
      %scan3A_205 = arith.addi %scan3A_203, %scan3A_204 : i32
      %scan3A_206 = arith.constant 1 : i32
      scf.for %scan3A_214 = %scan3A_203 to %scan3A_205 step %scan3A_206  : i32 {
        %mul3A_215 = arith.constant 1 : i32
        %mul3A_216 = arith.muli %scan3A_214, %mul3A_215 : i32
        %add3A_217 = arith.constant 0 : i32
        %add3A_218 = arith.addi %add3A_217, %mul3A_216 : i32
        %mul3A_219 = arith.constant 16 : i32
        %mul3A_220 = arith.muli %add3A_218, %mul3A_219 : i32
        %get3A = arith.index_cast %add3A_189 : i32 to index
        %get3A_221 = arith.index_cast %mul3A_220 : i32 to index
        %get3A_222 = tpu.vector_load %arg9[%get3A, %get3A_221] {strides = array<i32>} : memref<250x80xf32, #tpu.memory_space<vmem>>, vector<1x16xf32>,
        %get3A_223 = vector.shape_cast %get3A_222 : vector<1x16xf32> to vector<16xf32>
        %mul3A_224 = arith.constant 16 : i32
        %mul3A_225 = arith.muli %add3A_218, %mul3A_224 : i32
        %scan3A_226 = arith.constant 0 : i32
        %scan3A_227 = arith.constant 16 : i32
        %scan3A_228 = arith.addi %scan3A_226, %scan3A_227 : i32
        %scan3A_229 = arith.constant 4 : i32
        scf.for %scan3A_231 = %scan3A_226 to %scan3A_228 step %scan3A_229  : i32 {
          %mul3A_232 = arith.constant 1 : i32
          %mul3A_233 = arith.muli %scan3A_231, %mul3A_232 : i32
          %add3A_234 = arith.constant 0 : i32
          %add3A_235 = arith.addi %add3A_234, %mul3A_233 : i32
          %broadcast_in_dim3A = vector.broadcast %add3A_235 : i32 to vector<16xi32>
          %reshape3A = vector.shape_cast %broadcast_in_dim3A : vector<16xi32> to vector<16x1xi32>
          %gather3A = vector.shape_cast %reshape3A : vector<16x1xi32> to vector<16xi32>
          %gather3A_236 = tpu.dynamic_gather %get3A_223[%gather3A] in [0] : vector<16xf32>, vector<16xi32> -> vector<16xf32>
          %add3A_237 = arith.addi %mul3A_225, %add3A_235 : i32
          %get3A_238 = arith.index_cast %add3A_237 : i32 to index
          %get3A_239 = arith.constant 0 : index
          %get3A_240 = tpu.vector_load %arg13[%get3A_238, %get3A_239] {strides = array<i32>} : memref<80x64xf32, #tpu.memory_space<vmem>>, vector<1x16xf32>,
          %get3A_241 = vector.shape_cast %get3A_240 : vector<1x16xf32> to vector<16xf32>
          %mul3A_242 = arith.mulf %get3A_241, %gather3A_236 : vector<16xf32>
          %swap3A = arith.index_cast %add3A_237 : i32 to index
          %swap3A_243 = arith.constant 0 : index
          %swap3A_244 = tpu.vector_load %arg13[%swap3A, %swap3A_243] {strides = array<i32>} : memref<80x64xf32, #tpu.memory_space<vmem>>, vector<1x16xf32>,
          %swap3A_245 = vector.shape_cast %swap3A_244 : vector<1x16xf32> to vector<16xf32>
          %swap3A_246 = vector.shape_cast %mul3A_242 : vector<16xf32> to vector<1x16xf32>
          tpu.vector_store %arg13[%swap3A, %swap3A_243], %swap3A_246 {strides = array<i32>} : memref<80x64xf32, #tpu.memory_space<vmem>>, vector<1x16xf32>,
          %get3A_247 = arith.index_cast %add3A_237 : i32 to index
          %get3A_248 = arith.constant 16 : index
          %get3A_249 = tpu.vector_load %arg13[%get3A_247, %get3A_248] {strides = array<i32>} : memref<80x64xf32, #tpu.memory_space<vmem>>, vector<1x16xf32>,
          %get3A_250 = vector.shape_cast %get3A_249 : vector<1x16xf32> to vector<16xf32>
          %mul3A_251 = arith.mulf %get3A_250, %gather3A_236 : vector<16xf32>
          %swap3A_252 = arith.index_cast %add3A_237 : i32 to index
          %swap3A_253 = arith.constant 16 : index
          %swap3A_254 = tpu.vector_load %arg13[%swap3A_252, %swap3A_253] {strides = array<i32>} : memref<80x64xf32, #tpu.memory_space<vmem>>, vector<1x16xf32>,
          %swap3A_255 = vector.shape_cast %swap3A_254 : vector<1x16xf32> to vector<16xf32>
          %swap3A_256 = vector.shape_cast %mul3A_251 : vector<16xf32> to vector<1x16xf32>
          tpu.vector_store %arg13[%swap3A_252, %swap3A_253], %swap3A_256 {strides = array<i32>} : memref<80x64xf32, #tpu.memory_space<vmem>>, vector<1x16xf32>,
          %get3A_257 = arith.index_cast %add3A_237 : i32 to index
          %get3A_258 = arith.constant 32 : index
          %get3A_259 = tpu.vector_load %arg13[%get3A_257, %get3A_258] {strides = array<i32>} : memref<80x64xf32, #tpu.memory_space<vmem>>, vector<1x16xf32>,
          %get3A_260 = vector.shape_cast %get3A_259 : vector<1x16xf32> to vector<16xf32>
          %mul3A_261 = arith.mulf %get3A_260, %gather3A_236 : vector<16xf32>
          %swap3A_262 = arith.index_cast %add3A_237 : i32 to index
          %swap3A_263 = arith.constant 32 : index
          %swap3A_264 = tpu.vector_load %arg13[%swap3A_262, %swap3A_263] {strides = array<i32>} : memref<80x64xf32, #tpu.memory_space<vmem>>, vector<1x16xf32>,
          %swap3A_265 = vector.shape_cast %swap3A_264 : vector<1x16xf32> to vector<16xf32>
          %swap3A_266 = vector.shape_cast %mul3A_261 : vector<16xf32> to vector<1x16xf32>
          tpu.vector_store %arg13[%swap3A_262, %swap3A_263], %swap3A_266 {strides = array<i32>} : memref<80x64xf32, #tpu.memory_space<vmem>>, vector<1x16xf32>,
          %get3A_267 = arith.index_cast %add3A_237 : i32 to index
          %get3A_268 = arith.constant 48 : index
          %get3A_269 = tpu.vector_load %arg13[%get3A_267, %get3A_268] {strides = array<i32>} : memref<80x64xf32, #tpu.memory_space<vmem>>, vector<1x16xf32>,
          %get3A_270 = vector.shape_cast %get3A_269 : vector<1x16xf32> to vector<16xf32>
          %mul3A_271 = arith.mulf %get3A_270, %gather3A_236 : vector<16xf32>
          %swap3A_272 = arith.index_cast %add3A_237 : i32 to index
          %swap3A_273 = arith.constant 48 : index
          %swap3A_274 = tpu.vector_load %arg13[%swap3A_272, %swap3A_273] {strides = array<i32>} : memref<80x64xf32, #tpu.memory_space<vmem>>, vector<1x16xf32>,
          %swap3A_275 = vector.shape_cast %swap3A_274 : vector<1x16xf32> to vector<16xf32>
          %swap3A_276 = vector.shape_cast %mul3A_271 : vector<16xf32> to vector<1x16xf32>
          tpu.vector_store %arg13[%swap3A_272, %swap3A_273], %swap3A_276 {strides = array<i32>} : memref<80x64xf32, #tpu.memory_space<vmem>>, vector<1x16xf32>,
          %scan3A_277 = arith.constant 1 : i32
          %scan3A_278 = arith.addi %scan3A_231, %scan3A_277 : i32
          %mul3A_279 = arith.constant 1 : i32
          %mul3A_280 = arith.muli %scan3A_278, %mul3A_279 : i32
          %add3A_281 = arith.constant 0 : i32
          %add3A_282 = arith.addi %add3A_281, %mul3A_280 : i32
          %broadcast_in_dim3A_283 = vector.broadcast %add3A_282 : i32 to vector<16xi32>
          %reshape3A_284 = vector.shape_cast %broadcast_in_dim3A_283 : vector<16xi32> to vector<16x1xi32>
          %gather3A_285 = vector.shape_cast %reshape3A_284 : vector<16x1xi32> to vector<16xi32>
          %gather3A_286 = tpu.dynamic_gather %get3A_223[%gather3A_285] in [0] : vector<16xf32>, vector<16xi32> -> vector<16xf32>
          %add3A_287 = arith.addi %mul3A_225, %add3A_282 : i32
          %get3A_288 = arith.index_cast %add3A_287 : i32 to index
          %get3A_289 = arith.constant 0 : index
          %get3A_290 = tpu.vector_load %arg13[%get3A_288, %get3A_289] {strides = array<i32>} : memref<80x64xf32, #tpu.memory_space<vmem>>, vector<1x16xf32>,
          %get3A_291 = vector.shape_cast %get3A_290 : vector<1x16xf32> to vector<16xf32>
          %mul3A_292 = arith.mulf %get3A_291, %gather3A_286 : vector<16xf32>
          %swap3A_293 = arith.index_cast %add3A_287 : i32 to index
          %swap3A_294 = arith.constant 0 : index
          %swap3A_295 = tpu.vector_load %arg13[%swap3A_293, %swap3A_294] {strides = array<i32>} : memref<80x64xf32, #tpu.memory_space<vmem>>, vector<1x16xf32>,
          %swap3A_296 = vector.shape_cast %swap3A_295 : vector<1x16xf32> to vector<16xf32>
          %swap3A_297 = vector.shape_cast %mul3A_292 : vector<16xf32> to vector<1x16xf32>
          tpu.vector_store %arg13[%swap3A_293, %swap3A_294], %swap3A_297 {strides = array<i32>} : memref<80x64xf32, #tpu.memory_space<vmem>>, vector<1x16xf32>,
          %get3A_298 = arith.index_cast %add3A_287 : i32 to index
          %get3A_299 = arith.constant 16 : index
          %get3A_300 = tpu.vector_load %arg13[%get3A_298, %get3A_299] {strides = array<i32>} : memref<80x64xf32, #tpu.memory_space<vmem>>, vector<1x16xf32>,
          %get3A_301 = vector.shape_cast %get3A_300 : vector<1x16xf32> to vector<16xf32>
          %mul3A_302 = arith.mulf %get3A_301, %gather3A_286 : vector<16xf32>
          %swap3A_303 = arith.index_cast %add3A_287 : i32 to index
          %swap3A_304 = arith.constant 16 : index
          %swap3A_305 = tpu.vector_load %arg13[%swap3A_303, %swap3A_304] {strides = array<i32>} : memref<80x64xf32, #tpu.memory_space<vmem>>, vector<1x16xf32>,
          %swap3A_306 = vector.shape_cast %swap3A_305 : vector<1x16xf32> to vector<16xf32>
          %swap3A_307 = vector.shape_cast %mul3A_302 : vector<16xf32> to vector<1x16xf32>
          tpu.vector_store %arg13[%swap3A_303, %swap3A_304], %swap3A_307 {strides = array<i32>} : memref<80x64xf32, #tpu.memory_space<vmem>>, vector<1x16xf32>,
          %get3A_308 = arith.index_cast %add3A_287 : i32 to index
          %get3A_309 = arith.constant 32 : index
          %get3A_310 = tpu.vector_load %arg13[%get3A_308, %get3A_309] {strides = array<i32>} : memref<80x64xf32, #tpu.memory_space<vmem>>, vector<1x16xf32>,
          %get3A_311 = vector.shape_cast %get3A_310 : vector<1x16xf32> to vector<16xf32>
          %mul3A_312 = arith.mulf %get3A_311, %gather3A_286 : vector<16xf32>
          %swap3A_313 = arith.index_cast %add3A_287 : i32 to index
          %swap3A_314 = arith.constant 32 : index
          %swap3A_315 = tpu.vector_load %arg13[%swap3A_313, %swap3A_314] {strides = array<i32>} : memref<80x64xf32, #tpu.memory_space<vmem>>, vector<1x16xf32>,
          %swap3A_316 = vector.shape_cast %swap3A_315 : vector<1x16xf32> to vector<16xf32>
          %swap3A_317 = vector.shape_cast %mul3A_312 : vector<16xf32> to vector<1x16xf32>
          tpu.vector_store %arg13[%swap3A_313, %swap3A_314], %swap3A_317 {strides = array<i32>} : memref<80x64xf32, #tpu.memory_space<vmem>>, vector<1x16xf32>,
          %get3A_318 = arith.index_cast %add3A_287 : i32 to index
          %get3A_319 = arith.constant 48 : index
          %get3A_320 = tpu.vector_load %arg13[%get3A_318, %get3A_319] {strides = array<i32>} : memref<80x64xf32, #tpu.memory_space<vmem>>, vector<1x16xf32>,
          %get3A_321 = vector.shape_cast %get3A_320 : vector<1x16xf32> to vector<16xf32>
          %mul3A_322 = arith.mulf %get3A_321, %gather3A_286 : vector<16xf32>
          %swap3A_323 = arith.index_cast %add3A_287 : i32 to index
          %swap3A_324 = arith.constant 48 : index
          %swap3A_325 = tpu.vector_load %arg13[%swap3A_323, %swap3A_324] {strides = array<i32>} : memref<80x64xf32, #tpu.memory_space<vmem>>, vector<1x16xf32>,
          %swap3A_326 = vector.shape_cast %swap3A_325 : vector<1x16xf32> to vector<16xf32>
          %swap3A_327 = vector.shape_cast %mul3A_322 : vector<16xf32> to vector<1x16xf32>
          tpu.vector_store %arg13[%swap3A_323, %swap3A_324], %swap3A_327 {strides = array<i32>} : memref<80x64xf32, #tpu.memory_space<vmem>>, vector<1x16xf32>,
          %scan3A_328 = arith.constant 2 : i32
          %scan3A_329 = arith.addi %scan3A_231, %scan3A_328 : i32
          %mul3A_330 = arith.constant 1 : i32
          %mul3A_331 = arith.muli %scan3A_329, %mul3A_330 : i32
          %add3A_332 = arith.constant 0 : i32
          %add3A_333 = arith.addi %add3A_332, %mul3A_331 : i32
          %broadcast_in_dim3A_334 = vector.broadcast %add3A_333 : i32 to vector<16xi32>
          %reshape3A_335 = vector.shape_cast %broadcast_in_dim3A_334 : vector<16xi32> to vector<16x1xi32>
          %gather3A_336 = vector.shape_cast %reshape3A_335 : vector<16x1xi32> to vector<16xi32>
          %gather3A_337 = tpu.dynamic_gather %get3A_223[%gather3A_336] in [0] : vector<16xf32>, vector<16xi32> -> vector<16xf32>
          %add3A_338 = arith.addi %mul3A_225, %add3A_333 : i32
          %get3A_339 = arith.index_cast %add3A_338 : i32 to index
          %get3A_340 = arith.constant 0 : index
          %get3A_341 = tpu.vector_load %arg13[%get3A_339, %get3A_340] {strides = array<i32>} : memref<80x64xf32, #tpu.memory_space<vmem>>, vector<1x16xf32>,
          %get3A_342 = vector.shape_cast %get3A_341 : vector<1x16xf32> to vector<16xf32>
          %mul3A_343 = arith.mulf %get3A_342, %gather3A_337 : vector<16xf32>
          %swap3A_344 = arith.index_cast %add3A_338 : i32 to index
          %swap3A_345 = arith.constant 0 : index
          %swap3A_346 = tpu.vector_load %arg13[%swap3A_344, %swap3A_345] {strides = array<i32>} : memref<80x64xf32, #tpu.memory_space<vmem>>, vector<1x16xf32>,
          %swap3A_347 = vector.shape_cast %swap3A_346 : vector<1x16xf32> to vector<16xf32>
          %swap3A_348 = vector.shape_cast %mul3A_343 : vector<16xf32> to vector<1x16xf32>
          tpu.vector_store %arg13[%swap3A_344, %swap3A_345], %swap3A_348 {strides = array<i32>} : memref<80x64xf32, #tpu.memory_space<vmem>>, vector<1x16xf32>,
          %get3A_349 = arith.index_cast %add3A_338 : i32 to index
          %get3A_350 = arith.constant 16 : index
          %get3A_351 = tpu.vector_load %arg13[%get3A_349, %get3A_350] {strides = array<i32>} : memref<80x64xf32, #tpu.memory_space<vmem>>, vector<1x16xf32>,
          %get3A_352 = vector.shape_cast %get3A_351 : vector<1x16xf32> to vector<16xf32>
          %mul3A_353 = arith.mulf %get3A_352, %gather3A_337 : vector<16xf32>
          %swap3A_354 = arith.index_cast %add3A_338 : i32 to index
          %swap3A_355 = arith.constant 16 : index
          %swap3A_356 = tpu.vector_load %arg13[%swap3A_354, %swap3A_355] {strides = array<i32>} : memref<80x64xf32, #tpu.memory_space<vmem>>, vector<1x16xf32>,
          %swap3A_357 = vector.shape_cast %swap3A_356 : vector<1x16xf32> to vector<16xf32>
          %swap3A_358 = vector.shape_cast %mul3A_353 : vector<16xf32> to vector<1x16xf32>
          tpu.vector_store %arg13[%swap3A_354, %swap3A_355], %swap3A_358 {strides = array<i32>} : memref<80x64xf32, #tpu.memory_space<vmem>>, vector<1x16xf32>,
          %get3A_359 = arith.index_cast %add3A_338 : i32 to index
          %get3A_360 = arith.constant 32 : index
          %get3A_361 = tpu.vector_load %arg13[%get3A_359, %get3A_360] {strides = array<i32>} : memref<80x64xf32, #tpu.memory_space<vmem>>, vector<1x16xf32>,
          %get3A_362 = vector.shape_cast %get3A_361 : vector<1x16xf32> to vector<16xf32>
          %mul3A_363 = arith.mulf %get3A_362, %gather3A_337 : vector<16xf32>
          %swap3A_364 = arith.index_cast %add3A_338 : i32 to index
          %swap3A_365 = arith.constant 32 : index
          %swap3A_366 = tpu.vector_load %arg13[%swap3A_364, %swap3A_365] {strides = array<i32>} : memref<80x64xf32, #tpu.memory_space<vmem>>, vector<1x16xf32>,
          %swap3A_367 = vector.shape_cast %swap3A_366 : vector<1x16xf32> to vector<16xf32>
          %swap3A_368 = vector.shape_cast %mul3A_363 : vector<16xf32> to vector<1x16xf32>
          tpu.vector_store %arg13[%swap3A_364, %swap3A_365], %swap3A_368 {strides = array<i32>} : memref<80x64xf32, #tpu.memory_space<vmem>>, vector<1x16xf32>,
          %get3A_369 = arith.index_cast %add3A_338 : i32 to index
          %get3A_370 = arith.constant 48 : index
          %get3A_371 = tpu.vector_load %arg13[%get3A_369, %get3A_370] {strides = array<i32>} : memref<80x64xf32, #tpu.memory_space<vmem>>, vector<1x16xf32>,
          %get3A_372 = vector.shape_cast %get3A_371 : vector<1x16xf32> to vector<16xf32>
          %mul3A_373 = arith.mulf %get3A_372, %gather3A_337 : vector<16xf32>
          %swap3A_374 = arith.index_cast %add3A_338 : i32 to index
          %swap3A_375 = arith.constant 48 : index
          %swap3A_376 = tpu.vector_load %arg13[%swap3A_374, %swap3A_375] {strides = array<i32>} : memref<80x64xf32, #tpu.memory_space<vmem>>, vector<1x16xf32>,
          %swap3A_377 = vector.shape_cast %swap3A_376 : vector<1x16xf32> to vector<16xf32>
          %swap3A_378 = vector.shape_cast %mul3A_373 : vector<16xf32> to vector<1x16xf32>
          tpu.vector_store %arg13[%swap3A_374, %swap3A_375], %swap3A_378 {strides = array<i32>} : memref<80x64xf32, #tpu.memory_space<vmem>>, vector<1x16xf32>,
          %scan3A_379 = arith.constant 3 : i32
          %scan3A_380 = arith.addi %scan3A_231, %scan3A_379 : i32
          %mul3A_381 = arith.constant 1 : i32
          %mul3A_382 = arith.muli %scan3A_380, %mul3A_381 : i32
          %add3A_383 = arith.constant 0 : i32
          %add3A_384 = arith.addi %add3A_383, %mul3A_382 : i32
          %broadcast_in_dim3A_385 = vector.broadcast %add3A_384 : i32 to vector<16xi32>
          %reshape3A_386 = vector.shape_cast %broadcast_in_dim3A_385 : vector<16xi32> to vector<16x1xi32>
          %gather3A_387 = vector.shape_cast %reshape3A_386 : vector<16x1xi32> to vector<16xi32>
          %gather3A_388 = tpu.dynamic_gather %get3A_223[%gather3A_387] in [0] : vector<16xf32>, vector<16xi32> -> vector<16xf32>
          %add3A_389 = arith.addi %mul3A_225, %add3A_384 : i32
          %get3A_390 = arith.index_cast %add3A_389 : i32 to index
          %get3A_391 = arith.constant 0 : index
          %get3A_392 = tpu.vector_load %arg13[%get3A_390, %get3A_391] {strides = array<i32>} : memref<80x64xf32, #tpu.memory_space<vmem>>, vector<1x16xf32>,
          %get3A_393 = vector.shape_cast %get3A_392 : vector<1x16xf32> to vector<16xf32>
          %mul3A_394 = arith.mulf %get3A_393, %gather3A_388 : vector<16xf32>
          %swap3A_395 = arith.index_cast %add3A_389 : i32 to index
          %swap3A_396 = arith.constant 0 : index
          %swap3A_397 = tpu.vector_load %arg13[%swap3A_395, %swap3A_396] {strides = array<i32>} : memref<80x64xf32, #tpu.memory_space<vmem>>, vector<1x16xf32>,
          %swap3A_398 = vector.shape_cast %swap3A_397 : vector<1x16xf32> to vector<16xf32>
          %swap3A_399 = vector.shape_cast %mul3A_394 : vector<16xf32> to vector<1x16xf32>
          tpu.vector_store %arg13[%swap3A_395, %swap3A_396], %swap3A_399 {strides = array<i32>} : memref<80x64xf32, #tpu.memory_space<vmem>>, vector<1x16xf32>,
          %get3A_400 = arith.index_cast %add3A_389 : i32 to index
          %get3A_401 = arith.constant 16 : index
          %get3A_402 = tpu.vector_load %arg13[%get3A_400, %get3A_401] {strides = array<i32>} : memref<80x64xf32, #tpu.memory_space<vmem>>, vector<1x16xf32>,
          %get3A_403 = vector.shape_cast %get3A_402 : vector<1x16xf32> to vector<16xf32>
          %mul3A_404 = arith.mulf %get3A_403, %gather3A_388 : vector<16xf32>
          %swap3A_405 = arith.index_cast %add3A_389 : i32 to index
          %swap3A_406 = arith.constant 16 : index
          %swap3A_407 = tpu.vector_load %arg13[%swap3A_405, %swap3A_406] {strides = array<i32>} : memref<80x64xf32, #tpu.memory_space<vmem>>, vector<1x16xf32>,
          %swap3A_408 = vector.shape_cast %swap3A_407 : vector<1x16xf32> to vector<16xf32>
          %swap3A_409 = vector.shape_cast %mul3A_404 : vector<16xf32> to vector<1x16xf32>
          tpu.vector_store %arg13[%swap3A_405, %swap3A_406], %swap3A_409 {strides = array<i32>} : memref<80x64xf32, #tpu.memory_space<vmem>>, vector<1x16xf32>,
          %get3A_410 = arith.index_cast %add3A_389 : i32 to index
          %get3A_411 = arith.constant 32 : index
          %get3A_412 = tpu.vector_load %arg13[%get3A_410, %get3A_411] {strides = array<i32>} : memref<80x64xf32, #tpu.memory_space<vmem>>, vector<1x16xf32>,
          %get3A_413 = vector.shape_cast %get3A_412 : vector<1x16xf32> to vector<16xf32>
          %mul3A_414 = arith.mulf %get3A_413, %gather3A_388 : vector<16xf32>
          %swap3A_415 = arith.index_cast %add3A_389 : i32 to index
          %swap3A_416 = arith.constant 32 : index
          %swap3A_417 = tpu.vector_load %arg13[%swap3A_415, %swap3A_416] {strides = array<i32>} : memref<80x64xf32, #tpu.memory_space<vmem>>, vector<1x16xf32>,
          %swap3A_418 = vector.shape_cast %swap3A_417 : vector<1x16xf32> to vector<16xf32>
          %swap3A_419 = vector.shape_cast %mul3A_414 : vector<16xf32> to vector<1x16xf32>
          tpu.vector_store %arg13[%swap3A_415, %swap3A_416], %swap3A_419 {strides = array<i32>} : memref<80x64xf32, #tpu.memory_space<vmem>>, vector<1x16xf32>,
          %get3A_420 = arith.index_cast %add3A_389 : i32 to index
          %get3A_421 = arith.constant 48 : index
          %get3A_422 = tpu.vector_load %arg13[%get3A_420, %get3A_421] {strides = array<i32>} : memref<80x64xf32, #tpu.memory_space<vmem>>, vector<1x16xf32>,
          %get3A_423 = vector.shape_cast %get3A_422 : vector<1x16xf32> to vector<16xf32>
          %mul3A_424 = arith.mulf %get3A_423, %gather3A_388 : vector<16xf32>
          %swap3A_425 = arith.index_cast %add3A_389 : i32 to index
          %swap3A_426 = arith.constant 48 : index
          %swap3A_427 = tpu.vector_load %arg13[%swap3A_425, %swap3A_426] {strides = array<i32>} : memref<80x64xf32, #tpu.memory_space<vmem>>, vector<1x16xf32>,
          %swap3A_428 = vector.shape_cast %swap3A_427 : vector<1x16xf32> to vector<16xf32>
          %swap3A_429 = vector.shape_cast %mul3A_424 : vector<16xf32> to vector<1x16xf32>
          tpu.vector_store %arg13[%swap3A_425, %swap3A_426], %swap3A_429 {strides = array<i32>} : memref<80x64xf32, #tpu.memory_space<vmem>>, vector<1x16xf32>,
        }
        %scan3A_230 = arith.constant 16 : i32
      }
      %scan3A_207 = arith.constant 5 : i32
      %dma_start3A_208 = arith.constant 0 : i32
      %dma_start3A_209 = tpu.memref_slice %arg8[%add3A_189, %dma_start3A_208] : memref<250x80xi32, #tpu.memory_space<vmem>> -> memref<1x80xi32, #tpu.memory_space<vmem>>
      %dma_start3A_210 = tpu.memref_squeeze %dma_start3A_209 : memref<1x80xi32, #tpu.memory_space<vmem>> -> memref<80xi32, #tpu.memory_space<vmem>>
      %dma_start3A_211 = arith.constant 0 : i32
      %dma_start3A_212 = arith.constant 0 : i32
      %dma_start3A_213 = tpu.memref_slice %arg15[%dma_start3A_211, %dma_start3A_212] : memref<10000x64xf32, #tpu.memory_space<vmem_shared>> -> memref<10000x64xf32, #tpu.memory_space<vmem_shared>>
      tpu.enqueue_indirect_dma source(%arg13 : memref<80x64xf32, #tpu.memory_space<vmem>>) target(%dma_start3A_213 : memref<10000x64xf32, #tpu.memory_space<vmem_shared>>) offsets(%dma_start3A_210 : memref<80xi32, #tpu.memory_space<vmem>>) semaphore(%arg23 : memref<!tpu.dma_semaphore, #tpu.memory_space<semaphore_mem>>) {add = true}
    }
    %scan3A_24 = arith.constant 62 : i32
    %dma_wait3A = arith.constant 245 : i32
    %dma_wait3A_25 = arith.constant 0 : i32
    %dma_wait3A_26 = tpu.memref_slice %arg8[%dma_wait3A, %dma_wait3A_25] : memref<250x80xi32, #tpu.memory_space<vmem>> -> memref<1x80xi32, #tpu.memory_space<vmem>>
    %dma_wait3A_27 = tpu.memref_squeeze %dma_wait3A_26 : memref<1x80xi32, #tpu.memory_space<vmem>> -> memref<80xi32, #tpu.memory_space<vmem>>
    %dma_wait3A_28 = arith.constant 0 : i32
    %dma_wait3A_29 = arith.constant 0 : i32
    %dma_wait3A_30 = tpu.memref_slice %arg15[%dma_wait3A_28, %dma_wait3A_29] : memref<10000x64xf32, #tpu.memory_space<vmem_shared>> -> memref<10000x64xf32, #tpu.memory_space<vmem_shared>>
    tpu.wait_indirect_dma semaphore(%arg21 : memref<!tpu.dma_semaphore, #tpu.memory_space<semaphore_mem>>) src(%arg11 : memref<80x64xf32, #tpu.memory_space<vmem>>) dst(%dma_wait3A_30 : memref<10000x64xf32, #tpu.memory_space<vmem_shared>>)
    %dma_start3A_31 = arith.constant 249 : i32
    %dma_start3A_32 = arith.constant 0 : i32
    %dma_start3A_33 = tpu.memref_slice %arg7[%dma_start3A_31, %dma_start3A_32] : memref<250x80xi32, #tpu.memory_space<vmem>> -> memref<1x80xi32, #tpu.memory_space<vmem>>
    %dma_start3A_34 = tpu.memref_squeeze %dma_start3A_33 : memref<1x80xi32, #tpu.memory_space<vmem>> -> memref<80xi32, #tpu.memory_space<vmem>>
    %dma_start3A_35 = arith.constant 0 : i32
    %dma_start3A_36 = arith.constant 0 : i32
    %dma_start3A_37 = tpu.memref_slice %arg2[%dma_start3A_35, %dma_start3A_36] : memref<20000x64xf32, #tpu.memory_space<hbm>> -> memref<20000x64xf32, #tpu.memory_space<hbm>>
    tpu.enqueue_indirect_dma source(%dma_start3A_37 : memref<20000x64xf32, #tpu.memory_space<hbm>>) target(%arg11 : memref<80x64xf32, #tpu.memory_space<vmem>>) offsets(%dma_start3A_34 : memref<80xi32, #tpu.memory_space<vmem>>) semaphore(%arg17 : memref<!tpu.dma_semaphore, #tpu.memory_space<semaphore_mem>>)
    %dma_wait3A_38 = arith.constant 248 : i32
    %dma_wait3A_39 = arith.constant 0 : i32
    %dma_wait3A_40 = tpu.memref_slice %arg7[%dma_wait3A_38, %dma_wait3A_39] : memref<250x80xi32, #tpu.memory_space<vmem>> -> memref<1x80xi32, #tpu.memory_space<vmem>>
    %dma_wait3A_41 = tpu.memref_squeeze %dma_wait3A_40 : memref<1x80xi32, #tpu.memory_space<vmem>> -> memref<80xi32, #tpu.memory_space<vmem>>
    %dma_wait3A_42 = arith.constant 0 : i32
    %dma_wait3A_43 = arith.constant 0 : i32
    %dma_wait3A_44 = tpu.memref_slice %arg2[%dma_wait3A_42, %dma_wait3A_43] : memref<20000x64xf32, #tpu.memory_space<hbm>> -> memref<20000x64xf32, #tpu.memory_space<hbm>>
    tpu.wait_indirect_dma semaphore(%arg16 : memref<!tpu.dma_semaphore, #tpu.memory_space<semaphore_mem>>) src(%dma_wait3A_44 : memref<20000x64xf32, #tpu.memory_space<hbm>>) dst(%arg10 : memref<80x64xf32, #tpu.memory_space<vmem>>)
    %scan3A_45 = arith.constant 0 : i32
    %scan3A_46 = arith.constant 5 : i32
    %scan3A_47 = arith.addi %scan3A_45, %scan3A_46 : i32
    %scan3A_48 = arith.constant 1 : i32
    scf.for %scan3A_110 = %scan3A_45 to %scan3A_47 step %scan3A_48  : i32 {
      %mul3A = arith.constant 1 : i32
      %mul3A_111 = arith.muli %scan3A_110, %mul3A : i32
      %add3A = arith.constant 0 : i32
      %add3A_112 = arith.addi %add3A, %mul3A_111 : i32
      %mul3A_113 = arith.constant 16 : i32
      %mul3A_114 = arith.muli %add3A_112, %mul3A_113 : i32
      %get3A = arith.constant 248 : i32
      %get3A_115 = arith.index_cast %get3A : i32 to index
      %get3A_116 = arith.index_cast %mul3A_114 : i32 to index
      %get3A_117 = tpu.vector_load %arg9[%get3A_115, %get3A_116] {strides = array<i32>} : memref<250x80xf32, #tpu.memory_space<vmem>>, vector<1x16xf32>,
      %get3A_118 = vector.shape_cast %get3A_117 : vector<1x16xf32> to vector<16xf32>
      %mul3A_119 = arith.constant 16 : i32
      %mul3A_120 = arith.muli %add3A_112, %mul3A_119 : i32
      %scan3A_121 = arith.constant 0 : i32
      %scan3A_122 = arith.constant 16 : i32
      %scan3A_123 = arith.addi %scan3A_121, %scan3A_122 : i32
      %scan3A_124 = arith.constant 4 : i32
      scf.for %scan3A_126 = %scan3A_121 to %scan3A_123 step %scan3A_124  : i32 {
        %mul3A_127 = arith.constant 1 : i32
        %mul3A_128 = arith.muli %scan3A_126, %mul3A_127 : i32
        %add3A_129 = arith.constant 0 : i32
        %add3A_130 = arith.addi %add3A_129, %mul3A_128 : i32
        %broadcast_in_dim3A = vector.broadcast %add3A_130 : i32 to vector<16xi32>
        %reshape3A = vector.shape_cast %broadcast_in_dim3A : vector<16xi32> to vector<16x1xi32>
        %gather3A = vector.shape_cast %reshape3A : vector<16x1xi32> to vector<16xi32>
        %gather3A_131 = tpu.dynamic_gather %get3A_118[%gather3A] in [0] : vector<16xf32>, vector<16xi32> -> vector<16xf32>
        %add3A_132 = arith.addi %mul3A_120, %add3A_130 : i32
        %get3A_133 = arith.index_cast %add3A_132 : i32 to index
        %get3A_134 = arith.constant 0 : index
        %get3A_135 = tpu.vector_load %arg10[%get3A_133, %get3A_134] {strides = array<i32>} : memref<80x64xf32, #tpu.memory_space<vmem>>, vector<1x16xf32>,
        %get3A_136 = vector.shape_cast %get3A_135 : vector<1x16xf32> to vector<16xf32>
        %mul3A_137 = arith.mulf %get3A_136, %gather3A_131 : vector<16xf32>
        %swap3A = arith.index_cast %add3A_132 : i32 to index
        %swap3A_138 = arith.constant 0 : index
        %swap3A_139 = tpu.vector_load %arg10[%swap3A, %swap3A_138] {strides = array<i32>} : memref<80x64xf32, #tpu.memory_space<vmem>>, vector<1x16xf32>,
        %swap3A_140 = vector.shape_cast %swap3A_139 : vector<1x16xf32> to vector<16xf32>
        %swap3A_141 = vector.shape_cast %mul3A_137 : vector<16xf32> to vector<1x16xf32>
        tpu.vector_store %arg10[%swap3A, %swap3A_138], %swap3A_141 {strides = array<i32>} : memref<80x64xf32, #tpu.memory_space<vmem>>, vector<1x16xf32>,
        %get3A_142 = arith.index_cast %add3A_132 : i32 to index
        %get3A_143 = arith.constant 16 : index
        %get3A_144 = tpu.vector_load %arg10[%get3A_142, %get3A_143] {strides = array<i32>} : memref<80x64xf32, #tpu.memory_space<vmem>>, vector<1x16xf32>,
        %get3A_145 = vector.shape_cast %get3A_144 : vector<1x16xf32> to vector<16xf32>
        %mul3A_146 = arith.mulf %get3A_145, %gather3A_131 : vector<16xf32>
        %swap3A_147 = arith.index_cast %add3A_132 : i32 to index
        %swap3A_148 = arith.constant 16 : index
        %swap3A_149 = tpu.vector_load %arg10[%swap3A_147, %swap3A_148] {strides = array<i32>} : memref<80x64xf32, #tpu.memory_space<vmem>>, vector<1x16xf32>,
        %swap3A_150 = vector.shape_cast %swap3A_149 : vector<1x16xf32> to vector<16xf32>
        %swap3A_151 = vector.shape_cast %mul3A_146 : vector<16xf32> to vector<1x16xf32>
        tpu.vector_store %arg10[%swap3A_147, %swap3A_148], %swap3A_151 {strides = array<i32>} : memref<80x64xf32, #tpu.memory_space<vmem>>, vector<1x16xf32>,
        %get3A_152 = arith.index_cast %add3A_132 : i32 to index
        %get3A_153 = arith.constant 32 : index
        %get3A_154 = tpu.vector_load %arg10[%get3A_152, %get3A_153] {strides = array<i32>} : memref<80x64xf32, #tpu.memory_space<vmem>>, vector<1x16xf32>,
        %get3A_155 = vector.shape_cast %get3A_154 : vector<1x16xf32> to vector<16xf32>
        %mul3A_156 = arith.mulf %get3A_155, %gather3A_131 : vector<16xf32>
        %swap3A_157 = arith.index_cast %add3A_132 : i32 to index
        %swap3A_158 = arith.constant 32 : index
        %swap3A_159 = tpu.vector_load %arg10[%swap3A_157, %swap3A_158] {strides = array<i32>} : memref<80x64xf32, #tpu.memory_space<vmem>>, vector<1x16xf32>,
        %swap3A_160 = vector.shape_cast %swap3A_159 : vector<1x16xf32> to vector<16xf32>
        %swap3A_161 = vector.shape_cast %mul3A_156 : vector<16xf32> to vector<1x16xf32>
        tpu.vector_store %arg10[%swap3A_157, %swap3A_158], %swap3A_161 {strides = array<i32>} : memref<80x64xf32, #tpu.memory_space<vmem>>, vector<1x16xf32>,
        %get3A_162 = arith.index_cast %add3A_132 : i32 to index
        %get3A_163 = arith.constant 48 : index
        %get3A_164 = tpu.vector_load %arg10[%get3A_162, %get3A_163] {strides = array<i32>} : memref<80x64xf32, #tpu.memory_space<vmem>>, vector<1x16xf32>,
        %get3A_165 = vector.shape_cast %get3A_164 : vector<1x16xf32> to vector<16xf32>
        %mul3A_166 = arith.mulf %get3A_165, %gather3A_131 : vector<16xf32>
        %swap3A_167 = arith.index_cast %add3A_132 : i32 to index
        %swap3A_168 = arith.constant 48 : index
        %swap3A_169 = tpu.vector_load %arg10[%swap3A_167, %swap3A_168] {strides = array<i32>} : memref<80x64xf32, #tpu.memory_space<vmem>>, vector<1x16xf32>,
        %swap3A_170 = vector.shape_cast %swap3A_169 : vector<1x16xf32> to vector<16xf32>
        %swap3A_171 = vector.shape_cast %mul3A_166 : vector<16xf32> to vector<1x16xf32>
        tpu.vector_store %arg10[%swap3A_167, %swap3A_168], %swap3A_171 {strides = array<i32>} : memref<80x64xf32, #tpu.memory_space<vmem>>, vector<1x16xf32>,
        %scan3A_172 = arith.constant 1 : i32
        %scan3A_173 = arith.addi %scan3A_126, %scan3A_172 : i32
        %mul3A_174 = arith.constant 1 : i32
        %mul3A_175 = arith.muli %scan3A_173, %mul3A_174 : i32
        %add3A_176 = arith.constant 0 : i32
        %add3A_177 = arith.addi %add3A_176, %mul3A_175 : i32
        %broadcast_in_dim3A_178 = vector.broadcast %add3A_177 : i32 to vector<16xi32>
        %reshape3A_179 = vector.shape_cast %broadcast_in_dim3A_178 : vector<16xi32> to vector<16x1xi32>
        %gather3A_180 = vector.shape_cast %reshape3A_179 : vector<16x1xi32> to vector<16xi32>
        %gather3A_181 = tpu.dynamic_gather %get3A_118[%gather3A_180] in [0] : vector<16xf32>, vector<16xi32> -> vector<16xf32>
        %add3A_182 = arith.addi %mul3A_120, %add3A_177 : i32
        %get3A_183 = arith.index_cast %add3A_182 : i32 to index
        %get3A_184 = arith.constant 0 : index
        %get3A_185 = tpu.vector_load %arg10[%get3A_183, %get3A_184] {strides = array<i32>} : memref<80x64xf32, #tpu.memory_space<vmem>>, vector<1x16xf32>,
        %get3A_186 = vector.shape_cast %get3A_185 : vector<1x16xf32> to vector<16xf32>
        %mul3A_187 = arith.mulf %get3A_186, %gather3A_181 : vector<16xf32>
        %swap3A_188 = arith.index_cast %add3A_182 : i32 to index
        %swap3A_189 = arith.constant 0 : index
        %swap3A_190 = tpu.vector_load %arg10[%swap3A_188, %swap3A_189] {strides = array<i32>} : memref<80x64xf32, #tpu.memory_space<vmem>>, vector<1x16xf32>,
        %swap3A_191 = vector.shape_cast %swap3A_190 : vector<1x16xf32> to vector<16xf32>
        %swap3A_192 = vector.shape_cast %mul3A_187 : vector<16xf32> to vector<1x16xf32>
        tpu.vector_store %arg10[%swap3A_188, %swap3A_189], %swap3A_192 {strides = array<i32>} : memref<80x64xf32, #tpu.memory_space<vmem>>, vector<1x16xf32>,
        %get3A_193 = arith.index_cast %add3A_182 : i32 to index
        %get3A_194 = arith.constant 16 : index
        %get3A_195 = tpu.vector_load %arg10[%get3A_193, %get3A_194] {strides = array<i32>} : memref<80x64xf32, #tpu.memory_space<vmem>>, vector<1x16xf32>,
        %get3A_196 = vector.shape_cast %get3A_195 : vector<1x16xf32> to vector<16xf32>
        %mul3A_197 = arith.mulf %get3A_196, %gather3A_181 : vector<16xf32>
        %swap3A_198 = arith.index_cast %add3A_182 : i32 to index
        %swap3A_199 = arith.constant 16 : index
        %swap3A_200 = tpu.vector_load %arg10[%swap3A_198, %swap3A_199] {strides = array<i32>} : memref<80x64xf32, #tpu.memory_space<vmem>>, vector<1x16xf32>,
        %swap3A_201 = vector.shape_cast %swap3A_200 : vector<1x16xf32> to vector<16xf32>
        %swap3A_202 = vector.shape_cast %mul3A_197 : vector<16xf32> to vector<1x16xf32>
        tpu.vector_store %arg10[%swap3A_198, %swap3A_199], %swap3A_202 {strides = array<i32>} : memref<80x64xf32, #tpu.memory_space<vmem>>, vector<1x16xf32>,
        %get3A_203 = arith.index_cast %add3A_182 : i32 to index
        %get3A_204 = arith.constant 32 : index
        %get3A_205 = tpu.vector_load %arg10[%get3A_203, %get3A_204] {strides = array<i32>} : memref<80x64xf32, #tpu.memory_space<vmem>>, vector<1x16xf32>,
        %get3A_206 = vector.shape_cast %get3A_205 : vector<1x16xf32> to vector<16xf32>
        %mul3A_207 = arith.mulf %get3A_206, %gather3A_181 : vector<16xf32>
        %swap3A_208 = arith.index_cast %add3A_182 : i32 to index
        %swap3A_209 = arith.constant 32 : index
        %swap3A_210 = tpu.vector_load %arg10[%swap3A_208, %swap3A_209] {strides = array<i32>} : memref<80x64xf32, #tpu.memory_space<vmem>>, vector<1x16xf32>,
        %swap3A_211 = vector.shape_cast %swap3A_210 : vector<1x16xf32> to vector<16xf32>
        %swap3A_212 = vector.shape_cast %mul3A_207 : vector<16xf32> to vector<1x16xf32>
        tpu.vector_store %arg10[%swap3A_208, %swap3A_209], %swap3A_212 {strides = array<i32>} : memref<80x64xf32, #tpu.memory_space<vmem>>, vector<1x16xf32>,
        %get3A_213 = arith.index_cast %add3A_182 : i32 to index
        %get3A_214 = arith.constant 48 : index
        %get3A_215 = tpu.vector_load %arg10[%get3A_213, %get3A_214] {strides = array<i32>} : memref<80x64xf32, #tpu.memory_space<vmem>>, vector<1x16xf32>,
        %get3A_216 = vector.shape_cast %get3A_215 : vector<1x16xf32> to vector<16xf32>
        %mul3A_217 = arith.mulf %get3A_216, %gather3A_181 : vector<16xf32>
        %swap3A_218 = arith.index_cast %add3A_182 : i32 to index
        %swap3A_219 = arith.constant 48 : index
        %swap3A_220 = tpu.vector_load %arg10[%swap3A_218, %swap3A_219] {strides = array<i32>} : memref<80x64xf32, #tpu.memory_space<vmem>>, vector<1x16xf32>,
        %swap3A_221 = vector.shape_cast %swap3A_220 : vector<1x16xf32> to vector<16xf32>
        %swap3A_222 = vector.shape_cast %mul3A_217 : vector<16xf32> to vector<1x16xf32>
        tpu.vector_store %arg10[%swap3A_218, %swap3A_219], %swap3A_222 {strides = array<i32>} : memref<80x64xf32, #tpu.memory_space<vmem>>, vector<1x16xf32>,
        %scan3A_223 = arith.constant 2 : i32
        %scan3A_224 = arith.addi %scan3A_126, %scan3A_223 : i32
        %mul3A_225 = arith.constant 1 : i32
        %mul3A_226 = arith.muli %scan3A_224, %mul3A_225 : i32
        %add3A_227 = arith.constant 0 : i32
        %add3A_228 = arith.addi %add3A_227, %mul3A_226 : i32
        %broadcast_in_dim3A_229 = vector.broadcast %add3A_228 : i32 to vector<16xi32>
        %reshape3A_230 = vector.shape_cast %broadcast_in_dim3A_229 : vector<16xi32> to vector<16x1xi32>
        %gather3A_231 = vector.shape_cast %reshape3A_230 : vector<16x1xi32> to vector<16xi32>
        %gather3A_232 = tpu.dynamic_gather %get3A_118[%gather3A_231] in [0] : vector<16xf32>, vector<16xi32> -> vector<16xf32>
        %add3A_233 = arith.addi %mul3A_120, %add3A_228 : i32
        %get3A_234 = arith.index_cast %add3A_233 : i32 to index
        %get3A_235 = arith.constant 0 : index
        %get3A_236 = tpu.vector_load %arg10[%get3A_234, %get3A_235] {strides = array<i32>} : memref<80x64xf32, #tpu.memory_space<vmem>>, vector<1x16xf32>,
        %get3A_237 = vector.shape_cast %get3A_236 : vector<1x16xf32> to vector<16xf32>
        %mul3A_238 = arith.mulf %get3A_237, %gather3A_232 : vector<16xf32>
        %swap3A_239 = arith.index_cast %add3A_233 : i32 to index
        %swap3A_240 = arith.constant 0 : index
        %swap3A_241 = tpu.vector_load %arg10[%swap3A_239, %swap3A_240] {strides = array<i32>} : memref<80x64xf32, #tpu.memory_space<vmem>>, vector<1x16xf32>,
        %swap3A_242 = vector.shape_cast %swap3A_241 : vector<1x16xf32> to vector<16xf32>
        %swap3A_243 = vector.shape_cast %mul3A_238 : vector<16xf32> to vector<1x16xf32>
        tpu.vector_store %arg10[%swap3A_239, %swap3A_240], %swap3A_243 {strides = array<i32>} : memref<80x64xf32, #tpu.memory_space<vmem>>, vector<1x16xf32>,
        %get3A_244 = arith.index_cast %add3A_233 : i32 to index
        %get3A_245 = arith.constant 16 : index
        %get3A_246 = tpu.vector_load %arg10[%get3A_244, %get3A_245] {strides = array<i32>} : memref<80x64xf32, #tpu.memory_space<vmem>>, vector<1x16xf32>,
        %get3A_247 = vector.shape_cast %get3A_246 : vector<1x16xf32> to vector<16xf32>
        %mul3A_248 = arith.mulf %get3A_247, %gather3A_232 : vector<16xf32>
        %swap3A_249 = arith.index_cast %add3A_233 : i32 to index
        %swap3A_250 = arith.constant 16 : index
        %swap3A_251 = tpu.vector_load %arg10[%swap3A_249, %swap3A_250] {strides = array<i32>} : memref<80x64xf32, #tpu.memory_space<vmem>>, vector<1x16xf32>,
        %swap3A_252 = vector.shape_cast %swap3A_251 : vector<1x16xf32> to vector<16xf32>
        %swap3A_253 = vector.shape_cast %mul3A_248 : vector<16xf32> to vector<1x16xf32>
        tpu.vector_store %arg10[%swap3A_249, %swap3A_250], %swap3A_253 {strides = array<i32>} : memref<80x64xf32, #tpu.memory_space<vmem>>, vector<1x16xf32>,
        %get3A_254 = arith.index_cast %add3A_233 : i32 to index
        %get3A_255 = arith.constant 32 : index
        %get3A_256 = tpu.vector_load %arg10[%get3A_254, %get3A_255] {strides = array<i32>} : memref<80x64xf32, #tpu.memory_space<vmem>>, vector<1x16xf32>,
        %get3A_257 = vector.shape_cast %get3A_256 : vector<1x16xf32> to vector<16xf32>
        %mul3A_258 = arith.mulf %get3A_257, %gather3A_232 : vector<16xf32>
        %swap3A_259 = arith.index_cast %add3A_233 : i32 to index
        %swap3A_260 = arith.constant 32 : index
        %swap3A_261 = tpu.vector_load %arg10[%swap3A_259, %swap3A_260] {strides = array<i32>} : memref<80x64xf32, #tpu.memory_space<vmem>>, vector<1x16xf32>,
        %swap3A_262 = vector.shape_cast %swap3A_261 : vector<1x16xf32> to vector<16xf32>
        %swap3A_263 = vector.shape_cast %mul3A_258 : vector<16xf32> to vector<1x16xf32>
        tpu.vector_store %arg10[%swap3A_259, %swap3A_260], %swap3A_263 {strides = array<i32>} : memref<80x64xf32, #tpu.memory_space<vmem>>, vector<1x16xf32>,
        %get3A_264 = arith.index_cast %add3A_233 : i32 to index
        %get3A_265 = arith.constant 48 : index
        %get3A_266 = tpu.vector_load %arg10[%get3A_264, %get3A_265] {strides = array<i32>} : memref<80x64xf32, #tpu.memory_space<vmem>>, vector<1x16xf32>,
        %get3A_267 = vector.shape_cast %get3A_266 : vector<1x16xf32> to vector<16xf32>
        %mul3A_268 = arith.mulf %get3A_267, %gather3A_232 : vector<16xf32>
        %swap3A_269 = arith.index_cast %add3A_233 : i32 to index
        %swap3A_270 = arith.constant 48 : index
        %swap3A_271 = tpu.vector_load %arg10[%swap3A_269, %swap3A_270] {strides = array<i32>} : memref<80x64xf32, #tpu.memory_space<vmem>>, vector<1x16xf32>,
        %swap3A_272 = vector.shape_cast %swap3A_271 : vector<1x16xf32> to vector<16xf32>
        %swap3A_273 = vector.shape_cast %mul3A_268 : vector<16xf32> to vector<1x16xf32>
        tpu.vector_store %arg10[%swap3A_269, %swap3A_270], %swap3A_273 {strides = array<i32>} : memref<80x64xf32, #tpu.memory_space<vmem>>, vector<1x16xf32>,
        %scan3A_274 = arith.constant 3 : i32
        %scan3A_275 = arith.addi %scan3A_126, %scan3A_274 : i32
        %mul3A_276 = arith.constant 1 : i32
        %mul3A_277 = arith.muli %scan3A_275, %mul3A_276 : i32
        %add3A_278 = arith.constant 0 : i32
        %add3A_279 = arith.addi %add3A_278, %mul3A_277 : i32
        %broadcast_in_dim3A_280 = vector.broadcast %add3A_279 : i32 to vector<16xi32>
        %reshape3A_281 = vector.shape_cast %broadcast_in_dim3A_280 : vector<16xi32> to vector<16x1xi32>
        %gather3A_282 = vector.shape_cast %reshape3A_281 : vector<16x1xi32> to vector<16xi32>
        %gather3A_283 = tpu.dynamic_gather %get3A_118[%gather3A_282] in [0] : vector<16xf32>, vector<16xi32> -> vector<16xf32>
        %add3A_284 = arith.addi %mul3A_120, %add3A_279 : i32
        %get3A_285 = arith.index_cast %add3A_284 : i32 to index
        %get3A_286 = arith.constant 0 : index
        %get3A_287 = tpu.vector_load %arg10[%get3A_285, %get3A_286] {strides = array<i32>} : memref<80x64xf32, #tpu.memory_space<vmem>>, vector<1x16xf32>,
        %get3A_288 = vector.shape_cast %get3A_287 : vector<1x16xf32> to vector<16xf32>
        %mul3A_289 = arith.mulf %get3A_288, %gather3A_283 : vector<16xf32>
        %swap3A_290 = arith.index_cast %add3A_284 : i32 to index
        %swap3A_291 = arith.constant 0 : index
        %swap3A_292 = tpu.vector_load %arg10[%swap3A_290, %swap3A_291] {strides = array<i32>} : memref<80x64xf32, #tpu.memory_space<vmem>>, vector<1x16xf32>,
        %swap3A_293 = vector.shape_cast %swap3A_292 : vector<1x16xf32> to vector<16xf32>
        %swap3A_294 = vector.shape_cast %mul3A_289 : vector<16xf32> to vector<1x16xf32>
        tpu.vector_store %arg10[%swap3A_290, %swap3A_291], %swap3A_294 {strides = array<i32>} : memref<80x64xf32, #tpu.memory_space<vmem>>, vector<1x16xf32>,
        %get3A_295 = arith.index_cast %add3A_284 : i32 to index
        %get3A_296 = arith.constant 16 : index
        %get3A_297 = tpu.vector_load %arg10[%get3A_295, %get3A_296] {strides = array<i32>} : memref<80x64xf32, #tpu.memory_space<vmem>>, vector<1x16xf32>,
        %get3A_298 = vector.shape_cast %get3A_297 : vector<1x16xf32> to vector<16xf32>
        %mul3A_299 = arith.mulf %get3A_298, %gather3A_283 : vector<16xf32>
        %swap3A_300 = arith.index_cast %add3A_284 : i32 to index
        %swap3A_301 = arith.constant 16 : index
        %swap3A_302 = tpu.vector_load %arg10[%swap3A_300, %swap3A_301] {strides = array<i32>} : memref<80x64xf32, #tpu.memory_space<vmem>>, vector<1x16xf32>,
        %swap3A_303 = vector.shape_cast %swap3A_302 : vector<1x16xf32> to vector<16xf32>
        %swap3A_304 = vector.shape_cast %mul3A_299 : vector<16xf32> to vector<1x16xf32>
        tpu.vector_store %arg10[%swap3A_300, %swap3A_301], %swap3A_304 {strides = array<i32>} : memref<80x64xf32, #tpu.memory_space<vmem>>, vector<1x16xf32>,
        %get3A_305 = arith.index_cast %add3A_284 : i32 to index
        %get3A_306 = arith.constant 32 : index
        %get3A_307 = tpu.vector_load %arg10[%get3A_305, %get3A_306] {strides = array<i32>} : memref<80x64xf32, #tpu.memory_space<vmem>>, vector<1x16xf32>,
        %get3A_308 = vector.shape_cast %get3A_307 : vector<1x16xf32> to vector<16xf32>
        %mul3A_309 = arith.mulf %get3A_308, %gather3A_283 : vector<16xf32>
        %swap3A_310 = arith.index_cast %add3A_284 : i32 to index
        %swap3A_311 = arith.constant 32 : index
        %swap3A_312 = tpu.vector_load %arg10[%swap3A_310, %swap3A_311] {strides = array<i32>} : memref<80x64xf32, #tpu.memory_space<vmem>>, vector<1x16xf32>,
        %swap3A_313 = vector.shape_cast %swap3A_312 : vector<1x16xf32> to vector<16xf32>
        %swap3A_314 = vector.shape_cast %mul3A_309 : vector<16xf32> to vector<1x16xf32>
        tpu.vector_store %arg10[%swap3A_310, %swap3A_311], %swap3A_314 {strides = array<i32>} : memref<80x64xf32, #tpu.memory_space<vmem>>, vector<1x16xf32>,
        %get3A_315 = arith.index_cast %add3A_284 : i32 to index
        %get3A_316 = arith.constant 48 : index
        %get3A_317 = tpu.vector_load %arg10[%get3A_315, %get3A_316] {strides = array<i32>} : memref<80x64xf32, #tpu.memory_space<vmem>>, vector<1x16xf32>,
        %get3A_318 = vector.shape_cast %get3A_317 : vector<1x16xf32> to vector<16xf32>
        %mul3A_319 = arith.mulf %get3A_318, %gather3A_283 : vector<16xf32>
        %swap3A_320 = arith.index_cast %add3A_284 : i32 to index
        %swap3A_321 = arith.constant 48 : index
        %swap3A_322 = tpu.vector_load %arg10[%swap3A_320, %swap3A_321] {strides = array<i32>} : memref<80x64xf32, #tpu.memory_space<vmem>>, vector<1x16xf32>,
        %swap3A_323 = vector.shape_cast %swap3A_322 : vector<1x16xf32> to vector<16xf32>
        %swap3A_324 = vector.shape_cast %mul3A_319 : vector<16xf32> to vector<1x16xf32>
        tpu.vector_store %arg10[%swap3A_320, %swap3A_321], %swap3A_324 {strides = array<i32>} : memref<80x64xf32, #tpu.memory_space<vmem>>, vector<1x16xf32>,
      }
      %scan3A_125 = arith.constant 16 : i32
    }
    %scan3A_49 = arith.constant 5 : i32
    %dma_start3A_50 = arith.constant 248 : i32
    %dma_start3A_51 = arith.constant 0 : i32
    %dma_start3A_52 = tpu.memref_slice %arg8[%dma_start3A_50, %dma_start3A_51] : memref<250x80xi32, #tpu.memory_space<vmem>> -> memref<1x80xi32, #tpu.memory_space<vmem>>
    %dma_start3A_53 = tpu.memref_squeeze %dma_start3A_52 : memref<1x80xi32, #tpu.memory_space<vmem>> -> memref<80xi32, #tpu.memory_space<vmem>>
    %dma_start3A_54 = arith.constant 0 : i32
    %dma_start3A_55 = arith.constant 0 : i32
    %dma_start3A_56 = tpu.memref_slice %arg15[%dma_start3A_54, %dma_start3A_55] : memref<10000x64xf32, #tpu.memory_space<vmem_shared>> -> memref<10000x64xf32, #tpu.memory_space<vmem_shared>>
    tpu.enqueue_indirect_dma source(%arg10 : memref<80x64xf32, #tpu.memory_space<vmem>>) target(%dma_start3A_56 : memref<10000x64xf32, #tpu.memory_space<vmem_shared>>) offsets(%dma_start3A_53 : memref<80xi32, #tpu.memory_space<vmem>>) semaphore(%arg20 : memref<!tpu.dma_semaphore, #tpu.memory_space<semaphore_mem>>) {add = true}
    %dma_wait3A_57 = arith.constant 249 : i32
    %dma_wait3A_58 = arith.constant 0 : i32
    %dma_wait3A_59 = tpu.memref_slice %arg7[%dma_wait3A_57, %dma_wait3A_58] : memref<250x80xi32, #tpu.memory_space<vmem>> -> memref<1x80xi32, #tpu.memory_space<vmem>>
    %dma_wait3A_60 = tpu.memref_squeeze %dma_wait3A_59 : memref<1x80xi32, #tpu.memory_space<vmem>> -> memref<80xi32, #tpu.memory_space<vmem>>
    %dma_wait3A_61 = arith.constant 0 : i32
    %dma_wait3A_62 = arith.constant 0 : i32
    %dma_wait3A_63 = tpu.memref_slice %arg2[%dma_wait3A_61, %dma_wait3A_62] : memref<20000x64xf32, #tpu.memory_space<hbm>> -> memref<20000x64xf32, #tpu.memory_space<hbm>>
    tpu.wait_indirect_dma semaphore(%arg17 : memref<!tpu.dma_semaphore, #tpu.memory_space<semaphore_mem>>) src(%dma_wait3A_63 : memref<20000x64xf32, #tpu.memory_space<hbm>>) dst(%arg11 : memref<80x64xf32, #tpu.memory_space<vmem>>)
    %scan3A_64 = arith.constant 0 : i32
    %scan3A_65 = arith.constant 5 : i32
    %scan3A_66 = arith.addi %scan3A_64, %scan3A_65 : i32
    %scan3A_67 = arith.constant 1 : i32
    scf.for %scan3A_110 = %scan3A_64 to %scan3A_66 step %scan3A_67  : i32 {
      %mul3A = arith.constant 1 : i32
      %mul3A_111 = arith.muli %scan3A_110, %mul3A : i32
      %add3A = arith.constant 0 : i32
      %add3A_112 = arith.addi %add3A, %mul3A_111 : i32
      %mul3A_113 = arith.constant 16 : i32
      %mul3A_114 = arith.muli %add3A_112, %mul3A_113 : i32
      %get3A = arith.constant 249 : i32
      %get3A_115 = arith.index_cast %get3A : i32 to index
      %get3A_116 = arith.index_cast %mul3A_114 : i32 to index
      %get3A_117 = tpu.vector_load %arg9[%get3A_115, %get3A_116] {strides = array<i32>} : memref<250x80xf32, #tpu.memory_space<vmem>>, vector<1x16xf32>,
      %get3A_118 = vector.shape_cast %get3A_117 : vector<1x16xf32> to vector<16xf32>
      %mul3A_119 = arith.constant 16 : i32
      %mul3A_120 = arith.muli %add3A_112, %mul3A_119 : i32
      %scan3A_121 = arith.constant 0 : i32
      %scan3A_122 = arith.constant 16 : i32
      %scan3A_123 = arith.addi %scan3A_121, %scan3A_122 : i32
      %scan3A_124 = arith.constant 4 : i32
      scf.for %scan3A_126 = %scan3A_121 to %scan3A_123 step %scan3A_124  : i32 {
        %mul3A_127 = arith.constant 1 : i32
        %mul3A_128 = arith.muli %scan3A_126, %mul3A_127 : i32
        %add3A_129 = arith.constant 0 : i32
        %add3A_130 = arith.addi %add3A_129, %mul3A_128 : i32
        %broadcast_in_dim3A = vector.broadcast %add3A_130 : i32 to vector<16xi32>
        %reshape3A = vector.shape_cast %broadcast_in_dim3A : vector<16xi32> to vector<16x1xi32>
        %gather3A = vector.shape_cast %reshape3A : vector<16x1xi32> to vector<16xi32>
        %gather3A_131 = tpu.dynamic_gather %get3A_118[%gather3A] in [0] : vector<16xf32>, vector<16xi32> -> vector<16xf32>
        %add3A_132 = arith.addi %mul3A_120, %add3A_130 : i32
        %get3A_133 = arith.index_cast %add3A_132 : i32 to index
        %get3A_134 = arith.constant 0 : index
        %get3A_135 = tpu.vector_load %arg11[%get3A_133, %get3A_134] {strides = array<i32>} : memref<80x64xf32, #tpu.memory_space<vmem>>, vector<1x16xf32>,
        %get3A_136 = vector.shape_cast %get3A_135 : vector<1x16xf32> to vector<16xf32>
        %mul3A_137 = arith.mulf %get3A_136, %gather3A_131 : vector<16xf32>
        %swap3A = arith.index_cast %add3A_132 : i32 to index
        %swap3A_138 = arith.constant 0 : index
        %swap3A_139 = tpu.vector_load %arg11[%swap3A, %swap3A_138] {strides = array<i32>} : memref<80x64xf32, #tpu.memory_space<vmem>>, vector<1x16xf32>,
        %swap3A_140 = vector.shape_cast %swap3A_139 : vector<1x16xf32> to vector<16xf32>
        %swap3A_141 = vector.shape_cast %mul3A_137 : vector<16xf32> to vector<1x16xf32>
        tpu.vector_store %arg11[%swap3A, %swap3A_138], %swap3A_141 {strides = array<i32>} : memref<80x64xf32, #tpu.memory_space<vmem>>, vector<1x16xf32>,
        %get3A_142 = arith.index_cast %add3A_132 : i32 to index
        %get3A_143 = arith.constant 16 : index
        %get3A_144 = tpu.vector_load %arg11[%get3A_142, %get3A_143] {strides = array<i32>} : memref<80x64xf32, #tpu.memory_space<vmem>>, vector<1x16xf32>,
        %get3A_145 = vector.shape_cast %get3A_144 : vector<1x16xf32> to vector<16xf32>
        %mul3A_146 = arith.mulf %get3A_145, %gather3A_131 : vector<16xf32>
        %swap3A_147 = arith.index_cast %add3A_132 : i32 to index
        %swap3A_148 = arith.constant 16 : index
        %swap3A_149 = tpu.vector_load %arg11[%swap3A_147, %swap3A_148] {strides = array<i32>} : memref<80x64xf32, #tpu.memory_space<vmem>>, vector<1x16xf32>,
        %swap3A_150 = vector.shape_cast %swap3A_149 : vector<1x16xf32> to vector<16xf32>
        %swap3A_151 = vector.shape_cast %mul3A_146 : vector<16xf32> to vector<1x16xf32>
        tpu.vector_store %arg11[%swap3A_147, %swap3A_148], %swap3A_151 {strides = array<i32>} : memref<80x64xf32, #tpu.memory_space<vmem>>, vector<1x16xf32>,
        %get3A_152 = arith.index_cast %add3A_132 : i32 to index
        %get3A_153 = arith.constant 32 : index
        %get3A_154 = tpu.vector_load %arg11[%get3A_152, %get3A_153] {strides = array<i32>} : memref<80x64xf32, #tpu.memory_space<vmem>>, vector<1x16xf32>,
        %get3A_155 = vector.shape_cast %get3A_154 : vector<1x16xf32> to vector<16xf32>
        %mul3A_156 = arith.mulf %get3A_155, %gather3A_131 : vector<16xf32>
        %swap3A_157 = arith.index_cast %add3A_132 : i32 to index
        %swap3A_158 = arith.constant 32 : index
        %swap3A_159 = tpu.vector_load %arg11[%swap3A_157, %swap3A_158] {strides = array<i32>} : memref<80x64xf32, #tpu.memory_space<vmem>>, vector<1x16xf32>,
        %swap3A_160 = vector.shape_cast %swap3A_159 : vector<1x16xf32> to vector<16xf32>
        %swap3A_161 = vector.shape_cast %mul3A_156 : vector<16xf32> to vector<1x16xf32>
        tpu.vector_store %arg11[%swap3A_157, %swap3A_158], %swap3A_161 {strides = array<i32>} : memref<80x64xf32, #tpu.memory_space<vmem>>, vector<1x16xf32>,
        %get3A_162 = arith.index_cast %add3A_132 : i32 to index
        %get3A_163 = arith.constant 48 : index
        %get3A_164 = tpu.vector_load %arg11[%get3A_162, %get3A_163] {strides = array<i32>} : memref<80x64xf32, #tpu.memory_space<vmem>>, vector<1x16xf32>,
        %get3A_165 = vector.shape_cast %get3A_164 : vector<1x16xf32> to vector<16xf32>
        %mul3A_166 = arith.mulf %get3A_165, %gather3A_131 : vector<16xf32>
        %swap3A_167 = arith.index_cast %add3A_132 : i32 to index
        %swap3A_168 = arith.constant 48 : index
        %swap3A_169 = tpu.vector_load %arg11[%swap3A_167, %swap3A_168] {strides = array<i32>} : memref<80x64xf32, #tpu.memory_space<vmem>>, vector<1x16xf32>,
        %swap3A_170 = vector.shape_cast %swap3A_169 : vector<1x16xf32> to vector<16xf32>
        %swap3A_171 = vector.shape_cast %mul3A_166 : vector<16xf32> to vector<1x16xf32>
        tpu.vector_store %arg11[%swap3A_167, %swap3A_168], %swap3A_171 {strides = array<i32>} : memref<80x64xf32, #tpu.memory_space<vmem>>, vector<1x16xf32>,
        %scan3A_172 = arith.constant 1 : i32
        %scan3A_173 = arith.addi %scan3A_126, %scan3A_172 : i32
        %mul3A_174 = arith.constant 1 : i32
        %mul3A_175 = arith.muli %scan3A_173, %mul3A_174 : i32
        %add3A_176 = arith.constant 0 : i32
        %add3A_177 = arith.addi %add3A_176, %mul3A_175 : i32
        %broadcast_in_dim3A_178 = vector.broadcast %add3A_177 : i32 to vector<16xi32>
        %reshape3A_179 = vector.shape_cast %broadcast_in_dim3A_178 : vector<16xi32> to vector<16x1xi32>
        %gather3A_180 = vector.shape_cast %reshape3A_179 : vector<16x1xi32> to vector<16xi32>
        %gather3A_181 = tpu.dynamic_gather %get3A_118[%gather3A_180] in [0] : vector<16xf32>, vector<16xi32> -> vector<16xf32>
        %add3A_182 = arith.addi %mul3A_120, %add3A_177 : i32
        %get3A_183 = arith.index_cast %add3A_182 : i32 to index
        %get3A_184 = arith.constant 0 : index
        %get3A_185 = tpu.vector_load %arg11[%get3A_183, %get3A_184] {strides = array<i32>} : memref<80x64xf32, #tpu.memory_space<vmem>>, vector<1x16xf32>,
        %get3A_186 = vector.shape_cast %get3A_185 : vector<1x16xf32> to vector<16xf32>
        %mul3A_187 = arith.mulf %get3A_186, %gather3A_181 : vector<16xf32>
        %swap3A_188 = arith.index_cast %add3A_182 : i32 to index
        %swap3A_189 = arith.constant 0 : index
        %swap3A_190 = tpu.vector_load %arg11[%swap3A_188, %swap3A_189] {strides = array<i32>} : memref<80x64xf32, #tpu.memory_space<vmem>>, vector<1x16xf32>,
        %swap3A_191 = vector.shape_cast %swap3A_190 : vector<1x16xf32> to vector<16xf32>
        %swap3A_192 = vector.shape_cast %mul3A_187 : vector<16xf32> to vector<1x16xf32>
        tpu.vector_store %arg11[%swap3A_188, %swap3A_189], %swap3A_192 {strides = array<i32>} : memref<80x64xf32, #tpu.memory_space<vmem>>, vector<1x16xf32>,
        %get3A_193 = arith.index_cast %add3A_182 : i32 to index
        %get3A_194 = arith.constant 16 : index
        %get3A_195 = tpu.vector_load %arg11[%get3A_193, %get3A_194] {strides = array<i32>} : memref<80x64xf32, #tpu.memory_space<vmem>>, vector<1x16xf32>,
        %get3A_196 = vector.shape_cast %get3A_195 : vector<1x16xf32> to vector<16xf32>
        %mul3A_197 = arith.mulf %get3A_196, %gather3A_181 : vector<16xf32>
        %swap3A_198 = arith.index_cast %add3A_182 : i32 to index
        %swap3A_199 = arith.constant 16 : index
        %swap3A_200 = tpu.vector_load %arg11[%swap3A_198, %swap3A_199] {strides = array<i32>} : memref<80x64xf32, #tpu.memory_space<vmem>>, vector<1x16xf32>,
        %swap3A_201 = vector.shape_cast %swap3A_200 : vector<1x16xf32> to vector<16xf32>
        %swap3A_202 = vector.shape_cast %mul3A_197 : vector<16xf32> to vector<1x16xf32>
        tpu.vector_store %arg11[%swap3A_198, %swap3A_199], %swap3A_202 {strides = array<i32>} : memref<80x64xf32, #tpu.memory_space<vmem>>, vector<1x16xf32>,
        %get3A_203 = arith.index_cast %add3A_182 : i32 to index
        %get3A_204 = arith.constant 32 : index
        %get3A_205 = tpu.vector_load %arg11[%get3A_203, %get3A_204] {strides = array<i32>} : memref<80x64xf32, #tpu.memory_space<vmem>>, vector<1x16xf32>,
        %get3A_206 = vector.shape_cast %get3A_205 : vector<1x16xf32> to vector<16xf32>
        %mul3A_207 = arith.mulf %get3A_206, %gather3A_181 : vector<16xf32>
        %swap3A_208 = arith.index_cast %add3A_182 : i32 to index
        %swap3A_209 = arith.constant 32 : index
        %swap3A_210 = tpu.vector_load %arg11[%swap3A_208, %swap3A_209] {strides = array<i32>} : memref<80x64xf32, #tpu.memory_space<vmem>>, vector<1x16xf32>,
        %swap3A_211 = vector.shape_cast %swap3A_210 : vector<1x16xf32> to vector<16xf32>
        %swap3A_212 = vector.shape_cast %mul3A_207 : vector<16xf32> to vector<1x16xf32>
        tpu.vector_store %arg11[%swap3A_208, %swap3A_209], %swap3A_212 {strides = array<i32>} : memref<80x64xf32, #tpu.memory_space<vmem>>, vector<1x16xf32>,
        %get3A_213 = arith.index_cast %add3A_182 : i32 to index
        %get3A_214 = arith.constant 48 : index
        %get3A_215 = tpu.vector_load %arg11[%get3A_213, %get3A_214] {strides = array<i32>} : memref<80x64xf32, #tpu.memory_space<vmem>>, vector<1x16xf32>,
        %get3A_216 = vector.shape_cast %get3A_215 : vector<1x16xf32> to vector<16xf32>
        %mul3A_217 = arith.mulf %get3A_216, %gather3A_181 : vector<16xf32>
        %swap3A_218 = arith.index_cast %add3A_182 : i32 to index
        %swap3A_219 = arith.constant 48 : index
        %swap3A_220 = tpu.vector_load %arg11[%swap3A_218, %swap3A_219] {strides = array<i32>} : memref<80x64xf32, #tpu.memory_space<vmem>>, vector<1x16xf32>,
        %swap3A_221 = vector.shape_cast %swap3A_220 : vector<1x16xf32> to vector<16xf32>
        %swap3A_222 = vector.shape_cast %mul3A_217 : vector<16xf32> to vector<1x16xf32>
        tpu.vector_store %arg11[%swap3A_218, %swap3A_219], %swap3A_222 {strides = array<i32>} : memref<80x64xf32, #tpu.memory_space<vmem>>, vector<1x16xf32>,
        %scan3A_223 = arith.constant 2 : i32
        %scan3A_224 = arith.addi %scan3A_126, %scan3A_223 : i32
        %mul3A_225 = arith.constant 1 : i32
        %mul3A_226 = arith.muli %scan3A_224, %mul3A_225 : i32
        %add3A_227 = arith.constant 0 : i32
        %add3A_228 = arith.addi %add3A_227, %mul3A_226 : i32
        %broadcast_in_dim3A_229 = vector.broadcast %add3A_228 : i32 to vector<16xi32>
        %reshape3A_230 = vector.shape_cast %broadcast_in_dim3A_229 : vector<16xi32> to vector<16x1xi32>
        %gather3A_231 = vector.shape_cast %reshape3A_230 : vector<16x1xi32> to vector<16xi32>
        %gather3A_232 = tpu.dynamic_gather %get3A_118[%gather3A_231] in [0] : vector<16xf32>, vector<16xi32> -> vector<16xf32>
        %add3A_233 = arith.addi %mul3A_120, %add3A_228 : i32
        %get3A_234 = arith.index_cast %add3A_233 : i32 to index
        %get3A_235 = arith.constant 0 : index
        %get3A_236 = tpu.vector_load %arg11[%get3A_234, %get3A_235] {strides = array<i32>} : memref<80x64xf32, #tpu.memory_space<vmem>>, vector<1x16xf32>,
        %get3A_237 = vector.shape_cast %get3A_236 : vector<1x16xf32> to vector<16xf32>
        %mul3A_238 = arith.mulf %get3A_237, %gather3A_232 : vector<16xf32>
        %swap3A_239 = arith.index_cast %add3A_233 : i32 to index
        %swap3A_240 = arith.constant 0 : index
        %swap3A_241 = tpu.vector_load %arg11[%swap3A_239, %swap3A_240] {strides = array<i32>} : memref<80x64xf32, #tpu.memory_space<vmem>>, vector<1x16xf32>,
        %swap3A_242 = vector.shape_cast %swap3A_241 : vector<1x16xf32> to vector<16xf32>
        %swap3A_243 = vector.shape_cast %mul3A_238 : vector<16xf32> to vector<1x16xf32>
        tpu.vector_store %arg11[%swap3A_239, %swap3A_240], %swap3A_243 {strides = array<i32>} : memref<80x64xf32, #tpu.memory_space<vmem>>, vector<1x16xf32>,
        %get3A_244 = arith.index_cast %add3A_233 : i32 to index
        %get3A_245 = arith.constant 16 : index
        %get3A_246 = tpu.vector_load %arg11[%get3A_244, %get3A_245] {strides = array<i32>} : memref<80x64xf32, #tpu.memory_space<vmem>>, vector<1x16xf32>,
        %get3A_247 = vector.shape_cast %get3A_246 : vector<1x16xf32> to vector<16xf32>
        %mul3A_248 = arith.mulf %get3A_247, %gather3A_232 : vector<16xf32>
        %swap3A_249 = arith.index_cast %add3A_233 : i32 to index
        %swap3A_250 = arith.constant 16 : index
        %swap3A_251 = tpu.vector_load %arg11[%swap3A_249, %swap3A_250] {strides = array<i32>} : memref<80x64xf32, #tpu.memory_space<vmem>>, vector<1x16xf32>,
        %swap3A_252 = vector.shape_cast %swap3A_251 : vector<1x16xf32> to vector<16xf32>
        %swap3A_253 = vector.shape_cast %mul3A_248 : vector<16xf32> to vector<1x16xf32>
        tpu.vector_store %arg11[%swap3A_249, %swap3A_250], %swap3A_253 {strides = array<i32>} : memref<80x64xf32, #tpu.memory_space<vmem>>, vector<1x16xf32>,
        %get3A_254 = arith.index_cast %add3A_233 : i32 to index
        %get3A_255 = arith.constant 32 : index
        %get3A_256 = tpu.vector_load %arg11[%get3A_254, %get3A_255] {strides = array<i32>} : memref<80x64xf32, #tpu.memory_space<vmem>>, vector<1x16xf32>,
        %get3A_257 = vector.shape_cast %get3A_256 : vector<1x16xf32> to vector<16xf32>
        %mul3A_258 = arith.mulf %get3A_257, %gather3A_232 : vector<16xf32>
        %swap3A_259 = arith.index_cast %add3A_233 : i32 to index
        %swap3A_260 = arith.constant 32 : index
        %swap3A_261 = tpu.vector_load %arg11[%swap3A_259, %swap3A_260] {strides = array<i32>} : memref<80x64xf32, #tpu.memory_space<vmem>>, vector<1x16xf32>,
        %swap3A_262 = vector.shape_cast %swap3A_261 : vector<1x16xf32> to vector<16xf32>
        %swap3A_263 = vector.shape_cast %mul3A_258 : vector<16xf32> to vector<1x16xf32>
        tpu.vector_store %arg11[%swap3A_259, %swap3A_260], %swap3A_263 {strides = array<i32>} : memref<80x64xf32, #tpu.memory_space<vmem>>, vector<1x16xf32>,
        %get3A_264 = arith.index_cast %add3A_233 : i32 to index
        %get3A_265 = arith.constant 48 : index
        %get3A_266 = tpu.vector_load %arg11[%get3A_264, %get3A_265] {strides = array<i32>} : memref<80x64xf32, #tpu.memory_space<vmem>>, vector<1x16xf32>,
        %get3A_267 = vector.shape_cast %get3A_266 : vector<1x16xf32> to vector<16xf32>
        %mul3A_268 = arith.mulf %get3A_267, %gather3A_232 : vector<16xf32>
        %swap3A_269 = arith.index_cast %add3A_233 : i32 to index
        %swap3A_270 = arith.constant 48 : index
        %swap3A_271 = tpu.vector_load %arg11[%swap3A_269, %swap3A_270] {strides = array<i32>} : memref<80x64xf32, #tpu.memory_space<vmem>>, vector<1x16xf32>,
        %swap3A_272 = vector.shape_cast %swap3A_271 : vector<1x16xf32> to vector<16xf32>
        %swap3A_273 = vector.shape_cast %mul3A_268 : vector<16xf32> to vector<1x16xf32>
        tpu.vector_store %arg11[%swap3A_269, %swap3A_270], %swap3A_273 {strides = array<i32>} : memref<80x64xf32, #tpu.memory_space<vmem>>, vector<1x16xf32>,
        %scan3A_274 = arith.constant 3 : i32
        %scan3A_275 = arith.addi %scan3A_126, %scan3A_274 : i32
        %mul3A_276 = arith.constant 1 : i32
        %mul3A_277 = arith.muli %scan3A_275, %mul3A_276 : i32
        %add3A_278 = arith.constant 0 : i32
        %add3A_279 = arith.addi %add3A_278, %mul3A_277 : i32
        %broadcast_in_dim3A_280 = vector.broadcast %add3A_279 : i32 to vector<16xi32>
        %reshape3A_281 = vector.shape_cast %broadcast_in_dim3A_280 : vector<16xi32> to vector<16x1xi32>
        %gather3A_282 = vector.shape_cast %reshape3A_281 : vector<16x1xi32> to vector<16xi32>
        %gather3A_283 = tpu.dynamic_gather %get3A_118[%gather3A_282] in [0] : vector<16xf32>, vector<16xi32> -> vector<16xf32>
        %add3A_284 = arith.addi %mul3A_120, %add3A_279 : i32
        %get3A_285 = arith.index_cast %add3A_284 : i32 to index
        %get3A_286 = arith.constant 0 : index
        %get3A_287 = tpu.vector_load %arg11[%get3A_285, %get3A_286] {strides = array<i32>} : memref<80x64xf32, #tpu.memory_space<vmem>>, vector<1x16xf32>,
        %get3A_288 = vector.shape_cast %get3A_287 : vector<1x16xf32> to vector<16xf32>
        %mul3A_289 = arith.mulf %get3A_288, %gather3A_283 : vector<16xf32>
        %swap3A_290 = arith.index_cast %add3A_284 : i32 to index
        %swap3A_291 = arith.constant 0 : index
        %swap3A_292 = tpu.vector_load %arg11[%swap3A_290, %swap3A_291] {strides = array<i32>} : memref<80x64xf32, #tpu.memory_space<vmem>>, vector<1x16xf32>,
        %swap3A_293 = vector.shape_cast %swap3A_292 : vector<1x16xf32> to vector<16xf32>
        %swap3A_294 = vector.shape_cast %mul3A_289 : vector<16xf32> to vector<1x16xf32>
        tpu.vector_store %arg11[%swap3A_290, %swap3A_291], %swap3A_294 {strides = array<i32>} : memref<80x64xf32, #tpu.memory_space<vmem>>, vector<1x16xf32>,
        %get3A_295 = arith.index_cast %add3A_284 : i32 to index
        %get3A_296 = arith.constant 16 : index
        %get3A_297 = tpu.vector_load %arg11[%get3A_295, %get3A_296] {strides = array<i32>} : memref<80x64xf32, #tpu.memory_space<vmem>>, vector<1x16xf32>,
        %get3A_298 = vector.shape_cast %get3A_297 : vector<1x16xf32> to vector<16xf32>
        %mul3A_299 = arith.mulf %get3A_298, %gather3A_283 : vector<16xf32>
        %swap3A_300 = arith.index_cast %add3A_284 : i32 to index
        %swap3A_301 = arith.constant 16 : index
        %swap3A_302 = tpu.vector_load %arg11[%swap3A_300, %swap3A_301] {strides = array<i32>} : memref<80x64xf32, #tpu.memory_space<vmem>>, vector<1x16xf32>,
        %swap3A_303 = vector.shape_cast %swap3A_302 : vector<1x16xf32> to vector<16xf32>
        %swap3A_304 = vector.shape_cast %mul3A_299 : vector<16xf32> to vector<1x16xf32>
        tpu.vector_store %arg11[%swap3A_300, %swap3A_301], %swap3A_304 {strides = array<i32>} : memref<80x64xf32, #tpu.memory_space<vmem>>, vector<1x16xf32>,
        %get3A_305 = arith.index_cast %add3A_284 : i32 to index
        %get3A_306 = arith.constant 32 : index
        %get3A_307 = tpu.vector_load %arg11[%get3A_305, %get3A_306] {strides = array<i32>} : memref<80x64xf32, #tpu.memory_space<vmem>>, vector<1x16xf32>,
        %get3A_308 = vector.shape_cast %get3A_307 : vector<1x16xf32> to vector<16xf32>
        %mul3A_309 = arith.mulf %get3A_308, %gather3A_283 : vector<16xf32>
        %swap3A_310 = arith.index_cast %add3A_284 : i32 to index
        %swap3A_311 = arith.constant 32 : index
        %swap3A_312 = tpu.vector_load %arg11[%swap3A_310, %swap3A_311] {strides = array<i32>} : memref<80x64xf32, #tpu.memory_space<vmem>>, vector<1x16xf32>,
        %swap3A_313 = vector.shape_cast %swap3A_312 : vector<1x16xf32> to vector<16xf32>
        %swap3A_314 = vector.shape_cast %mul3A_309 : vector<16xf32> to vector<1x16xf32>
        tpu.vector_store %arg11[%swap3A_310, %swap3A_311], %swap3A_314 {strides = array<i32>} : memref<80x64xf32, #tpu.memory_space<vmem>>, vector<1x16xf32>,
        %get3A_315 = arith.index_cast %add3A_284 : i32 to index
        %get3A_316 = arith.constant 48 : index
        %get3A_317 = tpu.vector_load %arg11[%get3A_315, %get3A_316] {strides = array<i32>} : memref<80x64xf32, #tpu.memory_space<vmem>>, vector<1x16xf32>,
        %get3A_318 = vector.shape_cast %get3A_317 : vector<1x16xf32> to vector<16xf32>
        %mul3A_319 = arith.mulf %get3A_318, %gather3A_283 : vector<16xf32>
        %swap3A_320 = arith.index_cast %add3A_284 : i32 to index
        %swap3A_321 = arith.constant 48 : index
        %swap3A_322 = tpu.vector_load %arg11[%swap3A_320, %swap3A_321] {strides = array<i32>} : memref<80x64xf32, #tpu.memory_space<vmem>>, vector<1x16xf32>,
        %swap3A_323 = vector.shape_cast %swap3A_322 : vector<1x16xf32> to vector<16xf32>
        %swap3A_324 = vector.shape_cast %mul3A_319 : vector<16xf32> to vector<1x16xf32>
        tpu.vector_store %arg11[%swap3A_320, %swap3A_321], %swap3A_324 {strides = array<i32>} : memref<80x64xf32, #tpu.memory_space<vmem>>, vector<1x16xf32>,
      }
      %scan3A_125 = arith.constant 16 : i32
    }
    %scan3A_68 = arith.constant 5 : i32
    %dma_start3A_69 = arith.constant 249 : i32
    %dma_start3A_70 = arith.constant 0 : i32
    %dma_start3A_71 = tpu.memref_slice %arg8[%dma_start3A_69, %dma_start3A_70] : memref<250x80xi32, #tpu.memory_space<vmem>> -> memref<1x80xi32, #tpu.memory_space<vmem>>
    %dma_start3A_72 = tpu.memref_squeeze %dma_start3A_71 : memref<1x80xi32, #tpu.memory_space<vmem>> -> memref<80xi32, #tpu.memory_space<vmem>>
    %dma_start3A_73 = arith.constant 0 : i32
    %dma_start3A_74 = arith.constant 0 : i32
    %dma_start3A_75 = tpu.memref_slice %arg15[%dma_start3A_73, %dma_start3A_74] : memref<10000x64xf32, #tpu.memory_space<vmem_shared>> -> memref<10000x64xf32, #tpu.memory_space<vmem_shared>>
    tpu.enqueue_indirect_dma source(%arg11 : memref<80x64xf32, #tpu.memory_space<vmem>>) target(%dma_start3A_75 : memref<10000x64xf32, #tpu.memory_space<vmem_shared>>) offsets(%dma_start3A_72 : memref<80xi32, #tpu.memory_space<vmem>>) semaphore(%arg21 : memref<!tpu.dma_semaphore, #tpu.memory_space<semaphore_mem>>) {add = true}
    %dma_wait3A_76 = arith.constant 246 : i32
    %dma_wait3A_77 = arith.constant 0 : i32
    %dma_wait3A_78 = tpu.memref_slice %arg8[%dma_wait3A_76, %dma_wait3A_77] : memref<250x80xi32, #tpu.memory_space<vmem>> -> memref<1x80xi32, #tpu.memory_space<vmem>>
    %dma_wait3A_79 = tpu.memref_squeeze %dma_wait3A_78 : memref<1x80xi32, #tpu.memory_space<vmem>> -> memref<80xi32, #tpu.memory_space<vmem>>
    %dma_wait3A_80 = arith.constant 0 : i32
    %dma_wait3A_81 = arith.constant 0 : i32
    %dma_wait3A_82 = tpu.memref_slice %arg15[%dma_wait3A_80, %dma_wait3A_81] : memref<10000x64xf32, #tpu.memory_space<vmem_shared>> -> memref<10000x64xf32, #tpu.memory_space<vmem_shared>>
    tpu.wait_indirect_dma semaphore(%arg22 : memref<!tpu.dma_semaphore, #tpu.memory_space<semaphore_mem>>) src(%arg12 : memref<80x64xf32, #tpu.memory_space<vmem>>) dst(%dma_wait3A_82 : memref<10000x64xf32, #tpu.memory_space<vmem_shared>>)
    %dma_wait3A_83 = arith.constant 247 : i32
    %dma_wait3A_84 = arith.constant 0 : i32
    %dma_wait3A_85 = tpu.memref_slice %arg8[%dma_wait3A_83, %dma_wait3A_84] : memref<250x80xi32, #tpu.memory_space<vmem>> -> memref<1x80xi32, #tpu.memory_space<vmem>>
    %dma_wait3A_86 = tpu.memref_squeeze %dma_wait3A_85 : memref<1x80xi32, #tpu.memory_space<vmem>> -> memref<80xi32, #tpu.memory_space<vmem>>
    %dma_wait3A_87 = arith.constant 0 : i32
    %dma_wait3A_88 = arith.constant 0 : i32
    %dma_wait3A_89 = tpu.memref_slice %arg15[%dma_wait3A_87, %dma_wait3A_88] : memref<10000x64xf32, #tpu.memory_space<vmem_shared>> -> memref<10000x64xf32, #tpu.memory_space<vmem_shared>>
    tpu.wait_indirect_dma semaphore(%arg23 : memref<!tpu.dma_semaphore, #tpu.memory_space<semaphore_mem>>) src(%arg13 : memref<80x64xf32, #tpu.memory_space<vmem>>) dst(%dma_wait3A_89 : memref<10000x64xf32, #tpu.memory_space<vmem_shared>>)
    %dma_wait3A_90 = arith.constant 248 : i32
    %dma_wait3A_91 = arith.constant 0 : i32
    %dma_wait3A_92 = tpu.memref_slice %arg8[%dma_wait3A_90, %dma_wait3A_91] : memref<250x80xi32, #tpu.memory_space<vmem>> -> memref<1x80xi32, #tpu.memory_space<vmem>>
    %dma_wait3A_93 = tpu.memref_squeeze %dma_wait3A_92 : memref<1x80xi32, #tpu.memory_space<vmem>> -> memref<80xi32, #tpu.memory_space<vmem>>
    %dma_wait3A_94 = arith.constant 0 : i32
    %dma_wait3A_95 = arith.constant 0 : i32
    %dma_wait3A_96 = tpu.memref_slice %arg15[%dma_wait3A_94, %dma_wait3A_95] : memref<10000x64xf32, #tpu.memory_space<vmem_shared>> -> memref<10000x64xf32, #tpu.memory_space<vmem_shared>>
    tpu.wait_indirect_dma semaphore(%arg20 : memref<!tpu.dma_semaphore, #tpu.memory_space<semaphore_mem>>) src(%arg10 : memref<80x64xf32, #tpu.memory_space<vmem>>) dst(%dma_wait3A_96 : memref<10000x64xf32, #tpu.memory_space<vmem_shared>>)
    %dma_wait3A_97 = arith.constant 249 : i32
    %dma_wait3A_98 = arith.constant 0 : i32
    %dma_wait3A_99 = tpu.memref_slice %arg8[%dma_wait3A_97, %dma_wait3A_98] : memref<250x80xi32, #tpu.memory_space<vmem>> -> memref<1x80xi32, #tpu.memory_space<vmem>>
    %dma_wait3A_100 = tpu.memref_squeeze %dma_wait3A_99 : memref<1x80xi32, #tpu.memory_space<vmem>> -> memref<80xi32, #tpu.memory_space<vmem>>
    %dma_wait3A_101 = arith.constant 0 : i32
    %dma_wait3A_102 = arith.constant 0 : i32
    %dma_wait3A_103 = tpu.memref_slice %arg15[%dma_wait3A_101, %dma_wait3A_102] : memref<10000x64xf32, #tpu.memory_space<vmem_shared>> -> memref<10000x64xf32, #tpu.memory_space<vmem_shared>>
    tpu.wait_indirect_dma semaphore(%arg21 : memref<!tpu.dma_semaphore, #tpu.memory_space<semaphore_mem>>) src(%arg11 : memref<80x64xf32, #tpu.memory_space<vmem>>) dst(%dma_wait3A_103 : memref<10000x64xf32, #tpu.memory_space<vmem_shared>>)
    %barrier3A_104 = arith.constant 0 : index
    tpu.barrier barrier_id(%barrier3A_104)
    %scan3A_105 = arith.constant 0 : i32
    %scan3A_106 = arith.constant 8 : i32
    %scan3A_107 = arith.addi %scan3A_105, %scan3A_106 : i32
    %scan3A_108 = arith.constant 1 : i32
    scf.for %scan3A_110 = %scan3A_105 to %scan3A_107 step %scan3A_108  : i32 {
      %mul3A = arith.constant 1 : i32
      %mul3A_111 = arith.muli %scan3A_110, %mul3A : i32
      %add3A = arith.constant 0 : i32
      %add3A_112 = arith.addi %add3A, %mul3A_111 : i32
      %mul3A_113 = arith.constant 16 : i32
      %mul3A_114 = arith.muli %add3A_112, %mul3A_113 : i32
      %add3A_115 = arith.addi %arg1, %mul3A_114 : i32
      %lt3A = arith.constant 125 : i32
      %lt3A_116 = arith.cmpi slt, %add3A_115, %lt3A : i32
      %convert_element_type3A = arith.extui %lt3A_116 : i1 to i32
      %cond3A = arith.constant 0 : i32
      %cond3A_117 = arith.cmpi ne, %convert_element_type3A, %cond3A : i32
      scf.if %cond3A_117 {
        %mul3A_118 = arith.constant 80 : i32
        %mul3A_119 = arith.muli %add3A_115, %mul3A_118 : i32
        %mul3A_120 = arith.constant 64 : i32
        %mul3A_121 = arith.muli %arg0, %mul3A_120 : i32
        "tpu.region"() ({
          %run_scoped3A = tpu.sem_alloc : memref<!tpu.dma_semaphore, #tpu.memory_space<semaphore_mem>>
          %dma_start3A_122 = tpu.memref_slice %arg6[%mul3A_119, %mul3A_121] : memref<10000x128xf32, #tpu.memory_space<hbm>> -> memref<80x64xf32, #tpu.memory_space<hbm>>
          %dma_start3A_123 = arith.constant 0 : i32
          %dma_start3A_124 = tpu.memref_slice %arg15[%mul3A_119, %dma_start3A_123] : memref<10000x64xf32, #tpu.memory_space<vmem_shared>> -> memref<80x64xf32, #tpu.memory_space<vmem_shared>>
          tpu.enqueue_dma source(%dma_start3A_124 : memref<80x64xf32, #tpu.memory_space<vmem_shared>>) target(%dma_start3A_122 : memref<80x64xf32, #tpu.memory_space<hbm>>) target_semaphore(%run_scoped3A : memref<!tpu.dma_semaphore, #tpu.memory_space<semaphore_mem>>)
          %dma_wait3A_125 = tpu.memref_slice %arg6[%mul3A_119, %mul3A_121] : memref<10000x128xf32, #tpu.memory_space<hbm>> -> memref<80x64xf32, #tpu.memory_space<hbm>>
          %dma_wait3A_126 = arith.constant 0 : i32
          %dma_wait3A_127 = tpu.memref_slice %arg15[%mul3A_119, %dma_wait3A_126] : memref<10000x64xf32, #tpu.memory_space<vmem_shared>> -> memref<80x64xf32, #tpu.memory_space<vmem_shared>>
          tpu.wait_dma2 semaphore(%run_scoped3A : memref<!tpu.dma_semaphore, #tpu.memory_space<semaphore_mem>>) src(%dma_wait3A_127 : memref<80x64xf32, #tpu.memory_space<vmem_shared>>) dst(%dma_wait3A_125 : memref<80x64xf32, #tpu.memory_space<hbm>>)
          tpu.yield
        }) : () -> ()
      } else {
      }
    }
    %scan3A_109 = arith.constant 8 : i32
    return
  }
}

module attributes {stable_mosaic.version = 14 : i64} {
  func.func @_mix_body(%arg0: i32, %arg1: memref<1000x128xf32, #tpu.memory_space<vmem>>, %arg2: memref<1000x128xf32, #tpu.memory_space<vmem>>, %arg3: memref<256x128xf32, #tpu.memory_space<vmem>>, %arg4: memref<1x128xf32, #tpu.memory_space<vmem>>, %arg5: memref<1000x128xf32, #tpu.memory_space<vmem>>, %arg6: memref<2x1000x64xf32, #tpu.memory_space<vmem>>) attributes {dimension_semantics = [#tpu.dimension_semantics<arbitrary>], iteration_bounds = array<i64: 10>, scalar_prefetch = 0 : i64, scratch_operands = 0 : i64, tpu.core_type = #tpu.core_type<tc>, window_params = [{transform_indices = @transform_0, window_bounds = array<i64: 1000, 128>}, {transform_indices = @transform_1, window_bounds = array<i64: 1000, 128>}, {pipeline_mode = #tpu.pipeline_mode<synchronous>, transform_indices = @transform_2, window_bounds = array<i64: 256, 128>}, {pipeline_mode = #tpu.pipeline_mode<synchronous>, transform_indices = @transform_3, window_bounds = array<i64: 1, 128>}, {transform_indices = @transform_4, window_bounds = array<i64: 1000, 128>}, {transform_indices = @transform_5, window_bounds = array<i64: 2, 1000, 64>}]} {
    %get3A = arith.constant 0 : index
    %get3A_0 = arith.constant 0 : index
    %get3A_1 = vector.load %arg1[%get3A, %get3A_0] : memref<1000x128xf32, #tpu.memory_space<vmem>>, vector<1000x128xf32>
    %get3A_2 = arith.constant 0 : index
    %get3A_3 = arith.constant 0 : index
    %get3A_4 = vector.load %arg3[%get3A_2, %get3A_3] : memref<256x128xf32, #tpu.memory_space<vmem>>, vector<128x128xf32>
    %get3A_5 = arith.constant 128 : index
    %get3A_6 = arith.constant 0 : index
    %get3A_7 = vector.load %arg3[%get3A_5, %get3A_6] : memref<256x128xf32, #tpu.memory_space<vmem>>, vector<128x128xf32>
    %dot_general3A = arith.constant dense<0.000000e+00> : vector<1000x128xf32>
    %dot_general3A_8 = tpu.matmul %get3A_1, %get3A_4, %dot_general3A {dimension_numbers = #tpu.dot_dimension_numbers<[1], [0], [0], [1], [0, 0, 1, 1], [], []>, transpose_lhs_hint = false} : vector<1000x128xf32>, vector<128x128xf32>, vector<1000x128xf32> -> vector<1000x128xf32>
    %get3A_9 = arith.constant 0 : index
    %get3A_10 = arith.constant 0 : index
    %get3A_11 = vector.load %arg2[%get3A_9, %get3A_10] : memref<1000x128xf32, #tpu.memory_space<vmem>>, vector<1000x128xf32>
    %mul3A = arith.mulf %get3A_1, %get3A_11 : vector<1000x128xf32>
    %dot_general3A_12 = arith.constant dense<0.000000e+00> : vector<1000x128xf32>
    %dot_general3A_13 = tpu.matmul %mul3A, %get3A_7, %dot_general3A_12 {dimension_numbers = #tpu.dot_dimension_numbers<[1], [0], [0], [1], [0, 0, 1, 1], [], []>, transpose_lhs_hint = false} : vector<1000x128xf32>, vector<128x128xf32>, vector<1000x128xf32> -> vector<1000x128xf32>
    %add3A = arith.addf %dot_general3A_8, %dot_general3A_13 : vector<1000x128xf32>
    %get3A_14 = arith.constant 0 : index
    %get3A_15 = arith.constant 0 : index
    %get3A_16 = vector.load %arg4[%get3A_14, %get3A_15] : memref<1x128xf32, #tpu.memory_space<vmem>>, vector<1x128xf32>
    %add3A_17 = vector.broadcast %get3A_16 : vector<1x128xf32> to vector<1000x128xf32>
    %add3A_18 = arith.addf %add3A, %add3A_17 : vector<1000x128xf32>
    %swap3A = arith.constant 0 : index
    %swap3A_19 = arith.constant 0 : index
    %swap3A_20 = vector.load %arg5[%swap3A, %swap3A_19] : memref<1000x128xf32, #tpu.memory_space<vmem>>, vector<1000x128xf32>
    tpu.vector_store %arg5[%swap3A, %swap3A_19], %add3A_18 {strides = array<i32>} : memref<1000x128xf32, #tpu.memory_space<vmem>>, vector<1000x128xf32>,
    %slice3A = vector.extract_strided_slice %add3A_18 {offsets = [0, 0], sizes = [1000, 64], strides = [1, 1]} : vector<1000x128xf32> to vector<1000x64xf32>
    %swap3A_21 = arith.constant 0 : index
    %swap3A_22 = arith.constant 0 : index
    %swap3A_23 = arith.constant 0 : index
    %swap3A_24 = vector.load %arg6[%swap3A_21, %swap3A_22, %swap3A_23] : memref<2x1000x64xf32, #tpu.memory_space<vmem>>, vector<1x1000x64xf32>
    %swap3A_25 = vector.shape_cast %swap3A_24 : vector<1x1000x64xf32> to vector<1000x64xf32>
    %swap3A_26 = vector.shape_cast %slice3A : vector<1000x64xf32> to vector<1x1000x64xf32>
    tpu.vector_store %arg6[%swap3A_21, %swap3A_22, %swap3A_23], %swap3A_26 {strides = array<i32>} : memref<2x1000x64xf32, #tpu.memory_space<vmem>>, vector<1x1000x64xf32>,
    %slice3A_27 = vector.extract_strided_slice %add3A_18 {offsets = [0, 64], sizes = [1000, 64], strides = [1, 1]} : vector<1000x128xf32> to vector<1000x64xf32>
    %swap3A_28 = arith.constant 1 : index
    %swap3A_29 = arith.constant 0 : index
    %swap3A_30 = arith.constant 0 : index
    %swap3A_31 = vector.load %arg6[%swap3A_28, %swap3A_29, %swap3A_30] : memref<2x1000x64xf32, #tpu.memory_space<vmem>>, vector<1x1000x64xf32>
    %swap3A_32 = vector.shape_cast %swap3A_31 : vector<1x1000x64xf32> to vector<1000x64xf32>
    %swap3A_33 = vector.shape_cast %slice3A_27 : vector<1000x64xf32> to vector<1x1000x64xf32>
    tpu.vector_store %arg6[%swap3A_28, %swap3A_29, %swap3A_30], %swap3A_33 {strides = array<i32>} : memref<2x1000x64xf32, #tpu.memory_space<vmem>>, vector<1x1000x64xf32>,
    return
  }
  func.func @transform_0(%arg0: i32) -> (i32, i32) {
    %c0_i32 = arith.constant 0 : i32
    %c0_i32_0 = arith.constant 0 : i32
    return %arg0, %c0_i32 : i32, i32
  }
  func.func @transform_1(%arg0: i32) -> (i32, i32) {
    %c0_i32 = arith.constant 0 : i32
    %c0_i32_0 = arith.constant 0 : i32
    return %arg0, %c0_i32 : i32, i32
  }
  func.func @transform_2(%arg0: i32) -> (i32, i32) {
    %c0_i32 = arith.constant 0 : i32
    %c0_i32_0 = arith.constant 0 : i32
    %c0_i32_1 = arith.constant 0 : i32
    return %c0_i32, %c0_i32_0 : i32, i32
  }
  func.func @transform_3(%arg0: i32) -> (i32, i32) {
    %c0_i32 = arith.constant 0 : i32
    %c0_i32_0 = arith.constant 0 : i32
    %c0_i32_1 = arith.constant 0 : i32
    return %c0_i32, %c0_i32_0 : i32, i32
  }
  func.func @transform_4(%arg0: i32) -> (i32, i32) {
    %c0_i32 = arith.constant 0 : i32
    %c0_i32_0 = arith.constant 0 : i32
    return %arg0, %c0_i32 : i32, i32
  }
  func.func @transform_5(%arg0: i32) -> (i32, i32, i32) {
    %c0_i32 = arith.constant 0 : i32
    %c0_i32_0 = arith.constant 0 : i32
    %c0_i32_1 = arith.constant 0 : i32
    return %c0_i32, %arg0, %c0_i32_0 : i32, i32, i32
  }
}

</mosaic_0001>

<sc_bundles>
// kernel: kernel.5.cloned.1.call-start
scs
__scs_entry_jumppad:
0x0: {  	(pc) =	sbr.rel $0x88, $3  }
0x1: {  	(tag) =	ssettag $0x0;
	lr =	simm.s32 $0x1  }
0x2: {  	[smem:$0x3F9A] =	sst lr;
	_ =	strace $0xD0000000  }
0x3: {  	_ = 	snop  }
0x4: {  	_ = 	snop  }
0x5: {  	_ = 	snop  }
0x6: {  	_ = 	snop  }
0x7: {  	_ = 	snop  }
__scs_overlays_trampoline_lowered:
0x8: {  	[smem:$0x3FA9] =	sst s0  }
0x9: {  	[smem:$0x3FAA] =	sst s1  }
0xa: {  	[smem:$0x3FAB] =	sst s2  }
0xb: {  	[smem:$0x3FAC] =	sst s3  }
0xc: {  	[smem:$0x3FAD] =	sst s4  }
0xd: {  	[smem:$0x3FAE] =	sst s5  }
0xe: {  	[smem:$0x3FAF] =	sst s6  }
0xf: {  	[smem:$0x3FB0] =	sst s7  }
0x10: {  	[smem:$0x3FB1] =	sst s8  }
0x11: {  	[smem:$0x3FB2] =	sst s9;
	s0 =	simm.s32 @!p0 $0x0  }
0x12: {  	s1 =	sld [smem:$0x3F98];
	s0 =	simm.s32 @p0 $0x1  }
0x13: {  	[smem:$0x3FB3] =	sst s0;
	s0 =	simm.s32 @!p1 $0x0  }
0x14: {  	s2 =	sld [smem:$0x3F97];
	s0 =	simm.s32 @p1 $0x1  }
0x15: {  	[smem:$0x3FB4] =	sst s0;
	s0 =	simm.s32 @!p2 $0x0  }
0x16: {  	s3 =	sld [smem:$0x3FDB];
	s0 =	simm.s32 @p2 $0x1  }
0x17: {  	s4 =	simm.s32 $0x1BF5;
	[smem:$0x3FB6] =	sst s0  }
0x18: {  	s0 =	sld [smem:$0x3F99];
	_ =	swait.ge [sflag:s4], $0x0  }
0x19: {  	s7 =	sld [smem:$0x3F9A]  }
0x1a: {  	s8 =	sadd.s32 $0xFFFFE003, lr  }
0x1b: {  	s9 =	sadd.s32 $0xFFFFFEF7, lr;
	s5 =	simm.s32 $0xFFFFFFFF;
	p2 =	slt.u32 s8, $0xFFFFF086  }
0x1c: {  	p1 =	slt.u32 s9, $0xF7A;
	s5 =	simm.s32 @!p2 $0x0  }
0x1d: {  	s5 =	simm.s32 @p1 $0x1;
	p0 =	seq.s32 s7, s2  }
0x1e: {  	s7 =	smul.u32 @!p0 $0xF7A, s2;
	p2 =	seq.s32 @!p0 s5, $0x0  }
0x1f: {  	s9 =	smul.u32 $0xF7A, s1;
	s8 =	simm.s32 @!p0 $0x1BF5;
	p2 =	por !p2, p0  }
0x20: {  	[sflag:s8] =	ssyncset.s32 @!p0 $0xFFFFF086;
	s6 =	sadd.s32 @!p0 s3, s7;
	s7 =	simm.s32 @!p0 $0x108  }
0x21: {  	s3 =	sadd.s32 s3, s9;
	s6 =	sadd.s32 @!p0 $0x88, s6;
	s7 =	simm.s32 @p2 $0x1082  }
0x22: {  	[simem:s7], [sflag:s8] =	dma.local @!p0 [hbm:s6], $0xF7A  }
0x23: {  	s9 =	sor.u32 $0xD0000000, s2;
	s6 =	simm.s32 $0x108;
	_ =	swait.ge @!p0 [sflag:s8], $0x0  }
0x24: {  	s3 =	sadd.s32 $0x88, s3;
	s6 =	simm.s32 @!p1 $0x1082;
	[sflag:s4] =	ssyncset.s32 $0xFFFFF086  }
0x25: {  	[simem:s6], [sflag:s4] =	dma.local [hbm:s3], $0xF7A  }
0x26: {  	[smem:$0x3F9A] =	sst s1;
	(tag) =	ssettag s2;
	_ =	strace s9  }
0x27: {  	s1 =	sld [smem:$0x3FAA]  }
0x28: {  	s2 =	sld [smem:$0x3FAB]  }
0x29: {  	s4 =	sld [smem:$0x3FAD]  }
0x2a: {  	p0 =	seq.s32 s5, $0x0;
	s5 =	sld [smem:$0x3FAE]  }
0x2b: {  	s6 =	sld [smem:$0x3FAF]  }
0x2c: {  	s7 =	sld [smem:$0x3FB0]  }
0x2d: {  	s3 =	simm.s32 $0x108;
	s8 =	sld [smem:$0x3FB1]  }
0x2e: {  	s3 =	simm.s32 @!p0 $0x1082;
	s9 =	sld [smem:$0x3FB2]  }
0x2f: {  	lr =	sadd.s32 s0, s3;
	s0 =	sld [smem:$0x3FA9]  }
0x30: {  	s3 =	sld [smem:$0x3FAC]  }
0x31: {  	[smem:$0x3FB5] =	sst s10  }
0x32: {  	s10 =	sld [smem:$0x3FB3];
	_ =	sdelay $0x3  }
0x33: {  	p0 =	seq.s32 s10, $0x1;
	s10 =	sld [smem:$0x3FB5];
	_ =	sdelay $0x3  }
0x34: {  	[smem:$0x3FB5] =	sst s10  }
0x35: {  	s10 =	sld [smem:$0x3FB4];
	_ =	sdelay $0x3  }
0x36: {  	p1 =	seq.s32 s10, $0x1;
	s10 =	sld [smem:$0x3FB5];
	_ =	sdelay $0x3  }
0x37: {  	[smem:$0x3FB5] =	sst s10  }
0x38: {  	s10 =	sld [smem:$0x3FB6]  }
0x39: {  	_ = 	snop;
	(pc) =	sbr.ind lr, $3  }
0x3a: {  	_ = 	snop  }
0x3b: {  	_ = 	snop  }
0x3c: {  	p2 =	seq.s32 s10, $0x1;
	s10 =	sld [smem:$0x3FB5]  }
0x3d: {  	_ =	shalt  }
0x3e: {  	_ =	shalt  }
0x3f: {  	_ =	shalt  }
0x40: {  	_ =	shalt  }
0x41: {  	_ =	shalt  }
0x42: {  	_ =	shalt  }
0x43: {  	_ =	shalt  }
0x44: {  	_ =	shalt  }
0x45: {  	_ =	shalt  }
0x46: {  	_ =	shalt  }
0x47: {  	_ =	shalt  }
0x48: {  	_ =	shalt  }
0x49: {  	_ =	shalt  }
0x4a: {  	_ =	shalt  }
0x4b: {  	_ =	shalt  }
0x4c: {  	_ =	shalt  }
0x4d: {  	_ =	shalt  }
0x4e: {  	_ =	shalt  }
0x4f: {  	_ =	shalt  }
0x50: {  	_ =	shalt  }
0x51: {  	_ =	shalt  }
0x52: {  	_ =	shalt  }
0x53: {  	_ =	shalt  }
0x54: {  	_ =	shalt  }
0x55: {  	_ =	shalt  }
0x56: {  	_ =	shalt  }
0x57: {  	_ =	shalt  }
0x58: {  	_ =	shalt  }
0x59: {  	_ =	shalt  }
0x5a: {  	_ =	shalt  }
0x5b: {  	_ =	shalt  }
0x5c: {  	_ =	shalt  }
0x5d: {  	_ =	shalt  }
0x5e: {  	_ =	shalt  }
0x5f: {  	_ =	shalt  }
0x60: {  	_ =	shalt  }
0x61: {  	_ =	shalt  }
0x62: {  	_ =	shalt  }
0x63: {  	_ =	shalt  }
0x64: {  	_ =	shalt  }
0x65: {  	_ =	shalt  }
0x66: {  	_ =	shalt  }
0x67: {  	_ =	shalt  }
0x68: {  	_ =	shalt  }
0x69: {  	_ =	shalt  }
0x6a: {  	_ =	shalt  }
0x6b: {  	_ =	shalt  }
0x6c: {  	_ =	shalt  }
0x6d: {  	_ =	shalt  }
0x6e: {  	_ =	shalt  }
0x6f: {  	_ =	shalt  }
0x70: {  	_ =	shalt  }
0x71: {  	_ =	shalt  }
0x72: {  	_ =	shalt  }
0x73: {  	_ =	shalt  }
0x74: {  	_ =	shalt  }
0x75: {  	_ =	shalt  }
0x76: {  	_ =	shalt  }
0x77: {  	_ =	shalt  }
0x78: {  	_ =	shalt  }
0x79: {  	_ =	shalt  }
0x7a: {  	_ =	shalt  }
0x7b: {  	_ =	shalt  }
0x7c: {  	_ =	shalt  }
0x7d: {  	_ =	shalt  }
0x7e: {  	_ =	shalt  }
0x7f: {  	_ =	shalt  }
0x80: {  	_ =	shalt  }
0x81: {  	_ =	shalt  }
0x82: {  	_ =	shalt  }
0x83: {  	_ =	shalt  }
0x84: {  	_ =	shalt  }
0x85: {  	_ =	shalt  }
0x86: {  	_ =	shalt  }
0x87: {  	_ =	shalt  }
.Lfunc_end0:
.L_simem_size_0:
called_computation_lowered:
.L_overlay_start_0:
0x88: {  	s2 =	sld [smem:$0x3FD9]  }
0x89: {  	s3 =	sld [smem:$0x3FFE];
	_ =	sdelay $0x1  }
0x8a: {  	s1 =	srdreg.scid  }
0x8b: {  	s0 =	sand.u32 $0x1, s1  }
0x8c: {  	s15 =	sshll.u32 s0, $0xA;
	s2 =	sadd.s32 s3, s2  }
0x8d: {  	s2 =	sadd.s32 s2, s15  }
0x8e: {  	[smem:$0x3FC1] =	sst s2  }
0x8f: {  	_ = 	snop  }
0x90: {  	s2 =	sld [smem:$0x3FC8]  }
0x91: {  	s16 =	sld [smem:$0x3FD0]  }
0x92: {  	s4 =	sld [smem:$0x3FC7]  }
0x93: {  	s5 =	sld [smem:$0x3FC6]  }
0x94: {  	s7 =	simm.s32 $0xA;
	s8 =	simm.s32 $0x10;
	s6 =	sld [smem:$0x3FC5]  }
0x95: {  	[smem:s8], [sflag:s7] =	dma.local [hbm:s16], $0x1  }
0x96: {  	_ =	swait.eq [sflag:s7], $0x1  }
0x97: {  	[sflag:s7] =	ssyncset.done $0x0  }
0x98: {  	[sflag:s7] =	ssyncadd.s32 $0xFFFFFFFF  }
0x99: {  	s17 =	sld [smem:$0x10];
	(tm) =	ssettm $0x1  }
0x9a: {  	s18 =	sld [smem:$0x3FFB];
	_ =	sdelay $0x3  }
0x9b: {  	_ =	strace s18  }
0x9c: {  	s7 =	sld [smem:$0x3FFC];
	_ =	sdelay $0x3  }
0x9d: {  	_ =	strace s7  }
0x9e: {  	s7 =	sld [smem:$0x3FFD];
	_ =	sdelay $0x3  }
0x9f: {  	_ =	strace s7  }
0xa0: {  	_ =	strace $0x8FFFFFFF  }
0xa1: {  	s19 =	sld [smem:$0x3FDB];
	_ =	sdelay $0x1  }
0xa2: {  	s20 =	simm.s32 $_scs_section_size  }
0xa3: {  	s9 =	simm.s32 $_size__tile_overlayer_lowered;
	s10 =	simm.s32 $_tile_overlayer_lowered  }
0xa4: {  	s23 =	simm.s32 $0x1BFF;
	s22 =	sshll.u32 s10, $0x1;
	s7 =	sadd.s32 s20, s19  }
0xa5: {  	s11 =	simm.s32 $0x0;
	s21 =	sshll.u32 s9, $0x1;
	s9 =	sadd.s32 s22, s7  }
0xa6: {  	[timem:s11], [sflag:s23] =	dma.local [hbm:s9], s21  }
0xa7: {  	_ =	swait.ge [sflag:s23], s21  }
0xa8: {  	s8 =	ssub.s32 $0x0, s21;
	[sflag:s23] =	ssyncset.done $0x0  }
0xa9: {  	[sflag:s23] =	ssyncadd.s32 s8;
	_ =	sdelay $0x1  }
0xaa: {  	s24 =	simm.s32 $0x1B8B  }
0xab: {  	_ =	swait.ge [sflag:s24], $0x1  }
0xac: {  	[sflag:s24] =	ssyncset.done $0x0  }
0xad: {  	s25 =	simm.s32 $0x1B8E;
	[sflag:s24] =	ssyncadd.s32 $0xFFFFFFFF  }
0xae: {  	s26 =	simm.s32 $execute0_lowered;
	[smem:$0x3FD2] =	sst s25  }
0xaf: {  	s8 =	sshll.u32 s26, $0x1;
	_ =	strace $0x80000046;
	[dreg:$0x1] =	wrdreg $0xFFFFFFFF  }
0xb0: {  	s28 =	simm.s32 $_size_execute0_lowered;
	s7 =	sadd.s32 s7, s8;
	[dreg:$0x0] =	wrdreg $0x0  }
0xb1: {  	s8 =	sshll.u32 s28, $0x1;
	[dreg:$0x2] =	wrdreg s7  }
0xb2: {  	[dreg:$0x3] =	wrdreg s8  }
0xb3: {  	[dreg:$0x4] =	wrdreg $0xC0  }
0xb4: {  	_ =	task [dreg:s11], $0x5FFFF  }
0xb5: {  	[dreg:$0x1] =	wrdreg $0xFFFFFFFF  }
0xb6: {  	[dreg:$0x0] =	wrdreg $0x60  }
0xb7: {  	[dreg:$0x2] =	wrdreg s2  }
0xb8: {  	[dreg:$0x3] =	wrdreg s5  }
0xb9: {  	[dreg:$0x4] =	wrdreg s4  }
0xba: {  	[dreg:$0x5] =	wrdreg s6  }
0xbb: {  	[dreg:$0x6] =	wrdreg s17  }
0xbc: {  	[dreg:$0x7] =	wrdreg $0x14E600  }
0xbd: {  	[dreg:$0x8] =	wrdreg $0x9  }
0xbe: {  	_ =	task.clear_ibuf [dreg:s11], $0x9FFFF;
	_ =	strace $0x90000046  }
0xbf: {  	s29 =	simm.s32 $0x9;
	_ =	strace $0x80000048  }
0xc0: {  	_ =	swait.ge [sflag:s29], $0x1  }
0xc1: {  	[sflag:s29] =	ssyncadd.s32 $0xFFFFFFFF  }
0xc2: {  	_ =	strace $0x90000048  }
0xc3: {  	_ =	sfence  }
0xc4: {  	s30 =	sld [smem:$0x0];
	_ =	sdelay $0x2  }
0xc5: {  	s31 =	sshll.u32 s1, $0xD;
	s1 =	sshrl.u32 s1, $0x2  }
0xc6: {  	s3 =	sand.u32 $0x4000, s31;
	s1 =	sadd.s32 s1, s30  }
0xc7: {  	s0 =	sor.u32 s3, s0;
	s1 =	sshll.u32 s1, $0x11  }
0xc8: {  	s0 =	sor.u32 s1, s0  }
0xc9: {  	s0 =	sadd.s32 $0x8F2B, s0  }
0xca: {  	[sflag:s0] =	ssyncadd.remote.s32 $0x1  }
0xcb: {  	_ =	sfence.sel $0xFFFF  }
0xcc: {  	[dreg:$0x0] =	wrdreg $0xFFFFFFFF;
	(pc) =	sbr.abs _section_cstart, $3  }
0xcd: {  	[dreg:$0x1] =	wrdreg $0xFFFFFFFF  }
0xce: {  	_ =	task.clear_ibuf [dreg:s11], $0x2FFFF;
	_ =	strace $0x9FFFFFFF  }
0xcf: {  	(tm) =	ssettm $0x7FFFFFFF  }
tec
execute0_lowered:
.L_overlay_start_1:
0x0: {  	(tag) =	ssettag $0x1  }
0x1: {  	s0 =	rddreg [dreg:$0x0]  }
0x2: {  	s1 =	rddreg [dreg:$0x1]  }
0x3: {  	s2 =	rddreg [dreg:$0x2]  }
0x4: {  	s4 =	rddreg [dreg:$0x3]  }
0x5: {  	s5 =	rddreg [dreg:$0x4]  }
0x6: {  	s3 =	rddreg [dreg:$0x5];
	s22 =	stileid.u32  }
0x7: {  	s6 =	srdreg.scid;
	s21 =	smul.u32 $0x9C4, s22  }
0x8: {  	s30 =	simm.s32 $0x50;
	s8 =	sor.u32 $0x10, s22;
	s9 =	smul.u32 $0x2800, s22  }
0x9: {  	s31 =	simm.s32 $0xEA60;
	s12 =	sor.u32 $0x20, s22;
	s13 =	smul.u32 $0x2800, s8  }
0xa: {  	s28 =	simm.s32 $0x1;
	s14 =	sor.u32 $0x30, s22;
	s23 =	smul.u32 $0x2800, s12  }
0xb: {  	s10 =	sand.u32 $0x1, s6;
	s18 =	sor.u32 $0x70, s22;
	s15 =	smul.u32 $0x2800, s14  }
0xc: {  	s29 =	simm.s32 $0x11260;
	s7 =	ssub.s32 $0x2, s10;
	s20 =	smul.u32 $0x2800, s18  }
0xd: {  	s17 =	sshll.u32 s10, $0x6;
	s8 =	smul.u32 $0x5000, s8;
	p0 =	sgt.u32 s18, $0x7C  }
0xe: {  	s11 =	sshrl.u32 s7, $0x1;
	s1 =	sadd.s32 s1, s21;
	s2 =	sadd.s32 s2, s21  }
0xf: {  	s4 =	sadd.s32 s4, s21;
	s9 =	sor.u32 s17, s9;
	[dreg:$0x7] =	wrdreg s1  }
0x10: {  	s11 =	ssub.s32 s7, s11;
	s1 =	sor.u32 $0x40, s22;
	[dreg:$0x8] =	wrdreg s2  }
0x11: {  	s2 =	sor.u32 $0x50, s22;
	[dreg:$0x9] =	wrdreg s4;
	s4 =	sor.u32 $0x60, s22  }
0x12: {  	s13 =	sor.u32 s17, s13;
	s21 =	sor.u32 s17, s23;
	s16 =	smul.u32 $0x2800, s1  }
0x13: {  	s15 =	sor.u32 s17, s15;
	s7 =	simm.s32 $0x0;
	s24 =	smul.u32 $0x2800, s2  }
0x14: {  	s9 =	sshrl.u32 s9, $0x3;
	s8 =	sshrl.u32 s8, $0x2;
	s19 =	smul.u32 $0x2800, s4  }
0x15: {  	s9 =	sadd.s32 s5, s9;
	s25 =	sshrl.u32 s13, $0x3;
	s13 =	smul.u32 $0x5000, s12  }
0x16: {  	s26 =	sshrl.u32 s21, $0x3;
	s21 =	sshrl.u32 s15, $0x3;
	s1 =	smul.u32 $0x5000, s1  }
0x17: {  	[smem:$0x7FF] =	sst s7;
	s15 =	smax.u32 s11, $0x1;
	s2 =	smul.u32 $0x5000, s2  }
0x18: {  	s4 =	smul.u32 $0x5000, s4;
	s11 =	simm.s32 $0x8;
	s12 =	simm.s32 $0x10  }
0x19: {  	[dreg:$0xa] =	wrdreg s9;
	s9 =	sadd.s32 s5, s25;
	s16 =	sor.u32 s17, s16  }
0x1a: {  	s6 =	sor.u32 s17, s24;
	s19 =	sor.u32 s17, s19;
	s17 =	sor.u32 s17, s20  }
0x1b: {  	[dreg:$0xb] =	wrdreg s9;
	s20 =	sadd.s32 s5, s26;
	s9 =	sadd.s32 s5, s21  }
0x1c: {  	s26 =	smul.u32 $0x5000, s22;
	s1 =	sshrl.u32 s1, $0x2;
	[dreg:$0xc] =	wrdreg s20  }
0x1d: {  	s22 =	sshrl.u32 s2, $0x2;
	s2 =	simm.s32 $0x2;
	[dreg:$0xd] =	wrdreg s9  }
0x1e: {  	s23 =	sshrl.u32 s16, $0x3;
	s6 =	sshrl.u32 s6, $0x3;
	s24 =	sshrl.u32 s19, $0x3  }
0x1f: {  	s25 =	sshrl.u32 s17, $0x3;
	s16 =	smul.u32 $0x5000, s14;
	s20 =	sadd.s32 s8, s3  }
0x20: {  	s17 =	smul.u32 $0x5000, s18;
	s1 =	sadd.s32 s1, s3;
	s9 =	sadd.s32 s5, s23  }
0x21: {  	s8 =	simm.s32 $0x4;
	s6 =	sadd.s32 s5, s6;
	[dreg:$0xe] =	wrdreg s9  }
0x22: {  	s23 =	sshrl.u32 s4, $0x2;
	[dreg:$0xf] =	wrdreg s6;
	s6 =	sadd.s32 s5, s24  }
0x23: {  	s4 =	simm.s32 $0x12660;
	s5 =	sadd.s32 s5, s25;
	[dreg:$0x10] =	wrdreg s6  }
0x24: {  	s9 =	sshrl.u32 s26, $0x2;
	s24 =	sshrl.u32 s17, $0x2;
	[dreg:$0x11] =	wrdreg s5  }
0x25: {  	s25 =	sadd.s32 s23, s3;
	_ =	strace $0x80000047;
	[dreg:$0x12] =	wrdreg s15  }
0x26: {  	s19 =	sadd.s32 s9, s3;
	s5 =	sshrl.u32 s13, $0x2;
	[dreg:$0x15] =	wrdreg s1  }
0x27: {  	s6 =	sshrl.u32 s16, $0x2;
	s26 =	sadd.s32 s24, s3;
	[dreg:$0x17] =	wrdreg s25  }
0x28: {  	s18 =	sadd.s32 s5, s3;
	s21 =	sadd.s32 s6, s3;
	[dreg:$0x18] =	wrdreg s26  }
0x29: {  	s1 =	sadd.s32 s22, s3;
	s25 =	simm.s32 $0x13A60;
	[dreg:$0x14] =	wrdreg s21  }
0x2a: {  	s26 =	simm.s32 $0x9;
	s5 =	simm.s32 $0x3;
	[dreg:$0x16] =	wrdreg s1  }
0x2b: {  	v1 =	vimm.f32 $0.0e+00;
	v0 =	vmov s10;
	s6 =	simm.s32 $0x5;
	s1 =	simm.s32 $0xFE60;
	[dreg:$0x13] =	wrdreg s18  }
.LBB2_1:
0x2c: {  	s13 =	simm.s32 $0x100;
	s10 =	simm.s32 $0x0  }
.LBB2_2:
0x2d: {  	p1 =	sne.s32 s13, $0x4F00;
	[tilespmem:s10+$0x13A90] =	vst v1;
	s14 =	smov.u32 s13;
	s13 =	sadd.s32 $0x100, s13  }
.Ltmp0:
0x2e: {  	[tilespmem:s10+$0x13A80] =	vst v1;
	(pc) =	sbr.rel @p1 .LBB2_2-.Ltmp0, $3  }
0x2f: {  	[tilespmem:s10+$0x13A60] =	vst v1  }
0x30: {  	[tilespmem:s10+$0x13A70] =	vst v1;
	_ =	sdelay $0x1  }
0x31: {  	s10 =	sshra.s32 s14, $0x2  }
0x32: {  	[tilespmem:s10+$0x13A90] =	vst v1  }
0x33: {  	[tilespmem:s10+$0x13A80] =	vst v1  }
0x34: {  	[tilespmem:s10+$0x13A60] =	vst v1  }
0x35: {  	[tilespmem:s10+$0x13A70] =	vst v1  }
0x36: {  	[spmem:s19] =	stream.linear.scatter [tilespmem:s25], [sflag:$0x9], $0x1400, $0x38;
	[tilespmem:$0x1EAA0] =	vst v63  }
0x37: {  	_ =	swait.ge [sflag:s26], $0x1400  }
0x38: {  	[sflag:s26] =	ssyncset.done $0x0  }
0x39: {  	[sflag:s26] =	ssyncadd.s32 $0xFFFFEC00  }
0x3a: {  	[spmem:s20] =	stream.linear.scatter [tilespmem:s25], [sflag:$0x9], $0x1400, $0x38;
	[tilespmem:$0x1EAA0] =	vst v63  }
0x3b: {  	_ =	swait.ge [sflag:s26], $0x1400  }
0x3c: {  	[sflag:s26] =	ssyncset.done $0x0  }
0x3d: {  	[sflag:s26] =	ssyncadd.s32 $0xFFFFEC00  }
0x3e: {  	[spmem:s18] =	stream.linear.scatter [tilespmem:s25], [sflag:$0x9], $0x1400, $0x38;
	[tilespmem:$0x1EAA0] =	vst v63  }
0x3f: {  	_ =	swait.ge [sflag:s26], $0x1400  }
0x40: {  	[sflag:s26] =	ssyncset.done $0x0  }
0x41: {  	s15 =	rddreg [dreg:$0x14];
	[sflag:s26] =	ssyncadd.s32 $0xFFFFEC00  }
0x42: {  	[spmem:s15] =	stream.linear.scatter [tilespmem:s25], [sflag:$0x9], $0x1400, $0x38;
	[tilespmem:$0x1EAA0] =	vst v63  }
0x43: {  	_ =	swait.ge [sflag:s26], $0x1400  }
0x44: {  	[sflag:s26] =	ssyncset.done $0x0  }
0x45: {  	s16 =	rddreg [dreg:$0x15];
	[sflag:s26] =	ssyncadd.s32 $0xFFFFEC00  }
0x46: {  	[spmem:s16] =	stream.linear.scatter [tilespmem:s25], [sflag:$0x9], $0x1400, $0x38;
	[tilespmem:$0x1EAA0] =	vst v63  }
0x47: {  	_ =	swait.ge [sflag:s26], $0x1400  }
0x48: {  	[sflag:s26] =	ssyncset.done $0x0  }
0x49: {  	s17 =	rddreg [dreg:$0x16];
	[sflag:s26] =	ssyncadd.s32 $0xFFFFEC00  }
0x4a: {  	[spmem:s17] =	stream.linear.scatter [tilespmem:s25], [sflag:$0x9], $0x1400, $0x38;
	[tilespmem:$0x1EAA0] =	vst v63  }
0x4b: {  	_ =	swait.ge [sflag:s26], $0x1400  }
0x4c: {  	[sflag:s26] =	ssyncset.done $0x0  }
0x4d: {  	s18 =	rddreg [dreg:$0x17];
	[sflag:s26] =	ssyncadd.s32 $0xFFFFEC00  }
0x4e: {  	[spmem:s18] =	stream.linear.scatter [tilespmem:s25], [sflag:$0x9], $0x1400, $0x38;
	[tilespmem:$0x1EAA0] =	vst v63  }
0x4f: {  	_ =	swait.ge [sflag:s26], $0x1400  }
0x50: {  	[sflag:s26] =	ssyncset.done $0x0  }
0x51: {  	s10 =	simm.s32 @!p0 $0x13A60;
	s13 =	rddreg [dreg:$0x18];
	[sflag:s26] =	ssyncadd.s32 $0xFFFFEC00  }
0x52: {  	[spmem:s13] =	stream.linear.scatter @!p0 [tilespmem:s10], [sflag:$0x9], $0x1400, $0x38;
	[tilespmem:$0x1EAA0] =	vst v63  }
0x53: {  	s10 =	simm.s32 @!p0 $0x9  }
0x54: {  	_ =	swait.ge @!p0 [sflag:s10], $0x1400  }
0x55: {  	s24 =	smov.u32 s19;
	s9 =	smov.u32 s20;
	[sflag:s10] =	ssyncset.done @!p0 $0x0  }
0x56: {  	s19 =	simm.s32 $0x0;
	s20 =	rddreg [dreg:$0x7];
	[sflag:s10] =	ssyncadd.s32 @!p0 $0xFFFFEC00  }
0x57: {  	[tilespmem:s19], [sflag:$0x9] =	stream.linear.gather [hbm4b:s20+s19], $0x4E20, $0x38;
	[tilespmem:$0x1EAA0] =	vst v63  }
0x58: {  	_ =	swait.ge [sflag:s26], $0x4E20  }
0x59: {  	[sflag:s26] =	ssyncset.done $0x0  }
0x5a: {  	s14 =	simm.s32 $0x4E20;
	s21 =	rddreg [dreg:$0x8];
	[sflag:s26] =	ssyncadd.s32 $0xFFFFB1E0  }
0x5b: {  	[tilespmem:s14], [sflag:$0x9] =	stream.linear.gather [hbm4b:s21+s19], $0x4E20, $0x38;
	[tilespmem:$0x1EAA0] =	vst v63  }
0x5c: {  	_ =	swait.ge [sflag:s26], $0x4E20  }
0x5d: {  	[sflag:s26] =	ssyncset.done $0x0  }
0x5e: {  	s23 =	simm.s32 $0x9C40;
	s22 =	rddreg [dreg:$0x9];
	[sflag:s26] =	ssyncadd.s32 $0xFFFFB1E0  }
0x5f: {  	[tilespmem:s23], [sflag:$0x9] =	stream.linear.gather [hbm4b:s22+s19], $0x4E20, $0x38;
	[tilespmem:$0x1EAA0] =	vst v63  }
0x60: {  	_ =	swait.ge [sflag:s26], $0x4E20  }
0x61: {  	[sflag:s26] =	ssyncset.done $0x0  }
0x62: {  	s10 =	simm.s32 $0x0;
	[sflag:s26] =	ssyncadd.s32 $0xFFFFB1E0  }
0x63: {  	v4 =	vld [tilespmem:s10+$0x0]  }
0x64: {  	v5 =	vld [tilespmem:s10+$0x10]  }
0x65: {  	v3 =	vld [tilespmem:s10+$0x20]  }
0x66: {  	s13 =	simm.s32 $0x140;
	v2 =	vld [tilespmem:s10+$0x30]  }
.LBB2_4:
0x67: {  	p1 =	sne.s32 s13, $0x13740;
	v6 =	vld [tilespmem:s10+$0x40]  }
0x68: {  	v4 =	vshll.u32 v4, $0x1  }
0x69: {  	v4 =	vor.u32 v0, v4;
	v5 =	vshll.u32 v5, $0x1  }
.Ltmp1:
0x6a: {  	s14 =	sshra.s32 s13, $0x2;
	[tilespmem:s10+$0x0] =	vst v4;
	v5 =	vor.u32 v0, v5;
	v3 =	vshll.u32 v3, $0x1;
	(pc) =	sbr.rel @p1 .LBB2_4-.Ltmp1, $4  }
0x6b: {  	v4 =	vld [tilespmem:s14+$0x0];
	[tilespmem:s10+$0x10] =	vst v5;
	v3 =	vor.u32 v0, v3;
	v2 =	vshll.u32 v2, $0x1  }
0x6c: {  	v5 =	vld [tilespmem:s14+$0x10];
	[tilespmem:s10+$0x20] =	vst v3;
	v2 =	vor.u32 v0, v2;
	v6 =	vshll.u32 v6, $0x1  }
0x6d: {  	v3 =	vld [tilespmem:s14+$0x20];
	[tilespmem:s10+$0x30] =	vst v2;
	v6 =	vor.u32 v0, v6  }
0x6e: {  	s13 =	sadd.s32 $0x140, s13;
	v2 =	vld [tilespmem:s14+$0x30];
	[tilespmem:s10+$0x40] =	vst v6;
	s10 =	smov.u32 s14  }
0x6f: {  	v6 =	vld [tilespmem:s10+$0x40]  }
0x70: {  	v4 =	vshll.u32 v4, $0x1  }
0x71: {  	v4 =	vor.u32 v0, v4;
	v5 =	vshll.u32 v5, $0x1  }
0x72: {  	[tilespmem:s10+$0x0] =	vst v4;
	v63 =	vor.u32 v0, v5;
	v3 =	vshll.u32 v3, $0x1  }
0x73: {  	[tilespmem:s10+$0x10] =	vst v63;
	v3 =	vor.u32 v0, v3;
	v2 =	vshll.u32 v2, $0x1  }
0x74: {  	[tilespmem:s10+$0x20] =	vst v3;
	v2 =	vor.u32 v0, v2;
	v3 =	vshll.u32 v6, $0x1  }
0x75: {  	[tilespmem:s10+$0x30] =	vst v2;
	v2 =	vor.u32 v0, v3  }
0x76: {  	[tilespmem:s10+$0x40] =	vst v2  }
0x77: {  	s13 =	simm.s32 $0x0;
	[bflag:$0x0] =	sbarrier.arrive $0xFFFF  }
0x78: {  	[tilespmem:s31], [sflag:$0x1] =	stream.indirect.gather [hbm4b:s0+s30], $0x40, s13, s30, $0xb8;
	[tilespmem:$0x1EAA0] =	vst v63  }
.LBB2_6:
0x79: {  	p1 =	seq.s32 s13, $0x0  }
0x7a: {  	s15 =	smul.u32 $0x500, s13;
	s10 =	simm.s32 @!p1 $0x6  }
0x7b: {  	_ =	swait.ge @!p1 [sflag:s10], $0x1400  }
0x7c: {  	s14 =	sadd.s32 $0x140, s15;
	[sflag:s10] =	ssyncset.done @!p1 $0x0  }
0x7d: {  	s16 =	sshra.s32 s14, $0x2;
	[sflag:s10] =	ssyncadd.s32 @!p1 $0xFFFFEC00  }
0x7e: {  	[tilespmem:s1], [sflag:$0x2] =	stream.indirect.gather [hbm4b:s0+s30], $0x40, s16, s30, $0xb8;
	[tilespmem:$0x1EAA0] =	vst v63  }
0x7f: {  	s14 =	sshra.s32 s15, $0x2;
	_ =	swait.ge [sflag:s28], $0x1400  }
0x80: {  	s17 =	sadd.s32 $0x9C40, s14;
	[sflag:s28] =	ssyncset.done $0x0  }
0x81: {  	s10 =	simm.s32 $0xEAE0;
	v2 =	vmov s17;
	s17 =	simm.s32 $0x0;
	[sflag:s28] =	ssyncadd.s32 $0xFFFFEC00  }
.LBB2_7:
0x82: {  	_ =	sdelay $0x2  }
0x83: {  	s18 =	sshll.u32 s17, $0x4  }
0x84: {  	v3 =	vld.idx.msk [tilespmem:v2+s18+$0x0 ss:$0x1], $0xffff;
	_ =	sdelay $0x1  }
0x85: {  	v4 =	vld [tilespmem:s10+$0xFFFFFF80]  }
0x86: {  	s20 =	simm.s32 $0x0;
	v5 =	vld [tilespmem:s10+$0xFFFFFF90]  }
0x87: {  	v7 =	vld [tilespmem:s10+$0xFFFFFFA0];
	v6 =	vmov s20  }
0x88: {  	v8 =	vld [tilespmem:s10+$0xFFFFFFB0];
	v6 =	vperm.xlane v3, v6  }
0x89: {  	v9 =	vld [tilespmem:s10+$0xFFFFFFC0]  }
0x8a: {  	s21 =	simm.s32 $0x1;
	v10 =	vld [tilespmem:s10+$0xFFFFFFD0];
	v4 =	vmul.f32 v4, v6  }
0x8b: {  	v12 =	vld [tilespmem:s10+$0xFFFFFFE0];
	v11 =	vmov s21;
	v5 =	vmul.f32 v5, v6  }
0x8c: {  	v7 =	vmul.f32 v7, v6;
	[tilespmem:s10+$0xFFFFFF80] =	vst v4;
	v4 =	vperm.xlane v3, v11;
	v11 =	vld [tilespmem:s10+$0x0]  }
0x8d: {  	s22 =	simm.s32 $0x2;
	v13 =	vld [tilespmem:s10+$0x10];
	[tilespmem:s10+$0xFFFFFF90] =	vst v5;
	v5 =	vmul.f32 v8, v6  }
0x8e: {  	[tilespmem:s10+$0xFFFFFFA0] =	vst v7;
	v6 =	vmov s22;
	v7 =	vmul.f32 v9, v4;
	v9 =	vld [tilespmem:s10+$0x20]  }
0x8f: {  	[tilespmem:s10+$0xFFFFFFB0] =	vst v5;
	v8 =	vmul.f32 v10, v4;
	v5 =	vperm.xlane v3, v6;
	v6 =	vld [tilespmem:s10+$0x30]  }
0x90: {  	v10 =	vmul.f32 v12, v4;
	[tilespmem:s10+$0xFFFFFFC0] =	vst v7;
	v7 =	vld [tilespmem:s10+$0x40]  }
0x91: {  	s23 =	simm.s32 $0x3;
	[tilespmem:s10+$0xFFFFFFD0] =	vst v8;
	v8 =	vld [tilespmem:s10+$0x50];
	v11 =	vmul.f32 v11, v5  }
0x92: {  	v14 =	vmov s23;
	[tilespmem:s10+$0xFFFFFFE0] =	vst v10;
	v12 =	vmul.f32 v13, v5;
	v10 =	vld [tilespmem:s10+$0x60]  }
0x93: {  	s19 =	simm.s32 $0x4;
	s18 =	smov.u32 s10;
	s20 =	smov.u32 s10;
	[tilespmem:s10+$0x0] =	vst v11;
	v13 =	vmul.f32 v9, v5;
	v9 =	vperm.xlane v3, v14;
	v11 =	vld [tilespmem:s10+$0x70]  }
.LBB2_8:
0x94: {  	p2 =	slt.u32 s19, $0xC;
	v14 =	vld [tilespmem:s18+$0xFFFFFFF0];
	[tilespmem:s18+$0x10] =	vst v12;
	v5 =	vmul.f32 v6, v5;
	s20 =	sadd.s32 $0x100, s20  }
0x95: {  	v6 =	vld [tilespmem:s20+$0xFFFFFF80];
	[tilespmem:s18+$0x20] =	vst v13;
	v7 =	vmul.f32 v7, v9  }
0x96: {  	v12 =	vld [tilespmem:s20+$0xFFFFFF90];
	[tilespmem:s18+$0x30] =	vst v5;
	v5 =	vmul.f32 v8, v9  }
0x97: {  	v8 =	vmov s19;
	v13 =	vld [tilespmem:s20+$0xFFFFFFA0];
	[tilespmem:s18+$0x40] =	vst v7;
	v7 =	vmul.f32 v10, v9  }
0x98: {  	v8 =	vperm.xlane v3, v8;
	v10 =	vld [tilespmem:s20+$0xFFFFFFB0];
	[tilespmem:s18+$0x50] =	vst v5;
	v5 =	vmul.f32 v11, v9  }
0x99: {  	v9 =	vld [tilespmem:s20+$0xFFFFFFC0];
	v4 =	vmul.f32 v14, v4;
	[tilespmem:s18+$0x60] =	vst v7  }
0x9a: {  	s21 =	sadd.s32 $0x1, s19;
	v6 =	vmul.f32 v6, v8;
	v7 =	vld [tilespmem:s20+$0xFFFFFFD0];
	[tilespmem:s18+$0x70] =	vst v5  }
0x9b: {  	v11 =	vmov s21;
	v5 =	vmul.f32 v12, v8;
	v12 =	vld [tilespmem:s20+$0xFFFFFFE0];
	[tilespmem:s18+$0xFFFFFFF0] =	vst v4;
	s18 =	smov.u32 s20  }
0x9c: {  	v4 =	vperm.xlane v3, v11;
	[tilespmem:s20+$0xFFFFFF80] =	vst v6;
	v6 =	vmul.f32 v13, v8;
	v11 =	vld [tilespmem:s20+$0x0]  }
0x9d: {  	s21 =	sadd.s32 $0x2, s19;
	[tilespmem:s20+$0xFFFFFF90] =	vst v5;
	v5 =	vmul.f32 v10, v8;
	v10 =	vld [tilespmem:s20+$0x10]  }
0x9e: {  	[tilespmem:s20+$0xFFFFFFA0] =	vst v6;
	v8 =	vmul.f32 v9, v4;
	v6 =	vmov s21;
	v9 =	vld [tilespmem:s20+$0x20]  }
.Ltmp2:
0x9f: {  	[tilespmem:s20+$0xFFFFFFB0] =	vst v5;
	v13 =	vmul.f32 v7, v4;
	v5 =	vperm.xlane v3, v6;
	v6 =	vld [tilespmem:s20+$0x30];
	(pc) =	sbr.rel @p2 .LBB2_8-.Ltmp2, $4  }
0xa0: {  	[tilespmem:s20+$0xFFFFFFC0] =	vst v8;
	v12 =	vmul.f32 v12, v4;
	v7 =	vld [tilespmem:s20+$0x40]  }
0xa1: {  	s21 =	sadd.s32 $0x3, s19;
	[tilespmem:s20+$0xFFFFFFD0] =	vst v13;
	v11 =	vmul.f32 v11, v5;
	v8 =	vld [tilespmem:s20+$0x50]  }
0xa2: {  	v14 =	vmov s21;
	[tilespmem:s20+$0xFFFFFFE0] =	vst v12;
	v12 =	vmul.f32 v10, v5;
	v10 =	vld [tilespmem:s20+$0x60]  }
0xa3: {  	s19 =	sadd.s32 $0x4, s19;
	[tilespmem:s20+$0x0] =	vst v11;
	v13 =	vmul.f32 v9, v5;
	v9 =	vperm.xlane v3, v14;
	v11 =	vld [tilespmem:s20+$0x70]  }
0xa4: {  	v3 =	vld [tilespmem:s18+$0xFFFFFFF0];
	[tilespmem:s18+$0x10] =	vst v12;
	v5 =	vmul.f32 v6, v5  }
0xa5: {  	s17 =	sadd.s32 $0x1, s17;
	[tilespmem:s18+$0x20] =	vst v13;
	v60 =	vmul.f32 v7, v9  }
0xa6: {  	p2 =	sne.s32 s17, $0x5;
	[tilespmem:s18+$0x30] =	vst v5;
	v61 =	vmul.f32 v8, v9  }
.Ltmp3:
0xa7: {  	[tilespmem:s18+$0x40] =	vst v60;
	v62 =	vmul.f32 v10, v9;
	(pc) =	sbr.rel @p2 .LBB2_7-.Ltmp3, $4  }
0xa8: {  	[tilespmem:s18+$0x50] =	vst v61;
	v63 =	vmul.f32 v11, v9  }
0xa9: {  	v3 =	vmul.f32 v3, v4;
	[tilespmem:s18+$0x60] =	vst v62  }
0xaa: {  	[tilespmem:s18+$0x70] =	vst v63  }
0xab: {  	s10 =	sadd.s32 $0x400, s10;
	[tilespmem:s18+$0xFFFFFFF0] =	vst v3  }
0xac: {  	s10 =	sadd.s32 $0x4E20, s14  }
0xad: {  	[spmem:s3] =	stream.indirect.scatter.add.f32 [tilespmem:s31], [sflag:$0x5], $0x40, s10, s30, $0xb8;
	[tilespmem:$0x1EAA0] =	vst v63  }
0xae: {  	s10 =	simm.s32 @!p1 $0x7  }
0xaf: {  	_ =	swait.ge @!p1 [sflag:s10], $0x1400  }
0xb0: {  	s17 =	sadd.s32 $0x280, s15;
	[sflag:s10] =	ssyncset.done @!p1 $0x0  }
0xb1: {  	[sflag:s10] =	ssyncadd.s32 @!p1 $0xFFFFEC00;
	s10 =	sshra.s32 s17, $0x2  }
0xb2: {  	[tilespmem:s29], [sflag:$0x3] =	stream.indirect.gather [hbm4b:s0+s30], $0x40, s10, s30, $0xb8;
	[tilespmem:$0x1EAA0] =	vst v63  }
0xb3: {  	_ =	swait.ge [sflag:s2], $0x1400  }
0xb4: {  	s18 =	sadd.s32 $0x9C40, s16;
	s22 =	simm.s32 $0xFEE0;
	[sflag:s2] =	ssyncset.done $0x0  }
0xb5: {  	s19 =	simm.s32 $0x0;
	v2 =	vmov s18;
	s17 =	simm.s32 $0x0;
	[sflag:s2] =	ssyncadd.s32 $0xFFFFEC00  }
.LBB2_11:
0xb6: {  	_ =	sdelay $0x2  }
0xb7: {  	s18 =	sshll.u32 s19, $0x4  }
0xb8: {  	v3 =	vld.idx.msk [tilespmem:v2+s18+$0x0 ss:$0x1], $0xffff;
	_ =	sdelay $0x1  }
0xb9: {  	v4 =	vld [tilespmem:s22+$0xFFFFFF80]  }
0xba: {  	v5 =	vld [tilespmem:s22+$0xFFFFFF90]  }
0xbb: {  	v6 =	vmov s17;
	v7 =	vld [tilespmem:s22+$0xFFFFFFA0]  }
0xbc: {  	v8 =	vld [tilespmem:s22+$0xFFFFFFB0];
	v6 =	vperm.xlane v3, v6  }
0xbd: {  	v9 =	vld [tilespmem:s22+$0xFFFFFFC0]  }
0xbe: {  	s20 =	simm.s32 $0x1;
	v10 =	vld [tilespmem:s22+$0xFFFFFFD0];
	v4 =	vmul.f32 v4, v6  }
0xbf: {  	v12 =	vld [tilespmem:s22+$0xFFFFFFE0];
	v11 =	vmov s20;
	v5 =	vmul.f32 v5, v6  }
0xc0: {  	v7 =	vmul.f32 v7, v6;
	[tilespmem:s22+$0xFFFFFF80] =	vst v4;
	v4 =	vperm.xlane v3, v11;
	v11 =	vld [tilespmem:s22+$0x0]  }
0xc1: {  	s21 =	simm.s32 $0x2;
	v13 =	vld [tilespmem:s22+$0x10];
	[tilespmem:s22+$0xFFFFFF90] =	vst v5;
	v5 =	vmul.f32 v8, v6  }
0xc2: {  	[tilespmem:s22+$0xFFFFFFA0] =	vst v7;
	v6 =	vmov s21;
	v7 =	vmul.f32 v9, v4;
	v9 =	vld [tilespmem:s22+$0x20]  }
0xc3: {  	[tilespmem:s22+$0xFFFFFFB0] =	vst v5;
	v8 =	vmul.f32 v10, v4;
	v5 =	vperm.xlane v3, v6;
	v6 =	vld [tilespmem:s22+$0x30]  }
0xc4: {  	v10 =	vmul.f32 v12, v4;
	[tilespmem:s22+$0xFFFFFFC0] =	vst v7;
	v7 =	vld [tilespmem:s22+$0x40]  }
0xc5: {  	s23 =	simm.s32 $0x3;
	[tilespmem:s22+$0xFFFFFFD0] =	vst v8;
	v8 =	vld [tilespmem:s22+$0x50];
	v11 =	vmul.f32 v11, v5  }
0xc6: {  	v14 =	vmov s23;
	[tilespmem:s22+$0xFFFFFFE0] =	vst v10;
	v12 =	vmul.f32 v13, v5;
	v10 =	vld [tilespmem:s22+$0x60]  }
0xc7: {  	s18 =	smov.u32 s22;
	s20 =	smov.u32 s22;
	s21 =	simm.s32 $0x4;
	[tilespmem:s22+$0x0] =	vst v11;
	v13 =	vmul.f32 v9, v5;
	v9 =	vperm.xlane v3, v14;
	v11 =	vld [tilespmem:s22+$0x70]  }
.LBB2_12:
0xc8: {  	p2 =	slt.u32 s21, $0xC;
	v14 =	vld [tilespmem:s18+$0xFFFFFFF0];
	[tilespmem:s18+$0x10] =	vst v12;
	v5 =	vmul.f32 v6, v5;
	s20 =	sadd.s32 $0x100, s20  }
0xc9: {  	v6 =	vld [tilespmem:s20+$0xFFFFFF80];
	[tilespmem:s18+$0x20] =	vst v13;
	v7 =	vmul.f32 v7, v9  }
0xca: {  	v12 =	vld [tilespmem:s20+$0xFFFFFF90];
	[tilespmem:s18+$0x30] =	vst v5;
	v5 =	vmul.f32 v8, v9  }
0xcb: {  	v8 =	vmov s21;
	v13 =	vld [tilespmem:s20+$0xFFFFFFA0];
	[tilespmem:s18+$0x40] =	vst v7;
	v7 =	vmul.f32 v10, v9  }
0xcc: {  	v8 =	vperm.xlane v3, v8;
	v10 =	vld [tilespmem:s20+$0xFFFFFFB0];
	[tilespmem:s18+$0x50] =	vst v5;
	v5 =	vmul.f32 v11, v9  }
0xcd: {  	v9 =	vld [tilespmem:s20+$0xFFFFFFC0];
	v4 =	vmul.f32 v14, v4;
	[tilespmem:s18+$0x60] =	vst v7  }
0xce: {  	s23 =	sadd.s32 $0x1, s21;
	v6 =	vmul.f32 v6, v8;
	v7 =	vld [tilespmem:s20+$0xFFFFFFD0];
	[tilespmem:s18+$0x70] =	vst v5  }
0xcf: {  	v11 =	vmov s23;
	v5 =	vmul.f32 v12, v8;
	v12 =	vld [tilespmem:s20+$0xFFFFFFE0];
	[tilespmem:s18+$0xFFFFFFF0] =	vst v4;
	s18 =	smov.u32 s20  }
0xd0: {  	v4 =	vperm.xlane v3, v11;
	[tilespmem:s20+$0xFFFFFF80] =	vst v6;
	v6 =	vmul.f32 v13, v8;
	v11 =	vld [tilespmem:s20+$0x0]  }
0xd1: {  	s23 =	sadd.s32 $0x2, s21;
	[tilespmem:s20+$0xFFFFFF90] =	vst v5;
	v5 =	vmul.f32 v10, v8;
	v10 =	vld [tilespmem:s20+$0x10]  }
0xd2: {  	[tilespmem:s20+$0xFFFFFFA0] =	vst v6;
	v8 =	vmul.f32 v9, v4;
	v6 =	vmov s23;
	v9 =	vld [tilespmem:s20+$0x20]  }
.Ltmp4:
0xd3: {  	[tilespmem:s20+$0xFFFFFFB0] =	vst v5;
	v13 =	vmul.f32 v7, v4;
	v5 =	vperm.xlane v3, v6;
	v6 =	vld [tilespmem:s20+$0x30];
	(pc) =	sbr.rel @p2 .LBB2_12-.Ltmp4, $4  }
0xd4: {  	[tilespmem:s20+$0xFFFFFFC0] =	vst v8;
	v12 =	vmul.f32 v12, v4;
	v7 =	vld [tilespmem:s20+$0x40]  }
0xd5: {  	s23 =	sadd.s32 $0x3, s21;
	[tilespmem:s20+$0xFFFFFFD0] =	vst v13;
	v11 =	vmul.f32 v11, v5;
	v8 =	vld [tilespmem:s20+$0x50]  }
0xd6: {  	v14 =	vmov s23;
	[tilespmem:s20+$0xFFFFFFE0] =	vst v12;
	v12 =	vmul.f32 v10, v5;
	v10 =	vld [tilespmem:s20+$0x60]  }
0xd7: {  	s21 =	sadd.s32 $0x4, s21;
	[tilespmem:s20+$0x0] =	vst v11;
	v13 =	vmul.f32 v9, v5;
	v9 =	vperm.xlane v3, v14;
	v11 =	vld [tilespmem:s20+$0x70]  }
0xd8: {  	v3 =	vld [tilespmem:s18+$0xFFFFFFF0];
	[tilespmem:s18+$0x10] =	vst v12;
	v5 =	vmul.f32 v6, v5  }
0xd9: {  	s19 =	sadd.s32 $0x1, s19;
	[tilespmem:s18+$0x20] =	vst v13;
	v60 =	vmul.f32 v7, v9  }
0xda: {  	p2 =	sne.s32 s19, $0x5;
	[tilespmem:s18+$0x30] =	vst v5;
	v61 =	vmul.f32 v8, v9  }
.Ltmp5:
0xdb: {  	[tilespmem:s18+$0x40] =	vst v60;
	v62 =	vmul.f32 v10, v9;
	(pc) =	sbr.rel @p2 .LBB2_11-.Ltmp5, $4  }
0xdc: {  	[tilespmem:s18+$0x50] =	vst v61;
	v63 =	vmul.f32 v11, v9  }
0xdd: {  	v3 =	vmul.f32 v3, v4;
	[tilespmem:s18+$0x60] =	vst v62  }
0xde: {  	[tilespmem:s18+$0x70] =	vst v63  }
0xdf: {  	s22 =	sadd.s32 $0x400, s22;
	[tilespmem:s18+$0xFFFFFFF0] =	vst v3  }
0xe0: {  	s16 =	sadd.s32 $0x4E20, s16  }
0xe1: {  	[spmem:s3] =	stream.indirect.scatter.add.f32 [tilespmem:s1], [sflag:$0x6], $0x40, s16, s30, $0xb8;
	[tilespmem:$0x1EAA0] =	vst v63  }
0xe2: {  	s16 =	simm.s32 @!p1 $0x8  }
0xe3: {  	_ =	swait.ge @!p1 [sflag:s16], $0x1400  }
0xe4: {  	s15 =	sadd.s32 $0x3C0, s15;
	[sflag:s16] =	ssyncset.done @!p1 $0x0  }
0xe5: {  	s15 =	sshra.s32 s15, $0x2;
	[sflag:s16] =	ssyncadd.s32 @!p1 $0xFFFFEC00  }
0xe6: {  	[tilespmem:s4], [sflag:$0x4] =	stream.indirect.gather [hbm4b:s0+s30], $0x40, s15, s30, $0xb8;
	[tilespmem:$0x1EAA0] =	vst v63  }
0xe7: {  	_ =	swait.ge [sflag:s5], $0x1400  }
0xe8: {  	s18 =	sadd.s32 $0x9C40, s10;
	s17 =	simm.s32 $0x112E0;
	[sflag:s5] =	ssyncset.done $0x0  }
0xe9: {  	v2 =	vmov s18;
	s18 =	simm.s32 $0x0;
	s16 =	simm.s32 $0x0;
	[sflag:s5] =	ssyncadd.s32 $0xFFFFEC00  }
.LBB2_15:
0xea: {  	_ =	sdelay $0x2  }
0xeb: {  	s19 =	sshll.u32 s18, $0x4  }
0xec: {  	v3 =	vld.idx.msk [tilespmem:v2+s19+$0x0 ss:$0x1], $0xffff;
	_ =	sdelay $0x1  }
0xed: {  	v4 =	vld [tilespmem:s17+$0xFFFFFF80]  }
0xee: {  	v5 =	vld [tilespmem:s17+$0xFFFFFF90]  }
0xef: {  	v6 =	vmov s16;
	v7 =	vld [tilespmem:s17+$0xFFFFFFA0]  }
0xf0: {  	v8 =	vld [tilespmem:s17+$0xFFFFFFB0];
	v6 =	vperm.xlane v3, v6  }
0xf1: {  	v9 =	vld [tilespmem:s17+$0xFFFFFFC0]  }
0xf2: {  	s21 =	simm.s32 $0x1;
	v10 =	vld [tilespmem:s17+$0xFFFFFFD0];
	v4 =	vmul.f32 v4, v6  }
0xf3: {  	v12 =	vld [tilespmem:s17+$0xFFFFFFE0];
	v11 =	vmov s21;
	v5 =	vmul.f32 v5, v6  }
0xf4: {  	v7 =	vmul.f32 v7, v6;
	[tilespmem:s17+$0xFFFFFF80] =	vst v4;
	v4 =	vperm.xlane v3, v11;
	v11 =	vld [tilespmem:s17+$0x0]  }
0xf5: {  	s22 =	simm.s32 $0x2;
	v13 =	vld [tilespmem:s17+$0x10];
	[tilespmem:s17+$0xFFFFFF90] =	vst v5;
	v5 =	vmul.f32 v8, v6  }
0xf6: {  	[tilespmem:s17+$0xFFFFFFA0] =	vst v7;
	v6 =	vmov s22;
	v7 =	vmul.f32 v9, v4;
	v9 =	vld [tilespmem:s17+$0x20]  }
0xf7: {  	[tilespmem:s17+$0xFFFFFFB0] =	vst v5;
	v8 =	vmul.f32 v10, v4;
	v5 =	vperm.xlane v3, v6;
	v6 =	vld [tilespmem:s17+$0x30]  }
0xf8: {  	v10 =	vmul.f32 v12, v4;
	[tilespmem:s17+$0xFFFFFFC0] =	vst v7;
	v7 =	vld [tilespmem:s17+$0x40]  }
0xf9: {  	s23 =	simm.s32 $0x3;
	[tilespmem:s17+$0xFFFFFFD0] =	vst v8;
	v8 =	vld [tilespmem:s17+$0x50];
	v11 =	vmul.f32 v11, v5  }
0xfa: {  	v14 =	vmov s23;
	[tilespmem:s17+$0xFFFFFFE0] =	vst v10;
	v12 =	vmul.f32 v13, v5;
	v10 =	vld [tilespmem:s17+$0x60]  }
0xfb: {  	s20 =	simm.s32 $0x4;
	s19 =	smov.u32 s17;
	s21 =	smov.u32 s17;
	[tilespmem:s17+$0x0] =	vst v11;
	v13 =	vmul.f32 v9, v5;
	v9 =	vperm.xlane v3, v14;
	v11 =	vld [tilespmem:s17+$0x70]  }
.LBB2_16:
0xfc: {  	p1 =	slt.u32 s20, $0xC;
	v14 =	vld [tilespmem:s19+$0xFFFFFFF0];
	[tilespmem:s19+$0x10] =	vst v12;
	v5 =	vmul.f32 v6, v5;
	s21 =	sadd.s32 $0x100, s21  }
0xfd: {  	v6 =	vld [tilespmem:s21+$0xFFFFFF80];
	[tilespmem:s19+$0x20] =	vst v13;
	v7 =	vmul.f32 v7, v9  }
0xfe: {  	v12 =	vld [tilespmem:s21+$0xFFFFFF90];
	[tilespmem:s19+$0x30] =	vst v5;
	v5 =	vmul.f32 v8, v9  }
0xff: {  	v8 =	vmov s20;
	v13 =	vld [tilespmem:s21+$0xFFFFFFA0];
	[tilespmem:s19+$0x40] =	vst v7;
	v7 =	vmul.f32 v10, v9  }
0x100: {  	v8 =	vperm.xlane v3, v8;
	v10 =	vld [tilespmem:s21+$0xFFFFFFB0];
	[tilespmem:s19+$0x50] =	vst v5;
	v5 =	vmul.f32 v11, v9  }
0x101: {  	v9 =	vld [tilespmem:s21+$0xFFFFFFC0];
	v4 =	vmul.f32 v14, v4;
	[tilespmem:s19+$0x60] =	vst v7  }
0x102: {  	s22 =	sadd.s32 $0x1, s20;
	v6 =	vmul.f32 v6, v8;
	v7 =	vld [tilespmem:s21+$0xFFFFFFD0];
	[tilespmem:s19+$0x70] =	vst v5  }
0x103: {  	v11 =	vmov s22;
	v5 =	vmul.f32 v12, v8;
	v12 =	vld [tilespmem:s21+$0xFFFFFFE0];
	[tilespmem:s19+$0xFFFFFFF0] =	vst v4;
	s19 =	smov.u32 s21  }
0x104: {  	v4 =	vperm.xlane v3, v11;
	[tilespmem:s21+$0xFFFFFF80] =	vst v6;
	v6 =	vmul.f32 v13, v8;
	v11 =	vld [tilespmem:s21+$0x0]  }
0x105: {  	s22 =	sadd.s32 $0x2, s20;
	[tilespmem:s21+$0xFFFFFF90] =	vst v5;
	v5 =	vmul.f32 v10, v8;
	v10 =	vld [tilespmem:s21+$0x10]  }
0x106: {  	[tilespmem:s21+$0xFFFFFFA0] =	vst v6;
	v8 =	vmul.f32 v9, v4;
	v6 =	vmov s22;
	v9 =	vld [tilespmem:s21+$0x20]  }
.Ltmp6:
0x107: {  	[tilespmem:s21+$0xFFFFFFB0] =	vst v5;
	v13 =	vmul.f32 v7, v4;
	v5 =	vperm.xlane v3, v6;
	v6 =	vld [tilespmem:s21+$0x30];
	(pc) =	sbr.rel @p1 .LBB2_16-.Ltmp6, $4  }
0x108: {  	[tilespmem:s21+$0xFFFFFFC0] =	vst v8;
	v12 =	vmul.f32 v12, v4;
	v7 =	vld [tilespmem:s21+$0x40]  }
0x109: {  	s22 =	sadd.s32 $0x3, s20;
	[tilespmem:s21+$0xFFFFFFD0] =	vst v13;
	v11 =	vmul.f32 v11, v5;
	v8 =	vld [tilespmem:s21+$0x50]  }
0x10a: {  	v14 =	vmov s22;
	[tilespmem:s21+$0xFFFFFFE0] =	vst v12;
	v12 =	vmul.f32 v10, v5;
	v10 =	vld [tilespmem:s21+$0x60]  }
0x10b: {  	s20 =	sadd.s32 $0x4, s20;
	[tilespmem:s21+$0x0] =	vst v11;
	v13 =	vmul.f32 v9, v5;
	v9 =	vperm.xlane v3, v14;
	v11 =	vld [tilespmem:s21+$0x70]  }
0x10c: {  	v3 =	vld [tilespmem:s19+$0xFFFFFFF0];
	[tilespmem:s19+$0x10] =	vst v12;
	v5 =	vmul.f32 v6, v5  }
0x10d: {  	s18 =	sadd.s32 $0x1, s18;
	[tilespmem:s19+$0x20] =	vst v13;
	v60 =	vmul.f32 v7, v9  }
0x10e: {  	p1 =	sne.s32 s18, $0x5;
	[tilespmem:s19+$0x30] =	vst v5;
	v61 =	vmul.f32 v8, v9  }
.Ltmp7:
0x10f: {  	[tilespmem:s19+$0x40] =	vst v60;
	v62 =	vmul.f32 v10, v9;
	(pc) =	sbr.rel @p1 .LBB2_15-.Ltmp7, $4  }
0x110: {  	[tilespmem:s19+$0x50] =	vst v61;
	v63 =	vmul.f32 v11, v9  }
0x111: {  	v3 =	vmul.f32 v3, v4;
	[tilespmem:s19+$0x60] =	vst v62  }
0x112: {  	[tilespmem:s19+$0x70] =	vst v63  }
0x113: {  	s17 =	sadd.s32 $0x400, s17;
	[tilespmem:s19+$0xFFFFFFF0] =	vst v3  }
0x114: {  	s10 =	sadd.s32 $0x4E20, s10  }
0x115: {  	[spmem:s3] =	stream.indirect.scatter.add.f32 [tilespmem:s29], [sflag:$0x7], $0x40, s10, s30, $0xb8;
	[tilespmem:$0x1EAA0] =	vst v63  }
0x116: {  	_ =	swait.ge [sflag:s6], $0x1400  }
0x117: {  	[sflag:s6] =	ssyncset.done $0x0  }
0x118: {  	s23 =	sadd.s32 $0x140, s14;
	[sflag:s6] =	ssyncadd.s32 $0xFFFFEC00  }
0x119: {  	[tilespmem:s31], [sflag:$0x1] =	stream.indirect.gather [hbm4b:s0+s30], $0x40, s23, s30, $0xb8;
	[tilespmem:$0x1EAA0] =	vst v63  }
0x11a: {  	_ =	swait.ge [sflag:s8], $0x1400  }
0x11b: {  	s16 =	sadd.s32 $0x9C40, s15;
	s14 =	simm.s32 $0x126E0;
	[sflag:s8] =	ssyncset.done $0x0  }
0x11c: {  	s10 =	simm.s32 $0x0;
	v2 =	vmov s16;
	s16 =	simm.s32 $0x0;
	[sflag:s8] =	ssyncadd.s32 $0xFFFFEC00  }
.LBB2_19:
0x11d: {  	_ =	sdelay $0x2  }
0x11e: {  	s17 =	sshll.u32 s16, $0x4  }
0x11f: {  	v3 =	vld.idx.msk [tilespmem:v2+s17+$0x0 ss:$0x1], $0xffff;
	_ =	sdelay $0x1  }
0x120: {  	v4 =	vld [tilespmem:s14+$0xFFFFFF80]  }
0x121: {  	v5 =	vld [tilespmem:s14+$0xFFFFFF90]  }
0x122: {  	v6 =	vmov s10;
	v7 =	vld [tilespmem:s14+$0xFFFFFFA0]  }
0x123: {  	v8 =	vld [tilespmem:s14+$0xFFFFFFB0];
	v6 =	vperm.xlane v3, v6  }
0x124: {  	v9 =	vld [tilespmem:s14+$0xFFFFFFC0]  }
0x125: {  	s21 =	simm.s32 $0x1;
	v10 =	vld [tilespmem:s14+$0xFFFFFFD0];
	v4 =	vmul.f32 v4, v6  }
0x126: {  	v12 =	vld [tilespmem:s14+$0xFFFFFFE0];
	v11 =	vmov s21;
	v5 =	vmul.f32 v5, v6  }
0x127: {  	v7 =	vmul.f32 v7, v6;
	[tilespmem:s14+$0xFFFFFF80] =	vst v4;
	v4 =	vperm.xlane v3, v11;
	v11 =	vld [tilespmem:s14+$0x0]  }
0x128: {  	s22 =	simm.s32 $0x2;
	v13 =	vld [tilespmem:s14+$0x10];
	[tilespmem:s14+$0xFFFFFF90] =	vst v5;
	v5 =	vmul.f32 v8, v6  }
0x129: {  	[tilespmem:s14+$0xFFFFFFA0] =	vst v7;
	v6 =	vmov s22;
	v7 =	vmul.f32 v9, v4;
	v9 =	vld [tilespmem:s14+$0x20]  }
0x12a: {  	[tilespmem:s14+$0xFFFFFFB0] =	vst v5;
	v8 =	vmul.f32 v10, v4;
	v5 =	vperm.xlane v3, v6;
	v6 =	vld [tilespmem:s14+$0x30]  }
0x12b: {  	v10 =	vmul.f32 v12, v4;
	[tilespmem:s14+$0xFFFFFFC0] =	vst v7;
	v7 =	vld [tilespmem:s14+$0x40]  }
0x12c: {  	s23 =	simm.s32 $0x3;
	[tilespmem:s14+$0xFFFFFFD0] =	vst v8;
	v8 =	vld [tilespmem:s14+$0x50];
	v11 =	vmul.f32 v11, v5  }
0x12d: {  	v14 =	vmov s23;
	[tilespmem:s14+$0xFFFFFFE0] =	vst v10;
	v12 =	vmul.f32 v13, v5;
	v10 =	vld [tilespmem:s14+$0x60]  }
0x12e: {  	s18 =	simm.s32 $0x4;
	s19 =	smov.u32 s14;
	s17 =	smov.u32 s14;
	[tilespmem:s14+$0x0] =	vst v11;
	v13 =	vmul.f32 v9, v5;
	v9 =	vperm.xlane v3, v14;
	v11 =	vld [tilespmem:s14+$0x70]  }
.LBB2_20:
0x12f: {  	p1 =	slt.u32 s18, $0xC;
	v14 =	vld [tilespmem:s17+$0xFFFFFFF0];
	[tilespmem:s17+$0x10] =	vst v12;
	v5 =	vmul.f32 v6, v5;
	s19 =	sadd.s32 $0x100, s19  }
0x130: {  	v6 =	vld [tilespmem:s19+$0xFFFFFF80];
	[tilespmem:s17+$0x20] =	vst v13;
	v7 =	vmul.f32 v7, v9  }
0x131: {  	v12 =	vld [tilespmem:s19+$0xFFFFFF90];
	[tilespmem:s17+$0x30] =	vst v5;
	v5 =	vmul.f32 v8, v9  }
0x132: {  	v8 =	vmov s18;
	v13 =	vld [tilespmem:s19+$0xFFFFFFA0];
	[tilespmem:s17+$0x40] =	vst v7;
	v7 =	vmul.f32 v10, v9  }
0x133: {  	v8 =	vperm.xlane v3, v8;
	v10 =	vld [tilespmem:s19+$0xFFFFFFB0];
	[tilespmem:s17+$0x50] =	vst v5;
	v5 =	vmul.f32 v11, v9  }
0x134: {  	v9 =	vld [tilespmem:s19+$0xFFFFFFC0];
	v4 =	vmul.f32 v14, v4;
	[tilespmem:s17+$0x60] =	vst v7  }
0x135: {  	s20 =	sadd.s32 $0x1, s18;
	v6 =	vmul.f32 v6, v8;
	v7 =	vld [tilespmem:s19+$0xFFFFFFD0];
	[tilespmem:s17+$0x70] =	vst v5  }
0x136: {  	v11 =	vmov s20;
	v5 =	vmul.f32 v12, v8;
	v12 =	vld [tilespmem:s19+$0xFFFFFFE0];
	[tilespmem:s17+$0xFFFFFFF0] =	vst v4;
	s17 =	smov.u32 s19  }
0x137: {  	v4 =	vperm.xlane v3, v11;
	[tilespmem:s19+$0xFFFFFF80] =	vst v6;
	v6 =	vmul.f32 v13, v8;
	v11 =	vld [tilespmem:s19+$0x0]  }
0x138: {  	s20 =	sadd.s32 $0x2, s18;
	[tilespmem:s19+$0xFFFFFF90] =	vst v5;
	v5 =	vmul.f32 v10, v8;
	v10 =	vld [tilespmem:s19+$0x10]  }
0x139: {  	[tilespmem:s19+$0xFFFFFFA0] =	vst v6;
	v8 =	vmul.f32 v9, v4;
	v6 =	vmov s20;
	v9 =	vld [tilespmem:s19+$0x20]  }
.Ltmp8:
0x13a: {  	[tilespmem:s19+$0xFFFFFFB0] =	vst v5;
	v13 =	vmul.f32 v7, v4;
	v5 =	vperm.xlane v3, v6;
	v6 =	vld [tilespmem:s19+$0x30];
	(pc) =	sbr.rel @p1 .LBB2_20-.Ltmp8, $4  }
0x13b: {  	[tilespmem:s19+$0xFFFFFFC0] =	vst v8;
	v12 =	vmul.f32 v12, v4;
	v7 =	vld [tilespmem:s19+$0x40]  }
0x13c: {  	s20 =	sadd.s32 $0x3, s18;
	[tilespmem:s19+$0xFFFFFFD0] =	vst v13;
	v11 =	vmul.f32 v11, v5;
	v8 =	vld [tilespmem:s19+$0x50]  }
0x13d: {  	v14 =	vmov s20;
	[tilespmem:s19+$0xFFFFFFE0] =	vst v12;
	v12 =	vmul.f32 v10, v5;
	v10 =	vld [tilespmem:s19+$0x60]  }
0x13e: {  	s18 =	sadd.s32 $0x4, s18;
	[tilespmem:s19+$0x0] =	vst v11;
	v13 =	vmul.f32 v9, v5;
	v9 =	vperm.xlane v3, v14;
	v11 =	vld [tilespmem:s19+$0x70]  }
0x13f: {  	v3 =	vld [tilespmem:s17+$0xFFFFFFF0];
	[tilespmem:s17+$0x10] =	vst v12;
	v5 =	vmul.f32 v6, v5  }
0x140: {  	s16 =	sadd.s32 $0x1, s16;
	[tilespmem:s17+$0x20] =	vst v13;
	v60 =	vmul.f32 v7, v9  }
0x141: {  	p1 =	sne.s32 s16, $0x5;
	[tilespmem:s17+$0x30] =	vst v5;
	v61 =	vmul.f32 v8, v9  }
.Ltmp9:
0x142: {  	[tilespmem:s17+$0x40] =	vst v60;
	v62 =	vmul.f32 v10, v9;
	(pc) =	sbr.rel @p1 .LBB2_19-.Ltmp9, $4  }
0x143: {  	[tilespmem:s17+$0x50] =	vst v61;
	v63 =	vmul.f32 v11, v9  }
0x144: {  	v3 =	vmul.f32 v3, v4;
	[tilespmem:s17+$0x60] =	vst v62  }
0x145: {  	[tilespmem:s17+$0x70] =	vst v63  }
0x146: {  	s14 =	sadd.s32 $0x400, s14;
	[tilespmem:s17+$0xFFFFFFF0] =	vst v3  }
0x147: {  	s13 =	sadd.s32 $0x1, s13  }
0x148: {  	p1 =	sne.s32 s13, $0x3E  }
.Ltmp10:
0x149: {  	_ = 	snop;
	(pc) =	sbr.rel @p1 .LBB2_6-.Ltmp10, $3  }
0x14a: {  	_ =	sdelay $0x1  }
0x14b: {  	s10 =	sadd.s32 $0x4E20, s15  }
0x14c: {  	[spmem:s3] =	stream.indirect.scatter.add.f32 [tilespmem:s4], [sflag:$0x8], $0x40, s10, s30, $0xb8;
	[tilespmem:$0x1EAA0] =	vst v63  }
0x14d: {  	s10 =	simm.s32 $0x6  }
0x14e: {  	_ =	swait.ge [sflag:s10], $0x1400  }
0x14f: {  	[sflag:s10] =	ssyncset.done $0x0  }
0x150: {  	s23 =	simm.s32 $0x4DD0;
	[sflag:s10] =	ssyncadd.s32 $0xFFFFEC00  }
0x151: {  	[tilespmem:s1], [sflag:$0x2] =	stream.indirect.gather [hbm4b:s0+s30], $0x40, s23, s30, $0xb8;
	[tilespmem:$0x1EAA0] =	vst v63  }
0x152: {  	s13 =	simm.s32 $0xEAE0;
	_ =	swait.ge [sflag:s28], $0x1400  }
0x153: {  	s14 =	simm.s32 $0x0;
	s19 =	smov.u32 s24;
	[sflag:s28] =	ssyncset.done $0x0  }
0x154: {  	s20 =	smov.u32 s9;
	s10 =	simm.s32 $0x0;
	[sflag:s28] =	ssyncadd.s32 $0xFFFFEC00  }
.LBB2_24:
0x155: {  	s15 =	sshll.u32 s14, $0x4  }
0x156: {  	v2 =	vld [tilespmem:s15+$0xE9C0];
	_ =	sdelay $0x1  }
0x157: {  	v3 =	vld [tilespmem:s13+$0xFFFFFF80]  }
0x158: {  	v4 =	vld [tilespmem:s13+$0xFFFFFF90]  }
0x159: {  	v5 =	vmov s10;
	v6 =	vld [tilespmem:s13+$0xFFFFFFA0]  }
0x15a: {  	v7 =	vld [tilespmem:s13+$0xFFFFFFB0];
	v5 =	vperm.xlane v2, v5  }
0x15b: {  	v8 =	vld [tilespmem:s13+$0xFFFFFFC0]  }
0x15c: {  	s22 =	simm.s32 $0x1;
	v9 =	vld [tilespmem:s13+$0xFFFFFFD0];
	v3 =	vmul.f32 v3, v5  }
0x15d: {  	v11 =	vld [tilespmem:s13+$0xFFFFFFE0];
	v10 =	vmov s22;
	v4 =	vmul.f32 v4, v5  }
0x15e: {  	v6 =	vmul.f32 v6, v5;
	[tilespmem:s13+$0xFFFFFF80] =	vst v3;
	v3 =	vperm.xlane v2, v10;
	v10 =	vld [tilespmem:s13+$0x0]  }
0x15f: {  	s23 =	simm.s32 $0x2;
	v12 =	vld [tilespmem:s13+$0x10];
	[tilespmem:s13+$0xFFFFFF90] =	vst v4;
	v4 =	vmul.f32 v7, v5  }
0x160: {  	[tilespmem:s13+$0xFFFFFFA0] =	vst v6;
	v5 =	vmov s23;
	v6 =	vmul.f32 v8, v3;
	v8 =	vld [tilespmem:s13+$0x20]  }
0x161: {  	[tilespmem:s13+$0xFFFFFFB0] =	vst v4;
	v7 =	vmul.f32 v9, v3;
	v4 =	vperm.xlane v2, v5;
	v5 =	vld [tilespmem:s13+$0x30]  }
0x162: {  	v9 =	vmul.f32 v11, v3;
	[tilespmem:s13+$0xFFFFFFC0] =	vst v6;
	v6 =	vld [tilespmem:s13+$0x40]  }
0x163: {  	s24 =	simm.s32 $0x3;
	[tilespmem:s13+$0xFFFFFFD0] =	vst v7;
	v7 =	vld [tilespmem:s13+$0x50];
	v10 =	vmul.f32 v10, v4  }
0x164: {  	v13 =	vmov s24;
	[tilespmem:s13+$0xFFFFFFE0] =	vst v9;
	v11 =	vmul.f32 v12, v4;
	v9 =	vld [tilespmem:s13+$0x60]  }
0x165: {  	s16 =	simm.s32 $0x4;
	s17 =	smov.u32 s13;
	s15 =	smov.u32 s13;
	[tilespmem:s13+$0x0] =	vst v10;
	v12 =	vmul.f32 v8, v4;
	v8 =	vperm.xlane v2, v13;
	v10 =	vld [tilespmem:s13+$0x70]  }
.LBB2_25:
0x166: {  	p1 =	slt.u32 s16, $0xC;
	v13 =	vld [tilespmem:s15+$0xFFFFFFF0];
	[tilespmem:s15+$0x10] =	vst v11;
	v4 =	vmul.f32 v5, v4;
	s17 =	sadd.s32 $0x100, s17  }
0x167: {  	v5 =	vld [tilespmem:s17+$0xFFFFFF80];
	[tilespmem:s15+$0x20] =	vst v12;
	v6 =	vmul.f32 v6, v8  }
0x168: {  	v11 =	vld [tilespmem:s17+$0xFFFFFF90];
	[tilespmem:s15+$0x30] =	vst v4;
	v4 =	vmul.f32 v7, v8  }
0x169: {  	v7 =	vmov s16;
	v12 =	vld [tilespmem:s17+$0xFFFFFFA0];
	[tilespmem:s15+$0x40] =	vst v6;
	v6 =	vmul.f32 v9, v8  }
0x16a: {  	v7 =	vperm.xlane v2, v7;
	v9 =	vld [tilespmem:s17+$0xFFFFFFB0];
	[tilespmem:s15+$0x50] =	vst v4;
	v4 =	vmul.f32 v10, v8  }
0x16b: {  	v8 =	vld [tilespmem:s17+$0xFFFFFFC0];
	v3 =	vmul.f32 v13, v3;
	[tilespmem:s15+$0x60] =	vst v6  }
0x16c: {  	s18 =	sadd.s32 $0x1, s16;
	v5 =	vmul.f32 v5, v7;
	v6 =	vld [tilespmem:s17+$0xFFFFFFD0];
	[tilespmem:s15+$0x70] =	vst v4  }
0x16d: {  	v10 =	vmov s18;
	v4 =	vmul.f32 v11, v7;
	v11 =	vld [tilespmem:s17+$0xFFFFFFE0];
	[tilespmem:s15+$0xFFFFFFF0] =	vst v3;
	s15 =	smov.u32 s17  }
0x16e: {  	v3 =	vperm.xlane v2, v10;
	[tilespmem:s17+$0xFFFFFF80] =	vst v5;
	v5 =	vmul.f32 v12, v7;
	v10 =	vld [tilespmem:s17+$0x0]  }
0x16f: {  	s18 =	sadd.s32 $0x2, s16;
	[tilespmem:s17+$0xFFFFFF90] =	vst v4;
	v4 =	vmul.f32 v9, v7;
	v9 =	vld [tilespmem:s17+$0x10]  }
0x170: {  	[tilespmem:s17+$0xFFFFFFA0] =	vst v5;
	v7 =	vmul.f32 v8, v3;
	v5 =	vmov s18;
	v8 =	vld [tilespmem:s17+$0x20]  }
.Ltmp11:
0x171: {  	[tilespmem:s17+$0xFFFFFFB0] =	vst v4;
	v12 =	vmul.f32 v6, v3;
	v4 =	vperm.xlane v2, v5;
	v5 =	vld [tilespmem:s17+$0x30];
	(pc) =	sbr.rel @p1 .LBB2_25-.Ltmp11, $4  }
0x172: {  	[tilespmem:s17+$0xFFFFFFC0] =	vst v7;
	v11 =	vmul.f32 v11, v3;
	v6 =	vld [tilespmem:s17+$0x40]  }
0x173: {  	s18 =	sadd.s32 $0x3, s16;
	[tilespmem:s17+$0xFFFFFFD0] =	vst v12;
	v10 =	vmul.f32 v10, v4;
	v7 =	vld [tilespmem:s17+$0x50]  }
0x174: {  	v13 =	vmov s18;
	[tilespmem:s17+$0xFFFFFFE0] =	vst v11;
	v11 =	vmul.f32 v9, v4;
	v9 =	vld [tilespmem:s17+$0x60]  }
0x175: {  	s16 =	sadd.s32 $0x4, s16;
	[tilespmem:s17+$0x0] =	vst v10;
	v12 =	vmul.f32 v8, v4;
	v8 =	vperm.xlane v2, v13;
	v10 =	vld [tilespmem:s17+$0x70]  }
0x176: {  	v2 =	vld [tilespmem:s15+$0xFFFFFFF0];
	[tilespmem:s15+$0x10] =	vst v11;
	v4 =	vmul.f32 v5, v4  }
0x177: {  	s14 =	sadd.s32 $0x1, s14;
	[tilespmem:s15+$0x20] =	vst v12;
	v60 =	vmul.f32 v6, v8  }
0x178: {  	p1 =	sne.s32 s14, $0x5;
	[tilespmem:s15+$0x30] =	vst v4;
	v61 =	vmul.f32 v7, v8  }
.Ltmp12:
0x179: {  	[tilespmem:s15+$0x40] =	vst v60;
	v62 =	vmul.f32 v9, v8;
	(pc) =	sbr.rel @p1 .LBB2_24-.Ltmp12, $4  }
0x17a: {  	[tilespmem:s15+$0x50] =	vst v61;
	v63 =	vmul.f32 v10, v8  }
0x17b: {  	v2 =	vmul.f32 v2, v3;
	[tilespmem:s15+$0x60] =	vst v62  }
0x17c: {  	[tilespmem:s15+$0x70] =	vst v63  }
0x17d: {  	s13 =	sadd.s32 $0x400, s13;
	[tilespmem:s15+$0xFFFFFFF0] =	vst v2  }
0x17e: {  	s9 =	simm.s32 $0x9BA0  }
0x17f: {  	[spmem:s3] =	stream.indirect.scatter.add.f32 [tilespmem:s31], [sflag:$0x5], $0x40, s9, s30, $0xb8;
	[tilespmem:$0x1EAA0] =	vst v63  }
0x180: {  	_ =	swait.ge [sflag:s2], $0x1400  }
0x181: {  	s10 =	simm.s32 $0x0;
	[sflag:s2] =	ssyncset.done $0x0  }
0x182: {  	s13 =	simm.s32 $0xFEE0;
	s14 =	simm.s32 $0x0;
	[sflag:s2] =	ssyncadd.s32 $0xFFFFEC00  }
.LBB2_28:
0x183: {  	s15 =	sshll.u32 s14, $0x4  }
0x184: {  	v2 =	vld [tilespmem:s15+$0xEA10];
	_ =	sdelay $0x1  }
0x185: {  	v3 =	vld [tilespmem:s13+$0xFFFFFF80]  }
0x186: {  	v4 =	vld [tilespmem:s13+$0xFFFFFF90]  }
0x187: {  	v5 =	vmov s10;
	v6 =	vld [tilespmem:s13+$0xFFFFFFA0]  }
0x188: {  	v7 =	vld [tilespmem:s13+$0xFFFFFFB0];
	v5 =	vperm.xlane v2, v5  }
0x189: {  	v8 =	vld [tilespmem:s13+$0xFFFFFFC0]  }
0x18a: {  	s22 =	simm.s32 $0x1;
	v9 =	vld [tilespmem:s13+$0xFFFFFFD0];
	v3 =	vmul.f32 v3, v5  }
0x18b: {  	v11 =	vld [tilespmem:s13+$0xFFFFFFE0];
	v10 =	vmov s22;
	v4 =	vmul.f32 v4, v5  }
0x18c: {  	v6 =	vmul.f32 v6, v5;
	[tilespmem:s13+$0xFFFFFF80] =	vst v3;
	v3 =	vperm.xlane v2, v10;
	v10 =	vld [tilespmem:s13+$0x0]  }
0x18d: {  	s23 =	simm.s32 $0x2;
	v12 =	vld [tilespmem:s13+$0x10];
	[tilespmem:s13+$0xFFFFFF90] =	vst v4;
	v4 =	vmul.f32 v7, v5  }
0x18e: {  	[tilespmem:s13+$0xFFFFFFA0] =	vst v6;
	v5 =	vmov s23;
	v6 =	vmul.f32 v8, v3;
	v8 =	vld [tilespmem:s13+$0x20]  }
0x18f: {  	[tilespmem:s13+$0xFFFFFFB0] =	vst v4;
	v7 =	vmul.f32 v9, v3;
	v4 =	vperm.xlane v2, v5;
	v5 =	vld [tilespmem:s13+$0x30]  }
0x190: {  	v9 =	vmul.f32 v11, v3;
	[tilespmem:s13+$0xFFFFFFC0] =	vst v6;
	v6 =	vld [tilespmem:s13+$0x40]  }
0x191: {  	s24 =	simm.s32 $0x3;
	[tilespmem:s13+$0xFFFFFFD0] =	vst v7;
	v7 =	vld [tilespmem:s13+$0x50];
	v10 =	vmul.f32 v10, v4  }
0x192: {  	v13 =	vmov s24;
	[tilespmem:s13+$0xFFFFFFE0] =	vst v9;
	v11 =	vmul.f32 v12, v4;
	v9 =	vld [tilespmem:s13+$0x60]  }
0x193: {  	s16 =	simm.s32 $0x4;
	s17 =	smov.u32 s13;
	s15 =	smov.u32 s13;
	[tilespmem:s13+$0x0] =	vst v10;
	v12 =	vmul.f32 v8, v4;
	v8 =	vperm.xlane v2, v13;
	v10 =	vld [tilespmem:s13+$0x70]  }
.LBB2_29:
0x194: {  	p1 =	slt.u32 s16, $0xC;
	v13 =	vld [tilespmem:s15+$0xFFFFFFF0];
	[tilespmem:s15+$0x10] =	vst v11;
	v4 =	vmul.f32 v5, v4;
	s17 =	sadd.s32 $0x100, s17  }
0x195: {  	v5 =	vld [tilespmem:s17+$0xFFFFFF80];
	[tilespmem:s15+$0x20] =	vst v12;
	v6 =	vmul.f32 v6, v8  }
0x196: {  	v11 =	vld [tilespmem:s17+$0xFFFFFF90];
	[tilespmem:s15+$0x30] =	vst v4;
	v4 =	vmul.f32 v7, v8  }
0x197: {  	v7 =	vmov s16;
	v12 =	vld [tilespmem:s17+$0xFFFFFFA0];
	[tilespmem:s15+$0x40] =	vst v6;
	v6 =	vmul.f32 v9, v8  }
0x198: {  	v7 =	vperm.xlane v2, v7;
	v9 =	vld [tilespmem:s17+$0xFFFFFFB0];
	[tilespmem:s15+$0x50] =	vst v4;
	v4 =	vmul.f32 v10, v8  }
0x199: {  	v8 =	vld [tilespmem:s17+$0xFFFFFFC0];
	v3 =	vmul.f32 v13, v3;
	[tilespmem:s15+$0x60] =	vst v6  }
0x19a: {  	s18 =	sadd.s32 $0x1, s16;
	v5 =	vmul.f32 v5, v7;
	v6 =	vld [tilespmem:s17+$0xFFFFFFD0];
	[tilespmem:s15+$0x70] =	vst v4  }
0x19b: {  	v10 =	vmov s18;
	v4 =	vmul.f32 v11, v7;
	v11 =	vld [tilespmem:s17+$0xFFFFFFE0];
	[tilespmem:s15+$0xFFFFFFF0] =	vst v3;
	s15 =	smov.u32 s17  }
0x19c: {  	v3 =	vperm.xlane v2, v10;
	[tilespmem:s17+$0xFFFFFF80] =	vst v5;
	v5 =	vmul.f32 v12, v7;
	v10 =	vld [tilespmem:s17+$0x0]  }
0x19d: {  	s18 =	sadd.s32 $0x2, s16;
	[tilespmem:s17+$0xFFFFFF90] =	vst v4;
	v4 =	vmul.f32 v9, v7;
	v9 =	vld [tilespmem:s17+$0x10]  }
0x19e: {  	[tilespmem:s17+$0xFFFFFFA0] =	vst v5;
	v7 =	vmul.f32 v8, v3;
	v5 =	vmov s18;
	v8 =	vld [tilespmem:s17+$0x20]  }
.Ltmp13:
0x19f: {  	[tilespmem:s17+$0xFFFFFFB0] =	vst v4;
	v12 =	vmul.f32 v6, v3;
	v4 =	vperm.xlane v2, v5;
	v5 =	vld [tilespmem:s17+$0x30];
	(pc) =	sbr.rel @p1 .LBB2_29-.Ltmp13, $4  }
0x1a0: {  	[tilespmem:s17+$0xFFFFFFC0] =	vst v7;
	v11 =	vmul.f32 v11, v3;
	v6 =	vld [tilespmem:s17+$0x40]  }
0x1a1: {  	s18 =	sadd.s32 $0x3, s16;
	[tilespmem:s17+$0xFFFFFFD0] =	vst v12;
	v10 =	vmul.f32 v10, v4;
	v7 =	vld [tilespmem:s17+$0x50]  }
0x1a2: {  	v13 =	vmov s18;
	[tilespmem:s17+$0xFFFFFFE0] =	vst v11;
	v11 =	vmul.f32 v9, v4;
	v9 =	vld [tilespmem:s17+$0x60]  }
0x1a3: {  	s16 =	sadd.s32 $0x4, s16;
	[tilespmem:s17+$0x0] =	vst v10;
	v12 =	vmul.f32 v8, v4;
	v8 =	vperm.xlane v2, v13;
	v10 =	vld [tilespmem:s17+$0x70]  }
0x1a4: {  	v2 =	vld [tilespmem:s15+$0xFFFFFFF0];
	[tilespmem:s15+$0x10] =	vst v11;
	v4 =	vmul.f32 v5, v4  }
0x1a5: {  	s14 =	sadd.s32 $0x1, s14;
	[tilespmem:s15+$0x20] =	vst v12;
	v60 =	vmul.f32 v6, v8  }
0x1a6: {  	p1 =	sne.s32 s14, $0x5;
	[tilespmem:s15+$0x30] =	vst v4;
	v61 =	vmul.f32 v7, v8  }
.Ltmp14:
0x1a7: {  	[tilespmem:s15+$0x40] =	vst v60;
	v62 =	vmul.f32 v9, v8;
	(pc) =	sbr.rel @p1 .LBB2_28-.Ltmp14, $4  }
0x1a8: {  	[tilespmem:s15+$0x50] =	vst v61;
	v63 =	vmul.f32 v10, v8  }
0x1a9: {  	v2 =	vmul.f32 v2, v3;
	[tilespmem:s15+$0x60] =	vst v62  }
0x1aa: {  	[tilespmem:s15+$0x70] =	vst v63  }
0x1ab: {  	s13 =	sadd.s32 $0x400, s13;
	[tilespmem:s15+$0xFFFFFFF0] =	vst v2  }
0x1ac: {  	s9 =	simm.s32 $0x9BF0;
	s22 =	simm.s32 $0x7  }
0x1ad: {  	[spmem:s3] =	stream.indirect.scatter.add.f32 [tilespmem:s1], [sflag:$0x6], $0x40, s9, s30, $0xb8;
	[tilespmem:$0x1EAA0] =	vst v63  }
0x1ae: {  	_ =	swait.ge [sflag:s22], $0x1400  }
0x1af: {  	[sflag:s22] =	ssyncset.done $0x0  }
0x1b0: {  	[sflag:s22] =	ssyncadd.s32 $0xFFFFEC00  }
0x1b1: {  	_ =	swait.ge [sflag:s11], $0x1400  }
0x1b2: {  	[sflag:s11] =	ssyncset.done $0x0  }
0x1b3: {  	[sflag:s11] =	ssyncadd.s32 $0xFFFFEC00  }
0x1b4: {  	_ =	swait.ge [sflag:s6], $0x1400  }
0x1b5: {  	[sflag:s6] =	ssyncset.done $0x0  }
0x1b6: {  	s23 =	simm.s32 $0x6;
	[sflag:s6] =	ssyncadd.s32 $0xFFFFEC00  }
0x1b7: {  	_ =	swait.ge [sflag:s23], $0x1400  }
0x1b8: {  	[sflag:s23] =	ssyncset.done $0x0  }
0x1b9: {  	s10 =	stileid.u32;
	[sflag:s23] =	ssyncadd.s32 $0xFFFFEC00  }
0x1ba: {  	s10 =	sshll.u32 s10, $0x6;
	[bflag:$0x0] =	sbarrier.arrive $0xFFFF  }
0x1bb: {  	s13 =	sshrl.u32 s19, $0x3;
	s10 =	sor.u32 $0x1C09, s10;
	s14 =	rddreg [dreg:$0xa]  }
0x1bc: {  	[hbm:s14@s12], [sflag:s10] =	dma.strided [spmem:s13@s11], $0x280, s28, $0x8   }
0x1bd: {  	_ =	swait.ge [sflag:s26], $0x280  }
0x1be: {  	[sflag:s26] =	ssyncset.done $0x0  }
0x1bf: {  	s24 =	sshrl.u32 s20, $0x3;
	s9 =	rddreg [dreg:$0xb];
	[sflag:s26] =	ssyncadd.s32 $0xFFFFFD80  }
0x1c0: {  	[hbm:s9@s12], [sflag:s10] =	dma.strided [spmem:s24@s11], $0x280, s28, $0x8   }
0x1c1: {  	_ =	swait.ge [sflag:s26], $0x280  }
0x1c2: {  	[sflag:s26] =	ssyncset.done $0x0;
	s18 =	rddreg [dreg:$0x13]  }
0x1c3: {  	s16 =	rddreg [dreg:$0xc];
	[sflag:s26] =	ssyncadd.s32 $0xFFFFFD80;
	s15 =	sshrl.u32 s18, $0x3  }
0x1c4: {  	[hbm:s16@s12], [sflag:s10] =	dma.strided [spmem:s15@s11], $0x280, s28, $0x8   }
0x1c5: {  	_ =	swait.ge [sflag:s26], $0x280  }
0x1c6: {  	[sflag:s26] =	ssyncset.done $0x0;
	s17 =	rddreg [dreg:$0x14]  }
0x1c7: {  	s22 =	rddreg [dreg:$0xd];
	[sflag:s26] =	ssyncadd.s32 $0xFFFFFD80;
	s21 =	sshrl.u32 s17, $0x3  }
0x1c8: {  	[hbm:s22@s12], [sflag:s10] =	dma.strided [spmem:s21@s11], $0x280, s28, $0x8   }
0x1c9: {  	_ =	swait.ge [sflag:s26], $0x280  }
0x1ca: {  	[sflag:s26] =	ssyncset.done $0x0;
	s23 =	rddreg [dreg:$0x15]  }
0x1cb: {  	s9 =	rddreg [dreg:$0xe];
	[sflag:s26] =	ssyncadd.s32 $0xFFFFFD80;
	s24 =	sshrl.u32 s23, $0x3  }
0x1cc: {  	[hbm:s9@s12], [sflag:s10] =	dma.strided [spmem:s24@s11], $0x280, s28, $0x8   }
0x1cd: {  	_ =	swait.ge [sflag:s26], $0x280  }
0x1ce: {  	[sflag:s26] =	ssyncset.done $0x0;
	s15 =	rddreg [dreg:$0x16]  }
0x1cf: {  	s17 =	rddreg [dreg:$0xf];
	[sflag:s26] =	ssyncadd.s32 $0xFFFFFD80;
	s16 =	sshrl.u32 s15, $0x3  }
0x1d0: {  	[hbm:s17@s12], [sflag:s10] =	dma.strided [spmem:s16@s11], $0x280, s28, $0x8   }
0x1d1: {  	_ =	swait.ge [sflag:s26], $0x280  }
0x1d2: {  	[sflag:s26] =	ssyncset.done $0x0;
	s21 =	rddreg [dreg:$0x17]  }
0x1d3: {  	s23 =	rddreg [dreg:$0x10];
	[sflag:s26] =	ssyncadd.s32 $0xFFFFFD80;
	s22 =	sshrl.u32 s21, $0x3  }
0x1d4: {  	[hbm:s23@s12], [sflag:s10] =	dma.strided [spmem:s22@s11], $0x280, s28, $0x8   }
0x1d5: {  	s14 =	simm.s32 @!p0 $0x1;
	s15 =	simm.s32 @!p0 $0x10;
	_ =	swait.ge [sflag:s26], $0x280  }
0x1d6: {  	s16 =	simm.s32 @!p0 $0x8;
	[sflag:s26] =	ssyncset.done $0x0;
	s9 =	rddreg [dreg:$0x18]  }
0x1d7: {  	s17 =	rddreg [dreg:$0x11];
	[sflag:s26] =	ssyncadd.s32 $0xFFFFFD80;
	s13 =	sshrl.u32 @!p0 s9, $0x3  }
0x1d8: {  	[hbm:s17@s15], [sflag:s10] =	dma.strided @!p0 [spmem:s13@s16], $0x280, s14, $0x8   }
0x1d9: {  	s10 =	simm.s32 @!p0 $0x9  }
0x1da: {  	_ =	swait.ge @!p0 [sflag:s10], $0x280  }
0x1db: {  	s7 =	sadd.s32 $0x1, s7;
	s24 =	rddreg [dreg:$0x12]  }
0x1dc: {  	p1 =	sne.s32 s7, s24  }
.Ltmp15:
0x1dd: {  	_ = 	snop;
	(pc) =	sbr.rel @p1 .LBB2_1-.Ltmp15, $3  }
0x1de: {  	_ =	sdelay $0x1  }
0x1df: {  	[sflag:s10] =	ssyncset.done @!p0 $0x0  }
0x1e0: {  	[sflag:s10] =	ssyncadd.s32 @!p0 $0xFFFFFD80  }
0x1e1: {  	_ =	sfence.sel $0x180000  }
0x1e2: {  	[bflag:$0x0] =	sbarrier.arrive $0xFFFF  }
0x1e3: {  	_ =	strace $0x90000047  }
0x1e4: {  	s0 =	stileid.u32;
	[bflag:$0x2] =	sbarrier.arrive $0xFFFF  }
0x1e5: {  	p0 =	sne.s32 s0, $0x0;
	s0 =	rddreg [dreg:$0x6]  }
0x1e6: {  	s0 =	sadd.s32 @!p0 $0x100000, s0  }
0x1e7: {  	[sflag:s0] =	ssyncadd.tile.s32 @!p0 $0x1;
	_ =	shalt  }
.Lfunc_end2:
_tile_overlayer_lowered:
.L_overlay_start_2:
0x1e8: {  	(tag) =	ssettag $0x2  }
0x1e9: {  	s0 =	rddreg [dreg:$0x0];
	s2 =	stileid.u32  }
0x1ea: {  	s1 =	rddreg [dreg:$0x1];
	p0 =	sne.s32 s2, $0x0  }
0x1eb: {  	s3 =	rddreg [dreg:$0x2];
	[bflag:$0x3] =	sbarrier.arrive $0xFFFF;
	s2 =	simm.s32 @!p0 $0x1C09  }
0x1ec: {  	[timem:s3], [sflag:s2] =	dma.local @!p0 [hbm:s0], s1  }
0x1ed: {  	s0 =	simm.s32 @!p0 $0x9  }
0x1ee: {  	_ =	swait.ge @!p0 [sflag:s0], s1  }
0x1ef: {  	s1 =	ssub.s32 @!p0 $0x0, s1;
	[sflag:s0] =	ssyncset.done @!p0 $0x0  }
0x1f0: {  	[sflag:s0] =	ssyncadd.s32 @!p0 s1  }
0x1f1: {  	[bflag:$0x3] =	sbarrier.arrive $0xFFFF  }
0x1f2: {  	_ =	shalt  }

// kernel: kernel.8.cloned.1.call-start
scs
__scs_entry_jumppad:
0x0: {  	(pc) =	sbr.rel $0x88, $3  }
0x1: {  	(tag) =	ssettag $0x0;
	lr =	simm.s32 $0x1  }
0x2: {  	[smem:$0x3F9A] =	sst lr;
	_ =	strace $0xD0000000  }
0x3: {  	_ = 	snop  }
0x4: {  	_ = 	snop  }
0x5: {  	_ = 	snop  }
0x6: {  	_ = 	snop  }
0x7: {  	_ = 	snop  }
__scs_overlays_trampoline_lowered:
0x8: {  	[smem:$0x3FA9] =	sst s0  }
0x9: {  	[smem:$0x3FAA] =	sst s1  }
0xa: {  	[smem:$0x3FAB] =	sst s2  }
0xb: {  	[smem:$0x3FAC] =	sst s3  }
0xc: {  	[smem:$0x3FAD] =	sst s4  }
0xd: {  	[smem:$0x3FAE] =	sst s5  }
0xe: {  	[smem:$0x3FAF] =	sst s6  }
0xf: {  	[smem:$0x3FB0] =	sst s7  }
0x10: {  	[smem:$0x3FB1] =	sst s8  }
0x11: {  	[smem:$0x3FB2] =	sst s9;
	s0 =	simm.s32 @!p0 $0x0  }
0x12: {  	s1 =	sld [smem:$0x3F98];
	s0 =	simm.s32 @p0 $0x1  }
0x13: {  	[smem:$0x3FB3] =	sst s0;
	s0 =	simm.s32 @!p1 $0x0  }
0x14: {  	s2 =	sld [smem:$0x3F97];
	s0 =	simm.s32 @p1 $0x1  }
0x15: {  	[smem:$0x3FB4] =	sst s0;
	s0 =	simm.s32 @!p2 $0x0  }
0x16: {  	s3 =	sld [smem:$0x3FDB];
	s0 =	simm.s32 @p2 $0x1  }
0x17: {  	s4 =	simm.s32 $0x1BF5;
	[smem:$0x3FB6] =	sst s0  }
0x18: {  	s0 =	sld [smem:$0x3F99];
	_ =	swait.ge [sflag:s4], $0x0  }
0x19: {  	s7 =	sld [smem:$0x3F9A]  }
0x1a: {  	s8 =	sadd.s32 $0xFFFFE003, lr  }
0x1b: {  	s9 =	sadd.s32 $0xFFFFFEF7, lr;
	s5 =	simm.s32 $0xFFFFFFFF;
	p2 =	slt.u32 s8, $0xFFFFF086  }
0x1c: {  	p1 =	slt.u32 s9, $0xF7A;
	s5 =	simm.s32 @!p2 $0x0  }
0x1d: {  	s5 =	simm.s32 @p1 $0x1;
	p0 =	seq.s32 s7, s2  }
0x1e: {  	s7 =	smul.u32 @!p0 $0xF7A, s2;
	p2 =	seq.s32 @!p0 s5, $0x0  }
0x1f: {  	s9 =	smul.u32 $0xF7A, s1;
	s8 =	simm.s32 @!p0 $0x1BF5;
	p2 =	por !p2, p0  }
0x20: {  	[sflag:s8] =	ssyncset.s32 @!p0 $0xFFFFF086;
	s6 =	sadd.s32 @!p0 s3, s7;
	s7 =	simm.s32 @!p0 $0x108  }
0x21: {  	s3 =	sadd.s32 s3, s9;
	s6 =	sadd.s32 @!p0 $0x88, s6;
	s7 =	simm.s32 @p2 $0x1082  }
0x22: {  	[simem:s7], [sflag:s8] =	dma.local @!p0 [hbm:s6], $0xF7A  }
0x23: {  	s9 =	sor.u32 $0xD0000000, s2;
	s6 =	simm.s32 $0x108;
	_ =	swait.ge @!p0 [sflag:s8], $0x0  }
0x24: {  	s3 =	sadd.s32 $0x88, s3;
	s6 =	simm.s32 @!p1 $0x1082;
	[sflag:s4] =	ssyncset.s32 $0xFFFFF086  }
0x25: {  	[simem:s6], [sflag:s4] =	dma.local [hbm:s3], $0xF7A  }
0x26: {  	[smem:$0x3F9A] =	sst s1;
	(tag) =	ssettag s2;
	_ =	strace s9  }
0x27: {  	s1 =	sld [smem:$0x3FAA]  }
0x28: {  	s2 =	sld [smem:$0x3FAB]  }
0x29: {  	s4 =	sld [smem:$0x3FAD]  }
0x2a: {  	p0 =	seq.s32 s5, $0x0;
	s5 =	sld [smem:$0x3FAE]  }
0x2b: {  	s6 =	sld [smem:$0x3FAF]  }
0x2c: {  	s7 =	sld [smem:$0x3FB0]  }
0x2d: {  	s3 =	simm.s32 $0x108;
	s8 =	sld [smem:$0x3FB1]  }
0x2e: {  	s3 =	simm.s32 @!p0 $0x1082;
	s9 =	sld [smem:$0x3FB2]  }
0x2f: {  	lr =	sadd.s32 s0, s3;
	s0 =	sld [smem:$0x3FA9]  }
0x30: {  	s3 =	sld [smem:$0x3FAC]  }
0x31: {  	[smem:$0x3FB5] =	sst s10  }
0x32: {  	s10 =	sld [smem:$0x3FB3];
	_ =	sdelay $0x3  }
0x33: {  	p0 =	seq.s32 s10, $0x1;
	s10 =	sld [smem:$0x3FB5];
	_ =	sdelay $0x3  }
0x34: {  	[smem:$0x3FB5] =	sst s10  }
0x35: {  	s10 =	sld [smem:$0x3FB4];
	_ =	sdelay $0x3  }
0x36: {  	p1 =	seq.s32 s10, $0x1;
	s10 =	sld [smem:$0x3FB5];
	_ =	sdelay $0x3  }
0x37: {  	[smem:$0x3FB5] =	sst s10  }
0x38: {  	s10 =	sld [smem:$0x3FB6]  }
0x39: {  	_ = 	snop;
	(pc) =	sbr.ind lr, $3  }
0x3a: {  	_ = 	snop  }
0x3b: {  	_ = 	snop  }
0x3c: {  	p2 =	seq.s32 s10, $0x1;
	s10 =	sld [smem:$0x3FB5]  }
0x3d: {  	_ =	shalt  }
0x3e: {  	_ =	shalt  }
0x3f: {  	_ =	shalt  }
0x40: {  	_ =	shalt  }
0x41: {  	_ =	shalt  }
0x42: {  	_ =	shalt  }
0x43: {  	_ =	shalt  }
0x44: {  	_ =	shalt  }
0x45: {  	_ =	shalt  }
0x46: {  	_ =	shalt  }
0x47: {  	_ =	shalt  }
0x48: {  	_ =	shalt  }
0x49: {  	_ =	shalt  }
0x4a: {  	_ =	shalt  }
0x4b: {  	_ =	shalt  }
0x4c: {  	_ =	shalt  }
0x4d: {  	_ =	shalt  }
0x4e: {  	_ =	shalt  }
0x4f: {  	_ =	shalt  }
0x50: {  	_ =	shalt  }
0x51: {  	_ =	shalt  }
0x52: {  	_ =	shalt  }
0x53: {  	_ =	shalt  }
0x54: {  	_ =	shalt  }
0x55: {  	_ =	shalt  }
0x56: {  	_ =	shalt  }
0x57: {  	_ =	shalt  }
0x58: {  	_ =	shalt  }
0x59: {  	_ =	shalt  }
0x5a: {  	_ =	shalt  }
0x5b: {  	_ =	shalt  }
0x5c: {  	_ =	shalt  }
0x5d: {  	_ =	shalt  }
0x5e: {  	_ =	shalt  }
0x5f: {  	_ =	shalt  }
0x60: {  	_ =	shalt  }
0x61: {  	_ =	shalt  }
0x62: {  	_ =	shalt  }
0x63: {  	_ =	shalt  }
0x64: {  	_ =	shalt  }
0x65: {  	_ =	shalt  }
0x66: {  	_ =	shalt  }
0x67: {  	_ =	shalt  }
0x68: {  	_ =	shalt  }
0x69: {  	_ =	shalt  }
0x6a: {  	_ =	shalt  }
0x6b: {  	_ =	shalt  }
0x6c: {  	_ =	shalt  }
0x6d: {  	_ =	shalt  }
0x6e: {  	_ =	shalt  }
0x6f: {  	_ =	shalt  }
0x70: {  	_ =	shalt  }
0x71: {  	_ =	shalt  }
0x72: {  	_ =	shalt  }
0x73: {  	_ =	shalt  }
0x74: {  	_ =	shalt  }
0x75: {  	_ =	shalt  }
0x76: {  	_ =	shalt  }
0x77: {  	_ =	shalt  }
0x78: {  	_ =	shalt  }
0x79: {  	_ =	shalt  }
0x7a: {  	_ =	shalt  }
0x7b: {  	_ =	shalt  }
0x7c: {  	_ =	shalt  }
0x7d: {  	_ =	shalt  }
0x7e: {  	_ =	shalt  }
0x7f: {  	_ =	shalt  }
0x80: {  	_ =	shalt  }
0x81: {  	_ =	shalt  }
0x82: {  	_ =	shalt  }
0x83: {  	_ =	shalt  }
0x84: {  	_ =	shalt  }
0x85: {  	_ =	shalt  }
0x86: {  	_ =	shalt  }
0x87: {  	_ =	shalt  }
.Lfunc_end0:
.L_simem_size_0:
called_computation.1_lowered:
.L_overlay_start_0:
0x88: {  	s2 =	sld [smem:$0x3FD9]  }
0x89: {  	s3 =	sld [smem:$0x3FFE];
	_ =	sdelay $0x1  }
0x8a: {  	s1 =	srdreg.scid  }
0x8b: {  	s0 =	sand.u32 $0x1, s1  }
0x8c: {  	s14 =	sshll.u32 s0, $0xA;
	s2 =	sadd.s32 s3, s2  }
0x8d: {  	s2 =	sadd.s32 s2, s14  }
0x8e: {  	[smem:$0x3FC1] =	sst s2  }
0x8f: {  	_ = 	snop  }
0x90: {  	s2 =	sld [smem:$0x3FD0]  }
0x91: {  	s15 =	sld [smem:$0x3FC7]  }
0x92: {  	s4 =	sld [smem:$0x3FC6]  }
0x93: {  	s6 =	simm.s32 $0xA;
	s7 =	simm.s32 $0x10;
	s5 =	sld [smem:$0x3FC5]  }
0x94: {  	[smem:s7], [sflag:s6] =	dma.local [hbm:s2], $0x1  }
0x95: {  	_ =	swait.eq [sflag:s6], $0x1  }
0x96: {  	[sflag:s6] =	ssyncset.done $0x0  }
0x97: {  	[sflag:s6] =	ssyncadd.s32 $0xFFFFFFFF  }
0x98: {  	s16 =	sld [smem:$0x10];
	(tm) =	ssettm $0x1  }
0x99: {  	s17 =	sld [smem:$0x3FFB];
	_ =	sdelay $0x3  }
0x9a: {  	_ =	strace s17  }
0x9b: {  	s6 =	sld [smem:$0x3FFC];
	_ =	sdelay $0x3  }
0x9c: {  	_ =	strace s6  }
0x9d: {  	s6 =	sld [smem:$0x3FFD];
	_ =	sdelay $0x3  }
0x9e: {  	_ =	strace s6  }
0x9f: {  	_ =	strace $0x8FFFFFFF  }
0xa0: {  	s18 =	sld [smem:$0x3FDB];
	_ =	sdelay $0x1  }
0xa1: {  	s19 =	simm.s32 $_scs_section_size  }
0xa2: {  	s8 =	simm.s32 $_size__tile_overlayer_lowered;
	s9 =	simm.s32 $_tile_overlayer_lowered  }
0xa3: {  	s22 =	simm.s32 $0x1BFF;
	s21 =	sshll.u32 s9, $0x1;
	s6 =	sadd.s32 s19, s18  }
0xa4: {  	s10 =	simm.s32 $0x0;
	s20 =	sshll.u32 s8, $0x1;
	s8 =	sadd.s32 s21, s6  }
0xa5: {  	[timem:s10], [sflag:s22] =	dma.local [hbm:s8], s20  }
0xa6: {  	_ =	swait.ge [sflag:s22], s20  }
0xa7: {  	s7 =	ssub.s32 $0x0, s20;
	[sflag:s22] =	ssyncset.done $0x0  }
0xa8: {  	[sflag:s22] =	ssyncadd.s32 s7;
	_ =	sdelay $0x1  }
0xa9: {  	s23 =	simm.s32 $0x1B8B  }
0xaa: {  	_ =	swait.ge [sflag:s23], $0x1  }
0xab: {  	[sflag:s23] =	ssyncset.done $0x0  }
0xac: {  	s25 =	simm.s32 $0x1B8E;
	s24 =	sld [smem:$0x3FFE];
	[sflag:s23] =	ssyncadd.s32 $0xFFFFFFFF  }
0xad: {  	s26 =	simm.s32 $execute0_lowered;
	[smem:$0x3FD2] =	sst s25  }
0xae: {  	s8 =	sshll.u32 s26, $0x1;
	_ =	strace $0x80000049;
	[dreg:$0x1] =	wrdreg $0xFFFFFFFF  }
0xaf: {  	s28 =	simm.s32 $_size_execute0_lowered;
	s6 =	sadd.s32 s6, s8;
	[dreg:$0x0] =	wrdreg $0x0  }
0xb0: {  	s8 =	sshll.u32 s28, $0x1;
	[dreg:$0x2] =	wrdreg s6  }
0xb1: {  	[dreg:$0x3] =	wrdreg s8  }
0xb2: {  	[dreg:$0x4] =	wrdreg $0xC0  }
0xb3: {  	_ =	task [dreg:s10], $0x5FFFF  }
0xb4: {  	[dreg:$0x1] =	wrdreg $0xFFFFFFFF  }
0xb5: {  	[dreg:$0x0] =	wrdreg $0x60  }
0xb6: {  	[dreg:$0x2] =	wrdreg s24  }
0xb7: {  	[dreg:$0x3] =	wrdreg s15  }
0xb8: {  	[dreg:$0x4] =	wrdreg s4  }
0xb9: {  	[dreg:$0x5] =	wrdreg s5  }
0xba: {  	[dreg:$0x6] =	wrdreg s16  }
0xbb: {  	[dreg:$0x7] =	wrdreg $0x14E600  }
0xbc: {  	[dreg:$0x8] =	wrdreg $0x9  }
0xbd: {  	_ =	task.clear_ibuf [dreg:s10], $0x9FFFF;
	_ =	strace $0x90000049  }
0xbe: {  	s29 =	simm.s32 $0x9;
	_ =	strace $0x8000004B  }
0xbf: {  	_ =	swait.ge [sflag:s29], $0x1  }
0xc0: {  	[sflag:s29] =	ssyncadd.s32 $0xFFFFFFFF  }
0xc1: {  	_ =	strace $0x9000004B  }
0xc2: {  	_ =	sfence  }
0xc3: {  	s30 =	sld [smem:$0x0];
	_ =	sdelay $0x2  }
0xc4: {  	s31 =	sshll.u32 s1, $0xD;
	s1 =	sshrl.u32 s1, $0x2  }
0xc5: {  	s3 =	sand.u32 $0x4000, s31;
	s1 =	sadd.s32 s1, s30  }
0xc6: {  	s0 =	sor.u32 s3, s0;
	s1 =	sshll.u32 s1, $0x11  }
0xc7: {  	s0 =	sor.u32 s1, s0  }
0xc8: {  	s0 =	sadd.s32 $0x8F2B, s0  }
0xc9: {  	[sflag:s0] =	ssyncadd.remote.s32 $0x1  }
0xca: {  	_ =	sfence.sel $0xFFFF  }
0xcb: {  	[dreg:$0x0] =	wrdreg $0xFFFFFFFF;
	(pc) =	sbr.abs _section_cstart, $3  }
0xcc: {  	[dreg:$0x1] =	wrdreg $0xFFFFFFFF  }
0xcd: {  	_ =	task.clear_ibuf [dreg:s10], $0x2FFFF;
	_ =	strace $0x9FFFFFFF  }
0xce: {  	(tm) =	ssettm $0x7FFFFFFF  }
0xcf: {  	_ =	shalt  }
tec
execute0_lowered:
.L_overlay_start_1:
0x0: {  	(tag) =	ssettag $0x1  }
0x1: {  	s0 =	rddreg [dreg:$0x0]  }
0x2: {  	s1 =	rddreg [dreg:$0x1]  }
0x3: {  	s3 =	rddreg [dreg:$0x2]  }
0x4: {  	s4 =	rddreg [dreg:$0x3];
	s2 =	srdreg.scid  }
0x5: {  	s5 =	rddreg [dreg:$0x4];
	s22 =	stileid.u32;
	s30 =	simm.s32 $0x50  }
0x6: {  	s31 =	simm.s32 $0xEA60;
	s28 =	simm.s32 $0x1;
	s9 =	smul.u32 $0x9C4, s22  }
0x7: {  	s29 =	simm.s32 $0x11260;
	s10 =	sor.u32 $0x10, s22;
	s19 =	smul.u32 $0x2800, s22  }
0x8: {  	s7 =	sand.u32 $0x1, s2;
	s14 =	sor.u32 $0x50, s22;
	s11 =	smul.u32 $0x2800, s10  }
0x9: {  	s2 =	rddreg [dreg:$0x5];
	s16 =	sor.u32 $0x60, s22;
	s18 =	smul.u32 $0x2800, s14  }
0xa: {  	s17 =	sor.u32 $0x70, s22;
	s6 =	ssub.s32 $0x2, s7;
	s21 =	smul.u32 $0x2800, s16  }
0xb: {  	s13 =	sshll.u32 s7, $0x6;
	s23 =	smul.u32 $0x2800, s17;
	p0 =	sgt.u32 s17, $0x7C  }
0xc: {  	s8 =	sshrl.u32 s6, $0x1;
	s1 =	sadd.s32 s1, s9;
	s3 =	sadd.s32 s3, s9  }
0xd: {  	s4 =	sadd.s32 s4, s9;
	s19 =	sor.u32 s13, s19;
	s9 =	smul.u32 $0x2710, s7  }
0xe: {  	s7 =	smul.u32 $0x5000, s10;
	s8 =	ssub.s32 s6, s8;
	[dreg:$0x7] =	wrdreg s1  }
0xf: {  	s1 =	sor.u32 $0x20, s22;
	[dreg:$0x8] =	wrdreg s3;
	s3 =	sor.u32 $0x30, s22  }
0x10: {  	[dreg:$0x9] =	wrdreg s4;
	s4 =	sor.u32 $0x40, s22;
	s11 =	sor.u32 s13, s11  }
0x11: {  	s18 =	sor.u32 s13, s18;
	s21 =	sor.u32 s13, s21;
	s12 =	smul.u32 $0x2800, s1  }
0x12: {  	s6 =	simm.s32 $0x0;
	s24 =	sshrl.u32 s19, $0x3;
	s20 =	smul.u32 $0x2800, s3  }
0x13: {  	s15 =	smul.u32 $0x2800, s4;
	[smem:$0x7FF] =	sst s6;
	s10 =	sadd.s32 s5, s24  }
0x14: {  	s25 =	sshrl.u32 s11, $0x3;
	s24 =	sshrl.u32 s21, $0x3;
	s1 =	smul.u32 $0x5000, s1  }
0x15: {  	s8 =	smax.u32 s8, $0x1;
	s4 =	smul.u32 $0x5000, s4;
	[dreg:$0xa] =	wrdreg s10  }
0x16: {  	s10 =	sadd.s32 s5, s25;
	s12 =	sor.u32 s13, s12;
	s20 =	sor.u32 s13, s20  }
0x17: {  	s15 =	sor.u32 s13, s15;
	s13 =	sor.u32 s13, s23;
	[dreg:$0xb] =	wrdreg s10  }
0x18: {  	s1 =	sshrl.u32 s1, $0x2;
	s4 =	sshrl.u32 s4, $0x2;
	s26 =	sshrl.u32 s12, $0x3  }
0x19: {  	s12 =	sshrl.u32 s20, $0x3;
	s25 =	sshrl.u32 s13, $0x3;
	s13 =	smul.u32 $0x5000, s14  }
0x1a: {  	s19 =	sshrl.u32 s15, $0x3;
	s20 =	sshrl.u32 s18, $0x3;
	s14 =	smul.u32 $0x5000, s16  }
0x1b: {  	s15 =	sadd.s32 $0x1200, s0;
	s16 =	smul.u32 $0x5000, s17;
	s17 =	sadd.s32 s4, s2  }
0x1c: {  	s4 =	simm.s32 $0x3;
	s11 =	sadd.s32 s5, s26;
	s10 =	sadd.s32 s5, s12  }
0x1d: {  	s23 =	sadd.s32 s5, s20;
	s26 =	smul.u32 $0x5000, s22;
	[dreg:$0xc] =	wrdreg s11  }
0x1e: {  	s12 =	sshrl.u32 s7, $0x2;
	s7 =	simm.s32 $0x4;
	[dreg:$0xd] =	wrdreg s10  }
0x1f: {  	s10 =	sadd.s32 s5, s19;
	[dreg:$0xf] =	wrdreg s23;
	s18 =	sadd.s32 s12, s2  }
0x20: {  	s19 =	sadd.s32 s1, s2;
	s21 =	sshrl.u32 s13, $0x2;
	s22 =	sshrl.u32 s14, $0x2  }
0x21: {  	s23 =	sshrl.u32 s16, $0x2;
	[dreg:$0xe] =	wrdreg s10;
	s10 =	sadd.s32 s5, s24  }
0x22: {  	s1 =	simm.s32 $0x2;
	s5 =	sadd.s32 s5, s25;
	[dreg:$0x10] =	wrdreg s10  }
0x23: {  	s11 =	sshrl.u32 s26, $0x2;
	s25 =	sadd.s32 s22, s2;
	[dreg:$0x11] =	wrdreg s5  }
0x24: {  	s26 =	sadd.s32 s23, s2;
	_ =	strace $0x8000004A;
	[dreg:$0x12] =	wrdreg s8  }
0x25: {  	s10 =	smul.u32 $0x5000, s3;
	s24 =	sadd.s32 s11, s2;
	[dreg:$0x15] =	wrdreg s17  }
0x26: {  	s3 =	simm.s32 $0x12660;
	s5 =	simm.s32 $0x5;
	[dreg:$0x17] =	wrdreg s25  }
0x27: {  	s11 =	simm.s32 $0x10;
	[dreg:$0x18] =	wrdreg s26;
	s25 =	simm.s32 $0x13A60  }
0x28: {  	s26 =	simm.s32 $0x9;
	[dreg:$0x13] =	wrdreg s18;
	s0 =	sshrl.u32 s10, $0x2  }
0x29: {  	[dreg:$0x14] =	wrdreg s19;
	s20 =	sadd.s32 s0, s2;
	s0 =	sadd.s32 s21, s2  }
0x2a: {  	v1 =	vimm.f32 $0.0e+00;
	v0 =	vmov s9;
	s10 =	simm.s32 $0x8;
	[dreg:$0x16] =	wrdreg s0;
	s0 =	simm.s32 $0xFE60  }
.LBB2_1:
0x2b: {  	s12 =	simm.s32 $0x100;
	s9 =	simm.s32 $0x0  }
.LBB2_2:
0x2c: {  	p1 =	sne.s32 s12, $0x4F00;
	[tilespmem:s9+$0x13A90] =	vst v1;
	s13 =	smov.u32 s12;
	s12 =	sadd.s32 $0x100, s12  }
.Ltmp0:
0x2d: {  	[tilespmem:s9+$0x13A80] =	vst v1;
	(pc) =	sbr.rel @p1 .LBB2_2-.Ltmp0, $3  }
0x2e: {  	[tilespmem:s9+$0x13A60] =	vst v1  }
0x2f: {  	[tilespmem:s9+$0x13A70] =	vst v1;
	_ =	sdelay $0x1  }
0x30: {  	s9 =	sshra.s32 s13, $0x2  }
0x31: {  	[tilespmem:s9+$0x13A90] =	vst v1  }
0x32: {  	[tilespmem:s9+$0x13A80] =	vst v1  }
0x33: {  	[tilespmem:s9+$0x13A60] =	vst v1  }
0x34: {  	[tilespmem:s9+$0x13A70] =	vst v1  }
0x35: {  	[spmem:s24] =	stream.linear.scatter [tilespmem:s25], [sflag:$0x9], $0x1400, $0x38;
	[tilespmem:$0x1EAA0] =	vst v63  }
0x36: {  	_ =	swait.ge [sflag:s26], $0x1400  }
0x37: {  	[sflag:s26] =	ssyncset.done $0x0  }
0x38: {  	[sflag:s26] =	ssyncadd.s32 $0xFFFFEC00  }
0x39: {  	[spmem:s18] =	stream.linear.scatter [tilespmem:s25], [sflag:$0x9], $0x1400, $0x38;
	[tilespmem:$0x1EAA0] =	vst v63  }
0x3a: {  	_ =	swait.ge [sflag:s26], $0x1400  }
0x3b: {  	[sflag:s26] =	ssyncset.done $0x0  }
0x3c: {  	[sflag:s26] =	ssyncadd.s32 $0xFFFFEC00  }
0x3d: {  	[spmem:s19] =	stream.linear.scatter [tilespmem:s25], [sflag:$0x9], $0x1400, $0x38;
	[tilespmem:$0x1EAA0] =	vst v63  }
0x3e: {  	_ =	swait.ge [sflag:s26], $0x1400  }
0x3f: {  	[sflag:s26] =	ssyncset.done $0x0  }
0x40: {  	[sflag:s26] =	ssyncadd.s32 $0xFFFFEC00  }
0x41: {  	[spmem:s20] =	stream.linear.scatter [tilespmem:s25], [sflag:$0x9], $0x1400, $0x38;
	[tilespmem:$0x1EAA0] =	vst v63  }
0x42: {  	_ =	swait.ge [sflag:s26], $0x1400  }
0x43: {  	[sflag:s26] =	ssyncset.done $0x0  }
0x44: {  	s16 =	rddreg [dreg:$0x15];
	[sflag:s26] =	ssyncadd.s32 $0xFFFFEC00  }
0x45: {  	[spmem:s16] =	stream.linear.scatter [tilespmem:s25], [sflag:$0x9], $0x1400, $0x38;
	[tilespmem:$0x1EAA0] =	vst v63  }
0x46: {  	_ =	swait.ge [sflag:s26], $0x1400  }
0x47: {  	[sflag:s26] =	ssyncset.done $0x0  }
0x48: {  	s17 =	rddreg [dreg:$0x16];
	[sflag:s26] =	ssyncadd.s32 $0xFFFFEC00  }
0x49: {  	[spmem:s17] =	stream.linear.scatter [tilespmem:s25], [sflag:$0x9], $0x1400, $0x38;
	[tilespmem:$0x1EAA0] =	vst v63  }
0x4a: {  	_ =	swait.ge [sflag:s26], $0x1400  }
0x4b: {  	[sflag:s26] =	ssyncset.done $0x0  }
0x4c: {  	s18 =	rddreg [dreg:$0x17];
	[sflag:s26] =	ssyncadd.s32 $0xFFFFEC00  }
0x4d: {  	[spmem:s18] =	stream.linear.scatter [tilespmem:s25], [sflag:$0x9], $0x1400, $0x38;
	[tilespmem:$0x1EAA0] =	vst v63  }
0x4e: {  	_ =	swait.ge [sflag:s26], $0x1400  }
0x4f: {  	[sflag:s26] =	ssyncset.done $0x0  }
0x50: {  	s9 =	simm.s32 @!p0 $0x13A60;
	s12 =	rddreg [dreg:$0x18];
	[sflag:s26] =	ssyncadd.s32 $0xFFFFEC00  }
0x51: {  	[spmem:s12] =	stream.linear.scatter @!p0 [tilespmem:s9], [sflag:$0x9], $0x1400, $0x38;
	[tilespmem:$0x1EAA0] =	vst v63  }
0x52: {  	s9 =	simm.s32 @!p0 $0x9  }
0x53: {  	_ =	swait.ge @!p0 [sflag:s9], $0x1400  }
0x54: {  	s8 =	smov.u32 s20;
	[sflag:s9] =	ssyncset.done @!p0 $0x0  }
0x55: {  	s19 =	simm.s32 $0x0;
	s20 =	rddreg [dreg:$0x7];
	[sflag:s9] =	ssyncadd.s32 @!p0 $0xFFFFEC00  }
0x56: {  	[tilespmem:s19], [sflag:$0x9] =	stream.linear.gather [hbm4b:s20+s19], $0x4E20, $0x38;
	[tilespmem:$0x1EAA0] =	vst v63  }
0x57: {  	_ =	swait.ge [sflag:s26], $0x4E20  }
0x58: {  	[sflag:s26] =	ssyncset.done $0x0  }
0x59: {  	s13 =	simm.s32 $0x4E20;
	s21 =	rddreg [dreg:$0x8];
	[sflag:s26] =	ssyncadd.s32 $0xFFFFB1E0  }
0x5a: {  	[tilespmem:s13], [sflag:$0x9] =	stream.linear.gather [hbm4b:s21+s19], $0x4E20, $0x38;
	[tilespmem:$0x1EAA0] =	vst v63  }
0x5b: {  	_ =	swait.ge [sflag:s26], $0x4E20  }
0x5c: {  	[sflag:s26] =	ssyncset.done $0x0  }
0x5d: {  	s23 =	simm.s32 $0x9C40;
	s22 =	rddreg [dreg:$0x9];
	[sflag:s26] =	ssyncadd.s32 $0xFFFFB1E0  }
0x5e: {  	[tilespmem:s23], [sflag:$0x9] =	stream.linear.gather [hbm4b:s22+s19], $0x4E20, $0x38;
	[tilespmem:$0x1EAA0] =	vst v63  }
0x5f: {  	_ =	swait.ge [sflag:s26], $0x4E20  }
0x60: {  	[sflag:s26] =	ssyncset.done $0x0  }
0x61: {  	s9 =	simm.s32 $0x0;
	[sflag:s26] =	ssyncadd.s32 $0xFFFFB1E0  }
0x62: {  	v5 =	vld [tilespmem:s9+$0x0]  }
0x63: {  	v4 =	vld [tilespmem:s9+$0x10]  }
0x64: {  	v3 =	vld [tilespmem:s9+$0x20]  }
0x65: {  	s12 =	simm.s32 $0x140;
	v2 =	vld [tilespmem:s9+$0x30]  }
.LBB2_4:
0x66: {  	p1 =	sne.s32 s12, $0x13740;
	v6 =	vld [tilespmem:s9+$0x40]  }
0x67: {  	v5 =	vadd.s32 v0, v5  }
.Ltmp1:
0x68: {  	s13 =	sshra.s32 s12, $0x2;
	[tilespmem:s9+$0x0] =	vst v5;
	v4 =	vadd.s32 v0, v4;
	(pc) =	sbr.rel @p1 .LBB2_4-.Ltmp1, $4  }
0x69: {  	v5 =	vld [tilespmem:s13+$0x0];
	[tilespmem:s9+$0x10] =	vst v4;
	v3 =	vadd.s32 v0, v3  }
0x6a: {  	v4 =	vld [tilespmem:s13+$0x10];
	[tilespmem:s9+$0x20] =	vst v3;
	v2 =	vadd.s32 v0, v2  }
0x6b: {  	v3 =	vld [tilespmem:s13+$0x20];
	[tilespmem:s9+$0x30] =	vst v2;
	v6 =	vadd.s32 v0, v6  }
0x6c: {  	s12 =	sadd.s32 $0x140, s12;
	v2 =	vld [tilespmem:s13+$0x30];
	[tilespmem:s9+$0x40] =	vst v6;
	s9 =	smov.u32 s13  }
0x6d: {  	v6 =	vld [tilespmem:s9+$0x40]  }
0x6e: {  	v5 =	vadd.s32 v0, v5  }
0x6f: {  	[tilespmem:s9+$0x0] =	vst v5;
	v4 =	vadd.s32 v0, v4  }
0x70: {  	[tilespmem:s9+$0x10] =	vst v4;
	v3 =	vadd.s32 v0, v3  }
0x71: {  	[tilespmem:s9+$0x20] =	vst v3;
	v2 =	vadd.s32 v0, v2  }
0x72: {  	[tilespmem:s9+$0x30] =	vst v2;
	v2 =	vadd.s32 v0, v6  }
0x73: {  	[tilespmem:s9+$0x40] =	vst v2  }
0x74: {  	s12 =	simm.s32 $0x0;
	[bflag:$0x0] =	sbarrier.arrive $0xFFFF  }
0x75: {  	[tilespmem:s31], [sflag:$0x1] =	stream.indirect.gather [hbm4b:s15+s30], $0x40, s12, s30, $0xb8;
	[tilespmem:$0x1EAA0] =	vst v63  }
.LBB2_6:
0x76: {  	p1 =	seq.s32 s12, $0x0  }
0x77: {  	s14 =	smul.u32 $0x500, s12;
	s9 =	simm.s32 @!p1 $0x6  }
0x78: {  	_ =	swait.ge @!p1 [sflag:s9], $0x1400  }
0x79: {  	s13 =	sadd.s32 $0x140, s14;
	[sflag:s9] =	ssyncset.done @!p1 $0x0  }
0x7a: {  	s16 =	sshra.s32 s13, $0x2;
	[sflag:s9] =	ssyncadd.s32 @!p1 $0xFFFFEC00  }
0x7b: {  	[tilespmem:s0], [sflag:$0x2] =	stream.indirect.gather [hbm4b:s15+s30], $0x40, s16, s30, $0xb8;
	[tilespmem:$0x1EAA0] =	vst v63  }
0x7c: {  	s13 =	sshra.s32 s14, $0x2;
	_ =	swait.ge [sflag:s28], $0x1400  }
0x7d: {  	s17 =	sadd.s32 $0x9C40, s13;
	[sflag:s28] =	ssyncset.done $0x0  }
0x7e: {  	s9 =	simm.s32 $0xEAE0;
	v2 =	vmov s17;
	s17 =	simm.s32 $0x0;
	[sflag:s28] =	ssyncadd.s32 $0xFFFFEC00  }
.LBB2_7:
0x7f: {  	_ =	sdelay $0x2  }
0x80: {  	s18 =	sshll.u32 s17, $0x4  }
0x81: {  	v3 =	vld.idx.msk [tilespmem:v2+s18+$0x0 ss:$0x1], $0xffff;
	_ =	sdelay $0x1  }
0x82: {  	v4 =	vld [tilespmem:s9+$0xFFFFFF80]  }
0x83: {  	s20 =	simm.s32 $0x0;
	v5 =	vld [tilespmem:s9+$0xFFFFFF90]  }
0x84: {  	v7 =	vld [tilespmem:s9+$0xFFFFFFA0];
	v6 =	vmov s20  }
0x85: {  	v8 =	vld [tilespmem:s9+$0xFFFFFFB0];
	v6 =	vperm.xlane v3, v6  }
0x86: {  	v9 =	vld [tilespmem:s9+$0xFFFFFFC0]  }
0x87: {  	s21 =	simm.s32 $0x1;
	v10 =	vld [tilespmem:s9+$0xFFFFFFD0];
	v4 =	vmul.f32 v4, v6  }
0x88: {  	v12 =	vld [tilespmem:s9+$0xFFFFFFE0];
	v11 =	vmov s21;
	v5 =	vmul.f32 v5, v6  }
0x89: {  	v7 =	vmul.f32 v7, v6;
	[tilespmem:s9+$0xFFFFFF80] =	vst v4;
	v4 =	vperm.xlane v3, v11;
	v11 =	vld [tilespmem:s9+$0x0]  }
0x8a: {  	s22 =	simm.s32 $0x2;
	v13 =	vld [tilespmem:s9+$0x10];
	[tilespmem:s9+$0xFFFFFF90] =	vst v5;
	v5 =	vmul.f32 v8, v6  }
0x8b: {  	[tilespmem:s9+$0xFFFFFFA0] =	vst v7;
	v6 =	vmov s22;
	v7 =	vmul.f32 v9, v4;
	v9 =	vld [tilespmem:s9+$0x20]  }
0x8c: {  	[tilespmem:s9+$0xFFFFFFB0] =	vst v5;
	v8 =	vmul.f32 v10, v4;
	v5 =	vperm.xlane v3, v6;
	v6 =	vld [tilespmem:s9+$0x30]  }
0x8d: {  	v10 =	vmul.f32 v12, v4;
	[tilespmem:s9+$0xFFFFFFC0] =	vst v7;
	v7 =	vld [tilespmem:s9+$0x40]  }
0x8e: {  	s23 =	simm.s32 $0x3;
	[tilespmem:s9+$0xFFFFFFD0] =	vst v8;
	v8 =	vld [tilespmem:s9+$0x50];
	v11 =	vmul.f32 v11, v5  }
0x8f: {  	v14 =	vmov s23;
	[tilespmem:s9+$0xFFFFFFE0] =	vst v10;
	v12 =	vmul.f32 v13, v5;
	v10 =	vld [tilespmem:s9+$0x60]  }
0x90: {  	s19 =	simm.s32 $0x4;
	s18 =	smov.u32 s9;
	s20 =	smov.u32 s9;
	[tilespmem:s9+$0x0] =	vst v11;
	v13 =	vmul.f32 v9, v5;
	v9 =	vperm.xlane v3, v14;
	v11 =	vld [tilespmem:s9+$0x70]  }
.LBB2_8:
0x91: {  	p2 =	slt.u32 s19, $0xC;
	v14 =	vld [tilespmem:s18+$0xFFFFFFF0];
	[tilespmem:s18+$0x10] =	vst v12;
	v5 =	vmul.f32 v6, v5;
	s20 =	sadd.s32 $0x100, s20  }
0x92: {  	v6 =	vld [tilespmem:s20+$0xFFFFFF80];
	[tilespmem:s18+$0x20] =	vst v13;
	v7 =	vmul.f32 v7, v9  }
0x93: {  	v12 =	vld [tilespmem:s20+$0xFFFFFF90];
	[tilespmem:s18+$0x30] =	vst v5;
	v5 =	vmul.f32 v8, v9  }
0x94: {  	v8 =	vmov s19;
	v13 =	vld [tilespmem:s20+$0xFFFFFFA0];
	[tilespmem:s18+$0x40] =	vst v7;
	v7 =	vmul.f32 v10, v9  }
0x95: {  	v8 =	vperm.xlane v3, v8;
	v10 =	vld [tilespmem:s20+$0xFFFFFFB0];
	[tilespmem:s18+$0x50] =	vst v5;
	v5 =	vmul.f32 v11, v9  }
0x96: {  	v9 =	vld [tilespmem:s20+$0xFFFFFFC0];
	v4 =	vmul.f32 v14, v4;
	[tilespmem:s18+$0x60] =	vst v7  }
0x97: {  	s21 =	sadd.s32 $0x1, s19;
	v6 =	vmul.f32 v6, v8;
	v7 =	vld [tilespmem:s20+$0xFFFFFFD0];
	[tilespmem:s18+$0x70] =	vst v5  }
0x98: {  	v11 =	vmov s21;
	v5 =	vmul.f32 v12, v8;
	v12 =	vld [tilespmem:s20+$0xFFFFFFE0];
	[tilespmem:s18+$0xFFFFFFF0] =	vst v4;
	s18 =	smov.u32 s20  }
0x99: {  	v4 =	vperm.xlane v3, v11;
	[tilespmem:s20+$0xFFFFFF80] =	vst v6;
	v6 =	vmul.f32 v13, v8;
	v11 =	vld [tilespmem:s20+$0x0]  }
0x9a: {  	s21 =	sadd.s32 $0x2, s19;
	[tilespmem:s20+$0xFFFFFF90] =	vst v5;
	v5 =	vmul.f32 v10, v8;
	v10 =	vld [tilespmem:s20+$0x10]  }
0x9b: {  	[tilespmem:s20+$0xFFFFFFA0] =	vst v6;
	v8 =	vmul.f32 v9, v4;
	v6 =	vmov s21;
	v9 =	vld [tilespmem:s20+$0x20]  }
.Ltmp2:
0x9c: {  	[tilespmem:s20+$0xFFFFFFB0] =	vst v5;
	v13 =	vmul.f32 v7, v4;
	v5 =	vperm.xlane v3, v6;
	v6 =	vld [tilespmem:s20+$0x30];
	(pc) =	sbr.rel @p2 .LBB2_8-.Ltmp2, $4  }
0x9d: {  	[tilespmem:s20+$0xFFFFFFC0] =	vst v8;
	v12 =	vmul.f32 v12, v4;
	v7 =	vld [tilespmem:s20+$0x40]  }
0x9e: {  	s21 =	sadd.s32 $0x3, s19;
	[tilespmem:s20+$0xFFFFFFD0] =	vst v13;
	v11 =	vmul.f32 v11, v5;
	v8 =	vld [tilespmem:s20+$0x50]  }
0x9f: {  	v14 =	vmov s21;
	[tilespmem:s20+$0xFFFFFFE0] =	vst v12;
	v12 =	vmul.f32 v10, v5;
	v10 =	vld [tilespmem:s20+$0x60]  }
0xa0: {  	s19 =	sadd.s32 $0x4, s19;
	[tilespmem:s20+$0x0] =	vst v11;
	v13 =	vmul.f32 v9, v5;
	v9 =	vperm.xlane v3, v14;
	v11 =	vld [tilespmem:s20+$0x70]  }
0xa1: {  	v3 =	vld [tilespmem:s18+$0xFFFFFFF0];
	[tilespmem:s18+$0x10] =	vst v12;
	v5 =	vmul.f32 v6, v5  }
0xa2: {  	s17 =	sadd.s32 $0x1, s17;
	[tilespmem:s18+$0x20] =	vst v13;
	v60 =	vmul.f32 v7, v9  }
0xa3: {  	p2 =	sne.s32 s17, $0x5;
	[tilespmem:s18+$0x30] =	vst v5;
	v61 =	vmul.f32 v8, v9  }
.Ltmp3:
0xa4: {  	[tilespmem:s18+$0x40] =	vst v60;
	v62 =	vmul.f32 v10, v9;
	(pc) =	sbr.rel @p2 .LBB2_7-.Ltmp3, $4  }
0xa5: {  	[tilespmem:s18+$0x50] =	vst v61;
	v63 =	vmul.f32 v11, v9  }
0xa6: {  	v3 =	vmul.f32 v3, v4;
	[tilespmem:s18+$0x60] =	vst v62  }
0xa7: {  	[tilespmem:s18+$0x70] =	vst v63  }
0xa8: {  	s9 =	sadd.s32 $0x400, s9;
	[tilespmem:s18+$0xFFFFFFF0] =	vst v3  }
0xa9: {  	s9 =	sadd.s32 $0x4E20, s13  }
0xaa: {  	[spmem:s2] =	stream.indirect.scatter.add.f32 [tilespmem:s31], [sflag:$0x5], $0x40, s9, s30, $0xb8;
	[tilespmem:$0x1EAA0] =	vst v63  }
0xab: {  	s9 =	simm.s32 @!p1 $0x7  }
0xac: {  	_ =	swait.ge @!p1 [sflag:s9], $0x1400  }
0xad: {  	s17 =	sadd.s32 $0x280, s14;
	[sflag:s9] =	ssyncset.done @!p1 $0x0  }
0xae: {  	[sflag:s9] =	ssyncadd.s32 @!p1 $0xFFFFEC00;
	s9 =	sshra.s32 s17, $0x2  }
0xaf: {  	[tilespmem:s29], [sflag:$0x3] =	stream.indirect.gather [hbm4b:s15+s30], $0x40, s9, s30, $0xb8;
	[tilespmem:$0x1EAA0] =	vst v63  }
0xb0: {  	_ =	swait.ge [sflag:s1], $0x1400  }
0xb1: {  	s18 =	sadd.s32 $0x9C40, s16;
	s22 =	simm.s32 $0xFEE0;
	[sflag:s1] =	ssyncset.done $0x0  }
0xb2: {  	s19 =	simm.s32 $0x0;
	v2 =	vmov s18;
	s17 =	simm.s32 $0x0;
	[sflag:s1] =	ssyncadd.s32 $0xFFFFEC00  }
.LBB2_11:
0xb3: {  	_ =	sdelay $0x2  }
0xb4: {  	s18 =	sshll.u32 s19, $0x4  }
0xb5: {  	v3 =	vld.idx.msk [tilespmem:v2+s18+$0x0 ss:$0x1], $0xffff;
	_ =	sdelay $0x1  }
0xb6: {  	v4 =	vld [tilespmem:s22+$0xFFFFFF80]  }
0xb7: {  	v5 =	vld [tilespmem:s22+$0xFFFFFF90]  }
0xb8: {  	v6 =	vmov s17;
	v7 =	vld [tilespmem:s22+$0xFFFFFFA0]  }
0xb9: {  	v8 =	vld [tilespmem:s22+$0xFFFFFFB0];
	v6 =	vperm.xlane v3, v6  }
0xba: {  	v9 =	vld [tilespmem:s22+$0xFFFFFFC0]  }
0xbb: {  	s20 =	simm.s32 $0x1;
	v10 =	vld [tilespmem:s22+$0xFFFFFFD0];
	v4 =	vmul.f32 v4, v6  }
0xbc: {  	v12 =	vld [tilespmem:s22+$0xFFFFFFE0];
	v11 =	vmov s20;
	v5 =	vmul.f32 v5, v6  }
0xbd: {  	v7 =	vmul.f32 v7, v6;
	[tilespmem:s22+$0xFFFFFF80] =	vst v4;
	v4 =	vperm.xlane v3, v11;
	v11 =	vld [tilespmem:s22+$0x0]  }
0xbe: {  	s21 =	simm.s32 $0x2;
	v13 =	vld [tilespmem:s22+$0x10];
	[tilespmem:s22+$0xFFFFFF90] =	vst v5;
	v5 =	vmul.f32 v8, v6  }
0xbf: {  	[tilespmem:s22+$0xFFFFFFA0] =	vst v7;
	v6 =	vmov s21;
	v7 =	vmul.f32 v9, v4;
	v9 =	vld [tilespmem:s22+$0x20]  }
0xc0: {  	[tilespmem:s22+$0xFFFFFFB0] =	vst v5;
	v8 =	vmul.f32 v10, v4;
	v5 =	vperm.xlane v3, v6;
	v6 =	vld [tilespmem:s22+$0x30]  }
0xc1: {  	v10 =	vmul.f32 v12, v4;
	[tilespmem:s22+$0xFFFFFFC0] =	vst v7;
	v7 =	vld [tilespmem:s22+$0x40]  }
0xc2: {  	s23 =	simm.s32 $0x3;
	[tilespmem:s22+$0xFFFFFFD0] =	vst v8;
	v8 =	vld [tilespmem:s22+$0x50];
	v11 =	vmul.f32 v11, v5  }
0xc3: {  	v14 =	vmov s23;
	[tilespmem:s22+$0xFFFFFFE0] =	vst v10;
	v12 =	vmul.f32 v13, v5;
	v10 =	vld [tilespmem:s22+$0x60]  }
0xc4: {  	s18 =	smov.u32 s22;
	s20 =	smov.u32 s22;
	s21 =	simm.s32 $0x4;
	[tilespmem:s22+$0x0] =	vst v11;
	v13 =	vmul.f32 v9, v5;
	v9 =	vperm.xlane v3, v14;
	v11 =	vld [tilespmem:s22+$0x70]  }
.LBB2_12:
0xc5: {  	p2 =	slt.u32 s21, $0xC;
	v14 =	vld [tilespmem:s18+$0xFFFFFFF0];
	[tilespmem:s18+$0x10] =	vst v12;
	v5 =	vmul.f32 v6, v5;
	s20 =	sadd.s32 $0x100, s20  }
0xc6: {  	v6 =	vld [tilespmem:s20+$0xFFFFFF80];
	[tilespmem:s18+$0x20] =	vst v13;
	v7 =	vmul.f32 v7, v9  }
0xc7: {  	v12 =	vld [tilespmem:s20+$0xFFFFFF90];
	[tilespmem:s18+$0x30] =	vst v5;
	v5 =	vmul.f32 v8, v9  }
0xc8: {  	v8 =	vmov s21;
	v13 =	vld [tilespmem:s20+$0xFFFFFFA0];
	[tilespmem:s18+$0x40] =	vst v7;
	v7 =	vmul.f32 v10, v9  }
0xc9: {  	v8 =	vperm.xlane v3, v8;
	v10 =	vld [tilespmem:s20+$0xFFFFFFB0];
	[tilespmem:s18+$0x50] =	vst v5;
	v5 =	vmul.f32 v11, v9  }
0xca: {  	v9 =	vld [tilespmem:s20+$0xFFFFFFC0];
	v4 =	vmul.f32 v14, v4;
	[tilespmem:s18+$0x60] =	vst v7  }
0xcb: {  	s23 =	sadd.s32 $0x1, s21;
	v6 =	vmul.f32 v6, v8;
	v7 =	vld [tilespmem:s20+$0xFFFFFFD0];
	[tilespmem:s18+$0x70] =	vst v5  }
0xcc: {  	v11 =	vmov s23;
	v5 =	vmul.f32 v12, v8;
	v12 =	vld [tilespmem:s20+$0xFFFFFFE0];
	[tilespmem:s18+$0xFFFFFFF0] =	vst v4;
	s18 =	smov.u32 s20  }
0xcd: {  	v4 =	vperm.xlane v3, v11;
	[tilespmem:s20+$0xFFFFFF80] =	vst v6;
	v6 =	vmul.f32 v13, v8;
	v11 =	vld [tilespmem:s20+$0x0]  }
0xce: {  	s23 =	sadd.s32 $0x2, s21;
	[tilespmem:s20+$0xFFFFFF90] =	vst v5;
	v5 =	vmul.f32 v10, v8;
	v10 =	vld [tilespmem:s20+$0x10]  }
0xcf: {  	[tilespmem:s20+$0xFFFFFFA0] =	vst v6;
	v8 =	vmul.f32 v9, v4;
	v6 =	vmov s23;
	v9 =	vld [tilespmem:s20+$0x20]  }
.Ltmp4:
0xd0: {  	[tilespmem:s20+$0xFFFFFFB0] =	vst v5;
	v13 =	vmul.f32 v7, v4;
	v5 =	vperm.xlane v3, v6;
	v6 =	vld [tilespmem:s20+$0x30];
	(pc) =	sbr.rel @p2 .LBB2_12-.Ltmp4, $4  }
0xd1: {  	[tilespmem:s20+$0xFFFFFFC0] =	vst v8;
	v12 =	vmul.f32 v12, v4;
	v7 =	vld [tilespmem:s20+$0x40]  }
0xd2: {  	s23 =	sadd.s32 $0x3, s21;
	[tilespmem:s20+$0xFFFFFFD0] =	vst v13;
	v11 =	vmul.f32 v11, v5;
	v8 =	vld [tilespmem:s20+$0x50]  }
0xd3: {  	v14 =	vmov s23;
	[tilespmem:s20+$0xFFFFFFE0] =	vst v12;
	v12 =	vmul.f32 v10, v5;
	v10 =	vld [tilespmem:s20+$0x60]  }
0xd4: {  	s21 =	sadd.s32 $0x4, s21;
	[tilespmem:s20+$0x0] =	vst v11;
	v13 =	vmul.f32 v9, v5;
	v9 =	vperm.xlane v3, v14;
	v11 =	vld [tilespmem:s20+$0x70]  }
0xd5: {  	v3 =	vld [tilespmem:s18+$0xFFFFFFF0];
	[tilespmem:s18+$0x10] =	vst v12;
	v5 =	vmul.f32 v6, v5  }
0xd6: {  	s19 =	sadd.s32 $0x1, s19;
	[tilespmem:s18+$0x20] =	vst v13;
	v60 =	vmul.f32 v7, v9  }
0xd7: {  	p2 =	sne.s32 s19, $0x5;
	[tilespmem:s18+$0x30] =	vst v5;
	v61 =	vmul.f32 v8, v9  }
.Ltmp5:
0xd8: {  	[tilespmem:s18+$0x40] =	vst v60;
	v62 =	vmul.f32 v10, v9;
	(pc) =	sbr.rel @p2 .LBB2_11-.Ltmp5, $4  }
0xd9: {  	[tilespmem:s18+$0x50] =	vst v61;
	v63 =	vmul.f32 v11, v9  }
0xda: {  	v3 =	vmul.f32 v3, v4;
	[tilespmem:s18+$0x60] =	vst v62  }
0xdb: {  	[tilespmem:s18+$0x70] =	vst v63  }
0xdc: {  	s22 =	sadd.s32 $0x400, s22;
	[tilespmem:s18+$0xFFFFFFF0] =	vst v3  }
0xdd: {  	s16 =	sadd.s32 $0x4E20, s16  }
0xde: {  	[spmem:s2] =	stream.indirect.scatter.add.f32 [tilespmem:s0], [sflag:$0x6], $0x40, s16, s30, $0xb8;
	[tilespmem:$0x1EAA0] =	vst v63  }
0xdf: {  	s16 =	simm.s32 @!p1 $0x8  }
0xe0: {  	_ =	swait.ge @!p1 [sflag:s16], $0x1400  }
0xe1: {  	s14 =	sadd.s32 $0x3C0, s14;
	[sflag:s16] =	ssyncset.done @!p1 $0x0  }
0xe2: {  	s14 =	sshra.s32 s14, $0x2;
	[sflag:s16] =	ssyncadd.s32 @!p1 $0xFFFFEC00  }
0xe3: {  	[tilespmem:s3], [sflag:$0x4] =	stream.indirect.gather [hbm4b:s15+s30], $0x40, s14, s30, $0xb8;
	[tilespmem:$0x1EAA0] =	vst v63  }
0xe4: {  	_ =	swait.ge [sflag:s4], $0x1400  }
0xe5: {  	s18 =	sadd.s32 $0x9C40, s9;
	s17 =	simm.s32 $0x112E0;
	[sflag:s4] =	ssyncset.done $0x0  }
0xe6: {  	v2 =	vmov s18;
	s18 =	simm.s32 $0x0;
	s16 =	simm.s32 $0x0;
	[sflag:s4] =	ssyncadd.s32 $0xFFFFEC00  }
.LBB2_15:
0xe7: {  	_ =	sdelay $0x2  }
0xe8: {  	s19 =	sshll.u32 s18, $0x4  }
0xe9: {  	v3 =	vld.idx.msk [tilespmem:v2+s19+$0x0 ss:$0x1], $0xffff;
	_ =	sdelay $0x1  }
0xea: {  	v4 =	vld [tilespmem:s17+$0xFFFFFF80]  }
0xeb: {  	v5 =	vld [tilespmem:s17+$0xFFFFFF90]  }
0xec: {  	v6 =	vmov s16;
	v7 =	vld [tilespmem:s17+$0xFFFFFFA0]  }
0xed: {  	v8 =	vld [tilespmem:s17+$0xFFFFFFB0];
	v6 =	vperm.xlane v3, v6  }
0xee: {  	v9 =	vld [tilespmem:s17+$0xFFFFFFC0]  }
0xef: {  	s21 =	simm.s32 $0x1;
	v10 =	vld [tilespmem:s17+$0xFFFFFFD0];
	v4 =	vmul.f32 v4, v6  }
0xf0: {  	v12 =	vld [tilespmem:s17+$0xFFFFFFE0];
	v11 =	vmov s21;
	v5 =	vmul.f32 v5, v6  }
0xf1: {  	v7 =	vmul.f32 v7, v6;
	[tilespmem:s17+$0xFFFFFF80] =	vst v4;
	v4 =	vperm.xlane v3, v11;
	v11 =	vld [tilespmem:s17+$0x0]  }
0xf2: {  	s22 =	simm.s32 $0x2;
	v13 =	vld [tilespmem:s17+$0x10];
	[tilespmem:s17+$0xFFFFFF90] =	vst v5;
	v5 =	vmul.f32 v8, v6  }
0xf3: {  	[tilespmem:s17+$0xFFFFFFA0] =	vst v7;
	v6 =	vmov s22;
	v7 =	vmul.f32 v9, v4;
	v9 =	vld [tilespmem:s17+$0x20]  }
0xf4: {  	[tilespmem:s17+$0xFFFFFFB0] =	vst v5;
	v8 =	vmul.f32 v10, v4;
	v5 =	vperm.xlane v3, v6;
	v6 =	vld [tilespmem:s17+$0x30]  }
0xf5: {  	v10 =	vmul.f32 v12, v4;
	[tilespmem:s17+$0xFFFFFFC0] =	vst v7;
	v7 =	vld [tilespmem:s17+$0x40]  }
0xf6: {  	s23 =	simm.s32 $0x3;
	[tilespmem:s17+$0xFFFFFFD0] =	vst v8;
	v8 =	vld [tilespmem:s17+$0x50];
	v11 =	vmul.f32 v11, v5  }
0xf7: {  	v14 =	vmov s23;
	[tilespmem:s17+$0xFFFFFFE0] =	vst v10;
	v12 =	vmul.f32 v13, v5;
	v10 =	vld [tilespmem:s17+$0x60]  }
0xf8: {  	s20 =	simm.s32 $0x4;
	s19 =	smov.u32 s17;
	s21 =	smov.u32 s17;
	[tilespmem:s17+$0x0] =	vst v11;
	v13 =	vmul.f32 v9, v5;
	v9 =	vperm.xlane v3, v14;
	v11 =	vld [tilespmem:s17+$0x70]  }
.LBB2_16:
0xf9: {  	p1 =	slt.u32 s20, $0xC;
	v14 =	vld [tilespmem:s19+$0xFFFFFFF0];
	[tilespmem:s19+$0x10] =	vst v12;
	v5 =	vmul.f32 v6, v5;
	s21 =	sadd.s32 $0x100, s21  }
0xfa: {  	v6 =	vld [tilespmem:s21+$0xFFFFFF80];
	[tilespmem:s19+$0x20] =	vst v13;
	v7 =	vmul.f32 v7, v9  }
0xfb: {  	v12 =	vld [tilespmem:s21+$0xFFFFFF90];
	[tilespmem:s19+$0x30] =	vst v5;
	v5 =	vmul.f32 v8, v9  }
0xfc: {  	v8 =	vmov s20;
	v13 =	vld [tilespmem:s21+$0xFFFFFFA0];
	[tilespmem:s19+$0x40] =	vst v7;
	v7 =	vmul.f32 v10, v9  }
0xfd: {  	v8 =	vperm.xlane v3, v8;
	v10 =	vld [tilespmem:s21+$0xFFFFFFB0];
	[tilespmem:s19+$0x50] =	vst v5;
	v5 =	vmul.f32 v11, v9  }
0xfe: {  	v9 =	vld [tilespmem:s21+$0xFFFFFFC0];
	v4 =	vmul.f32 v14, v4;
	[tilespmem:s19+$0x60] =	vst v7  }
0xff: {  	s22 =	sadd.s32 $0x1, s20;
	v6 =	vmul.f32 v6, v8;
	v7 =	vld [tilespmem:s21+$0xFFFFFFD0];
	[tilespmem:s19+$0x70] =	vst v5  }
0x100: {  	v11 =	vmov s22;
	v5 =	vmul.f32 v12, v8;
	v12 =	vld [tilespmem:s21+$0xFFFFFFE0];
	[tilespmem:s19+$0xFFFFFFF0] =	vst v4;
	s19 =	smov.u32 s21  }
0x101: {  	v4 =	vperm.xlane v3, v11;
	[tilespmem:s21+$0xFFFFFF80] =	vst v6;
	v6 =	vmul.f32 v13, v8;
	v11 =	vld [tilespmem:s21+$0x0]  }
0x102: {  	s22 =	sadd.s32 $0x2, s20;
	[tilespmem:s21+$0xFFFFFF90] =	vst v5;
	v5 =	vmul.f32 v10, v8;
	v10 =	vld [tilespmem:s21+$0x10]  }
0x103: {  	[tilespmem:s21+$0xFFFFFFA0] =	vst v6;
	v8 =	vmul.f32 v9, v4;
	v6 =	vmov s22;
	v9 =	vld [tilespmem:s21+$0x20]  }
.Ltmp6:
0x104: {  	[tilespmem:s21+$0xFFFFFFB0] =	vst v5;
	v13 =	vmul.f32 v7, v4;
	v5 =	vperm.xlane v3, v6;
	v6 =	vld [tilespmem:s21+$0x30];
	(pc) =	sbr.rel @p1 .LBB2_16-.Ltmp6, $4  }
0x105: {  	[tilespmem:s21+$0xFFFFFFC0] =	vst v8;
	v12 =	vmul.f32 v12, v4;
	v7 =	vld [tilespmem:s21+$0x40]  }
0x106: {  	s22 =	sadd.s32 $0x3, s20;
	[tilespmem:s21+$0xFFFFFFD0] =	vst v13;
	v11 =	vmul.f32 v11, v5;
	v8 =	vld [tilespmem:s21+$0x50]  }
0x107: {  	v14 =	vmov s22;
	[tilespmem:s21+$0xFFFFFFE0] =	vst v12;
	v12 =	vmul.f32 v10, v5;
	v10 =	vld [tilespmem:s21+$0x60]  }
0x108: {  	s20 =	sadd.s32 $0x4, s20;
	[tilespmem:s21+$0x0] =	vst v11;
	v13 =	vmul.f32 v9, v5;
	v9 =	vperm.xlane v3, v14;
	v11 =	vld [tilespmem:s21+$0x70]  }
0x109: {  	v3 =	vld [tilespmem:s19+$0xFFFFFFF0];
	[tilespmem:s19+$0x10] =	vst v12;
	v5 =	vmul.f32 v6, v5  }
0x10a: {  	s18 =	sadd.s32 $0x1, s18;
	[tilespmem:s19+$0x20] =	vst v13;
	v60 =	vmul.f32 v7, v9  }
0x10b: {  	p1 =	sne.s32 s18, $0x5;
	[tilespmem:s19+$0x30] =	vst v5;
	v61 =	vmul.f32 v8, v9  }
.Ltmp7:
0x10c: {  	[tilespmem:s19+$0x40] =	vst v60;
	v62 =	vmul.f32 v10, v9;
	(pc) =	sbr.rel @p1 .LBB2_15-.Ltmp7, $4  }
0x10d: {  	[tilespmem:s19+$0x50] =	vst v61;
	v63 =	vmul.f32 v11, v9  }
0x10e: {  	v3 =	vmul.f32 v3, v4;
	[tilespmem:s19+$0x60] =	vst v62  }
0x10f: {  	[tilespmem:s19+$0x70] =	vst v63  }
0x110: {  	s17 =	sadd.s32 $0x400, s17;
	[tilespmem:s19+$0xFFFFFFF0] =	vst v3  }
0x111: {  	s9 =	sadd.s32 $0x4E20, s9  }
0x112: {  	[spmem:s2] =	stream.indirect.scatter.add.f32 [tilespmem:s29], [sflag:$0x7], $0x40, s9, s30, $0xb8;
	[tilespmem:$0x1EAA0] =	vst v63  }
0x113: {  	_ =	swait.ge [sflag:s5], $0x1400  }
0x114: {  	[sflag:s5] =	ssyncset.done $0x0  }
0x115: {  	s23 =	sadd.s32 $0x140, s13;
	[sflag:s5] =	ssyncadd.s32 $0xFFFFEC00  }
0x116: {  	[tilespmem:s31], [sflag:$0x1] =	stream.indirect.gather [hbm4b:s15+s30], $0x40, s23, s30, $0xb8;
	[tilespmem:$0x1EAA0] =	vst v63  }
0x117: {  	_ =	swait.ge [sflag:s7], $0x1400  }
0x118: {  	s16 =	sadd.s32 $0x9C40, s14;
	s13 =	simm.s32 $0x126E0;
	[sflag:s7] =	ssyncset.done $0x0  }
0x119: {  	s9 =	simm.s32 $0x0;
	v2 =	vmov s16;
	s16 =	simm.s32 $0x0;
	[sflag:s7] =	ssyncadd.s32 $0xFFFFEC00  }
.LBB2_19:
0x11a: {  	_ =	sdelay $0x2  }
0x11b: {  	s17 =	sshll.u32 s16, $0x4  }
0x11c: {  	v3 =	vld.idx.msk [tilespmem:v2+s17+$0x0 ss:$0x1], $0xffff;
	_ =	sdelay $0x1  }
0x11d: {  	v4 =	vld [tilespmem:s13+$0xFFFFFF80]  }
0x11e: {  	v5 =	vld [tilespmem:s13+$0xFFFFFF90]  }
0x11f: {  	v6 =	vmov s9;
	v7 =	vld [tilespmem:s13+$0xFFFFFFA0]  }
0x120: {  	v8 =	vld [tilespmem:s13+$0xFFFFFFB0];
	v6 =	vperm.xlane v3, v6  }
0x121: {  	v9 =	vld [tilespmem:s13+$0xFFFFFFC0]  }
0x122: {  	s21 =	simm.s32 $0x1;
	v10 =	vld [tilespmem:s13+$0xFFFFFFD0];
	v4 =	vmul.f32 v4, v6  }
0x123: {  	v12 =	vld [tilespmem:s13+$0xFFFFFFE0];
	v11 =	vmov s21;
	v5 =	vmul.f32 v5, v6  }
0x124: {  	v7 =	vmul.f32 v7, v6;
	[tilespmem:s13+$0xFFFFFF80] =	vst v4;
	v4 =	vperm.xlane v3, v11;
	v11 =	vld [tilespmem:s13+$0x0]  }
0x125: {  	s22 =	simm.s32 $0x2;
	v13 =	vld [tilespmem:s13+$0x10];
	[tilespmem:s13+$0xFFFFFF90] =	vst v5;
	v5 =	vmul.f32 v8, v6  }
0x126: {  	[tilespmem:s13+$0xFFFFFFA0] =	vst v7;
	v6 =	vmov s22;
	v7 =	vmul.f32 v9, v4;
	v9 =	vld [tilespmem:s13+$0x20]  }
0x127: {  	[tilespmem:s13+$0xFFFFFFB0] =	vst v5;
	v8 =	vmul.f32 v10, v4;
	v5 =	vperm.xlane v3, v6;
	v6 =	vld [tilespmem:s13+$0x30]  }
0x128: {  	v10 =	vmul.f32 v12, v4;
	[tilespmem:s13+$0xFFFFFFC0] =	vst v7;
	v7 =	vld [tilespmem:s13+$0x40]  }
0x129: {  	s23 =	simm.s32 $0x3;
	[tilespmem:s13+$0xFFFFFFD0] =	vst v8;
	v8 =	vld [tilespmem:s13+$0x50];
	v11 =	vmul.f32 v11, v5  }
0x12a: {  	v14 =	vmov s23;
	[tilespmem:s13+$0xFFFFFFE0] =	vst v10;
	v12 =	vmul.f32 v13, v5;
	v10 =	vld [tilespmem:s13+$0x60]  }
0x12b: {  	s18 =	simm.s32 $0x4;
	s19 =	smov.u32 s13;
	s17 =	smov.u32 s13;
	[tilespmem:s13+$0x0] =	vst v11;
	v13 =	vmul.f32 v9, v5;
	v9 =	vperm.xlane v3, v14;
	v11 =	vld [tilespmem:s13+$0x70]  }
.LBB2_20:
0x12c: {  	p1 =	slt.u32 s18, $0xC;
	v14 =	vld [tilespmem:s17+$0xFFFFFFF0];
	[tilespmem:s17+$0x10] =	vst v12;
	v5 =	vmul.f32 v6, v5;
	s19 =	sadd.s32 $0x100, s19  }
0x12d: {  	v6 =	vld [tilespmem:s19+$0xFFFFFF80];
	[tilespmem:s17+$0x20] =	vst v13;
	v7 =	vmul.f32 v7, v9  }
0x12e: {  	v12 =	vld [tilespmem:s19+$0xFFFFFF90];
	[tilespmem:s17+$0x30] =	vst v5;
	v5 =	vmul.f32 v8, v9  }
0x12f: {  	v8 =	vmov s18;
	v13 =	vld [tilespmem:s19+$0xFFFFFFA0];
	[tilespmem:s17+$0x40] =	vst v7;
	v7 =	vmul.f32 v10, v9  }
0x130: {  	v8 =	vperm.xlane v3, v8;
	v10 =	vld [tilespmem:s19+$0xFFFFFFB0];
	[tilespmem:s17+$0x50] =	vst v5;
	v5 =	vmul.f32 v11, v9  }
0x131: {  	v9 =	vld [tilespmem:s19+$0xFFFFFFC0];
	v4 =	vmul.f32 v14, v4;
	[tilespmem:s17+$0x60] =	vst v7  }
0x132: {  	s20 =	sadd.s32 $0x1, s18;
	v6 =	vmul.f32 v6, v8;
	v7 =	vld [tilespmem:s19+$0xFFFFFFD0];
	[tilespmem:s17+$0x70] =	vst v5  }
0x133: {  	v11 =	vmov s20;
	v5 =	vmul.f32 v12, v8;
	v12 =	vld [tilespmem:s19+$0xFFFFFFE0];
	[tilespmem:s17+$0xFFFFFFF0] =	vst v4;
	s17 =	smov.u32 s19  }
0x134: {  	v4 =	vperm.xlane v3, v11;
	[tilespmem:s19+$0xFFFFFF80] =	vst v6;
	v6 =	vmul.f32 v13, v8;
	v11 =	vld [tilespmem:s19+$0x0]  }
0x135: {  	s20 =	sadd.s32 $0x2, s18;
	[tilespmem:s19+$0xFFFFFF90] =	vst v5;
	v5 =	vmul.f32 v10, v8;
	v10 =	vld [tilespmem:s19+$0x10]  }
0x136: {  	[tilespmem:s19+$0xFFFFFFA0] =	vst v6;
	v8 =	vmul.f32 v9, v4;
	v6 =	vmov s20;
	v9 =	vld [tilespmem:s19+$0x20]  }
.Ltmp8:
0x137: {  	[tilespmem:s19+$0xFFFFFFB0] =	vst v5;
	v13 =	vmul.f32 v7, v4;
	v5 =	vperm.xlane v3, v6;
	v6 =	vld [tilespmem:s19+$0x30];
	(pc) =	sbr.rel @p1 .LBB2_20-.Ltmp8, $4  }
0x138: {  	[tilespmem:s19+$0xFFFFFFC0] =	vst v8;
	v12 =	vmul.f32 v12, v4;
	v7 =	vld [tilespmem:s19+$0x40]  }
0x139: {  	s20 =	sadd.s32 $0x3, s18;
	[tilespmem:s19+$0xFFFFFFD0] =	vst v13;
	v11 =	vmul.f32 v11, v5;
	v8 =	vld [tilespmem:s19+$0x50]  }
0x13a: {  	v14 =	vmov s20;
	[tilespmem:s19+$0xFFFFFFE0] =	vst v12;
	v12 =	vmul.f32 v10, v5;
	v10 =	vld [tilespmem:s19+$0x60]  }
0x13b: {  	s18 =	sadd.s32 $0x4, s18;
	[tilespmem:s19+$0x0] =	vst v11;
	v13 =	vmul.f32 v9, v5;
	v9 =	vperm.xlane v3, v14;
	v11 =	vld [tilespmem:s19+$0x70]  }
0x13c: {  	v3 =	vld [tilespmem:s17+$0xFFFFFFF0];
	[tilespmem:s17+$0x10] =	vst v12;
	v5 =	vmul.f32 v6, v5  }
0x13d: {  	s16 =	sadd.s32 $0x1, s16;
	[tilespmem:s17+$0x20] =	vst v13;
	v60 =	vmul.f32 v7, v9  }
0x13e: {  	p1 =	sne.s32 s16, $0x5;
	[tilespmem:s17+$0x30] =	vst v5;
	v61 =	vmul.f32 v8, v9  }
.Ltmp9:
0x13f: {  	[tilespmem:s17+$0x40] =	vst v60;
	v62 =	vmul.f32 v10, v9;
	(pc) =	sbr.rel @p1 .LBB2_19-.Ltmp9, $4  }
0x140: {  	[tilespmem:s17+$0x50] =	vst v61;
	v63 =	vmul.f32 v11, v9  }
0x141: {  	v3 =	vmul.f32 v3, v4;
	[tilespmem:s17+$0x60] =	vst v62  }
0x142: {  	[tilespmem:s17+$0x70] =	vst v63  }
0x143: {  	s13 =	sadd.s32 $0x400, s13;
	[tilespmem:s17+$0xFFFFFFF0] =	vst v3  }
0x144: {  	s12 =	sadd.s32 $0x1, s12  }
0x145: {  	p1 =	sne.s32 s12, $0x3E  }
.Ltmp10:
0x146: {  	_ = 	snop;
	(pc) =	sbr.rel @p1 .LBB2_6-.Ltmp10, $3  }
0x147: {  	_ =	sdelay $0x1  }
0x148: {  	s9 =	sadd.s32 $0x4E20, s14  }
0x149: {  	[spmem:s2] =	stream.indirect.scatter.add.f32 [tilespmem:s3], [sflag:$0x8], $0x40, s9, s30, $0xb8;
	[tilespmem:$0x1EAA0] =	vst v63  }
0x14a: {  	s9 =	simm.s32 $0x6  }
0x14b: {  	_ =	swait.ge [sflag:s9], $0x1400  }
0x14c: {  	[sflag:s9] =	ssyncset.done $0x0  }
0x14d: {  	s23 =	simm.s32 $0x4DD0;
	[sflag:s9] =	ssyncadd.s32 $0xFFFFEC00  }
0x14e: {  	[tilespmem:s0], [sflag:$0x2] =	stream.indirect.gather [hbm4b:s15+s30], $0x40, s23, s30, $0xb8;
	[tilespmem:$0x1EAA0] =	vst v63  }
0x14f: {  	s12 =	simm.s32 $0xEAE0;
	_ =	swait.ge [sflag:s28], $0x1400  }
0x150: {  	s13 =	simm.s32 $0x0;
	s20 =	smov.u32 s8;
	[sflag:s28] =	ssyncset.done $0x0  }
0x151: {  	s9 =	simm.s32 $0x0;
	s19 =	rddreg [dreg:$0x14];
	[sflag:s28] =	ssyncadd.s32 $0xFFFFEC00  }
.LBB2_24:
0x152: {  	s14 =	sshll.u32 s13, $0x4  }
0x153: {  	v2 =	vld [tilespmem:s14+$0xE9C0];
	_ =	sdelay $0x1  }
0x154: {  	v3 =	vld [tilespmem:s12+$0xFFFFFF80]  }
0x155: {  	v4 =	vld [tilespmem:s12+$0xFFFFFF90]  }
0x156: {  	v5 =	vmov s9;
	v6 =	vld [tilespmem:s12+$0xFFFFFFA0]  }
0x157: {  	v7 =	vld [tilespmem:s12+$0xFFFFFFB0];
	v5 =	vperm.xlane v2, v5  }
0x158: {  	v8 =	vld [tilespmem:s12+$0xFFFFFFC0]  }
0x159: {  	s21 =	simm.s32 $0x1;
	v9 =	vld [tilespmem:s12+$0xFFFFFFD0];
	v3 =	vmul.f32 v3, v5  }
0x15a: {  	v11 =	vld [tilespmem:s12+$0xFFFFFFE0];
	v10 =	vmov s21;
	v4 =	vmul.f32 v4, v5  }
0x15b: {  	v6 =	vmul.f32 v6, v5;
	[tilespmem:s12+$0xFFFFFF80] =	vst v3;
	v3 =	vperm.xlane v2, v10;
	v10 =	vld [tilespmem:s12+$0x0]  }
0x15c: {  	s22 =	simm.s32 $0x2;
	v12 =	vld [tilespmem:s12+$0x10];
	[tilespmem:s12+$0xFFFFFF90] =	vst v4;
	v4 =	vmul.f32 v7, v5  }
0x15d: {  	[tilespmem:s12+$0xFFFFFFA0] =	vst v6;
	v5 =	vmov s22;
	v6 =	vmul.f32 v8, v3;
	v8 =	vld [tilespmem:s12+$0x20]  }
0x15e: {  	[tilespmem:s12+$0xFFFFFFB0] =	vst v4;
	v7 =	vmul.f32 v9, v3;
	v4 =	vperm.xlane v2, v5;
	v5 =	vld [tilespmem:s12+$0x30]  }
0x15f: {  	v9 =	vmul.f32 v11, v3;
	[tilespmem:s12+$0xFFFFFFC0] =	vst v6;
	v6 =	vld [tilespmem:s12+$0x40]  }
0x160: {  	s23 =	simm.s32 $0x3;
	[tilespmem:s12+$0xFFFFFFD0] =	vst v7;
	v7 =	vld [tilespmem:s12+$0x50];
	v10 =	vmul.f32 v10, v4  }
0x161: {  	v13 =	vmov s23;
	[tilespmem:s12+$0xFFFFFFE0] =	vst v9;
	v11 =	vmul.f32 v12, v4;
	v9 =	vld [tilespmem:s12+$0x60]  }
0x162: {  	s16 =	simm.s32 $0x4;
	s17 =	smov.u32 s12;
	s14 =	smov.u32 s12;
	[tilespmem:s12+$0x0] =	vst v10;
	v12 =	vmul.f32 v8, v4;
	v8 =	vperm.xlane v2, v13;
	v10 =	vld [tilespmem:s12+$0x70]  }
.LBB2_25:
0x163: {  	p1 =	slt.u32 s16, $0xC;
	v13 =	vld [tilespmem:s14+$0xFFFFFFF0];
	[tilespmem:s14+$0x10] =	vst v11;
	v4 =	vmul.f32 v5, v4;
	s17 =	sadd.s32 $0x100, s17  }
0x164: {  	v5 =	vld [tilespmem:s17+$0xFFFFFF80];
	[tilespmem:s14+$0x20] =	vst v12;
	v6 =	vmul.f32 v6, v8  }
0x165: {  	v11 =	vld [tilespmem:s17+$0xFFFFFF90];
	[tilespmem:s14+$0x30] =	vst v4;
	v4 =	vmul.f32 v7, v8  }
0x166: {  	v7 =	vmov s16;
	v12 =	vld [tilespmem:s17+$0xFFFFFFA0];
	[tilespmem:s14+$0x40] =	vst v6;
	v6 =	vmul.f32 v9, v8  }
0x167: {  	v7 =	vperm.xlane v2, v7;
	v9 =	vld [tilespmem:s17+$0xFFFFFFB0];
	[tilespmem:s14+$0x50] =	vst v4;
	v4 =	vmul.f32 v10, v8  }
0x168: {  	v8 =	vld [tilespmem:s17+$0xFFFFFFC0];
	v3 =	vmul.f32 v13, v3;
	[tilespmem:s14+$0x60] =	vst v6  }
0x169: {  	s18 =	sadd.s32 $0x1, s16;
	v5 =	vmul.f32 v5, v7;
	v6 =	vld [tilespmem:s17+$0xFFFFFFD0];
	[tilespmem:s14+$0x70] =	vst v4  }
0x16a: {  	v10 =	vmov s18;
	v4 =	vmul.f32 v11, v7;
	v11 =	vld [tilespmem:s17+$0xFFFFFFE0];
	[tilespmem:s14+$0xFFFFFFF0] =	vst v3;
	s14 =	smov.u32 s17  }
0x16b: {  	v3 =	vperm.xlane v2, v10;
	[tilespmem:s17+$0xFFFFFF80] =	vst v5;
	v5 =	vmul.f32 v12, v7;
	v10 =	vld [tilespmem:s17+$0x0]  }
0x16c: {  	s18 =	sadd.s32 $0x2, s16;
	[tilespmem:s17+$0xFFFFFF90] =	vst v4;
	v4 =	vmul.f32 v9, v7;
	v9 =	vld [tilespmem:s17+$0x10]  }
0x16d: {  	[tilespmem:s17+$0xFFFFFFA0] =	vst v5;
	v7 =	vmul.f32 v8, v3;
	v5 =	vmov s18;
	v8 =	vld [tilespmem:s17+$0x20]  }
.Ltmp11:
0x16e: {  	[tilespmem:s17+$0xFFFFFFB0] =	vst v4;
	v12 =	vmul.f32 v6, v3;
	v4 =	vperm.xlane v2, v5;
	v5 =	vld [tilespmem:s17+$0x30];
	(pc) =	sbr.rel @p1 .LBB2_25-.Ltmp11, $4  }
0x16f: {  	[tilespmem:s17+$0xFFFFFFC0] =	vst v7;
	v11 =	vmul.f32 v11, v3;
	v6 =	vld [tilespmem:s17+$0x40]  }
0x170: {  	s18 =	sadd.s32 $0x3, s16;
	[tilespmem:s17+$0xFFFFFFD0] =	vst v12;
	v10 =	vmul.f32 v10, v4;
	v7 =	vld [tilespmem:s17+$0x50]  }
0x171: {  	v13 =	vmov s18;
	[tilespmem:s17+$0xFFFFFFE0] =	vst v11;
	v11 =	vmul.f32 v9, v4;
	v9 =	vld [tilespmem:s17+$0x60]  }
0x172: {  	s16 =	sadd.s32 $0x4, s16;
	[tilespmem:s17+$0x0] =	vst v10;
	v12 =	vmul.f32 v8, v4;
	v8 =	vperm.xlane v2, v13;
	v10 =	vld [tilespmem:s17+$0x70]  }
0x173: {  	v2 =	vld [tilespmem:s14+$0xFFFFFFF0];
	[tilespmem:s14+$0x10] =	vst v11;
	v4 =	vmul.f32 v5, v4  }
0x174: {  	s13 =	sadd.s32 $0x1, s13;
	[tilespmem:s14+$0x20] =	vst v12;
	v60 =	vmul.f32 v6, v8  }
0x175: {  	p1 =	sne.s32 s13, $0x5;
	[tilespmem:s14+$0x30] =	vst v4;
	v61 =	vmul.f32 v7, v8  }
.Ltmp12:
0x176: {  	[tilespmem:s14+$0x40] =	vst v60;
	v62 =	vmul.f32 v9, v8;
	(pc) =	sbr.rel @p1 .LBB2_24-.Ltmp12, $4  }
0x177: {  	[tilespmem:s14+$0x50] =	vst v61;
	v63 =	vmul.f32 v10, v8  }
0x178: {  	v2 =	vmul.f32 v2, v3;
	[tilespmem:s14+$0x60] =	vst v62  }
0x179: {  	[tilespmem:s14+$0x70] =	vst v63  }
0x17a: {  	s12 =	sadd.s32 $0x400, s12;
	[tilespmem:s14+$0xFFFFFFF0] =	vst v2  }
0x17b: {  	s8 =	simm.s32 $0x9BA0  }
0x17c: {  	[spmem:s2] =	stream.indirect.scatter.add.f32 [tilespmem:s31], [sflag:$0x5], $0x40, s8, s30, $0xb8;
	[tilespmem:$0x1EAA0] =	vst v63  }
0x17d: {  	_ =	swait.ge [sflag:s1], $0x1400  }
0x17e: {  	s9 =	simm.s32 $0x0;
	[sflag:s1] =	ssyncset.done $0x0  }
0x17f: {  	s12 =	simm.s32 $0xFEE0;
	s13 =	simm.s32 $0x0;
	[sflag:s1] =	ssyncadd.s32 $0xFFFFEC00  }
.LBB2_28:
0x180: {  	s14 =	sshll.u32 s13, $0x4  }
0x181: {  	v2 =	vld [tilespmem:s14+$0xEA10];
	_ =	sdelay $0x1  }
0x182: {  	v3 =	vld [tilespmem:s12+$0xFFFFFF80]  }
0x183: {  	v4 =	vld [tilespmem:s12+$0xFFFFFF90]  }
0x184: {  	v5 =	vmov s9;
	v6 =	vld [tilespmem:s12+$0xFFFFFFA0]  }
0x185: {  	v7 =	vld [tilespmem:s12+$0xFFFFFFB0];
	v5 =	vperm.xlane v2, v5  }
0x186: {  	v8 =	vld [tilespmem:s12+$0xFFFFFFC0]  }
0x187: {  	s21 =	simm.s32 $0x1;
	v9 =	vld [tilespmem:s12+$0xFFFFFFD0];
	v3 =	vmul.f32 v3, v5  }
0x188: {  	v11 =	vld [tilespmem:s12+$0xFFFFFFE0];
	v10 =	vmov s21;
	v4 =	vmul.f32 v4, v5  }
0x189: {  	v6 =	vmul.f32 v6, v5;
	[tilespmem:s12+$0xFFFFFF80] =	vst v3;
	v3 =	vperm.xlane v2, v10;
	v10 =	vld [tilespmem:s12+$0x0]  }
0x18a: {  	s22 =	simm.s32 $0x2;
	v12 =	vld [tilespmem:s12+$0x10];
	[tilespmem:s12+$0xFFFFFF90] =	vst v4;
	v4 =	vmul.f32 v7, v5  }
0x18b: {  	[tilespmem:s12+$0xFFFFFFA0] =	vst v6;
	v5 =	vmov s22;
	v6 =	vmul.f32 v8, v3;
	v8 =	vld [tilespmem:s12+$0x20]  }
0x18c: {  	[tilespmem:s12+$0xFFFFFFB0] =	vst v4;
	v7 =	vmul.f32 v9, v3;
	v4 =	vperm.xlane v2, v5;
	v5 =	vld [tilespmem:s12+$0x30]  }
0x18d: {  	v9 =	vmul.f32 v11, v3;
	[tilespmem:s12+$0xFFFFFFC0] =	vst v6;
	v6 =	vld [tilespmem:s12+$0x40]  }
0x18e: {  	s23 =	simm.s32 $0x3;
	[tilespmem:s12+$0xFFFFFFD0] =	vst v7;
	v7 =	vld [tilespmem:s12+$0x50];
	v10 =	vmul.f32 v10, v4  }
0x18f: {  	v13 =	vmov s23;
	[tilespmem:s12+$0xFFFFFFE0] =	vst v9;
	v11 =	vmul.f32 v12, v4;
	v9 =	vld [tilespmem:s12+$0x60]  }
0x190: {  	s16 =	simm.s32 $0x4;
	s17 =	smov.u32 s12;
	s14 =	smov.u32 s12;
	[tilespmem:s12+$0x0] =	vst v10;
	v12 =	vmul.f32 v8, v4;
	v8 =	vperm.xlane v2, v13;
	v10 =	vld [tilespmem:s12+$0x70]  }
.LBB2_29:
0x191: {  	p1 =	slt.u32 s16, $0xC;
	v13 =	vld [tilespmem:s14+$0xFFFFFFF0];
	[tilespmem:s14+$0x10] =	vst v11;
	v4 =	vmul.f32 v5, v4;
	s17 =	sadd.s32 $0x100, s17  }
0x192: {  	v5 =	vld [tilespmem:s17+$0xFFFFFF80];
	[tilespmem:s14+$0x20] =	vst v12;
	v6 =	vmul.f32 v6, v8  }
0x193: {  	v11 =	vld [tilespmem:s17+$0xFFFFFF90];
	[tilespmem:s14+$0x30] =	vst v4;
	v4 =	vmul.f32 v7, v8  }
0x194: {  	v7 =	vmov s16;
	v12 =	vld [tilespmem:s17+$0xFFFFFFA0];
	[tilespmem:s14+$0x40] =	vst v6;
	v6 =	vmul.f32 v9, v8  }
0x195: {  	v7 =	vperm.xlane v2, v7;
	v9 =	vld [tilespmem:s17+$0xFFFFFFB0];
	[tilespmem:s14+$0x50] =	vst v4;
	v4 =	vmul.f32 v10, v8  }
0x196: {  	v8 =	vld [tilespmem:s17+$0xFFFFFFC0];
	v3 =	vmul.f32 v13, v3;
	[tilespmem:s14+$0x60] =	vst v6  }
0x197: {  	s18 =	sadd.s32 $0x1, s16;
	v5 =	vmul.f32 v5, v7;
	v6 =	vld [tilespmem:s17+$0xFFFFFFD0];
	[tilespmem:s14+$0x70] =	vst v4  }
0x198: {  	v10 =	vmov s18;
	v4 =	vmul.f32 v11, v7;
	v11 =	vld [tilespmem:s17+$0xFFFFFFE0];
	[tilespmem:s14+$0xFFFFFFF0] =	vst v3;
	s14 =	smov.u32 s17  }
0x199: {  	v3 =	vperm.xlane v2, v10;
	[tilespmem:s17+$0xFFFFFF80] =	vst v5;
	v5 =	vmul.f32 v12, v7;
	v10 =	vld [tilespmem:s17+$0x0]  }
0x19a: {  	s18 =	sadd.s32 $0x2, s16;
	[tilespmem:s17+$0xFFFFFF90] =	vst v4;
	v4 =	vmul.f32 v9, v7;
	v9 =	vld [tilespmem:s17+$0x10]  }
0x19b: {  	[tilespmem:s17+$0xFFFFFFA0] =	vst v5;
	v7 =	vmul.f32 v8, v3;
	v5 =	vmov s18;
	v8 =	vld [tilespmem:s17+$0x20]  }
.Ltmp13:
0x19c: {  	[tilespmem:s17+$0xFFFFFFB0] =	vst v4;
	v12 =	vmul.f32 v6, v3;
	v4 =	vperm.xlane v2, v5;
	v5 =	vld [tilespmem:s17+$0x30];
	(pc) =	sbr.rel @p1 .LBB2_29-.Ltmp13, $4  }
0x19d: {  	[tilespmem:s17+$0xFFFFFFC0] =	vst v7;
	v11 =	vmul.f32 v11, v3;
	v6 =	vld [tilespmem:s17+$0x40]  }
0x19e: {  	s18 =	sadd.s32 $0x3, s16;
	[tilespmem:s17+$0xFFFFFFD0] =	vst v12;
	v10 =	vmul.f32 v10, v4;
	v7 =	vld [tilespmem:s17+$0x50]  }
0x19f: {  	v13 =	vmov s18;
	[tilespmem:s17+$0xFFFFFFE0] =	vst v11;
	v11 =	vmul.f32 v9, v4;
	v9 =	vld [tilespmem:s17+$0x60]  }
0x1a0: {  	s16 =	sadd.s32 $0x4, s16;
	[tilespmem:s17+$0x0] =	vst v10;
	v12 =	vmul.f32 v8, v4;
	v8 =	vperm.xlane v2, v13;
	v10 =	vld [tilespmem:s17+$0x70]  }
0x1a1: {  	v2 =	vld [tilespmem:s14+$0xFFFFFFF0];
	[tilespmem:s14+$0x10] =	vst v11;
	v4 =	vmul.f32 v5, v4  }
0x1a2: {  	s13 =	sadd.s32 $0x1, s13;
	[tilespmem:s14+$0x20] =	vst v12;
	v60 =	vmul.f32 v6, v8  }
0x1a3: {  	p1 =	sne.s32 s13, $0x5;
	[tilespmem:s14+$0x30] =	vst v4;
	v61 =	vmul.f32 v7, v8  }
.Ltmp14:
0x1a4: {  	[tilespmem:s14+$0x40] =	vst v60;
	v62 =	vmul.f32 v9, v8;
	(pc) =	sbr.rel @p1 .LBB2_28-.Ltmp14, $4  }
0x1a5: {  	[tilespmem:s14+$0x50] =	vst v61;
	v63 =	vmul.f32 v10, v8  }
0x1a6: {  	v2 =	vmul.f32 v2, v3;
	[tilespmem:s14+$0x60] =	vst v62  }
0x1a7: {  	[tilespmem:s14+$0x70] =	vst v63  }
0x1a8: {  	s12 =	sadd.s32 $0x400, s12;
	[tilespmem:s14+$0xFFFFFFF0] =	vst v2  }
0x1a9: {  	s8 =	simm.s32 $0x9BF0;
	s21 =	simm.s32 $0x7  }
0x1aa: {  	[spmem:s2] =	stream.indirect.scatter.add.f32 [tilespmem:s0], [sflag:$0x6], $0x40, s8, s30, $0xb8;
	[tilespmem:$0x1EAA0] =	vst v63  }
0x1ab: {  	_ =	swait.ge [sflag:s21], $0x1400  }
0x1ac: {  	[sflag:s21] =	ssyncset.done $0x0  }
0x1ad: {  	[sflag:s21] =	ssyncadd.s32 $0xFFFFEC00  }
0x1ae: {  	_ =	swait.ge [sflag:s10], $0x1400  }
0x1af: {  	[sflag:s10] =	ssyncset.done $0x0  }
0x1b0: {  	[sflag:s10] =	ssyncadd.s32 $0xFFFFEC00  }
0x1b1: {  	_ =	swait.ge [sflag:s5], $0x1400  }
0x1b2: {  	[sflag:s5] =	ssyncset.done $0x0  }
0x1b3: {  	s22 =	simm.s32 $0x6;
	[sflag:s5] =	ssyncadd.s32 $0xFFFFEC00  }
0x1b4: {  	_ =	swait.ge [sflag:s22], $0x1400  }
0x1b5: {  	[sflag:s22] =	ssyncset.done $0x0  }
0x1b6: {  	s9 =	stileid.u32;
	[sflag:s22] =	ssyncadd.s32 $0xFFFFEC00  }
0x1b7: {  	s9 =	sshll.u32 s9, $0x6;
	[bflag:$0x0] =	sbarrier.arrive $0xFFFF  }
0x1b8: {  	s12 =	sshrl.u32 s24, $0x3;
	s9 =	sor.u32 $0x1C09, s9;
	s13 =	rddreg [dreg:$0xa]  }
0x1b9: {  	[hbm:s13@s11], [sflag:s9] =	dma.strided [spmem:s12@s10], $0x280, s28, $0x8   }
0x1ba: {  	_ =	swait.ge [sflag:s26], $0x280  }
0x1bb: {  	[sflag:s26] =	ssyncset.done $0x0;
	s18 =	rddreg [dreg:$0x13]  }
0x1bc: {  	s8 =	rddreg [dreg:$0xb];
	[sflag:s26] =	ssyncadd.s32 $0xFFFFFD80;
	s23 =	sshrl.u32 s18, $0x3  }
0x1bd: {  	[hbm:s8@s11], [sflag:s9] =	dma.strided [spmem:s23@s10], $0x280, s28, $0x8   }
0x1be: {  	_ =	swait.ge [sflag:s26], $0x280  }
0x1bf: {  	[sflag:s26] =	ssyncset.done $0x0  }
0x1c0: {  	s14 =	sshrl.u32 s19, $0x3;
	s16 =	rddreg [dreg:$0xc];
	[sflag:s26] =	ssyncadd.s32 $0xFFFFFD80  }
0x1c1: {  	[hbm:s16@s11], [sflag:s9] =	dma.strided [spmem:s14@s10], $0x280, s28, $0x8   }
0x1c2: {  	_ =	swait.ge [sflag:s26], $0x280  }
0x1c3: {  	[sflag:s26] =	ssyncset.done $0x0  }
0x1c4: {  	s17 =	sshrl.u32 s20, $0x3;
	s21 =	rddreg [dreg:$0xd];
	[sflag:s26] =	ssyncadd.s32 $0xFFFFFD80  }
0x1c5: {  	[hbm:s21@s11], [sflag:s9] =	dma.strided [spmem:s17@s10], $0x280, s28, $0x8   }
0x1c6: {  	_ =	swait.ge [sflag:s26], $0x280  }
0x1c7: {  	[sflag:s26] =	ssyncset.done $0x0;
	s22 =	rddreg [dreg:$0x15]  }
0x1c8: {  	s8 =	rddreg [dreg:$0xe];
	[sflag:s26] =	ssyncadd.s32 $0xFFFFFD80;
	s23 =	sshrl.u32 s22, $0x3  }
0x1c9: {  	[hbm:s8@s11], [sflag:s9] =	dma.strided [spmem:s23@s10], $0x280, s28, $0x8   }
0x1ca: {  	_ =	swait.ge [sflag:s26], $0x280  }
0x1cb: {  	[sflag:s26] =	ssyncset.done $0x0;
	s13 =	rddreg [dreg:$0x16]  }
0x1cc: {  	s16 =	rddreg [dreg:$0xf];
	[sflag:s26] =	ssyncadd.s32 $0xFFFFFD80;
	s14 =	sshrl.u32 s13, $0x3  }
0x1cd: {  	[hbm:s16@s11], [sflag:s9] =	dma.strided [spmem:s14@s10], $0x280, s28, $0x8   }
0x1ce: {  	_ =	swait.ge [sflag:s26], $0x280  }
0x1cf: {  	[sflag:s26] =	ssyncset.done $0x0;
	s17 =	rddreg [dreg:$0x17]  }
0x1d0: {  	s22 =	rddreg [dreg:$0x10];
	[sflag:s26] =	ssyncadd.s32 $0xFFFFFD80;
	s21 =	sshrl.u32 s17, $0x3  }
0x1d1: {  	[hbm:s22@s11], [sflag:s9] =	dma.strided [spmem:s21@s10], $0x280, s28, $0x8   }
0x1d2: {  	s13 =	simm.s32 @!p0 $0x1;
	s14 =	simm.s32 @!p0 $0x10;
	_ =	swait.ge [sflag:s26], $0x280  }
0x1d3: {  	s16 =	simm.s32 @!p0 $0x8;
	[sflag:s26] =	ssyncset.done $0x0;
	s8 =	rddreg [dreg:$0x18]  }
0x1d4: {  	s17 =	rddreg [dreg:$0x11];
	[sflag:s26] =	ssyncadd.s32 $0xFFFFFD80;
	s12 =	sshrl.u32 @!p0 s8, $0x3  }
0x1d5: {  	[hbm:s17@s14], [sflag:s9] =	dma.strided @!p0 [spmem:s12@s16], $0x280, s13, $0x8   }
0x1d6: {  	s9 =	simm.s32 @!p0 $0x9  }
0x1d7: {  	_ =	swait.ge @!p0 [sflag:s9], $0x280  }
0x1d8: {  	s6 =	sadd.s32 $0x1, s6;
	s23 =	rddreg [dreg:$0x12]  }
0x1d9: {  	p1 =	sne.s32 s6, s23  }
.Ltmp15:
0x1da: {  	_ = 	snop;
	(pc) =	sbr.rel @p1 .LBB2_1-.Ltmp15, $3  }
0x1db: {  	_ =	sdelay $0x1  }
0x1dc: {  	[sflag:s9] =	ssyncset.done @!p0 $0x0  }
0x1dd: {  	[sflag:s9] =	ssyncadd.s32 @!p0 $0xFFFFFD80  }
0x1de: {  	_ =	sfence.sel $0x180000  }
0x1df: {  	[bflag:$0x0] =	sbarrier.arrive $0xFFFF  }
0x1e0: {  	_ =	strace $0x9000004A  }
0x1e1: {  	s0 =	stileid.u32;
	[bflag:$0x2] =	sbarrier.arrive $0xFFFF  }
0x1e2: {  	p0 =	sne.s32 s0, $0x0;
	s0 =	rddreg [dreg:$0x6]  }
0x1e3: {  	s0 =	sadd.s32 @!p0 $0x100000, s0  }
0x1e4: {  	[sflag:s0] =	ssyncadd.tile.s32 @!p0 $0x1;
	_ =	shalt  }
.Lfunc_end2:
_tile_overlayer_lowered:
.L_overlay_start_2:
0x1e5: {  	(tag) =	ssettag $0x2  }
0x1e6: {  	s0 =	rddreg [dreg:$0x0];
	s2 =	stileid.u32  }
0x1e7: {  	s1 =	rddreg [dreg:$0x1];
	p0 =	sne.s32 s2, $0x0  }
0x1e8: {  	s3 =	rddreg [dreg:$0x2];
	[bflag:$0x3] =	sbarrier.arrive $0xFFFF;
	s2 =	simm.s32 @!p0 $0x1C09  }
0x1e9: {  	[timem:s3], [sflag:s2] =	dma.local @!p0 [hbm:s0], s1  }
0x1ea: {  	s0 =	simm.s32 @!p0 $0x9  }
0x1eb: {  	_ =	swait.ge @!p0 [sflag:s0], s1  }
0x1ec: {  	s1 =	ssub.s32 @!p0 $0x0, s1;
	[sflag:s0] =	ssyncset.done @!p0 $0x0  }
0x1ed: {  	[sflag:s0] =	ssyncadd.s32 @!p0 s1  }
0x1ee: {  	[bflag:$0x3] =	sbarrier.arrive $0xFFFF  }
0x1ef: {  	_ =	shalt  }

</sc_bundles>
